<compile_context>
chip_gen: v7x
topology: tpu7x:2x2x1
jax: 0.10.2.dev20260603
libtpu: 0.0.44.dev20260713+nightly
codegen_flags: <defaults>
</compile_context>

<pallas_src>
import jax
import jax.numpy as jnp
from jax import lax
from jax.experimental import pallas as pl
from jax.experimental.pallas import tpu as pltpu
from jax.experimental.pallas import tpu_sc as plsc

N = 10000
E = 320000
D_IN = 128
HID = 64

NC = 2
NS = 16
NW = NC * NS
CH = 256
CPT = -(-E // (NW * CH))
E_PAD = NW * CPT * CH
N_PAD = 10240
RPT = N_PAD // NS
RB = 128
R = 1024
GRID = N_PAD // R


def _make_sc_agg(with_deg: bool, width: int):
    mesh = plsc.VectorSubcoreMesh(core_axis_name="c", subcore_axis_name="s",
                                  num_cores=NC, num_subcores=NS)
    out_type = [jax.ShapeDtypeStruct((N_PAD, width), jnp.float32)] * 2
    if with_deg:
        out_type += [jax.ShapeDtypeStruct((N_PAD,), jnp.float32)] * 2

    scratch = [
        pltpu.VMEM((CPT, CH), jnp.int32),
        pltpu.VMEM((CPT, CH), jnp.int32),
        pltpu.VMEM((CH, width), jnp.float32),
        pltpu.VMEM_SHARED((N_PAD, width), jnp.float32),
        pltpu.VMEM_SHARED((N_PAD, width), jnp.float32),
        pltpu.SemaphoreType.DMA,
    ]
    if with_deg:
        scratch += [
            pltpu.VMEM((CH,), jnp.float32),
            pltpu.VMEM((RPT,), jnp.float32),
            pltpu.VMEM_SHARED((N_PAD,), jnp.float32),
        ]

    def body(y_hbm, edges_hbm, *rest):
        if with_deg:
            (out0_hbm, out1_hbm, deg0_hbm, deg1_hbm,
             src_v, dst_v, rows_v, acc, y_s, sem,
             ones_v, dz_v, dega) = rest
        else:
            (out0_hbm, out1_hbm, src_v, dst_v, rows_v, acc, y_s, sem) = rest

        c = lax.axis_index("c")
        s = lax.axis_index("s")
        wid = s * NC + c

        zero16 = jnp.zeros((16,), jnp.float32)

        def zrow(i, _):
            for j in range(width // 16):
                rows_v[i, pl.ds(j * 16, 16)] = zero16
            return 0

        lax.fori_loop(0, RB, zrow, 0)
        rv_rb = rows_v.at[pl.ds(0, RB)]
        for t in range(RPT // RB):
            r0 = s * RPT + t * RB
            pltpu.sync_copy(rv_rb, acc.at[pl.ds(r0, RB)])

        if with_deg:
            for j in range(CH // 16):
                ones_v[pl.ds(j * 16, 16)] = jnp.ones((16,), jnp.float32)
            for j in range(RPT // 16):
                dz_v[pl.ds(j * 16, 16)] = zero16
            pltpu.sync_copy(dz_v, dega.at[pl.ds(s * RPT, RPT)])

        pltpu.sync_copy(edges_hbm.at[0, wid], src_v)
        pltpu.sync_copy(edges_hbm.at[1, wid], dst_v)
        for t in range(RPT // RB):
            r0 = s * RPT + t * RB
            pltpu.sync_copy(y_hbm.at[pl.ds(r0, RB)], rv_rb)
            pltpu.sync_copy(rv_rb, y_s.at[pl.ds(r0, RB)])

        plsc.subcore_barrier()

        def step(j, _):
            pltpu.async_copy(y_s.at[src_v.at[j]], rows_v, sem).wait()
            pltpu.sync_copy(rows_v, acc.at[dst_v.at[j]], add=True)
            if with_deg:
                pltpu.sync_copy(ones_v, dega.at[dst_v.at[j]], add=True)
            return 0

        lax.fori_loop(0, CPT, step, 0)

        plsc.subcore_barrier()

        def writeout(out_hbm, deg_hbm):
            for t in range(RPT // RB):
                r0 = s * RPT + t * RB
                pltpu.sync_copy(acc.at[pl.ds(r0, RB)], rv_rb)
                pltpu.sync_copy(rv_rb, out_hbm.at[pl.ds(r0, RB)])
            if with_deg:
                pltpu.sync_copy(dega.at[pl.ds(s * RPT, RPT)], dz_v)
                pltpu.sync_copy(dz_v, deg_hbm.at[pl.ds(s * RPT, RPT)])

        @pl.when(c == 0)
        def _():
            writeout(out0_hbm, deg0_hbm if with_deg else None)

        @pl.when(c == 1)
        def _():
            writeout(out1_hbm, deg1_hbm if with_deg else None)

    return pl.kernel(body, out_type=out_type, mesh=mesh,
                     scratch_types=scratch,
                     compiler_params=pltpu.CompilerParams(
                         use_tc_tiling_on_sc=False))


def _mm_body(x_ref, w_ref, y_ref, r_ref):
    y_ref[...] = jnp.dot(x_ref[...], w_ref[:, :HID],
                         preferred_element_type=jnp.float32)
    r_ref[...] = jnp.dot(x_ref[...], w_ref[:, HID:],
                         preferred_element_type=jnp.float32)


def _combine_body(p0, p1, d0, d1, r1, b, w, y_ref, r_ref):
    rdeg = 1.0 / jnp.maximum(d0[...] + d1[...], 1.0)
    h = jnp.maximum((p0[...] + p1[...]) * rdeg + b[...] + r1[...], 0.0)
    y_ref[...] = jnp.dot(h, w[:, :HID], preferred_element_type=jnp.float32)
    r_ref[...] = jnp.dot(h, w[:, HID:], preferred_element_type=jnp.float32)


def _final_body(q0, q1, d0, d1, r2, b, wc, bc, o_ref):
    rdeg = 1.0 / jnp.maximum(d0[...] + d1[...], 1.0)
    h = jnp.maximum((q0[...] + q1[...]) * rdeg + b[...] + r2[...], 0.0)
    o_ref[...] = jnp.sum(h * wc[...], axis=1) + bc[0, 0]


def _full(shape):
    nd = len(shape)
    return pl.BlockSpec(shape, lambda i: (0,) * nd)


_row64 = pl.BlockSpec((R, HID), lambda i: (i, 0))
_row2 = pl.BlockSpec((R, 1), lambda i: (i, 0))
_rowf = pl.BlockSpec((R,), lambda i: (i,))
_o64 = jax.ShapeDtypeStruct((N_PAD, HID), jnp.float32)


def _mm(x, w):
    return pl.pallas_call(
        _mm_body,
        grid=(GRID,),
        in_specs=[pl.BlockSpec((R, D_IN), lambda i: (i, 0)),
                  _full((D_IN, 2 * HID))],
        out_specs=[_row64, _row64],
        out_shape=[_o64, _o64],
    )(x, w)


def _combine(p0, p1, d0, d1, r1, b, w):
    return pl.pallas_call(
        _combine_body,
        grid=(GRID,),
        in_specs=[_row64, _row64, _row2, _row2, _row64,
                  _full((1, HID)), _full((HID, 2 * HID))],
        out_specs=[_row64, _row64],
        out_shape=[_o64, _o64],
    )(p0, p1, d0, d1, r1, b, w)


def _final(q0, q1, d0, d1, r2, b, wc, bc):
    return pl.pallas_call(
        _final_body,
        grid=(GRID,),
        in_specs=[_row64, _row64, _row2, _row2, _row64,
                  _full((1, HID)), _full((1, HID)), _full((1, 1))],
        out_specs=_rowf,
        out_shape=jax.ShapeDtypeStruct((N_PAD,), jnp.float32),
    )(q0, q1, d0, d1, r2, b, wc, bc)


_agg_cache = {}


def _get_agg(with_deg):
    if with_deg not in _agg_cache:
        _agg_cache[with_deg] = _make_sc_agg(with_deg, HID)
    return _agg_cache[with_deg]


@jax.jit
def kernel(x, edge_index, W1l, b1, W1r, W2l, b2, W2r, Wc, bc):
    ei = edge_index.astype(jnp.int32)
    edges = jnp.pad(ei, ((0, 0), (0, E_PAD - E)),
                    constant_values=N).reshape(2, NW, CPT, CH)

    x_pad = jnp.zeros((N_PAD, D_IN), jnp.float32).at[:N].set(x)
    wcat1 = jnp.concatenate([W1l.T, W1r.T], axis=1)
    wcat2 = jnp.concatenate([W2l.T, W2r.T], axis=1)
    y1, r1 = _mm(x_pad, wcat1)
    p0, p1, dg0, dg1 = _get_agg(True)(y1, edges)
    d0 = dg0.reshape(N_PAD, 1)
    d1 = dg1.reshape(N_PAD, 1)
    y2, r2 = _combine(p0, p1, d0, d1, r1, b1.reshape(1, HID), wcat2)

    q0, q1 = _get_agg(False)(y2, edges)
    logits = _final(q0, q1, d0, d1, r2, b2.reshape(1, HID),
                    Wc.reshape(1, HID), bc.reshape(1, 1))
    return logits[:N]

# --- scband reference (transcript-rebuilt; emitter-appended) ---
"""Pipeline reference for scband-baseline-graph-sage-66168266162538 (READ-ONLY COPY).

The authoritative reference and input builder live on the scoring server;
editing this copy changes nothing except your own understanding.
"""

import jax, jax.numpy as jnp
import numpy as np

N = 10000
E = 320000
D_IN = 128
HID = 64


def _sage_conv(x, edge_index, Wl, bl, Wr):
    # PyG SAGEConv with aggr='mean': out = lin_l(mean_agg(x_j)) + lin_r(x_root)
    src = edge_index[0]
    dst = edge_index[1]
    msgs = x[src]
    agg = jax.ops.segment_sum(msgs, dst, num_segments=x.shape[0])
    deg = jax.ops.segment_sum(jnp.ones((edge_index.shape[1],), dtype=x.dtype), dst, num_segments=x.shape[0])
    agg = agg / jnp.maximum(deg, 1.0)[:, None]
    return agg @ Wl.T + bl + x @ Wr.T


def setup_inputs(seed: int = 0) -> dict:
    key = jax.random.key(seed)
    ks = jax.random.split(key, 10)
    x = jax.random.normal(ks[0], (N, D_IN), dtype=jnp.float32)
    edge_index = jax.random.randint(ks[1], (2, E), 0, N, dtype=jnp.int64)
    s1 = 1.0 / np.sqrt(D_IN)
    s2 = 1.0 / np.sqrt(HID)
    W1l = jax.random.uniform(ks[2], (HID, D_IN), jnp.float32, -s1, s1)
    b1 = jax.random.uniform(ks[3], (HID,), jnp.float32, -s1, s1)
    W1r = jax.random.uniform(ks[4], (HID, D_IN), jnp.float32, -s1, s1)
    W2l = jax.random.uniform(ks[5], (HID, HID), jnp.float32, -s2, s2)
    b2 = jax.random.uniform(ks[6], (HID,), jnp.float32, -s2, s2)
    W2r = jax.random.uniform(ks[7], (HID, HID), jnp.float32, -s2, s2)
    Wc = jax.random.uniform(ks[8], (1, HID), jnp.float32, -s2, s2)
    bc = jax.random.uniform(ks[9], (1,), jnp.float32, -s2, s2)
    return {"x": x, "edge_index": edge_index, "W1l": W1l, "b1": b1, "W1r": W1r, "W2l": W2l, "b2": b2, "W2r": W2r, "Wc": Wc, "bc": bc}


def reference(x, edge_index, W1l, b1, W1r, W2l, b2, W2r, Wc, bc):
    # dropout is identity in eval mode
    h = jax.nn.relu(_sage_conv(x, edge_index, W1l, b1, W1r))
    h = jax.nn.relu(_sage_conv(h, edge_index, W2l, b2, W2r))
    logits = h @ Wc.T + bc
    return logits.squeeze(-1)

if __name__ == "__main__":
    import jax
    _d = setup_inputs()
    print(jax.jit(kernel)(*tuple(_d.values())))

</pallas_src>

<mosaic_0001>
#map = affine_map<(d0, d1) -> (0, 0)>
#map1 = affine_map<(d0, d1) -> (0, 0, 0, 0)>
#map2 = affine_map<(d0, d1) -> (0)>
module attributes {stable_mosaic.version = 14 : i64} {
  func.func @body(%arg0: i32, %arg1: i32, %arg2: memref<10240x64xf32, #tpu.memory_space<hbm>>, %arg3: memref<2x32x40x256xi32, #tpu.memory_space<hbm>>, %arg4: memref<10240x64xf32, #tpu.memory_space<hbm>>, %arg5: memref<10240x64xf32, #tpu.memory_space<hbm>>, %arg6: memref<10240xf32, #tpu.memory_space<hbm>>, %arg7: memref<10240xf32, #tpu.memory_space<hbm>>, %arg8: memref<40x256xi32, #tpu.memory_space<vmem>>, %arg9: memref<40x256xi32, #tpu.memory_space<vmem>>, %arg10: memref<256x64xf32, #tpu.memory_space<vmem>>, %arg11: memref<10240x64xf32, #tpu.memory_space<vmem_shared>>, %arg12: memref<10240x64xf32, #tpu.memory_space<vmem_shared>>, %arg13: memref<!tpu.dma_semaphore, #tpu.memory_space<semaphore_mem>>, %arg14: memref<256xf32, #tpu.memory_space<vmem>>, %arg15: memref<640xf32, #tpu.memory_space<vmem>>, %arg16: memref<10240xf32, #tpu.memory_space<vmem_shared>>) attributes {dimension_semantics = [#tpu.dimension_semantics<core_parallel>, #tpu.dimension_semantics<subcore_parallel>], iteration_bounds = array<i64: 2, 16>, scalar_prefetch = 0 : i64, scratch_operands = 9 : i64, tpu.core_type = #tpu.core_type<sc_vector_subcore>, window_params = [{transform_indices = #map}, {transform_indices = #map1}, {transform_indices = #map}, {transform_indices = #map}, {transform_indices = #map2}, {transform_indices = #map2}]} {
    %mul3A = arith.constant 2 : i32
    %mul3A_0 = arith.muli %arg1, %mul3A : i32
    %add3A = arith.addi %mul3A_0, %arg0 : i32
    %broadcast_in_dim3A = arith.constant 0.000000e+00 : f32
    %broadcast_in_dim3A_1 = vector.broadcast %broadcast_in_dim3A : f32 to vector<16xf32>
    %scan3A = arith.constant 0 : i32
    %scan3A_2 = arith.constant 0 : i32
    %scan3A_3 = arith.constant 128 : i32
    %scan3A_4 = arith.addi %scan3A_2, %scan3A_3 : i32
    %scan3A_5 = arith.constant 1 : i32
    %scan3A_6 = scf.for %scan3A_321 = %scan3A_2 to %scan3A_4 step %scan3A_5 iter_args(%scan3A_322 = %scan3A) -> (i32)  : i32 {
      %swap3A_323 = arith.index_cast %scan3A_321 : i32 to index
      %swap3A_324 = arith.constant 0 : index
      %swap3A_325 = tpu.vector_load %arg10[%swap3A_323, %swap3A_324] {strides = array<i32>} : memref<256x64xf32, #tpu.memory_space<vmem>>, vector<1x16xf32>,
      %swap3A_326 = vector.shape_cast %swap3A_325 : vector<1x16xf32> to vector<16xf32>
      %swap3A_327 = vector.shape_cast %broadcast_in_dim3A_1 : vector<16xf32> to vector<1x16xf32>
      tpu.vector_store %arg10[%swap3A_323, %swap3A_324], %swap3A_327 {strides = array<i32>} : memref<256x64xf32, #tpu.memory_space<vmem>>, vector<1x16xf32>,
      %swap3A_328 = arith.index_cast %scan3A_321 : i32 to index
      %swap3A_329 = arith.constant 16 : index
      %swap3A_330 = tpu.vector_load %arg10[%swap3A_328, %swap3A_329] {strides = array<i32>} : memref<256x64xf32, #tpu.memory_space<vmem>>, vector<1x16xf32>,
      %swap3A_331 = vector.shape_cast %swap3A_330 : vector<1x16xf32> to vector<16xf32>
      %swap3A_332 = vector.shape_cast %broadcast_in_dim3A_1 : vector<16xf32> to vector<1x16xf32>
      tpu.vector_store %arg10[%swap3A_328, %swap3A_329], %swap3A_332 {strides = array<i32>} : memref<256x64xf32, #tpu.memory_space<vmem>>, vector<1x16xf32>,
      %swap3A_333 = arith.index_cast %scan3A_321 : i32 to index
      %swap3A_334 = arith.constant 32 : index
      %swap3A_335 = tpu.vector_load %arg10[%swap3A_333, %swap3A_334] {strides = array<i32>} : memref<256x64xf32, #tpu.memory_space<vmem>>, vector<1x16xf32>,
      %swap3A_336 = vector.shape_cast %swap3A_335 : vector<1x16xf32> to vector<16xf32>
      %swap3A_337 = vector.shape_cast %broadcast_in_dim3A_1 : vector<16xf32> to vector<1x16xf32>
      tpu.vector_store %arg10[%swap3A_333, %swap3A_334], %swap3A_337 {strides = array<i32>} : memref<256x64xf32, #tpu.memory_space<vmem>>, vector<1x16xf32>,
      %swap3A_338 = arith.index_cast %scan3A_321 : i32 to index
      %swap3A_339 = arith.constant 48 : index
      %swap3A_340 = tpu.vector_load %arg10[%swap3A_338, %swap3A_339] {strides = array<i32>} : memref<256x64xf32, #tpu.memory_space<vmem>>, vector<1x16xf32>,
      %swap3A_341 = vector.shape_cast %swap3A_340 : vector<1x16xf32> to vector<16xf32>
      %swap3A_342 = vector.shape_cast %broadcast_in_dim3A_1 : vector<16xf32> to vector<1x16xf32>
      tpu.vector_store %arg10[%swap3A_338, %swap3A_339], %swap3A_342 {strides = array<i32>} : memref<256x64xf32, #tpu.memory_space<vmem>>, vector<1x16xf32>,
      %scan3A_343 = arith.constant 0 : i32
      scf.yield %scan3A_343 : i32
    }
    %scan3A_7 = arith.constant 128 : i32
    %mul3A_8 = arith.constant 640 : i32
    %mul3A_9 = arith.muli %arg1, %mul3A_8 : i32
    %add3A_10 = arith.constant 0 : i32
    %add3A_11 = arith.addi %mul3A_9, %add3A_10 : i32
    "tpu.region"() ({
      %run_scoped3A_321 = tpu.sem_alloc : memref<!tpu.dma_semaphore, #tpu.memory_space<semaphore_mem>>
      %dma_start3A = arith.constant 0 : i32
      %dma_start3A_322 = arith.constant 0 : i32
      %dma_start3A_323 = tpu.memref_slice %arg10[%dma_start3A, %dma_start3A_322] : memref<256x64xf32, #tpu.memory_space<vmem>> -> memref<128x64xf32, #tpu.memory_space<vmem>>
      %dma_start3A_324 = arith.constant 0 : i32
      %dma_start3A_325 = tpu.memref_slice %arg11[%add3A_11, %dma_start3A_324] : memref<10240x64xf32, #tpu.memory_space<vmem_shared>> -> memref<128x64xf32, #tpu.memory_space<vmem_shared>>
      %dma_start3A_326 = arith.constant 0 : i32
      %dma_start3A_327 = tpu.memref_slice %arg11[%add3A_11, %dma_start3A_326] : memref<10240x64xf32, #tpu.memory_space<vmem_shared>> -> memref<128x64xf32, #tpu.memory_space<vmem_shared>>
      %dma_start3A_328 = arith.constant 0 : i32
      %dma_start3A_329 = arith.constant 0 : i32
      %dma_start3A_330 = tpu.memref_slice %arg10[%dma_start3A_328, %dma_start3A_329] : memref<256x64xf32, #tpu.memory_space<vmem>> -> memref<128x64xf32, #tpu.memory_space<vmem>>
      tpu.enqueue_dma source(%dma_start3A_330 : memref<128x64xf32, #tpu.memory_space<vmem>>) target(%dma_start3A_327 : memref<128x64xf32, #tpu.memory_space<vmem_shared>>) target_semaphore(%run_scoped3A_321 : memref<!tpu.dma_semaphore, #tpu.memory_space<semaphore_mem>>)
      %dma_wait3A = arith.constant 0 : i32
      %dma_wait3A_331 = arith.constant 0 : i32
      %dma_wait3A_332 = tpu.memref_slice %arg10[%dma_wait3A, %dma_wait3A_331] : memref<256x64xf32, #tpu.memory_space<vmem>> -> memref<128x64xf32, #tpu.memory_space<vmem>>
      %dma_wait3A_333 = arith.constant 0 : i32
      %dma_wait3A_334 = tpu.memref_slice %arg11[%add3A_11, %dma_wait3A_333] : memref<10240x64xf32, #tpu.memory_space<vmem_shared>> -> memref<128x64xf32, #tpu.memory_space<vmem_shared>>
      %dma_wait3A_335 = arith.constant 0 : i32
      %dma_wait3A_336 = tpu.memref_slice %arg11[%add3A_11, %dma_wait3A_335] : memref<10240x64xf32, #tpu.memory_space<vmem_shared>> -> memref<128x64xf32, #tpu.memory_space<vmem_shared>>
      %dma_wait3A_337 = arith.constant 0 : i32
      %dma_wait3A_338 = arith.constant 0 : i32
      %dma_wait3A_339 = tpu.memref_slice %arg10[%dma_wait3A_337, %dma_wait3A_338] : memref<256x64xf32, #tpu.memory_space<vmem>> -> memref<128x64xf32, #tpu.memory_space<vmem>>
      tpu.wait_dma2 semaphore(%run_scoped3A_321 : memref<!tpu.dma_semaphore, #tpu.memory_space<semaphore_mem>>) src(%dma_wait3A_339 : memref<128x64xf32, #tpu.memory_space<vmem>>) dst(%dma_wait3A_336 : memref<128x64xf32, #tpu.memory_space<vmem_shared>>)
      tpu.yield
    }) : () -> ()
    %mul3A_12 = arith.constant 640 : i32
    %mul3A_13 = arith.muli %arg1, %mul3A_12 : i32
    %add3A_14 = arith.constant 128 : i32
    %add3A_15 = arith.addi %mul3A_13, %add3A_14 : i32
    "tpu.region"() ({
      %run_scoped3A_321 = tpu.sem_alloc : memref<!tpu.dma_semaphore, #tpu.memory_space<semaphore_mem>>
      %dma_start3A = arith.constant 0 : i32
      %dma_start3A_322 = arith.constant 0 : i32
      %dma_start3A_323 = tpu.memref_slice %arg10[%dma_start3A, %dma_start3A_322] : memref<256x64xf32, #tpu.memory_space<vmem>> -> memref<128x64xf32, #tpu.memory_space<vmem>>
      %dma_start3A_324 = arith.constant 0 : i32
      %dma_start3A_325 = tpu.memref_slice %arg11[%add3A_15, %dma_start3A_324] : memref<10240x64xf32, #tpu.memory_space<vmem_shared>> -> memref<128x64xf32, #tpu.memory_space<vmem_shared>>
      %dma_start3A_326 = arith.constant 0 : i32
      %dma_start3A_327 = tpu.memref_slice %arg11[%add3A_15, %dma_start3A_326] : memref<10240x64xf32, #tpu.memory_space<vmem_shared>> -> memref<128x64xf32, #tpu.memory_space<vmem_shared>>
      %dma_start3A_328 = arith.constant 0 : i32
      %dma_start3A_329 = arith.constant 0 : i32
      %dma_start3A_330 = tpu.memref_slice %arg10[%dma_start3A_328, %dma_start3A_329] : memref<256x64xf32, #tpu.memory_space<vmem>> -> memref<128x64xf32, #tpu.memory_space<vmem>>
      tpu.enqueue_dma source(%dma_start3A_330 : memref<128x64xf32, #tpu.memory_space<vmem>>) target(%dma_start3A_327 : memref<128x64xf32, #tpu.memory_space<vmem_shared>>) target_semaphore(%run_scoped3A_321 : memref<!tpu.dma_semaphore, #tpu.memory_space<semaphore_mem>>)
      %dma_wait3A = arith.constant 0 : i32
      %dma_wait3A_331 = arith.constant 0 : i32
      %dma_wait3A_332 = tpu.memref_slice %arg10[%dma_wait3A, %dma_wait3A_331] : memref<256x64xf32, #tpu.memory_space<vmem>> -> memref<128x64xf32, #tpu.memory_space<vmem>>
      %dma_wait3A_333 = arith.constant 0 : i32
      %dma_wait3A_334 = tpu.memref_slice %arg11[%add3A_15, %dma_wait3A_333] : memref<10240x64xf32, #tpu.memory_space<vmem_shared>> -> memref<128x64xf32, #tpu.memory_space<vmem_shared>>
      %dma_wait3A_335 = arith.constant 0 : i32
      %dma_wait3A_336 = tpu.memref_slice %arg11[%add3A_15, %dma_wait3A_335] : memref<10240x64xf32, #tpu.memory_space<vmem_shared>> -> memref<128x64xf32, #tpu.memory_space<vmem_shared>>
      %dma_wait3A_337 = arith.constant 0 : i32
      %dma_wait3A_338 = arith.constant 0 : i32
      %dma_wait3A_339 = tpu.memref_slice %arg10[%dma_wait3A_337, %dma_wait3A_338] : memref<256x64xf32, #tpu.memory_space<vmem>> -> memref<128x64xf32, #tpu.memory_space<vmem>>
      tpu.wait_dma2 semaphore(%run_scoped3A_321 : memref<!tpu.dma_semaphore, #tpu.memory_space<semaphore_mem>>) src(%dma_wait3A_339 : memref<128x64xf32, #tpu.memory_space<vmem>>) dst(%dma_wait3A_336 : memref<128x64xf32, #tpu.memory_space<vmem_shared>>)
      tpu.yield
    }) : () -> ()
    %mul3A_16 = arith.constant 640 : i32
    %mul3A_17 = arith.muli %arg1, %mul3A_16 : i32
    %add3A_18 = arith.constant 256 : i32
    %add3A_19 = arith.addi %mul3A_17, %add3A_18 : i32
    "tpu.region"() ({
      %run_scoped3A_321 = tpu.sem_alloc : memref<!tpu.dma_semaphore, #tpu.memory_space<semaphore_mem>>
      %dma_start3A = arith.constant 0 : i32
      %dma_start3A_322 = arith.constant 0 : i32
      %dma_start3A_323 = tpu.memref_slice %arg10[%dma_start3A, %dma_start3A_322] : memref<256x64xf32, #tpu.memory_space<vmem>> -> memref<128x64xf32, #tpu.memory_space<vmem>>
      %dma_start3A_324 = arith.constant 0 : i32
      %dma_start3A_325 = tpu.memref_slice %arg11[%add3A_19, %dma_start3A_324] : memref<10240x64xf32, #tpu.memory_space<vmem_shared>> -> memref<128x64xf32, #tpu.memory_space<vmem_shared>>
      %dma_start3A_326 = arith.constant 0 : i32
      %dma_start3A_327 = tpu.memref_slice %arg11[%add3A_19, %dma_start3A_326] : memref<10240x64xf32, #tpu.memory_space<vmem_shared>> -> memref<128x64xf32, #tpu.memory_space<vmem_shared>>
      %dma_start3A_328 = arith.constant 0 : i32
      %dma_start3A_329 = arith.constant 0 : i32
      %dma_start3A_330 = tpu.memref_slice %arg10[%dma_start3A_328, %dma_start3A_329] : memref<256x64xf32, #tpu.memory_space<vmem>> -> memref<128x64xf32, #tpu.memory_space<vmem>>
      tpu.enqueue_dma source(%dma_start3A_330 : memref<128x64xf32, #tpu.memory_space<vmem>>) target(%dma_start3A_327 : memref<128x64xf32, #tpu.memory_space<vmem_shared>>) target_semaphore(%run_scoped3A_321 : memref<!tpu.dma_semaphore, #tpu.memory_space<semaphore_mem>>)
      %dma_wait3A = arith.constant 0 : i32
      %dma_wait3A_331 = arith.constant 0 : i32
      %dma_wait3A_332 = tpu.memref_slice %arg10[%dma_wait3A, %dma_wait3A_331] : memref<256x64xf32, #tpu.memory_space<vmem>> -> memref<128x64xf32, #tpu.memory_space<vmem>>
      %dma_wait3A_333 = arith.constant 0 : i32
      %dma_wait3A_334 = tpu.memref_slice %arg11[%add3A_19, %dma_wait3A_333] : memref<10240x64xf32, #tpu.memory_space<vmem_shared>> -> memref<128x64xf32, #tpu.memory_space<vmem_shared>>
      %dma_wait3A_335 = arith.constant 0 : i32
      %dma_wait3A_336 = tpu.memref_slice %arg11[%add3A_19, %dma_wait3A_335] : memref<10240x64xf32, #tpu.memory_space<vmem_shared>> -> memref<128x64xf32, #tpu.memory_space<vmem_shared>>
      %dma_wait3A_337 = arith.constant 0 : i32
      %dma_wait3A_338 = arith.constant 0 : i32
      %dma_wait3A_339 = tpu.memref_slice %arg10[%dma_wait3A_337, %dma_wait3A_338] : memref<256x64xf32, #tpu.memory_space<vmem>> -> memref<128x64xf32, #tpu.memory_space<vmem>>
      tpu.wait_dma2 semaphore(%run_scoped3A_321 : memref<!tpu.dma_semaphore, #tpu.memory_space<semaphore_mem>>) src(%dma_wait3A_339 : memref<128x64xf32, #tpu.memory_space<vmem>>) dst(%dma_wait3A_336 : memref<128x64xf32, #tpu.memory_space<vmem_shared>>)
      tpu.yield
    }) : () -> ()
    %mul3A_20 = arith.constant 640 : i32
    %mul3A_21 = arith.muli %arg1, %mul3A_20 : i32
    %add3A_22 = arith.constant 384 : i32
    %add3A_23 = arith.addi %mul3A_21, %add3A_22 : i32
    "tpu.region"() ({
      %run_scoped3A_321 = tpu.sem_alloc : memref<!tpu.dma_semaphore, #tpu.memory_space<semaphore_mem>>
      %dma_start3A = arith.constant 0 : i32
      %dma_start3A_322 = arith.constant 0 : i32
      %dma_start3A_323 = tpu.memref_slice %arg10[%dma_start3A, %dma_start3A_322] : memref<256x64xf32, #tpu.memory_space<vmem>> -> memref<128x64xf32, #tpu.memory_space<vmem>>
      %dma_start3A_324 = arith.constant 0 : i32
      %dma_start3A_325 = tpu.memref_slice %arg11[%add3A_23, %dma_start3A_324] : memref<10240x64xf32, #tpu.memory_space<vmem_shared>> -> memref<128x64xf32, #tpu.memory_space<vmem_shared>>
      %dma_start3A_326 = arith.constant 0 : i32
      %dma_start3A_327 = tpu.memref_slice %arg11[%add3A_23, %dma_start3A_326] : memref<10240x64xf32, #tpu.memory_space<vmem_shared>> -> memref<128x64xf32, #tpu.memory_space<vmem_shared>>
      %dma_start3A_328 = arith.constant 0 : i32
      %dma_start3A_329 = arith.constant 0 : i32
      %dma_start3A_330 = tpu.memref_slice %arg10[%dma_start3A_328, %dma_start3A_329] : memref<256x64xf32, #tpu.memory_space<vmem>> -> memref<128x64xf32, #tpu.memory_space<vmem>>
      tpu.enqueue_dma source(%dma_start3A_330 : memref<128x64xf32, #tpu.memory_space<vmem>>) target(%dma_start3A_327 : memref<128x64xf32, #tpu.memory_space<vmem_shared>>) target_semaphore(%run_scoped3A_321 : memref<!tpu.dma_semaphore, #tpu.memory_space<semaphore_mem>>)
      %dma_wait3A = arith.constant 0 : i32
      %dma_wait3A_331 = arith.constant 0 : i32
      %dma_wait3A_332 = tpu.memref_slice %arg10[%dma_wait3A, %dma_wait3A_331] : memref<256x64xf32, #tpu.memory_space<vmem>> -> memref<128x64xf32, #tpu.memory_space<vmem>>
      %dma_wait3A_333 = arith.constant 0 : i32
      %dma_wait3A_334 = tpu.memref_slice %arg11[%add3A_23, %dma_wait3A_333] : memref<10240x64xf32, #tpu.memory_space<vmem_shared>> -> memref<128x64xf32, #tpu.memory_space<vmem_shared>>
      %dma_wait3A_335 = arith.constant 0 : i32
      %dma_wait3A_336 = tpu.memref_slice %arg11[%add3A_23, %dma_wait3A_335] : memref<10240x64xf32, #tpu.memory_space<vmem_shared>> -> memref<128x64xf32, #tpu.memory_space<vmem_shared>>
      %dma_wait3A_337 = arith.constant 0 : i32
      %dma_wait3A_338 = arith.constant 0 : i32
      %dma_wait3A_339 = tpu.memref_slice %arg10[%dma_wait3A_337, %dma_wait3A_338] : memref<256x64xf32, #tpu.memory_space<vmem>> -> memref<128x64xf32, #tpu.memory_space<vmem>>
      tpu.wait_dma2 semaphore(%run_scoped3A_321 : memref<!tpu.dma_semaphore, #tpu.memory_space<semaphore_mem>>) src(%dma_wait3A_339 : memref<128x64xf32, #tpu.memory_space<vmem>>) dst(%dma_wait3A_336 : memref<128x64xf32, #tpu.memory_space<vmem_shared>>)
      tpu.yield
    }) : () -> ()
    %mul3A_24 = arith.constant 640 : i32
    %mul3A_25 = arith.muli %arg1, %mul3A_24 : i32
    %add3A_26 = arith.constant 512 : i32
    %add3A_27 = arith.addi %mul3A_25, %add3A_26 : i32
    "tpu.region"() ({
      %run_scoped3A_321 = tpu.sem_alloc : memref<!tpu.dma_semaphore, #tpu.memory_space<semaphore_mem>>
      %dma_start3A = arith.constant 0 : i32
      %dma_start3A_322 = arith.constant 0 : i32
      %dma_start3A_323 = tpu.memref_slice %arg10[%dma_start3A, %dma_start3A_322] : memref<256x64xf32, #tpu.memory_space<vmem>> -> memref<128x64xf32, #tpu.memory_space<vmem>>
      %dma_start3A_324 = arith.constant 0 : i32
      %dma_start3A_325 = tpu.memref_slice %arg11[%add3A_27, %dma_start3A_324] : memref<10240x64xf32, #tpu.memory_space<vmem_shared>> -> memref<128x64xf32, #tpu.memory_space<vmem_shared>>
      %dma_start3A_326 = arith.constant 0 : i32
      %dma_start3A_327 = tpu.memref_slice %arg11[%add3A_27, %dma_start3A_326] : memref<10240x64xf32, #tpu.memory_space<vmem_shared>> -> memref<128x64xf32, #tpu.memory_space<vmem_shared>>
      %dma_start3A_328 = arith.constant 0 : i32
      %dma_start3A_329 = arith.constant 0 : i32
      %dma_start3A_330 = tpu.memref_slice %arg10[%dma_start3A_328, %dma_start3A_329] : memref<256x64xf32, #tpu.memory_space<vmem>> -> memref<128x64xf32, #tpu.memory_space<vmem>>
      tpu.enqueue_dma source(%dma_start3A_330 : memref<128x64xf32, #tpu.memory_space<vmem>>) target(%dma_start3A_327 : memref<128x64xf32, #tpu.memory_space<vmem_shared>>) target_semaphore(%run_scoped3A_321 : memref<!tpu.dma_semaphore, #tpu.memory_space<semaphore_mem>>)
      %dma_wait3A = arith.constant 0 : i32
      %dma_wait3A_331 = arith.constant 0 : i32
      %dma_wait3A_332 = tpu.memref_slice %arg10[%dma_wait3A, %dma_wait3A_331] : memref<256x64xf32, #tpu.memory_space<vmem>> -> memref<128x64xf32, #tpu.memory_space<vmem>>
      %dma_wait3A_333 = arith.constant 0 : i32
      %dma_wait3A_334 = tpu.memref_slice %arg11[%add3A_27, %dma_wait3A_333] : memref<10240x64xf32, #tpu.memory_space<vmem_shared>> -> memref<128x64xf32, #tpu.memory_space<vmem_shared>>
      %dma_wait3A_335 = arith.constant 0 : i32
      %dma_wait3A_336 = tpu.memref_slice %arg11[%add3A_27, %dma_wait3A_335] : memref<10240x64xf32, #tpu.memory_space<vmem_shared>> -> memref<128x64xf32, #tpu.memory_space<vmem_shared>>
      %dma_wait3A_337 = arith.constant 0 : i32
      %dma_wait3A_338 = arith.constant 0 : i32
      %dma_wait3A_339 = tpu.memref_slice %arg10[%dma_wait3A_337, %dma_wait3A_338] : memref<256x64xf32, #tpu.memory_space<vmem>> -> memref<128x64xf32, #tpu.memory_space<vmem>>
      tpu.wait_dma2 semaphore(%run_scoped3A_321 : memref<!tpu.dma_semaphore, #tpu.memory_space<semaphore_mem>>) src(%dma_wait3A_339 : memref<128x64xf32, #tpu.memory_space<vmem>>) dst(%dma_wait3A_336 : memref<128x64xf32, #tpu.memory_space<vmem_shared>>)
      tpu.yield
    }) : () -> ()
    %broadcast_in_dim3A_28 = arith.constant 1.000000e+00 : f32
    %broadcast_in_dim3A_29 = vector.broadcast %broadcast_in_dim3A_28 : f32 to vector<16xf32>
    %swap3A = arith.constant 0 : index
    %swap3A_30 = tpu.vector_load %arg14[%swap3A] {strides = array<i32>} : memref<256xf32, #tpu.memory_space<vmem>>, vector<16xf32>,
    %swap3A_31 = vector.shape_cast %swap3A_30 : vector<16xf32> to vector<16xf32>
    %swap3A_32 = vector.shape_cast %broadcast_in_dim3A_29 : vector<16xf32> to vector<16xf32>
    tpu.vector_store %arg14[%swap3A], %swap3A_32 {strides = array<i32>} : memref<256xf32, #tpu.memory_space<vmem>>, vector<16xf32>,
    %broadcast_in_dim3A_33 = arith.constant 1.000000e+00 : f32
    %broadcast_in_dim3A_34 = vector.broadcast %broadcast_in_dim3A_33 : f32 to vector<16xf32>
    %swap3A_35 = arith.constant 16 : index
    %swap3A_36 = tpu.vector_load %arg14[%swap3A_35] {strides = array<i32>} : memref<256xf32, #tpu.memory_space<vmem>>, vector<16xf32>,
    %swap3A_37 = vector.shape_cast %swap3A_36 : vector<16xf32> to vector<16xf32>
    %swap3A_38 = vector.shape_cast %broadcast_in_dim3A_34 : vector<16xf32> to vector<16xf32>
    tpu.vector_store %arg14[%swap3A_35], %swap3A_38 {strides = array<i32>} : memref<256xf32, #tpu.memory_space<vmem>>, vector<16xf32>,
    %broadcast_in_dim3A_39 = arith.constant 1.000000e+00 : f32
    %broadcast_in_dim3A_40 = vector.broadcast %broadcast_in_dim3A_39 : f32 to vector<16xf32>
    %swap3A_41 = arith.constant 32 : index
    %swap3A_42 = tpu.vector_load %arg14[%swap3A_41] {strides = array<i32>} : memref<256xf32, #tpu.memory_space<vmem>>, vector<16xf32>,
    %swap3A_43 = vector.shape_cast %swap3A_42 : vector<16xf32> to vector<16xf32>
    %swap3A_44 = vector.shape_cast %broadcast_in_dim3A_40 : vector<16xf32> to vector<16xf32>
    tpu.vector_store %arg14[%swap3A_41], %swap3A_44 {strides = array<i32>} : memref<256xf32, #tpu.memory_space<vmem>>, vector<16xf32>,
    %broadcast_in_dim3A_45 = arith.constant 1.000000e+00 : f32
    %broadcast_in_dim3A_46 = vector.broadcast %broadcast_in_dim3A_45 : f32 to vector<16xf32>
    %swap3A_47 = arith.constant 48 : index
    %swap3A_48 = tpu.vector_load %arg14[%swap3A_47] {strides = array<i32>} : memref<256xf32, #tpu.memory_space<vmem>>, vector<16xf32>,
    %swap3A_49 = vector.shape_cast %swap3A_48 : vector<16xf32> to vector<16xf32>
    %swap3A_50 = vector.shape_cast %broadcast_in_dim3A_46 : vector<16xf32> to vector<16xf32>
    tpu.vector_store %arg14[%swap3A_47], %swap3A_50 {strides = array<i32>} : memref<256xf32, #tpu.memory_space<vmem>>, vector<16xf32>,
    %broadcast_in_dim3A_51 = arith.constant 1.000000e+00 : f32
    %broadcast_in_dim3A_52 = vector.broadcast %broadcast_in_dim3A_51 : f32 to vector<16xf32>
    %swap3A_53 = arith.constant 64 : index
    %swap3A_54 = tpu.vector_load %arg14[%swap3A_53] {strides = array<i32>} : memref<256xf32, #tpu.memory_space<vmem>>, vector<16xf32>,
    %swap3A_55 = vector.shape_cast %swap3A_54 : vector<16xf32> to vector<16xf32>
    %swap3A_56 = vector.shape_cast %broadcast_in_dim3A_52 : vector<16xf32> to vector<16xf32>
    tpu.vector_store %arg14[%swap3A_53], %swap3A_56 {strides = array<i32>} : memref<256xf32, #tpu.memory_space<vmem>>, vector<16xf32>,
    %broadcast_in_dim3A_57 = arith.constant 1.000000e+00 : f32
    %broadcast_in_dim3A_58 = vector.broadcast %broadcast_in_dim3A_57 : f32 to vector<16xf32>
    %swap3A_59 = arith.constant 80 : index
    %swap3A_60 = tpu.vector_load %arg14[%swap3A_59] {strides = array<i32>} : memref<256xf32, #tpu.memory_space<vmem>>, vector<16xf32>,
    %swap3A_61 = vector.shape_cast %swap3A_60 : vector<16xf32> to vector<16xf32>
    %swap3A_62 = vector.shape_cast %broadcast_in_dim3A_58 : vector<16xf32> to vector<16xf32>
    tpu.vector_store %arg14[%swap3A_59], %swap3A_62 {strides = array<i32>} : memref<256xf32, #tpu.memory_space<vmem>>, vector<16xf32>,
    %broadcast_in_dim3A_63 = arith.constant 1.000000e+00 : f32
    %broadcast_in_dim3A_64 = vector.broadcast %broadcast_in_dim3A_63 : f32 to vector<16xf32>
    %swap3A_65 = arith.constant 96 : index
    %swap3A_66 = tpu.vector_load %arg14[%swap3A_65] {strides = array<i32>} : memref<256xf32, #tpu.memory_space<vmem>>, vector<16xf32>,
    %swap3A_67 = vector.shape_cast %swap3A_66 : vector<16xf32> to vector<16xf32>
    %swap3A_68 = vector.shape_cast %broadcast_in_dim3A_64 : vector<16xf32> to vector<16xf32>
    tpu.vector_store %arg14[%swap3A_65], %swap3A_68 {strides = array<i32>} : memref<256xf32, #tpu.memory_space<vmem>>, vector<16xf32>,
    %broadcast_in_dim3A_69 = arith.constant 1.000000e+00 : f32
    %broadcast_in_dim3A_70 = vector.broadcast %broadcast_in_dim3A_69 : f32 to vector<16xf32>
    %swap3A_71 = arith.constant 112 : index
    %swap3A_72 = tpu.vector_load %arg14[%swap3A_71] {strides = array<i32>} : memref<256xf32, #tpu.memory_space<vmem>>, vector<16xf32>,
    %swap3A_73 = vector.shape_cast %swap3A_72 : vector<16xf32> to vector<16xf32>
    %swap3A_74 = vector.shape_cast %broadcast_in_dim3A_70 : vector<16xf32> to vector<16xf32>
    tpu.vector_store %arg14[%swap3A_71], %swap3A_74 {strides = array<i32>} : memref<256xf32, #tpu.memory_space<vmem>>, vector<16xf32>,
    %broadcast_in_dim3A_75 = arith.constant 1.000000e+00 : f32
    %broadcast_in_dim3A_76 = vector.broadcast %broadcast_in_dim3A_75 : f32 to vector<16xf32>
    %swap3A_77 = arith.constant 128 : index
    %swap3A_78 = tpu.vector_load %arg14[%swap3A_77] {strides = array<i32>} : memref<256xf32, #tpu.memory_space<vmem>>, vector<16xf32>,
    %swap3A_79 = vector.shape_cast %swap3A_78 : vector<16xf32> to vector<16xf32>
    %swap3A_80 = vector.shape_cast %broadcast_in_dim3A_76 : vector<16xf32> to vector<16xf32>
    tpu.vector_store %arg14[%swap3A_77], %swap3A_80 {strides = array<i32>} : memref<256xf32, #tpu.memory_space<vmem>>, vector<16xf32>,
    %broadcast_in_dim3A_81 = arith.constant 1.000000e+00 : f32
    %broadcast_in_dim3A_82 = vector.broadcast %broadcast_in_dim3A_81 : f32 to vector<16xf32>
    %swap3A_83 = arith.constant 144 : index
    %swap3A_84 = tpu.vector_load %arg14[%swap3A_83] {strides = array<i32>} : memref<256xf32, #tpu.memory_space<vmem>>, vector<16xf32>,
    %swap3A_85 = vector.shape_cast %swap3A_84 : vector<16xf32> to vector<16xf32>
    %swap3A_86 = vector.shape_cast %broadcast_in_dim3A_82 : vector<16xf32> to vector<16xf32>
    tpu.vector_store %arg14[%swap3A_83], %swap3A_86 {strides = array<i32>} : memref<256xf32, #tpu.memory_space<vmem>>, vector<16xf32>,
    %broadcast_in_dim3A_87 = arith.constant 1.000000e+00 : f32
    %broadcast_in_dim3A_88 = vector.broadcast %broadcast_in_dim3A_87 : f32 to vector<16xf32>
    %swap3A_89 = arith.constant 160 : index
    %swap3A_90 = tpu.vector_load %arg14[%swap3A_89] {strides = array<i32>} : memref<256xf32, #tpu.memory_space<vmem>>, vector<16xf32>,
    %swap3A_91 = vector.shape_cast %swap3A_90 : vector<16xf32> to vector<16xf32>
    %swap3A_92 = vector.shape_cast %broadcast_in_dim3A_88 : vector<16xf32> to vector<16xf32>
    tpu.vector_store %arg14[%swap3A_89], %swap3A_92 {strides = array<i32>} : memref<256xf32, #tpu.memory_space<vmem>>, vector<16xf32>,
    %broadcast_in_dim3A_93 = arith.constant 1.000000e+00 : f32
    %broadcast_in_dim3A_94 = vector.broadcast %broadcast_in_dim3A_93 : f32 to vector<16xf32>
    %swap3A_95 = arith.constant 176 : index
    %swap3A_96 = tpu.vector_load %arg14[%swap3A_95] {strides = array<i32>} : memref<256xf32, #tpu.memory_space<vmem>>, vector<16xf32>,
    %swap3A_97 = vector.shape_cast %swap3A_96 : vector<16xf32> to vector<16xf32>
    %swap3A_98 = vector.shape_cast %broadcast_in_dim3A_94 : vector<16xf32> to vector<16xf32>
    tpu.vector_store %arg14[%swap3A_95], %swap3A_98 {strides = array<i32>} : memref<256xf32, #tpu.memory_space<vmem>>, vector<16xf32>,
    %broadcast_in_dim3A_99 = arith.constant 1.000000e+00 : f32
    %broadcast_in_dim3A_100 = vector.broadcast %broadcast_in_dim3A_99 : f32 to vector<16xf32>
    %swap3A_101 = arith.constant 192 : index
    %swap3A_102 = tpu.vector_load %arg14[%swap3A_101] {strides = array<i32>} : memref<256xf32, #tpu.memory_space<vmem>>, vector<16xf32>,
    %swap3A_103 = vector.shape_cast %swap3A_102 : vector<16xf32> to vector<16xf32>
    %swap3A_104 = vector.shape_cast %broadcast_in_dim3A_100 : vector<16xf32> to vector<16xf32>
    tpu.vector_store %arg14[%swap3A_101], %swap3A_104 {strides = array<i32>} : memref<256xf32, #tpu.memory_space<vmem>>, vector<16xf32>,
    %broadcast_in_dim3A_105 = arith.constant 1.000000e+00 : f32
    %broadcast_in_dim3A_106 = vector.broadcast %broadcast_in_dim3A_105 : f32 to vector<16xf32>
    %swap3A_107 = arith.constant 208 : index
    %swap3A_108 = tpu.vector_load %arg14[%swap3A_107] {strides = array<i32>} : memref<256xf32, #tpu.memory_space<vmem>>, vector<16xf32>,
    %swap3A_109 = vector.shape_cast %swap3A_108 : vector<16xf32> to vector<16xf32>
    %swap3A_110 = vector.shape_cast %broadcast_in_dim3A_106 : vector<16xf32> to vector<16xf32>
    tpu.vector_store %arg14[%swap3A_107], %swap3A_110 {strides = array<i32>} : memref<256xf32, #tpu.memory_space<vmem>>, vector<16xf32>,
    %broadcast_in_dim3A_111 = arith.constant 1.000000e+00 : f32
    %broadcast_in_dim3A_112 = vector.broadcast %broadcast_in_dim3A_111 : f32 to vector<16xf32>
    %swap3A_113 = arith.constant 224 : index
    %swap3A_114 = tpu.vector_load %arg14[%swap3A_113] {strides = array<i32>} : memref<256xf32, #tpu.memory_space<vmem>>, vector<16xf32>,
    %swap3A_115 = vector.shape_cast %swap3A_114 : vector<16xf32> to vector<16xf32>
    %swap3A_116 = vector.shape_cast %broadcast_in_dim3A_112 : vector<16xf32> to vector<16xf32>
    tpu.vector_store %arg14[%swap3A_113], %swap3A_116 {strides = array<i32>} : memref<256xf32, #tpu.memory_space<vmem>>, vector<16xf32>,
    %broadcast_in_dim3A_117 = arith.constant 1.000000e+00 : f32
    %broadcast_in_dim3A_118 = vector.broadcast %broadcast_in_dim3A_117 : f32 to vector<16xf32>
    %swap3A_119 = arith.constant 240 : index
    %swap3A_120 = tpu.vector_load %arg14[%swap3A_119] {strides = array<i32>} : memref<256xf32, #tpu.memory_space<vmem>>, vector<16xf32>,
    %swap3A_121 = vector.shape_cast %swap3A_120 : vector<16xf32> to vector<16xf32>
    %swap3A_122 = vector.shape_cast %broadcast_in_dim3A_118 : vector<16xf32> to vector<16xf32>
    tpu.vector_store %arg14[%swap3A_119], %swap3A_122 {strides = array<i32>} : memref<256xf32, #tpu.memory_space<vmem>>, vector<16xf32>,
    %swap3A_123 = arith.constant 0 : index
    %swap3A_124 = tpu.vector_load %arg15[%swap3A_123] {strides = array<i32>} : memref<640xf32, #tpu.memory_space<vmem>>, vector<16xf32>,
    %swap3A_125 = vector.shape_cast %swap3A_124 : vector<16xf32> to vector<16xf32>
    %swap3A_126 = vector.shape_cast %broadcast_in_dim3A_1 : vector<16xf32> to vector<16xf32>
    tpu.vector_store %arg15[%swap3A_123], %swap3A_126 {strides = array<i32>} : memref<640xf32, #tpu.memory_space<vmem>>, vector<16xf32>,
    %swap3A_127 = arith.constant 16 : index
    %swap3A_128 = tpu.vector_load %arg15[%swap3A_127] {strides = array<i32>} : memref<640xf32, #tpu.memory_space<vmem>>, vector<16xf32>,
    %swap3A_129 = vector.shape_cast %swap3A_128 : vector<16xf32> to vector<16xf32>
    %swap3A_130 = vector.shape_cast %broadcast_in_dim3A_1 : vector<16xf32> to vector<16xf32>
    tpu.vector_store %arg15[%swap3A_127], %swap3A_130 {strides = array<i32>} : memref<640xf32, #tpu.memory_space<vmem>>, vector<16xf32>,
    %swap3A_131 = arith.constant 32 : index
    %swap3A_132 = tpu.vector_load %arg15[%swap3A_131] {strides = array<i32>} : memref<640xf32, #tpu.memory_space<vmem>>, vector<16xf32>,
    %swap3A_133 = vector.shape_cast %swap3A_132 : vector<16xf32> to vector<16xf32>
    %swap3A_134 = vector.shape_cast %broadcast_in_dim3A_1 : vector<16xf32> to vector<16xf32>
    tpu.vector_store %arg15[%swap3A_131], %swap3A_134 {strides = array<i32>} : memref<640xf32, #tpu.memory_space<vmem>>, vector<16xf32>,
    %swap3A_135 = arith.constant 48 : index
    %swap3A_136 = tpu.vector_load %arg15[%swap3A_135] {strides = array<i32>} : memref<640xf32, #tpu.memory_space<vmem>>, vector<16xf32>,
    %swap3A_137 = vector.shape_cast %swap3A_136 : vector<16xf32> to vector<16xf32>
    %swap3A_138 = vector.shape_cast %broadcast_in_dim3A_1 : vector<16xf32> to vector<16xf32>
    tpu.vector_store %arg15[%swap3A_135], %swap3A_138 {strides = array<i32>} : memref<640xf32, #tpu.memory_space<vmem>>, vector<16xf32>,
    %swap3A_139 = arith.constant 64 : index
    %swap3A_140 = tpu.vector_load %arg15[%swap3A_139] {strides = array<i32>} : memref<640xf32, #tpu.memory_space<vmem>>, vector<16xf32>,
    %swap3A_141 = vector.shape_cast %swap3A_140 : vector<16xf32> to vector<16xf32>
    %swap3A_142 = vector.shape_cast %broadcast_in_dim3A_1 : vector<16xf32> to vector<16xf32>
    tpu.vector_store %arg15[%swap3A_139], %swap3A_142 {strides = array<i32>} : memref<640xf32, #tpu.memory_space<vmem>>, vector<16xf32>,
    %swap3A_143 = arith.constant 80 : index
    %swap3A_144 = tpu.vector_load %arg15[%swap3A_143] {strides = array<i32>} : memref<640xf32, #tpu.memory_space<vmem>>, vector<16xf32>,
    %swap3A_145 = vector.shape_cast %swap3A_144 : vector<16xf32> to vector<16xf32>
    %swap3A_146 = vector.shape_cast %broadcast_in_dim3A_1 : vector<16xf32> to vector<16xf32>
    tpu.vector_store %arg15[%swap3A_143], %swap3A_146 {strides = array<i32>} : memref<640xf32, #tpu.memory_space<vmem>>, vector<16xf32>,
    %swap3A_147 = arith.constant 96 : index
    %swap3A_148 = tpu.vector_load %arg15[%swap3A_147] {strides = array<i32>} : memref<640xf32, #tpu.memory_space<vmem>>, vector<16xf32>,
    %swap3A_149 = vector.shape_cast %swap3A_148 : vector<16xf32> to vector<16xf32>
    %swap3A_150 = vector.shape_cast %broadcast_in_dim3A_1 : vector<16xf32> to vector<16xf32>
    tpu.vector_store %arg15[%swap3A_147], %swap3A_150 {strides = array<i32>} : memref<640xf32, #tpu.memory_space<vmem>>, vector<16xf32>,
    %swap3A_151 = arith.constant 112 : index
    %swap3A_152 = tpu.vector_load %arg15[%swap3A_151] {strides = array<i32>} : memref<640xf32, #tpu.memory_space<vmem>>, vector<16xf32>,
    %swap3A_153 = vector.shape_cast %swap3A_152 : vector<16xf32> to vector<16xf32>
    %swap3A_154 = vector.shape_cast %broadcast_in_dim3A_1 : vector<16xf32> to vector<16xf32>
    tpu.vector_store %arg15[%swap3A_151], %swap3A_154 {strides = array<i32>} : memref<640xf32, #tpu.memory_space<vmem>>, vector<16xf32>,
    %swap3A_155 = arith.constant 128 : index
    %swap3A_156 = tpu.vector_load %arg15[%swap3A_155] {strides = array<i32>} : memref<640xf32, #tpu.memory_space<vmem>>, vector<16xf32>,
    %swap3A_157 = vector.shape_cast %swap3A_156 : vector<16xf32> to vector<16xf32>
    %swap3A_158 = vector.shape_cast %broadcast_in_dim3A_1 : vector<16xf32> to vector<16xf32>
    tpu.vector_store %arg15[%swap3A_155], %swap3A_158 {strides = array<i32>} : memref<640xf32, #tpu.memory_space<vmem>>, vector<16xf32>,
    %swap3A_159 = arith.constant 144 : index
    %swap3A_160 = tpu.vector_load %arg15[%swap3A_159] {strides = array<i32>} : memref<640xf32, #tpu.memory_space<vmem>>, vector<16xf32>,
    %swap3A_161 = vector.shape_cast %swap3A_160 : vector<16xf32> to vector<16xf32>
    %swap3A_162 = vector.shape_cast %broadcast_in_dim3A_1 : vector<16xf32> to vector<16xf32>
    tpu.vector_store %arg15[%swap3A_159], %swap3A_162 {strides = array<i32>} : memref<640xf32, #tpu.memory_space<vmem>>, vector<16xf32>,
    %swap3A_163 = arith.constant 160 : index
    %swap3A_164 = tpu.vector_load %arg15[%swap3A_163] {strides = array<i32>} : memref<640xf32, #tpu.memory_space<vmem>>, vector<16xf32>,
    %swap3A_165 = vector.shape_cast %swap3A_164 : vector<16xf32> to vector<16xf32>
    %swap3A_166 = vector.shape_cast %broadcast_in_dim3A_1 : vector<16xf32> to vector<16xf32>
    tpu.vector_store %arg15[%swap3A_163], %swap3A_166 {strides = array<i32>} : memref<640xf32, #tpu.memory_space<vmem>>, vector<16xf32>,
    %swap3A_167 = arith.constant 176 : index
    %swap3A_168 = tpu.vector_load %arg15[%swap3A_167] {strides = array<i32>} : memref<640xf32, #tpu.memory_space<vmem>>, vector<16xf32>,
    %swap3A_169 = vector.shape_cast %swap3A_168 : vector<16xf32> to vector<16xf32>
    %swap3A_170 = vector.shape_cast %broadcast_in_dim3A_1 : vector<16xf32> to vector<16xf32>
    tpu.vector_store %arg15[%swap3A_167], %swap3A_170 {strides = array<i32>} : memref<640xf32, #tpu.memory_space<vmem>>, vector<16xf32>,
    %swap3A_171 = arith.constant 192 : index
    %swap3A_172 = tpu.vector_load %arg15[%swap3A_171] {strides = array<i32>} : memref<640xf32, #tpu.memory_space<vmem>>, vector<16xf32>,
    %swap3A_173 = vector.shape_cast %swap3A_172 : vector<16xf32> to vector<16xf32>
    %swap3A_174 = vector.shape_cast %broadcast_in_dim3A_1 : vector<16xf32> to vector<16xf32>
    tpu.vector_store %arg15[%swap3A_171], %swap3A_174 {strides = array<i32>} : memref<640xf32, #tpu.memory_space<vmem>>, vector<16xf32>,
    %swap3A_175 = arith.constant 208 : index
    %swap3A_176 = tpu.vector_load %arg15[%swap3A_175] {strides = array<i32>} : memref<640xf32, #tpu.memory_space<vmem>>, vector<16xf32>,
    %swap3A_177 = vector.shape_cast %swap3A_176 : vector<16xf32> to vector<16xf32>
    %swap3A_178 = vector.shape_cast %broadcast_in_dim3A_1 : vector<16xf32> to vector<16xf32>
    tpu.vector_store %arg15[%swap3A_175], %swap3A_178 {strides = array<i32>} : memref<640xf32, #tpu.memory_space<vmem>>, vector<16xf32>,
    %swap3A_179 = arith.constant 224 : index
    %swap3A_180 = tpu.vector_load %arg15[%swap3A_179] {strides = array<i32>} : memref<640xf32, #tpu.memory_space<vmem>>, vector<16xf32>,
    %swap3A_181 = vector.shape_cast %swap3A_180 : vector<16xf32> to vector<16xf32>
    %swap3A_182 = vector.shape_cast %broadcast_in_dim3A_1 : vector<16xf32> to vector<16xf32>
    tpu.vector_store %arg15[%swap3A_179], %swap3A_182 {strides = array<i32>} : memref<640xf32, #tpu.memory_space<vmem>>, vector<16xf32>,
    %swap3A_183 = arith.constant 240 : index
    %swap3A_184 = tpu.vector_load %arg15[%swap3A_183] {strides = array<i32>} : memref<640xf32, #tpu.memory_space<vmem>>, vector<16xf32>,
    %swap3A_185 = vector.shape_cast %swap3A_184 : vector<16xf32> to vector<16xf32>
    %swap3A_186 = vector.shape_cast %broadcast_in_dim3A_1 : vector<16xf32> to vector<16xf32>
    tpu.vector_store %arg15[%swap3A_183], %swap3A_186 {strides = array<i32>} : memref<640xf32, #tpu.memory_space<vmem>>, vector<16xf32>,
    %swap3A_187 = arith.constant 256 : index
    %swap3A_188 = tpu.vector_load %arg15[%swap3A_187] {strides = array<i32>} : memref<640xf32, #tpu.memory_space<vmem>>, vector<16xf32>,
    %swap3A_189 = vector.shape_cast %swap3A_188 : vector<16xf32> to vector<16xf32>
    %swap3A_190 = vector.shape_cast %broadcast_in_dim3A_1 : vector<16xf32> to vector<16xf32>
    tpu.vector_store %arg15[%swap3A_187], %swap3A_190 {strides = array<i32>} : memref<640xf32, #tpu.memory_space<vmem>>, vector<16xf32>,
    %swap3A_191 = arith.constant 272 : index
    %swap3A_192 = tpu.vector_load %arg15[%swap3A_191] {strides = array<i32>} : memref<640xf32, #tpu.memory_space<vmem>>, vector<16xf32>,
    %swap3A_193 = vector.shape_cast %swap3A_192 : vector<16xf32> to vector<16xf32>
    %swap3A_194 = vector.shape_cast %broadcast_in_dim3A_1 : vector<16xf32> to vector<16xf32>
    tpu.vector_store %arg15[%swap3A_191], %swap3A_194 {strides = array<i32>} : memref<640xf32, #tpu.memory_space<vmem>>, vector<16xf32>,
    %swap3A_195 = arith.constant 288 : index
    %swap3A_196 = tpu.vector_load %arg15[%swap3A_195] {strides = array<i32>} : memref<640xf32, #tpu.memory_space<vmem>>, vector<16xf32>,
    %swap3A_197 = vector.shape_cast %swap3A_196 : vector<16xf32> to vector<16xf32>
    %swap3A_198 = vector.shape_cast %broadcast_in_dim3A_1 : vector<16xf32> to vector<16xf32>
    tpu.vector_store %arg15[%swap3A_195], %swap3A_198 {strides = array<i32>} : memref<640xf32, #tpu.memory_space<vmem>>, vector<16xf32>,
    %swap3A_199 = arith.constant 304 : index
    %swap3A_200 = tpu.vector_load %arg15[%swap3A_199] {strides = array<i32>} : memref<640xf32, #tpu.memory_space<vmem>>, vector<16xf32>,
    %swap3A_201 = vector.shape_cast %swap3A_200 : vector<16xf32> to vector<16xf32>
    %swap3A_202 = vector.shape_cast %broadcast_in_dim3A_1 : vector<16xf32> to vector<16xf32>
    tpu.vector_store %arg15[%swap3A_199], %swap3A_202 {strides = array<i32>} : memref<640xf32, #tpu.memory_space<vmem>>, vector<16xf32>,
    %swap3A_203 = arith.constant 320 : index
    %swap3A_204 = tpu.vector_load %arg15[%swap3A_203] {strides = array<i32>} : memref<640xf32, #tpu.memory_space<vmem>>, vector<16xf32>,
    %swap3A_205 = vector.shape_cast %swap3A_204 : vector<16xf32> to vector<16xf32>
    %swap3A_206 = vector.shape_cast %broadcast_in_dim3A_1 : vector<16xf32> to vector<16xf32>
    tpu.vector_store %arg15[%swap3A_203], %swap3A_206 {strides = array<i32>} : memref<640xf32, #tpu.memory_space<vmem>>, vector<16xf32>,
    %swap3A_207 = arith.constant 336 : index
    %swap3A_208 = tpu.vector_load %arg15[%swap3A_207] {strides = array<i32>} : memref<640xf32, #tpu.memory_space<vmem>>, vector<16xf32>,
    %swap3A_209 = vector.shape_cast %swap3A_208 : vector<16xf32> to vector<16xf32>
    %swap3A_210 = vector.shape_cast %broadcast_in_dim3A_1 : vector<16xf32> to vector<16xf32>
    tpu.vector_store %arg15[%swap3A_207], %swap3A_210 {strides = array<i32>} : memref<640xf32, #tpu.memory_space<vmem>>, vector<16xf32>,
    %swap3A_211 = arith.constant 352 : index
    %swap3A_212 = tpu.vector_load %arg15[%swap3A_211] {strides = array<i32>} : memref<640xf32, #tpu.memory_space<vmem>>, vector<16xf32>,
    %swap3A_213 = vector.shape_cast %swap3A_212 : vector<16xf32> to vector<16xf32>
    %swap3A_214 = vector.shape_cast %broadcast_in_dim3A_1 : vector<16xf32> to vector<16xf32>
    tpu.vector_store %arg15[%swap3A_211], %swap3A_214 {strides = array<i32>} : memref<640xf32, #tpu.memory_space<vmem>>, vector<16xf32>,
    %swap3A_215 = arith.constant 368 : index
    %swap3A_216 = tpu.vector_load %arg15[%swap3A_215] {strides = array<i32>} : memref<640xf32, #tpu.memory_space<vmem>>, vector<16xf32>,
    %swap3A_217 = vector.shape_cast %swap3A_216 : vector<16xf32> to vector<16xf32>
    %swap3A_218 = vector.shape_cast %broadcast_in_dim3A_1 : vector<16xf32> to vector<16xf32>
    tpu.vector_store %arg15[%swap3A_215], %swap3A_218 {strides = array<i32>} : memref<640xf32, #tpu.memory_space<vmem>>, vector<16xf32>,
    %swap3A_219 = arith.constant 384 : index
    %swap3A_220 = tpu.vector_load %arg15[%swap3A_219] {strides = array<i32>} : memref<640xf32, #tpu.memory_space<vmem>>, vector<16xf32>,
    %swap3A_221 = vector.shape_cast %swap3A_220 : vector<16xf32> to vector<16xf32>
    %swap3A_222 = vector.shape_cast %broadcast_in_dim3A_1 : vector<16xf32> to vector<16xf32>
    tpu.vector_store %arg15[%swap3A_219], %swap3A_222 {strides = array<i32>} : memref<640xf32, #tpu.memory_space<vmem>>, vector<16xf32>,
    %swap3A_223 = arith.constant 400 : index
    %swap3A_224 = tpu.vector_load %arg15[%swap3A_223] {strides = array<i32>} : memref<640xf32, #tpu.memory_space<vmem>>, vector<16xf32>,
    %swap3A_225 = vector.shape_cast %swap3A_224 : vector<16xf32> to vector<16xf32>
    %swap3A_226 = vector.shape_cast %broadcast_in_dim3A_1 : vector<16xf32> to vector<16xf32>
    tpu.vector_store %arg15[%swap3A_223], %swap3A_226 {strides = array<i32>} : memref<640xf32, #tpu.memory_space<vmem>>, vector<16xf32>,
    %swap3A_227 = arith.constant 416 : index
    %swap3A_228 = tpu.vector_load %arg15[%swap3A_227] {strides = array<i32>} : memref<640xf32, #tpu.memory_space<vmem>>, vector<16xf32>,
    %swap3A_229 = vector.shape_cast %swap3A_228 : vector<16xf32> to vector<16xf32>
    %swap3A_230 = vector.shape_cast %broadcast_in_dim3A_1 : vector<16xf32> to vector<16xf32>
    tpu.vector_store %arg15[%swap3A_227], %swap3A_230 {strides = array<i32>} : memref<640xf32, #tpu.memory_space<vmem>>, vector<16xf32>,
    %swap3A_231 = arith.constant 432 : index
    %swap3A_232 = tpu.vector_load %arg15[%swap3A_231] {strides = array<i32>} : memref<640xf32, #tpu.memory_space<vmem>>, vector<16xf32>,
    %swap3A_233 = vector.shape_cast %swap3A_232 : vector<16xf32> to vector<16xf32>
    %swap3A_234 = vector.shape_cast %broadcast_in_dim3A_1 : vector<16xf32> to vector<16xf32>
    tpu.vector_store %arg15[%swap3A_231], %swap3A_234 {strides = array<i32>} : memref<640xf32, #tpu.memory_space<vmem>>, vector<16xf32>,
    %swap3A_235 = arith.constant 448 : index
    %swap3A_236 = tpu.vector_load %arg15[%swap3A_235] {strides = array<i32>} : memref<640xf32, #tpu.memory_space<vmem>>, vector<16xf32>,
    %swap3A_237 = vector.shape_cast %swap3A_236 : vector<16xf32> to vector<16xf32>
    %swap3A_238 = vector.shape_cast %broadcast_in_dim3A_1 : vector<16xf32> to vector<16xf32>
    tpu.vector_store %arg15[%swap3A_235], %swap3A_238 {strides = array<i32>} : memref<640xf32, #tpu.memory_space<vmem>>, vector<16xf32>,
    %swap3A_239 = arith.constant 464 : index
    %swap3A_240 = tpu.vector_load %arg15[%swap3A_239] {strides = array<i32>} : memref<640xf32, #tpu.memory_space<vmem>>, vector<16xf32>,
    %swap3A_241 = vector.shape_cast %swap3A_240 : vector<16xf32> to vector<16xf32>
    %swap3A_242 = vector.shape_cast %broadcast_in_dim3A_1 : vector<16xf32> to vector<16xf32>
    tpu.vector_store %arg15[%swap3A_239], %swap3A_242 {strides = array<i32>} : memref<640xf32, #tpu.memory_space<vmem>>, vector<16xf32>,
    %swap3A_243 = arith.constant 480 : index
    %swap3A_244 = tpu.vector_load %arg15[%swap3A_243] {strides = array<i32>} : memref<640xf32, #tpu.memory_space<vmem>>, vector<16xf32>,
    %swap3A_245 = vector.shape_cast %swap3A_244 : vector<16xf32> to vector<16xf32>
    %swap3A_246 = vector.shape_cast %broadcast_in_dim3A_1 : vector<16xf32> to vector<16xf32>
    tpu.vector_store %arg15[%swap3A_243], %swap3A_246 {strides = array<i32>} : memref<640xf32, #tpu.memory_space<vmem>>, vector<16xf32>,
    %swap3A_247 = arith.constant 496 : index
    %swap3A_248 = tpu.vector_load %arg15[%swap3A_247] {strides = array<i32>} : memref<640xf32, #tpu.memory_space<vmem>>, vector<16xf32>,
    %swap3A_249 = vector.shape_cast %swap3A_248 : vector<16xf32> to vector<16xf32>
    %swap3A_250 = vector.shape_cast %broadcast_in_dim3A_1 : vector<16xf32> to vector<16xf32>
    tpu.vector_store %arg15[%swap3A_247], %swap3A_250 {strides = array<i32>} : memref<640xf32, #tpu.memory_space<vmem>>, vector<16xf32>,
    %swap3A_251 = arith.constant 512 : index
    %swap3A_252 = tpu.vector_load %arg15[%swap3A_251] {strides = array<i32>} : memref<640xf32, #tpu.memory_space<vmem>>, vector<16xf32>,
    %swap3A_253 = vector.shape_cast %swap3A_252 : vector<16xf32> to vector<16xf32>
    %swap3A_254 = vector.shape_cast %broadcast_in_dim3A_1 : vector<16xf32> to vector<16xf32>
    tpu.vector_store %arg15[%swap3A_251], %swap3A_254 {strides = array<i32>} : memref<640xf32, #tpu.memory_space<vmem>>, vector<16xf32>,
    %swap3A_255 = arith.constant 528 : index
    %swap3A_256 = tpu.vector_load %arg15[%swap3A_255] {strides = array<i32>} : memref<640xf32, #tpu.memory_space<vmem>>, vector<16xf32>,
    %swap3A_257 = vector.shape_cast %swap3A_256 : vector<16xf32> to vector<16xf32>
    %swap3A_258 = vector.shape_cast %broadcast_in_dim3A_1 : vector<16xf32> to vector<16xf32>
    tpu.vector_store %arg15[%swap3A_255], %swap3A_258 {strides = array<i32>} : memref<640xf32, #tpu.memory_space<vmem>>, vector<16xf32>,
    %swap3A_259 = arith.constant 544 : index
    %swap3A_260 = tpu.vector_load %arg15[%swap3A_259] {strides = array<i32>} : memref<640xf32, #tpu.memory_space<vmem>>, vector<16xf32>,
    %swap3A_261 = vector.shape_cast %swap3A_260 : vector<16xf32> to vector<16xf32>
    %swap3A_262 = vector.shape_cast %broadcast_in_dim3A_1 : vector<16xf32> to vector<16xf32>
    tpu.vector_store %arg15[%swap3A_259], %swap3A_262 {strides = array<i32>} : memref<640xf32, #tpu.memory_space<vmem>>, vector<16xf32>,
    %swap3A_263 = arith.constant 560 : index
    %swap3A_264 = tpu.vector_load %arg15[%swap3A_263] {strides = array<i32>} : memref<640xf32, #tpu.memory_space<vmem>>, vector<16xf32>,
    %swap3A_265 = vector.shape_cast %swap3A_264 : vector<16xf32> to vector<16xf32>
    %swap3A_266 = vector.shape_cast %broadcast_in_dim3A_1 : vector<16xf32> to vector<16xf32>
    tpu.vector_store %arg15[%swap3A_263], %swap3A_266 {strides = array<i32>} : memref<640xf32, #tpu.memory_space<vmem>>, vector<16xf32>,
    %swap3A_267 = arith.constant 576 : index
    %swap3A_268 = tpu.vector_load %arg15[%swap3A_267] {strides = array<i32>} : memref<640xf32, #tpu.memory_space<vmem>>, vector<16xf32>,
    %swap3A_269 = vector.shape_cast %swap3A_268 : vector<16xf32> to vector<16xf32>
    %swap3A_270 = vector.shape_cast %broadcast_in_dim3A_1 : vector<16xf32> to vector<16xf32>
    tpu.vector_store %arg15[%swap3A_267], %swap3A_270 {strides = array<i32>} : memref<640xf32, #tpu.memory_space<vmem>>, vector<16xf32>,
    %swap3A_271 = arith.constant 592 : index
    %swap3A_272 = tpu.vector_load %arg15[%swap3A_271] {strides = array<i32>} : memref<640xf32, #tpu.memory_space<vmem>>, vector<16xf32>,
    %swap3A_273 = vector.shape_cast %swap3A_272 : vector<16xf32> to vector<16xf32>
    %swap3A_274 = vector.shape_cast %broadcast_in_dim3A_1 : vector<16xf32> to vector<16xf32>
    tpu.vector_store %arg15[%swap3A_271], %swap3A_274 {strides = array<i32>} : memref<640xf32, #tpu.memory_space<vmem>>, vector<16xf32>,
    %swap3A_275 = arith.constant 608 : index
    %swap3A_276 = tpu.vector_load %arg15[%swap3A_275] {strides = array<i32>} : memref<640xf32, #tpu.memory_space<vmem>>, vector<16xf32>,
    %swap3A_277 = vector.shape_cast %swap3A_276 : vector<16xf32> to vector<16xf32>
    %swap3A_278 = vector.shape_cast %broadcast_in_dim3A_1 : vector<16xf32> to vector<16xf32>
    tpu.vector_store %arg15[%swap3A_275], %swap3A_278 {strides = array<i32>} : memref<640xf32, #tpu.memory_space<vmem>>, vector<16xf32>,
    %swap3A_279 = arith.constant 624 : index
    %swap3A_280 = tpu.vector_load %arg15[%swap3A_279] {strides = array<i32>} : memref<640xf32, #tpu.memory_space<vmem>>, vector<16xf32>,
    %swap3A_281 = vector.shape_cast %swap3A_280 : vector<16xf32> to vector<16xf32>
    %swap3A_282 = vector.shape_cast %broadcast_in_dim3A_1 : vector<16xf32> to vector<16xf32>
    tpu.vector_store %arg15[%swap3A_279], %swap3A_282 {strides = array<i32>} : memref<640xf32, #tpu.memory_space<vmem>>, vector<16xf32>,
    %mul3A_283 = arith.constant 640 : i32
    %mul3A_284 = arith.muli %arg1, %mul3A_283 : i32
    "tpu.region"() ({
      %run_scoped3A_321 = tpu.sem_alloc : memref<!tpu.dma_semaphore, #tpu.memory_space<semaphore_mem>>
      %dma_start3A = tpu.memref_slice %arg16[%mul3A_284] : memref<10240xf32, #tpu.memory_space<vmem_shared>> -> memref<640xf32, #tpu.memory_space<vmem_shared>>
      %dma_start3A_322 = tpu.memref_slice %arg16[%mul3A_284] : memref<10240xf32, #tpu.memory_space<vmem_shared>> -> memref<640xf32, #tpu.memory_space<vmem_shared>>
      tpu.enqueue_dma source(%arg15 : memref<640xf32, #tpu.memory_space<vmem>>) target(%dma_start3A_322 : memref<640xf32, #tpu.memory_space<vmem_shared>>) target_semaphore(%run_scoped3A_321 : memref<!tpu.dma_semaphore, #tpu.memory_space<semaphore_mem>>)
      %dma_wait3A = tpu.memref_slice %arg16[%mul3A_284] : memref<10240xf32, #tpu.memory_space<vmem_shared>> -> memref<640xf32, #tpu.memory_space<vmem_shared>>
      %dma_wait3A_323 = tpu.memref_slice %arg16[%mul3A_284] : memref<10240xf32, #tpu.memory_space<vmem_shared>> -> memref<640xf32, #tpu.memory_space<vmem_shared>>
      tpu.wait_dma2 semaphore(%run_scoped3A_321 : memref<!tpu.dma_semaphore, #tpu.memory_space<semaphore_mem>>) src(%arg15 : memref<640xf32, #tpu.memory_space<vmem>>) dst(%dma_wait3A_323 : memref<640xf32, #tpu.memory_space<vmem_shared>>)
      tpu.yield
    }) : () -> ()
    %run_scoped3A = arith.constant 0 : i32
    "tpu.region"() ({
      %run_scoped3A_321 = tpu.sem_alloc : memref<!tpu.dma_semaphore, #tpu.memory_space<semaphore_mem>>
      %dma_start3A = arith.constant 0 : i32
      %dma_start3A_322 = arith.constant 0 : i32
      %dma_start3A_323 = tpu.memref_slice %arg3[%run_scoped3A, %add3A, %dma_start3A, %dma_start3A_322] : memref<2x32x40x256xi32, #tpu.memory_space<hbm>> -> memref<1x1x40x256xi32, #tpu.memory_space<hbm>>
      %dma_start3A_324 = tpu.memref_squeeze %dma_start3A_323 : memref<1x1x40x256xi32, #tpu.memory_space<hbm>> -> memref<40x256xi32, #tpu.memory_space<hbm>>
      %dma_start3A_325 = arith.constant 0 : i32
      %dma_start3A_326 = arith.constant 0 : i32
      %dma_start3A_327 = tpu.memref_slice %arg3[%run_scoped3A, %add3A, %dma_start3A_325, %dma_start3A_326] : memref<2x32x40x256xi32, #tpu.memory_space<hbm>> -> memref<1x1x40x256xi32, #tpu.memory_space<hbm>>
      %dma_start3A_328 = tpu.memref_squeeze %dma_start3A_327 : memref<1x1x40x256xi32, #tpu.memory_space<hbm>> -> memref<40x256xi32, #tpu.memory_space<hbm>>
      tpu.enqueue_dma source(%dma_start3A_328 : memref<40x256xi32, #tpu.memory_space<hbm>>) target(%arg8 : memref<40x256xi32, #tpu.memory_space<vmem>>) target_semaphore(%run_scoped3A_321 : memref<!tpu.dma_semaphore, #tpu.memory_space<semaphore_mem>>)
      %dma_wait3A = arith.constant 0 : i32
      %dma_wait3A_329 = arith.constant 0 : i32
      %dma_wait3A_330 = tpu.memref_slice %arg3[%run_scoped3A, %add3A, %dma_wait3A, %dma_wait3A_329] : memref<2x32x40x256xi32, #tpu.memory_space<hbm>> -> memref<1x1x40x256xi32, #tpu.memory_space<hbm>>
      %dma_wait3A_331 = tpu.memref_squeeze %dma_wait3A_330 : memref<1x1x40x256xi32, #tpu.memory_space<hbm>> -> memref<40x256xi32, #tpu.memory_space<hbm>>
      %dma_wait3A_332 = arith.constant 0 : i32
      %dma_wait3A_333 = arith.constant 0 : i32
      %dma_wait3A_334 = tpu.memref_slice %arg3[%run_scoped3A, %add3A, %dma_wait3A_332, %dma_wait3A_333] : memref<2x32x40x256xi32, #tpu.memory_space<hbm>> -> memref<1x1x40x256xi32, #tpu.memory_space<hbm>>
      %dma_wait3A_335 = tpu.memref_squeeze %dma_wait3A_334 : memref<1x1x40x256xi32, #tpu.memory_space<hbm>> -> memref<40x256xi32, #tpu.memory_space<hbm>>
      tpu.wait_dma2 semaphore(%run_scoped3A_321 : memref<!tpu.dma_semaphore, #tpu.memory_space<semaphore_mem>>) src(%dma_wait3A_335 : memref<40x256xi32, #tpu.memory_space<hbm>>) dst(%arg8 : memref<40x256xi32, #tpu.memory_space<vmem>>)
      tpu.yield
    }) : () -> ()
    %run_scoped3A_285 = arith.constant 1 : i32
    "tpu.region"() ({
      %run_scoped3A_321 = tpu.sem_alloc : memref<!tpu.dma_semaphore, #tpu.memory_space<semaphore_mem>>
      %dma_start3A = arith.constant 0 : i32
      %dma_start3A_322 = arith.constant 0 : i32
      %dma_start3A_323 = tpu.memref_slice %arg3[%run_scoped3A_285, %add3A, %dma_start3A, %dma_start3A_322] : memref<2x32x40x256xi32, #tpu.memory_space<hbm>> -> memref<1x1x40x256xi32, #tpu.memory_space<hbm>>
      %dma_start3A_324 = tpu.memref_squeeze %dma_start3A_323 : memref<1x1x40x256xi32, #tpu.memory_space<hbm>> -> memref<40x256xi32, #tpu.memory_space<hbm>>
      %dma_start3A_325 = arith.constant 0 : i32
      %dma_start3A_326 = arith.constant 0 : i32
      %dma_start3A_327 = tpu.memref_slice %arg3[%run_scoped3A_285, %add3A, %dma_start3A_325, %dma_start3A_326] : memref<2x32x40x256xi32, #tpu.memory_space<hbm>> -> memref<1x1x40x256xi32, #tpu.memory_space<hbm>>
      %dma_start3A_328 = tpu.memref_squeeze %dma_start3A_327 : memref<1x1x40x256xi32, #tpu.memory_space<hbm>> -> memref<40x256xi32, #tpu.memory_space<hbm>>
      tpu.enqueue_dma source(%dma_start3A_328 : memref<40x256xi32, #tpu.memory_space<hbm>>) target(%arg9 : memref<40x256xi32, #tpu.memory_space<vmem>>) target_semaphore(%run_scoped3A_321 : memref<!tpu.dma_semaphore, #tpu.memory_space<semaphore_mem>>)
      %dma_wait3A = arith.constant 0 : i32
      %dma_wait3A_329 = arith.constant 0 : i32
      %dma_wait3A_330 = tpu.memref_slice %arg3[%run_scoped3A_285, %add3A, %dma_wait3A, %dma_wait3A_329] : memref<2x32x40x256xi32, #tpu.memory_space<hbm>> -> memref<1x1x40x256xi32, #tpu.memory_space<hbm>>
      %dma_wait3A_331 = tpu.memref_squeeze %dma_wait3A_330 : memref<1x1x40x256xi32, #tpu.memory_space<hbm>> -> memref<40x256xi32, #tpu.memory_space<hbm>>
      %dma_wait3A_332 = arith.constant 0 : i32
      %dma_wait3A_333 = arith.constant 0 : i32
      %dma_wait3A_334 = tpu.memref_slice %arg3[%run_scoped3A_285, %add3A, %dma_wait3A_332, %dma_wait3A_333] : memref<2x32x40x256xi32, #tpu.memory_space<hbm>> -> memref<1x1x40x256xi32, #tpu.memory_space<hbm>>
      %dma_wait3A_335 = tpu.memref_squeeze %dma_wait3A_334 : memref<1x1x40x256xi32, #tpu.memory_space<hbm>> -> memref<40x256xi32, #tpu.memory_space<hbm>>
      tpu.wait_dma2 semaphore(%run_scoped3A_321 : memref<!tpu.dma_semaphore, #tpu.memory_space<semaphore_mem>>) src(%dma_wait3A_335 : memref<40x256xi32, #tpu.memory_space<hbm>>) dst(%arg9 : memref<40x256xi32, #tpu.memory_space<vmem>>)
      tpu.yield
    }) : () -> ()
    %mul3A_286 = arith.constant 640 : i32
    %mul3A_287 = arith.muli %arg1, %mul3A_286 : i32
    %add3A_288 = arith.constant 0 : i32
    %add3A_289 = arith.addi %mul3A_287, %add3A_288 : i32
    "tpu.region"() ({
      %run_scoped3A_321 = tpu.sem_alloc : memref<!tpu.dma_semaphore, #tpu.memory_space<semaphore_mem>>
      %dma_start3A = arith.constant 0 : i32
      %dma_start3A_322 = arith.constant 0 : i32
      %dma_start3A_323 = tpu.memref_slice %arg10[%dma_start3A, %dma_start3A_322] : memref<256x64xf32, #tpu.memory_space<vmem>> -> memref<128x64xf32, #tpu.memory_space<vmem>>
      %dma_start3A_324 = arith.constant 0 : i32
      %dma_start3A_325 = tpu.memref_slice %arg2[%add3A_289, %dma_start3A_324] : memref<10240x64xf32, #tpu.memory_space<hbm>> -> memref<128x64xf32, #tpu.memory_space<hbm>>
      %dma_start3A_326 = arith.constant 0 : i32
      %dma_start3A_327 = arith.constant 0 : i32
      %dma_start3A_328 = tpu.memref_slice %arg10[%dma_start3A_326, %dma_start3A_327] : memref<256x64xf32, #tpu.memory_space<vmem>> -> memref<128x64xf32, #tpu.memory_space<vmem>>
      %dma_start3A_329 = arith.constant 0 : i32
      %dma_start3A_330 = tpu.memref_slice %arg2[%add3A_289, %dma_start3A_329] : memref<10240x64xf32, #tpu.memory_space<hbm>> -> memref<128x64xf32, #tpu.memory_space<hbm>>
      tpu.enqueue_dma source(%dma_start3A_330 : memref<128x64xf32, #tpu.memory_space<hbm>>) target(%dma_start3A_328 : memref<128x64xf32, #tpu.memory_space<vmem>>) target_semaphore(%run_scoped3A_321 : memref<!tpu.dma_semaphore, #tpu.memory_space<semaphore_mem>>)
      %dma_wait3A = arith.constant 0 : i32
      %dma_wait3A_331 = arith.constant 0 : i32
      %dma_wait3A_332 = tpu.memref_slice %arg10[%dma_wait3A, %dma_wait3A_331] : memref<256x64xf32, #tpu.memory_space<vmem>> -> memref<128x64xf32, #tpu.memory_space<vmem>>
      %dma_wait3A_333 = arith.constant 0 : i32
      %dma_wait3A_334 = tpu.memref_slice %arg2[%add3A_289, %dma_wait3A_333] : memref<10240x64xf32, #tpu.memory_space<hbm>> -> memref<128x64xf32, #tpu.memory_space<hbm>>
      %dma_wait3A_335 = arith.constant 0 : i32
      %dma_wait3A_336 = arith.constant 0 : i32
      %dma_wait3A_337 = tpu.memref_slice %arg10[%dma_wait3A_335, %dma_wait3A_336] : memref<256x64xf32, #tpu.memory_space<vmem>> -> memref<128x64xf32, #tpu.memory_space<vmem>>
      %dma_wait3A_338 = arith.constant 0 : i32
      %dma_wait3A_339 = tpu.memref_slice %arg2[%add3A_289, %dma_wait3A_338] : memref<10240x64xf32, #tpu.memory_space<hbm>> -> memref<128x64xf32, #tpu.memory_space<hbm>>
      tpu.wait_dma2 semaphore(%run_scoped3A_321 : memref<!tpu.dma_semaphore, #tpu.memory_space<semaphore_mem>>) src(%dma_wait3A_339 : memref<128x64xf32, #tpu.memory_space<hbm>>) dst(%dma_wait3A_337 : memref<128x64xf32, #tpu.memory_space<vmem>>)
      tpu.yield
    }) : () -> ()
    "tpu.region"() ({
      %run_scoped3A_321 = tpu.sem_alloc : memref<!tpu.dma_semaphore, #tpu.memory_space<semaphore_mem>>
      %dma_start3A = arith.constant 0 : i32
      %dma_start3A_322 = arith.constant 0 : i32
      %dma_start3A_323 = tpu.memref_slice %arg10[%dma_start3A, %dma_start3A_322] : memref<256x64xf32, #tpu.memory_space<vmem>> -> memref<128x64xf32, #tpu.memory_space<vmem>>
      %dma_start3A_324 = arith.constant 0 : i32
      %dma_start3A_325 = tpu.memref_slice %arg12[%add3A_289, %dma_start3A_324] : memref<10240x64xf32, #tpu.memory_space<vmem_shared>> -> memref<128x64xf32, #tpu.memory_space<vmem_shared>>
      %dma_start3A_326 = arith.constant 0 : i32
      %dma_start3A_327 = tpu.memref_slice %arg12[%add3A_289, %dma_start3A_326] : memref<10240x64xf32, #tpu.memory_space<vmem_shared>> -> memref<128x64xf32, #tpu.memory_space<vmem_shared>>
      %dma_start3A_328 = arith.constant 0 : i32
      %dma_start3A_329 = arith.constant 0 : i32
      %dma_start3A_330 = tpu.memref_slice %arg10[%dma_start3A_328, %dma_start3A_329] : memref<256x64xf32, #tpu.memory_space<vmem>> -> memref<128x64xf32, #tpu.memory_space<vmem>>
      tpu.enqueue_dma source(%dma_start3A_330 : memref<128x64xf32, #tpu.memory_space<vmem>>) target(%dma_start3A_327 : memref<128x64xf32, #tpu.memory_space<vmem_shared>>) target_semaphore(%run_scoped3A_321 : memref<!tpu.dma_semaphore, #tpu.memory_space<semaphore_mem>>)
      %dma_wait3A = arith.constant 0 : i32
      %dma_wait3A_331 = arith.constant 0 : i32
      %dma_wait3A_332 = tpu.memref_slice %arg10[%dma_wait3A, %dma_wait3A_331] : memref<256x64xf32, #tpu.memory_space<vmem>> -> memref<128x64xf32, #tpu.memory_space<vmem>>
      %dma_wait3A_333 = arith.constant 0 : i32
      %dma_wait3A_334 = tpu.memref_slice %arg12[%add3A_289, %dma_wait3A_333] : memref<10240x64xf32, #tpu.memory_space<vmem_shared>> -> memref<128x64xf32, #tpu.memory_space<vmem_shared>>
      %dma_wait3A_335 = arith.constant 0 : i32
      %dma_wait3A_336 = tpu.memref_slice %arg12[%add3A_289, %dma_wait3A_335] : memref<10240x64xf32, #tpu.memory_space<vmem_shared>> -> memref<128x64xf32, #tpu.memory_space<vmem_shared>>
      %dma_wait3A_337 = arith.constant 0 : i32
      %dma_wait3A_338 = arith.constant 0 : i32
      %dma_wait3A_339 = tpu.memref_slice %arg10[%dma_wait3A_337, %dma_wait3A_338] : memref<256x64xf32, #tpu.memory_space<vmem>> -> memref<128x64xf32, #tpu.memory_space<vmem>>
      tpu.wait_dma2 semaphore(%run_scoped3A_321 : memref<!tpu.dma_semaphore, #tpu.memory_space<semaphore_mem>>) src(%dma_wait3A_339 : memref<128x64xf32, #tpu.memory_space<vmem>>) dst(%dma_wait3A_336 : memref<128x64xf32, #tpu.memory_space<vmem_shared>>)
      tpu.yield
    }) : () -> ()
    %mul3A_290 = arith.constant 640 : i32
    %mul3A_291 = arith.muli %arg1, %mul3A_290 : i32
    %add3A_292 = arith.constant 128 : i32
    %add3A_293 = arith.addi %mul3A_291, %add3A_292 : i32
    "tpu.region"() ({
      %run_scoped3A_321 = tpu.sem_alloc : memref<!tpu.dma_semaphore, #tpu.memory_space<semaphore_mem>>
      %dma_start3A = arith.constant 0 : i32
      %dma_start3A_322 = arith.constant 0 : i32
      %dma_start3A_323 = tpu.memref_slice %arg10[%dma_start3A, %dma_start3A_322] : memref<256x64xf32, #tpu.memory_space<vmem>> -> memref<128x64xf32, #tpu.memory_space<vmem>>
      %dma_start3A_324 = arith.constant 0 : i32
      %dma_start3A_325 = tpu.memref_slice %arg2[%add3A_293, %dma_start3A_324] : memref<10240x64xf32, #tpu.memory_space<hbm>> -> memref<128x64xf32, #tpu.memory_space<hbm>>
      %dma_start3A_326 = arith.constant 0 : i32
      %dma_start3A_327 = arith.constant 0 : i32
      %dma_start3A_328 = tpu.memref_slice %arg10[%dma_start3A_326, %dma_start3A_327] : memref<256x64xf32, #tpu.memory_space<vmem>> -> memref<128x64xf32, #tpu.memory_space<vmem>>
      %dma_start3A_329 = arith.constant 0 : i32
      %dma_start3A_330 = tpu.memref_slice %arg2[%add3A_293, %dma_start3A_329] : memref<10240x64xf32, #tpu.memory_space<hbm>> -> memref<128x64xf32, #tpu.memory_space<hbm>>
      tpu.enqueue_dma source(%dma_start3A_330 : memref<128x64xf32, #tpu.memory_space<hbm>>) target(%dma_start3A_328 : memref<128x64xf32, #tpu.memory_space<vmem>>) target_semaphore(%run_scoped3A_321 : memref<!tpu.dma_semaphore, #tpu.memory_space<semaphore_mem>>)
      %dma_wait3A = arith.constant 0 : i32
      %dma_wait3A_331 = arith.constant 0 : i32
      %dma_wait3A_332 = tpu.memref_slice %arg10[%dma_wait3A, %dma_wait3A_331] : memref<256x64xf32, #tpu.memory_space<vmem>> -> memref<128x64xf32, #tpu.memory_space<vmem>>
      %dma_wait3A_333 = arith.constant 0 : i32
      %dma_wait3A_334 = tpu.memref_slice %arg2[%add3A_293, %dma_wait3A_333] : memref<10240x64xf32, #tpu.memory_space<hbm>> -> memref<128x64xf32, #tpu.memory_space<hbm>>
      %dma_wait3A_335 = arith.constant 0 : i32
      %dma_wait3A_336 = arith.constant 0 : i32
      %dma_wait3A_337 = tpu.memref_slice %arg10[%dma_wait3A_335, %dma_wait3A_336] : memref<256x64xf32, #tpu.memory_space<vmem>> -> memref<128x64xf32, #tpu.memory_space<vmem>>
      %dma_wait3A_338 = arith.constant 0 : i32
      %dma_wait3A_339 = tpu.memref_slice %arg2[%add3A_293, %dma_wait3A_338] : memref<10240x64xf32, #tpu.memory_space<hbm>> -> memref<128x64xf32, #tpu.memory_space<hbm>>
      tpu.wait_dma2 semaphore(%run_scoped3A_321 : memref<!tpu.dma_semaphore, #tpu.memory_space<semaphore_mem>>) src(%dma_wait3A_339 : memref<128x64xf32, #tpu.memory_space<hbm>>) dst(%dma_wait3A_337 : memref<128x64xf32, #tpu.memory_space<vmem>>)
      tpu.yield
    }) : () -> ()
    "tpu.region"() ({
      %run_scoped3A_321 = tpu.sem_alloc : memref<!tpu.dma_semaphore, #tpu.memory_space<semaphore_mem>>
      %dma_start3A = arith.constant 0 : i32
      %dma_start3A_322 = arith.constant 0 : i32
      %dma_start3A_323 = tpu.memref_slice %arg10[%dma_start3A, %dma_start3A_322] : memref<256x64xf32, #tpu.memory_space<vmem>> -> memref<128x64xf32, #tpu.memory_space<vmem>>
      %dma_start3A_324 = arith.constant 0 : i32
      %dma_start3A_325 = tpu.memref_slice %arg12[%add3A_293, %dma_start3A_324] : memref<10240x64xf32, #tpu.memory_space<vmem_shared>> -> memref<128x64xf32, #tpu.memory_space<vmem_shared>>
      %dma_start3A_326 = arith.constant 0 : i32
      %dma_start3A_327 = tpu.memref_slice %arg12[%add3A_293, %dma_start3A_326] : memref<10240x64xf32, #tpu.memory_space<vmem_shared>> -> memref<128x64xf32, #tpu.memory_space<vmem_shared>>
      %dma_start3A_328 = arith.constant 0 : i32
      %dma_start3A_329 = arith.constant 0 : i32
      %dma_start3A_330 = tpu.memref_slice %arg10[%dma_start3A_328, %dma_start3A_329] : memref<256x64xf32, #tpu.memory_space<vmem>> -> memref<128x64xf32, #tpu.memory_space<vmem>>
      tpu.enqueue_dma source(%dma_start3A_330 : memref<128x64xf32, #tpu.memory_space<vmem>>) target(%dma_start3A_327 : memref<128x64xf32, #tpu.memory_space<vmem_shared>>) target_semaphore(%run_scoped3A_321 : memref<!tpu.dma_semaphore, #tpu.memory_space<semaphore_mem>>)
      %dma_wait3A = arith.constant 0 : i32
      %dma_wait3A_331 = arith.constant 0 : i32
      %dma_wait3A_332 = tpu.memref_slice %arg10[%dma_wait3A, %dma_wait3A_331] : memref<256x64xf32, #tpu.memory_space<vmem>> -> memref<128x64xf32, #tpu.memory_space<vmem>>
      %dma_wait3A_333 = arith.constant 0 : i32
      %dma_wait3A_334 = tpu.memref_slice %arg12[%add3A_293, %dma_wait3A_333] : memref<10240x64xf32, #tpu.memory_space<vmem_shared>> -> memref<128x64xf32, #tpu.memory_space<vmem_shared>>
      %dma_wait3A_335 = arith.constant 0 : i32
      %dma_wait3A_336 = tpu.memref_slice %arg12[%add3A_293, %dma_wait3A_335] : memref<10240x64xf32, #tpu.memory_space<vmem_shared>> -> memref<128x64xf32, #tpu.memory_space<vmem_shared>>
      %dma_wait3A_337 = arith.constant 0 : i32
      %dma_wait3A_338 = arith.constant 0 : i32
      %dma_wait3A_339 = tpu.memref_slice %arg10[%dma_wait3A_337, %dma_wait3A_338] : memref<256x64xf32, #tpu.memory_space<vmem>> -> memref<128x64xf32, #tpu.memory_space<vmem>>
      tpu.wait_dma2 semaphore(%run_scoped3A_321 : memref<!tpu.dma_semaphore, #tpu.memory_space<semaphore_mem>>) src(%dma_wait3A_339 : memref<128x64xf32, #tpu.memory_space<vmem>>) dst(%dma_wait3A_336 : memref<128x64xf32, #tpu.memory_space<vmem_shared>>)
      tpu.yield
    }) : () -> ()
    %mul3A_294 = arith.constant 640 : i32
    %mul3A_295 = arith.muli %arg1, %mul3A_294 : i32
    %add3A_296 = arith.constant 256 : i32
    %add3A_297 = arith.addi %mul3A_295, %add3A_296 : i32
    "tpu.region"() ({
      %run_scoped3A_321 = tpu.sem_alloc : memref<!tpu.dma_semaphore, #tpu.memory_space<semaphore_mem>>
      %dma_start3A = arith.constant 0 : i32
      %dma_start3A_322 = arith.constant 0 : i32
      %dma_start3A_323 = tpu.memref_slice %arg10[%dma_start3A, %dma_start3A_322] : memref<256x64xf32, #tpu.memory_space<vmem>> -> memref<128x64xf32, #tpu.memory_space<vmem>>
      %dma_start3A_324 = arith.constant 0 : i32
      %dma_start3A_325 = tpu.memref_slice %arg2[%add3A_297, %dma_start3A_324] : memref<10240x64xf32, #tpu.memory_space<hbm>> -> memref<128x64xf32, #tpu.memory_space<hbm>>
      %dma_start3A_326 = arith.constant 0 : i32
      %dma_start3A_327 = arith.constant 0 : i32
      %dma_start3A_328 = tpu.memref_slice %arg10[%dma_start3A_326, %dma_start3A_327] : memref<256x64xf32, #tpu.memory_space<vmem>> -> memref<128x64xf32, #tpu.memory_space<vmem>>
      %dma_start3A_329 = arith.constant 0 : i32
      %dma_start3A_330 = tpu.memref_slice %arg2[%add3A_297, %dma_start3A_329] : memref<10240x64xf32, #tpu.memory_space<hbm>> -> memref<128x64xf32, #tpu.memory_space<hbm>>
      tpu.enqueue_dma source(%dma_start3A_330 : memref<128x64xf32, #tpu.memory_space<hbm>>) target(%dma_start3A_328 : memref<128x64xf32, #tpu.memory_space<vmem>>) target_semaphore(%run_scoped3A_321 : memref<!tpu.dma_semaphore, #tpu.memory_space<semaphore_mem>>)
      %dma_wait3A = arith.constant 0 : i32
      %dma_wait3A_331 = arith.constant 0 : i32
      %dma_wait3A_332 = tpu.memref_slice %arg10[%dma_wait3A, %dma_wait3A_331] : memref<256x64xf32, #tpu.memory_space<vmem>> -> memref<128x64xf32, #tpu.memory_space<vmem>>
      %dma_wait3A_333 = arith.constant 0 : i32
      %dma_wait3A_334 = tpu.memref_slice %arg2[%add3A_297, %dma_wait3A_333] : memref<10240x64xf32, #tpu.memory_space<hbm>> -> memref<128x64xf32, #tpu.memory_space<hbm>>
      %dma_wait3A_335 = arith.constant 0 : i32
      %dma_wait3A_336 = arith.constant 0 : i32
      %dma_wait3A_337 = tpu.memref_slice %arg10[%dma_wait3A_335, %dma_wait3A_336] : memref<256x64xf32, #tpu.memory_space<vmem>> -> memref<128x64xf32, #tpu.memory_space<vmem>>
      %dma_wait3A_338 = arith.constant 0 : i32
      %dma_wait3A_339 = tpu.memref_slice %arg2[%add3A_297, %dma_wait3A_338] : memref<10240x64xf32, #tpu.memory_space<hbm>> -> memref<128x64xf32, #tpu.memory_space<hbm>>
      tpu.wait_dma2 semaphore(%run_scoped3A_321 : memref<!tpu.dma_semaphore, #tpu.memory_space<semaphore_mem>>) src(%dma_wait3A_339 : memref<128x64xf32, #tpu.memory_space<hbm>>) dst(%dma_wait3A_337 : memref<128x64xf32, #tpu.memory_space<vmem>>)
      tpu.yield
    }) : () -> ()
    "tpu.region"() ({
      %run_scoped3A_321 = tpu.sem_alloc : memref<!tpu.dma_semaphore, #tpu.memory_space<semaphore_mem>>
      %dma_start3A = arith.constant 0 : i32
      %dma_start3A_322 = arith.constant 0 : i32
      %dma_start3A_323 = tpu.memref_slice %arg10[%dma_start3A, %dma_start3A_322] : memref<256x64xf32, #tpu.memory_space<vmem>> -> memref<128x64xf32, #tpu.memory_space<vmem>>
      %dma_start3A_324 = arith.constant 0 : i32
      %dma_start3A_325 = tpu.memref_slice %arg12[%add3A_297, %dma_start3A_324] : memref<10240x64xf32, #tpu.memory_space<vmem_shared>> -> memref<128x64xf32, #tpu.memory_space<vmem_shared>>
      %dma_start3A_326 = arith.constant 0 : i32
      %dma_start3A_327 = tpu.memref_slice %arg12[%add3A_297, %dma_start3A_326] : memref<10240x64xf32, #tpu.memory_space<vmem_shared>> -> memref<128x64xf32, #tpu.memory_space<vmem_shared>>
      %dma_start3A_328 = arith.constant 0 : i32
      %dma_start3A_329 = arith.constant 0 : i32
      %dma_start3A_330 = tpu.memref_slice %arg10[%dma_start3A_328, %dma_start3A_329] : memref<256x64xf32, #tpu.memory_space<vmem>> -> memref<128x64xf32, #tpu.memory_space<vmem>>
      tpu.enqueue_dma source(%dma_start3A_330 : memref<128x64xf32, #tpu.memory_space<vmem>>) target(%dma_start3A_327 : memref<128x64xf32, #tpu.memory_space<vmem_shared>>) target_semaphore(%run_scoped3A_321 : memref<!tpu.dma_semaphore, #tpu.memory_space<semaphore_mem>>)
      %dma_wait3A = arith.constant 0 : i32
      %dma_wait3A_331 = arith.constant 0 : i32
      %dma_wait3A_332 = tpu.memref_slice %arg10[%dma_wait3A, %dma_wait3A_331] : memref<256x64xf32, #tpu.memory_space<vmem>> -> memref<128x64xf32, #tpu.memory_space<vmem>>
      %dma_wait3A_333 = arith.constant 0 : i32
      %dma_wait3A_334 = tpu.memref_slice %arg12[%add3A_297, %dma_wait3A_333] : memref<10240x64xf32, #tpu.memory_space<vmem_shared>> -> memref<128x64xf32, #tpu.memory_space<vmem_shared>>
      %dma_wait3A_335 = arith.constant 0 : i32
      %dma_wait3A_336 = tpu.memref_slice %arg12[%add3A_297, %dma_wait3A_335] : memref<10240x64xf32, #tpu.memory_space<vmem_shared>> -> memref<128x64xf32, #tpu.memory_space<vmem_shared>>
      %dma_wait3A_337 = arith.constant 0 : i32
      %dma_wait3A_338 = arith.constant 0 : i32
      %dma_wait3A_339 = tpu.memref_slice %arg10[%dma_wait3A_337, %dma_wait3A_338] : memref<256x64xf32, #tpu.memory_space<vmem>> -> memref<128x64xf32, #tpu.memory_space<vmem>>
      tpu.wait_dma2 semaphore(%run_scoped3A_321 : memref<!tpu.dma_semaphore, #tpu.memory_space<semaphore_mem>>) src(%dma_wait3A_339 : memref<128x64xf32, #tpu.memory_space<vmem>>) dst(%dma_wait3A_336 : memref<128x64xf32, #tpu.memory_space<vmem_shared>>)
      tpu.yield
    }) : () -> ()
    %mul3A_298 = arith.constant 640 : i32
    %mul3A_299 = arith.muli %arg1, %mul3A_298 : i32
    %add3A_300 = arith.constant 384 : i32
    %add3A_301 = arith.addi %mul3A_299, %add3A_300 : i32
    "tpu.region"() ({
      %run_scoped3A_321 = tpu.sem_alloc : memref<!tpu.dma_semaphore, #tpu.memory_space<semaphore_mem>>
      %dma_start3A = arith.constant 0 : i32
      %dma_start3A_322 = arith.constant 0 : i32
      %dma_start3A_323 = tpu.memref_slice %arg10[%dma_start3A, %dma_start3A_322] : memref<256x64xf32, #tpu.memory_space<vmem>> -> memref<128x64xf32, #tpu.memory_space<vmem>>
      %dma_start3A_324 = arith.constant 0 : i32
      %dma_start3A_325 = tpu.memref_slice %arg2[%add3A_301, %dma_start3A_324] : memref<10240x64xf32, #tpu.memory_space<hbm>> -> memref<128x64xf32, #tpu.memory_space<hbm>>
      %dma_start3A_326 = arith.constant 0 : i32
      %dma_start3A_327 = arith.constant 0 : i32
      %dma_start3A_328 = tpu.memref_slice %arg10[%dma_start3A_326, %dma_start3A_327] : memref<256x64xf32, #tpu.memory_space<vmem>> -> memref<128x64xf32, #tpu.memory_space<vmem>>
      %dma_start3A_329 = arith.constant 0 : i32
      %dma_start3A_330 = tpu.memref_slice %arg2[%add3A_301, %dma_start3A_329] : memref<10240x64xf32, #tpu.memory_space<hbm>> -> memref<128x64xf32, #tpu.memory_space<hbm>>
      tpu.enqueue_dma source(%dma_start3A_330 : memref<128x64xf32, #tpu.memory_space<hbm>>) target(%dma_start3A_328 : memref<128x64xf32, #tpu.memory_space<vmem>>) target_semaphore(%run_scoped3A_321 : memref<!tpu.dma_semaphore, #tpu.memory_space<semaphore_mem>>)
      %dma_wait3A = arith.constant 0 : i32
      %dma_wait3A_331 = arith.constant 0 : i32
      %dma_wait3A_332 = tpu.memref_slice %arg10[%dma_wait3A, %dma_wait3A_331] : memref<256x64xf32, #tpu.memory_space<vmem>> -> memref<128x64xf32, #tpu.memory_space<vmem>>
      %dma_wait3A_333 = arith.constant 0 : i32
      %dma_wait3A_334 = tpu.memref_slice %arg2[%add3A_301, %dma_wait3A_333] : memref<10240x64xf32, #tpu.memory_space<hbm>> -> memref<128x64xf32, #tpu.memory_space<hbm>>
      %dma_wait3A_335 = arith.constant 0 : i32
      %dma_wait3A_336 = arith.constant 0 : i32
      %dma_wait3A_337 = tpu.memref_slice %arg10[%dma_wait3A_335, %dma_wait3A_336] : memref<256x64xf32, #tpu.memory_space<vmem>> -> memref<128x64xf32, #tpu.memory_space<vmem>>
      %dma_wait3A_338 = arith.constant 0 : i32
      %dma_wait3A_339 = tpu.memref_slice %arg2[%add3A_301, %dma_wait3A_338] : memref<10240x64xf32, #tpu.memory_space<hbm>> -> memref<128x64xf32, #tpu.memory_space<hbm>>
      tpu.wait_dma2 semaphore(%run_scoped3A_321 : memref<!tpu.dma_semaphore, #tpu.memory_space<semaphore_mem>>) src(%dma_wait3A_339 : memref<128x64xf32, #tpu.memory_space<hbm>>) dst(%dma_wait3A_337 : memref<128x64xf32, #tpu.memory_space<vmem>>)
      tpu.yield
    }) : () -> ()
    "tpu.region"() ({
      %run_scoped3A_321 = tpu.sem_alloc : memref<!tpu.dma_semaphore, #tpu.memory_space<semaphore_mem>>
      %dma_start3A = arith.constant 0 : i32
      %dma_start3A_322 = arith.constant 0 : i32
      %dma_start3A_323 = tpu.memref_slice %arg10[%dma_start3A, %dma_start3A_322] : memref<256x64xf32, #tpu.memory_space<vmem>> -> memref<128x64xf32, #tpu.memory_space<vmem>>
      %dma_start3A_324 = arith.constant 0 : i32
      %dma_start3A_325 = tpu.memref_slice %arg12[%add3A_301, %dma_start3A_324] : memref<10240x64xf32, #tpu.memory_space<vmem_shared>> -> memref<128x64xf32, #tpu.memory_space<vmem_shared>>
      %dma_start3A_326 = arith.constant 0 : i32
      %dma_start3A_327 = tpu.memref_slice %arg12[%add3A_301, %dma_start3A_326] : memref<10240x64xf32, #tpu.memory_space<vmem_shared>> -> memref<128x64xf32, #tpu.memory_space<vmem_shared>>
      %dma_start3A_328 = arith.constant 0 : i32
      %dma_start3A_329 = arith.constant 0 : i32
      %dma_start3A_330 = tpu.memref_slice %arg10[%dma_start3A_328, %dma_start3A_329] : memref<256x64xf32, #tpu.memory_space<vmem>> -> memref<128x64xf32, #tpu.memory_space<vmem>>
      tpu.enqueue_dma source(%dma_start3A_330 : memref<128x64xf32, #tpu.memory_space<vmem>>) target(%dma_start3A_327 : memref<128x64xf32, #tpu.memory_space<vmem_shared>>) target_semaphore(%run_scoped3A_321 : memref<!tpu.dma_semaphore, #tpu.memory_space<semaphore_mem>>)
      %dma_wait3A = arith.constant 0 : i32
      %dma_wait3A_331 = arith.constant 0 : i32
      %dma_wait3A_332 = tpu.memref_slice %arg10[%dma_wait3A, %dma_wait3A_331] : memref<256x64xf32, #tpu.memory_space<vmem>> -> memref<128x64xf32, #tpu.memory_space<vmem>>
      %dma_wait3A_333 = arith.constant 0 : i32
      %dma_wait3A_334 = tpu.memref_slice %arg12[%add3A_301, %dma_wait3A_333] : memref<10240x64xf32, #tpu.memory_space<vmem_shared>> -> memref<128x64xf32, #tpu.memory_space<vmem_shared>>
      %dma_wait3A_335 = arith.constant 0 : i32
      %dma_wait3A_336 = tpu.memref_slice %arg12[%add3A_301, %dma_wait3A_335] : memref<10240x64xf32, #tpu.memory_space<vmem_shared>> -> memref<128x64xf32, #tpu.memory_space<vmem_shared>>
      %dma_wait3A_337 = arith.constant 0 : i32
      %dma_wait3A_338 = arith.constant 0 : i32
      %dma_wait3A_339 = tpu.memref_slice %arg10[%dma_wait3A_337, %dma_wait3A_338] : memref<256x64xf32, #tpu.memory_space<vmem>> -> memref<128x64xf32, #tpu.memory_space<vmem>>
      tpu.wait_dma2 semaphore(%run_scoped3A_321 : memref<!tpu.dma_semaphore, #tpu.memory_space<semaphore_mem>>) src(%dma_wait3A_339 : memref<128x64xf32, #tpu.memory_space<vmem>>) dst(%dma_wait3A_336 : memref<128x64xf32, #tpu.memory_space<vmem_shared>>)
      tpu.yield
    }) : () -> ()
    %mul3A_302 = arith.constant 640 : i32
    %mul3A_303 = arith.muli %arg1, %mul3A_302 : i32
    %add3A_304 = arith.constant 512 : i32
    %add3A_305 = arith.addi %mul3A_303, %add3A_304 : i32
    "tpu.region"() ({
      %run_scoped3A_321 = tpu.sem_alloc : memref<!tpu.dma_semaphore, #tpu.memory_space<semaphore_mem>>
      %dma_start3A = arith.constant 0 : i32
      %dma_start3A_322 = arith.constant 0 : i32
      %dma_start3A_323 = tpu.memref_slice %arg10[%dma_start3A, %dma_start3A_322] : memref<256x64xf32, #tpu.memory_space<vmem>> -> memref<128x64xf32, #tpu.memory_space<vmem>>
      %dma_start3A_324 = arith.constant 0 : i32
      %dma_start3A_325 = tpu.memref_slice %arg2[%add3A_305, %dma_start3A_324] : memref<10240x64xf32, #tpu.memory_space<hbm>> -> memref<128x64xf32, #tpu.memory_space<hbm>>
      %dma_start3A_326 = arith.constant 0 : i32
      %dma_start3A_327 = arith.constant 0 : i32
      %dma_start3A_328 = tpu.memref_slice %arg10[%dma_start3A_326, %dma_start3A_327] : memref<256x64xf32, #tpu.memory_space<vmem>> -> memref<128x64xf32, #tpu.memory_space<vmem>>
      %dma_start3A_329 = arith.constant 0 : i32
      %dma_start3A_330 = tpu.memref_slice %arg2[%add3A_305, %dma_start3A_329] : memref<10240x64xf32, #tpu.memory_space<hbm>> -> memref<128x64xf32, #tpu.memory_space<hbm>>
      tpu.enqueue_dma source(%dma_start3A_330 : memref<128x64xf32, #tpu.memory_space<hbm>>) target(%dma_start3A_328 : memref<128x64xf32, #tpu.memory_space<vmem>>) target_semaphore(%run_scoped3A_321 : memref<!tpu.dma_semaphore, #tpu.memory_space<semaphore_mem>>)
      %dma_wait3A = arith.constant 0 : i32
      %dma_wait3A_331 = arith.constant 0 : i32
      %dma_wait3A_332 = tpu.memref_slice %arg10[%dma_wait3A, %dma_wait3A_331] : memref<256x64xf32, #tpu.memory_space<vmem>> -> memref<128x64xf32, #tpu.memory_space<vmem>>
      %dma_wait3A_333 = arith.constant 0 : i32
      %dma_wait3A_334 = tpu.memref_slice %arg2[%add3A_305, %dma_wait3A_333] : memref<10240x64xf32, #tpu.memory_space<hbm>> -> memref<128x64xf32, #tpu.memory_space<hbm>>
      %dma_wait3A_335 = arith.constant 0 : i32
      %dma_wait3A_336 = arith.constant 0 : i32
      %dma_wait3A_337 = tpu.memref_slice %arg10[%dma_wait3A_335, %dma_wait3A_336] : memref<256x64xf32, #tpu.memory_space<vmem>> -> memref<128x64xf32, #tpu.memory_space<vmem>>
      %dma_wait3A_338 = arith.constant 0 : i32
      %dma_wait3A_339 = tpu.memref_slice %arg2[%add3A_305, %dma_wait3A_338] : memref<10240x64xf32, #tpu.memory_space<hbm>> -> memref<128x64xf32, #tpu.memory_space<hbm>>
      tpu.wait_dma2 semaphore(%run_scoped3A_321 : memref<!tpu.dma_semaphore, #tpu.memory_space<semaphore_mem>>) src(%dma_wait3A_339 : memref<128x64xf32, #tpu.memory_space<hbm>>) dst(%dma_wait3A_337 : memref<128x64xf32, #tpu.memory_space<vmem>>)
      tpu.yield
    }) : () -> ()
    "tpu.region"() ({
      %run_scoped3A_321 = tpu.sem_alloc : memref<!tpu.dma_semaphore, #tpu.memory_space<semaphore_mem>>
      %dma_start3A = arith.constant 0 : i32
      %dma_start3A_322 = arith.constant 0 : i32
      %dma_start3A_323 = tpu.memref_slice %arg10[%dma_start3A, %dma_start3A_322] : memref<256x64xf32, #tpu.memory_space<vmem>> -> memref<128x64xf32, #tpu.memory_space<vmem>>
      %dma_start3A_324 = arith.constant 0 : i32
      %dma_start3A_325 = tpu.memref_slice %arg12[%add3A_305, %dma_start3A_324] : memref<10240x64xf32, #tpu.memory_space<vmem_shared>> -> memref<128x64xf32, #tpu.memory_space<vmem_shared>>
      %dma_start3A_326 = arith.constant 0 : i32
      %dma_start3A_327 = tpu.memref_slice %arg12[%add3A_305, %dma_start3A_326] : memref<10240x64xf32, #tpu.memory_space<vmem_shared>> -> memref<128x64xf32, #tpu.memory_space<vmem_shared>>
      %dma_start3A_328 = arith.constant 0 : i32
      %dma_start3A_329 = arith.constant 0 : i32
      %dma_start3A_330 = tpu.memref_slice %arg10[%dma_start3A_328, %dma_start3A_329] : memref<256x64xf32, #tpu.memory_space<vmem>> -> memref<128x64xf32, #tpu.memory_space<vmem>>
      tpu.enqueue_dma source(%dma_start3A_330 : memref<128x64xf32, #tpu.memory_space<vmem>>) target(%dma_start3A_327 : memref<128x64xf32, #tpu.memory_space<vmem_shared>>) target_semaphore(%run_scoped3A_321 : memref<!tpu.dma_semaphore, #tpu.memory_space<semaphore_mem>>)
      %dma_wait3A = arith.constant 0 : i32
      %dma_wait3A_331 = arith.constant 0 : i32
      %dma_wait3A_332 = tpu.memref_slice %arg10[%dma_wait3A, %dma_wait3A_331] : memref<256x64xf32, #tpu.memory_space<vmem>> -> memref<128x64xf32, #tpu.memory_space<vmem>>
      %dma_wait3A_333 = arith.constant 0 : i32
      %dma_wait3A_334 = tpu.memref_slice %arg12[%add3A_305, %dma_wait3A_333] : memref<10240x64xf32, #tpu.memory_space<vmem_shared>> -> memref<128x64xf32, #tpu.memory_space<vmem_shared>>
      %dma_wait3A_335 = arith.constant 0 : i32
      %dma_wait3A_336 = tpu.memref_slice %arg12[%add3A_305, %dma_wait3A_335] : memref<10240x64xf32, #tpu.memory_space<vmem_shared>> -> memref<128x64xf32, #tpu.memory_space<vmem_shared>>
      %dma_wait3A_337 = arith.constant 0 : i32
      %dma_wait3A_338 = arith.constant 0 : i32
      %dma_wait3A_339 = tpu.memref_slice %arg10[%dma_wait3A_337, %dma_wait3A_338] : memref<256x64xf32, #tpu.memory_space<vmem>> -> memref<128x64xf32, #tpu.memory_space<vmem>>
      tpu.wait_dma2 semaphore(%run_scoped3A_321 : memref<!tpu.dma_semaphore, #tpu.memory_space<semaphore_mem>>) src(%dma_wait3A_339 : memref<128x64xf32, #tpu.memory_space<vmem>>) dst(%dma_wait3A_336 : memref<128x64xf32, #tpu.memory_space<vmem_shared>>)
      tpu.yield
    }) : () -> ()
    %barrier3A = arith.constant 0 : index
    tpu.barrier barrier_id(%barrier3A)
    %scan3A_306 = arith.constant 0 : i32
    %scan3A_307 = arith.constant 0 : i32
    %scan3A_308 = arith.constant 40 : i32
    %scan3A_309 = arith.addi %scan3A_307, %scan3A_308 : i32
    %scan3A_310 = arith.constant 1 : i32
    %scan3A_311 = scf.for %scan3A_321 = %scan3A_307 to %scan3A_309 step %scan3A_310 iter_args(%scan3A_322 = %scan3A_306) -> (i32)  : i32 {
      %dma_start3A = arith.constant 0 : i32
      %dma_start3A_323 = tpu.memref_slice %arg8[%scan3A_321, %dma_start3A] : memref<40x256xi32, #tpu.memory_space<vmem>> -> memref<1x256xi32, #tpu.memory_space<vmem>>
      %dma_start3A_324 = tpu.memref_squeeze %dma_start3A_323 : memref<1x256xi32, #tpu.memory_space<vmem>> -> memref<256xi32, #tpu.memory_space<vmem>>
      %dma_start3A_325 = arith.constant 0 : i32
      %dma_start3A_326 = arith.constant 0 : i32
      %dma_start3A_327 = tpu.memref_slice %arg12[%dma_start3A_325, %dma_start3A_326] : memref<10240x64xf32, #tpu.memory_space<vmem_shared>> -> memref<10240x64xf32, #tpu.memory_space<vmem_shared>>
      tpu.enqueue_indirect_dma source(%dma_start3A_327 : memref<10240x64xf32, #tpu.memory_space<vmem_shared>>) target(%arg10 : memref<256x64xf32, #tpu.memory_space<vmem>>) offsets(%dma_start3A_324 : memref<256xi32, #tpu.memory_space<vmem>>) semaphore(%arg13 : memref<!tpu.dma_semaphore, #tpu.memory_space<semaphore_mem>>)
      %dma_wait3A = arith.constant 0 : i32
      %dma_wait3A_328 = tpu.memref_slice %arg8[%scan3A_321, %dma_wait3A] : memref<40x256xi32, #tpu.memory_space<vmem>> -> memref<1x256xi32, #tpu.memory_space<vmem>>
      %dma_wait3A_329 = tpu.memref_squeeze %dma_wait3A_328 : memref<1x256xi32, #tpu.memory_space<vmem>> -> memref<256xi32, #tpu.memory_space<vmem>>
      %dma_wait3A_330 = arith.constant 0 : i32
      %dma_wait3A_331 = arith.constant 0 : i32
      %dma_wait3A_332 = tpu.memref_slice %arg12[%dma_wait3A_330, %dma_wait3A_331] : memref<10240x64xf32, #tpu.memory_space<vmem_shared>> -> memref<10240x64xf32, #tpu.memory_space<vmem_shared>>
      tpu.wait_indirect_dma semaphore(%arg13 : memref<!tpu.dma_semaphore, #tpu.memory_space<semaphore_mem>>) src(%dma_wait3A_332 : memref<10240x64xf32, #tpu.memory_space<vmem_shared>>) dst(%arg10 : memref<256x64xf32, #tpu.memory_space<vmem>>)
      "tpu.region"() ({
        %run_scoped3A_334 = tpu.sem_alloc : memref<!tpu.dma_semaphore, #tpu.memory_space<semaphore_mem>>
        %dma_start3A_335 = arith.constant 0 : i32
        %dma_start3A_336 = tpu.memref_slice %arg9[%scan3A_321, %dma_start3A_335] : memref<40x256xi32, #tpu.memory_space<vmem>> -> memref<1x256xi32, #tpu.memory_space<vmem>>
        %dma_start3A_337 = tpu.memref_squeeze %dma_start3A_336 : memref<1x256xi32, #tpu.memory_space<vmem>> -> memref<256xi32, #tpu.memory_space<vmem>>
        %dma_start3A_338 = arith.constant 0 : i32
        %dma_start3A_339 = arith.constant 0 : i32
        %dma_start3A_340 = tpu.memref_slice %arg11[%dma_start3A_338, %dma_start3A_339] : memref<10240x64xf32, #tpu.memory_space<vmem_shared>> -> memref<10240x64xf32, #tpu.memory_space<vmem_shared>>
        tpu.enqueue_indirect_dma source(%arg10 : memref<256x64xf32, #tpu.memory_space<vmem>>) target(%dma_start3A_340 : memref<10240x64xf32, #tpu.memory_space<vmem_shared>>) offsets(%dma_start3A_337 : memref<256xi32, #tpu.memory_space<vmem>>) semaphore(%run_scoped3A_334 : memref<!tpu.dma_semaphore, #tpu.memory_space<semaphore_mem>>) {add = true}
        %dma_wait3A_341 = arith.constant 0 : i32
        %dma_wait3A_342 = tpu.memref_slice %arg9[%scan3A_321, %dma_wait3A_341] : memref<40x256xi32, #tpu.memory_space<vmem>> -> memref<1x256xi32, #tpu.memory_space<vmem>>
        %dma_wait3A_343 = tpu.memref_squeeze %dma_wait3A_342 : memref<1x256xi32, #tpu.memory_space<vmem>> -> memref<256xi32, #tpu.memory_space<vmem>>
        %dma_wait3A_344 = arith.constant 0 : i32
        %dma_wait3A_345 = arith.constant 0 : i32
        %dma_wait3A_346 = tpu.memref_slice %arg11[%dma_wait3A_344, %dma_wait3A_345] : memref<10240x64xf32, #tpu.memory_space<vmem_shared>> -> memref<10240x64xf32, #tpu.memory_space<vmem_shared>>
        tpu.wait_indirect_dma semaphore(%run_scoped3A_334 : memref<!tpu.dma_semaphore, #tpu.memory_space<semaphore_mem>>) src(%arg10 : memref<256x64xf32, #tpu.memory_space<vmem>>) dst(%dma_wait3A_346 : memref<10240x64xf32, #tpu.memory_space<vmem_shared>>)
        tpu.yield
      }) : () -> ()
      "tpu.region"() ({
        %run_scoped3A_334 = tpu.sem_alloc : memref<!tpu.dma_semaphore, #tpu.memory_space<semaphore_mem>>
        %dma_start3A_335 = arith.constant 0 : i32
        %dma_start3A_336 = tpu.memref_slice %arg9[%scan3A_321, %dma_start3A_335] : memref<40x256xi32, #tpu.memory_space<vmem>> -> memref<1x256xi32, #tpu.memory_space<vmem>>
        %dma_start3A_337 = tpu.memref_squeeze %dma_start3A_336 : memref<1x256xi32, #tpu.memory_space<vmem>> -> memref<256xi32, #tpu.memory_space<vmem>>
        %dma_start3A_338 = arith.constant 0 : i32
        %dma_start3A_339 = tpu.memref_slice %arg16[%dma_start3A_338] : memref<10240xf32, #tpu.memory_space<vmem_shared>> -> memref<10240xf32, #tpu.memory_space<vmem_shared>>
        tpu.enqueue_indirect_dma source(%arg14 : memref<256xf32, #tpu.memory_space<vmem>>) target(%dma_start3A_339 : memref<10240xf32, #tpu.memory_space<vmem_shared>>) offsets(%dma_start3A_337 : memref<256xi32, #tpu.memory_space<vmem>>) semaphore(%run_scoped3A_334 : memref<!tpu.dma_semaphore, #tpu.memory_space<semaphore_mem>>) {add = true}
        %dma_wait3A_340 = arith.constant 0 : i32
        %dma_wait3A_341 = tpu.memref_slice %arg9[%scan3A_321, %dma_wait3A_340] : memref<40x256xi32, #tpu.memory_space<vmem>> -> memref<1x256xi32, #tpu.memory_space<vmem>>
        %dma_wait3A_342 = tpu.memref_squeeze %dma_wait3A_341 : memref<1x256xi32, #tpu.memory_space<vmem>> -> memref<256xi32, #tpu.memory_space<vmem>>
        %dma_wait3A_343 = arith.constant 0 : i32
        %dma_wait3A_344 = tpu.memref_slice %arg16[%dma_wait3A_343] : memref<10240xf32, #tpu.memory_space<vmem_shared>> -> memref<10240xf32, #tpu.memory_space<vmem_shared>>
        tpu.wait_indirect_dma semaphore(%run_scoped3A_334 : memref<!tpu.dma_semaphore, #tpu.memory_space<semaphore_mem>>) src(%arg14 : memref<256xf32, #tpu.memory_space<vmem>>) dst(%dma_wait3A_344 : memref<10240xf32, #tpu.memory_space<vmem_shared>>)
        tpu.yield
      }) : () -> ()
      %scan3A_333 = arith.constant 0 : i32
      scf.yield %scan3A_333 : i32
    }
    %scan3A_312 = arith.constant 40 : i32
    %barrier3A_313 = arith.constant 0 : index
    tpu.barrier barrier_id(%barrier3A_313)
    %eq3A = arith.constant 0 : i32
    %eq3A_314 = arith.cmpi eq, %arg0, %eq3A : i32
    %convert_element_type3A = arith.extui %eq3A_314 : i1 to i32
    %cond3A = arith.constant 0 : i32
    %cond3A_315 = arith.cmpi ne, %convert_element_type3A, %cond3A : i32
    scf.if %cond3A_315 {
      %mul3A_321 = arith.constant 640 : i32
      %mul3A_322 = arith.muli %arg1, %mul3A_321 : i32
      %add3A_323 = arith.constant 0 : i32
      %add3A_324 = arith.addi %mul3A_322, %add3A_323 : i32
      "tpu.region"() ({
        %run_scoped3A_345 = tpu.sem_alloc : memref<!tpu.dma_semaphore, #tpu.memory_space<semaphore_mem>>
        %dma_start3A = arith.constant 0 : i32
        %dma_start3A_346 = arith.constant 0 : i32
        %dma_start3A_347 = tpu.memref_slice %arg10[%dma_start3A, %dma_start3A_346] : memref<256x64xf32, #tpu.memory_space<vmem>> -> memref<128x64xf32, #tpu.memory_space<vmem>>
        %dma_start3A_348 = arith.constant 0 : i32
        %dma_start3A_349 = tpu.memref_slice %arg11[%add3A_324, %dma_start3A_348] : memref<10240x64xf32, #tpu.memory_space<vmem_shared>> -> memref<128x64xf32, #tpu.memory_space<vmem_shared>>
        %dma_start3A_350 = arith.constant 0 : i32
        %dma_start3A_351 = arith.constant 0 : i32
        %dma_start3A_352 = tpu.memref_slice %arg10[%dma_start3A_350, %dma_start3A_351] : memref<256x64xf32, #tpu.memory_space<vmem>> -> memref<128x64xf32, #tpu.memory_space<vmem>>
        %dma_start3A_353 = arith.constant 0 : i32
        %dma_start3A_354 = tpu.memref_slice %arg11[%add3A_324, %dma_start3A_353] : memref<10240x64xf32, #tpu.memory_space<vmem_shared>> -> memref<128x64xf32, #tpu.memory_space<vmem_shared>>
        tpu.enqueue_dma source(%dma_start3A_354 : memref<128x64xf32, #tpu.memory_space<vmem_shared>>) target(%dma_start3A_352 : memref<128x64xf32, #tpu.memory_space<vmem>>) target_semaphore(%run_scoped3A_345 : memref<!tpu.dma_semaphore, #tpu.memory_space<semaphore_mem>>)
        %dma_wait3A = arith.constant 0 : i32
        %dma_wait3A_355 = arith.constant 0 : i32
        %dma_wait3A_356 = tpu.memref_slice %arg10[%dma_wait3A, %dma_wait3A_355] : memref<256x64xf32, #tpu.memory_space<vmem>> -> memref<128x64xf32, #tpu.memory_space<vmem>>
        %dma_wait3A_357 = arith.constant 0 : i32
        %dma_wait3A_358 = tpu.memref_slice %arg11[%add3A_324, %dma_wait3A_357] : memref<10240x64xf32, #tpu.memory_space<vmem_shared>> -> memref<128x64xf32, #tpu.memory_space<vmem_shared>>
        %dma_wait3A_359 = arith.constant 0 : i32
        %dma_wait3A_360 = arith.constant 0 : i32
        %dma_wait3A_361 = tpu.memref_slice %arg10[%dma_wait3A_359, %dma_wait3A_360] : memref<256x64xf32, #tpu.memory_space<vmem>> -> memref<128x64xf32, #tpu.memory_space<vmem>>
        %dma_wait3A_362 = arith.constant 0 : i32
        %dma_wait3A_363 = tpu.memref_slice %arg11[%add3A_324, %dma_wait3A_362] : memref<10240x64xf32, #tpu.memory_space<vmem_shared>> -> memref<128x64xf32, #tpu.memory_space<vmem_shared>>
        tpu.wait_dma2 semaphore(%run_scoped3A_345 : memref<!tpu.dma_semaphore, #tpu.memory_space<semaphore_mem>>) src(%dma_wait3A_363 : memref<128x64xf32, #tpu.memory_space<vmem_shared>>) dst(%dma_wait3A_361 : memref<128x64xf32, #tpu.memory_space<vmem>>)
        tpu.yield
      }) : () -> ()
      "tpu.region"() ({
        %run_scoped3A_345 = tpu.sem_alloc : memref<!tpu.dma_semaphore, #tpu.memory_space<semaphore_mem>>
        %dma_start3A = arith.constant 0 : i32
        %dma_start3A_346 = arith.constant 0 : i32
        %dma_start3A_347 = tpu.memref_slice %arg10[%dma_start3A, %dma_start3A_346] : memref<256x64xf32, #tpu.memory_space<vmem>> -> memref<128x64xf32, #tpu.memory_space<vmem>>
        %dma_start3A_348 = arith.constant 0 : i32
        %dma_start3A_349 = tpu.memref_slice %arg4[%add3A_324, %dma_start3A_348] : memref<10240x64xf32, #tpu.memory_space<hbm>> -> memref<128x64xf32, #tpu.memory_space<hbm>>
        %dma_start3A_350 = arith.constant 0 : i32
        %dma_start3A_351 = tpu.memref_slice %arg4[%add3A_324, %dma_start3A_350] : memref<10240x64xf32, #tpu.memory_space<hbm>> -> memref<128x64xf32, #tpu.memory_space<hbm>>
        %dma_start3A_352 = arith.constant 0 : i32
        %dma_start3A_353 = arith.constant 0 : i32
        %dma_start3A_354 = tpu.memref_slice %arg10[%dma_start3A_352, %dma_start3A_353] : memref<256x64xf32, #tpu.memory_space<vmem>> -> memref<128x64xf32, #tpu.memory_space<vmem>>
        tpu.enqueue_dma source(%dma_start3A_354 : memref<128x64xf32, #tpu.memory_space<vmem>>) target(%dma_start3A_351 : memref<128x64xf32, #tpu.memory_space<hbm>>) target_semaphore(%run_scoped3A_345 : memref<!tpu.dma_semaphore, #tpu.memory_space<semaphore_mem>>)
        %dma_wait3A = arith.constant 0 : i32
        %dma_wait3A_355 = arith.constant 0 : i32
        %dma_wait3A_356 = tpu.memref_slice %arg10[%dma_wait3A, %dma_wait3A_355] : memref<256x64xf32, #tpu.memory_space<vmem>> -> memref<128x64xf32, #tpu.memory_space<vmem>>
        %dma_wait3A_357 = arith.constant 0 : i32
        %dma_wait3A_358 = tpu.memref_slice %arg4[%add3A_324, %dma_wait3A_357] : memref<10240x64xf32, #tpu.memory_space<hbm>> -> memref<128x64xf32, #tpu.memory_space<hbm>>
        %dma_wait3A_359 = arith.constant 0 : i32
        %dma_wait3A_360 = tpu.memref_slice %arg4[%add3A_324, %dma_wait3A_359] : memref<10240x64xf32, #tpu.memory_space<hbm>> -> memref<128x64xf32, #tpu.memory_space<hbm>>
        %dma_wait3A_361 = arith.constant 0 : i32
        %dma_wait3A_362 = arith.constant 0 : i32
        %dma_wait3A_363 = tpu.memref_slice %arg10[%dma_wait3A_361, %dma_wait3A_362] : memref<256x64xf32, #tpu.memory_space<vmem>> -> memref<128x64xf32, #tpu.memory_space<vmem>>
        tpu.wait_dma2 semaphore(%run_scoped3A_345 : memref<!tpu.dma_semaphore, #tpu.memory_space<semaphore_mem>>) src(%dma_wait3A_363 : memref<128x64xf32, #tpu.memory_space<vmem>>) dst(%dma_wait3A_360 : memref<128x64xf32, #tpu.memory_space<hbm>>)
        tpu.yield
      }) : () -> ()
      %mul3A_325 = arith.constant 640 : i32
      %mul3A_326 = arith.muli %arg1, %mul3A_325 : i32
      %add3A_327 = arith.constant 128 : i32
      %add3A_328 = arith.addi %mul3A_326, %add3A_327 : i32
      "tpu.region"() ({
        %run_scoped3A_345 = tpu.sem_alloc : memref<!tpu.dma_semaphore, #tpu.memory_space<semaphore_mem>>
        %dma_start3A = arith.constant 0 : i32
        %dma_start3A_346 = arith.constant 0 : i32
        %dma_start3A_347 = tpu.memref_slice %arg10[%dma_start3A, %dma_start3A_346] : memref<256x64xf32, #tpu.memory_space<vmem>> -> memref<128x64xf32, #tpu.memory_space<vmem>>
        %dma_start3A_348 = arith.constant 0 : i32
        %dma_start3A_349 = tpu.memref_slice %arg11[%add3A_328, %dma_start3A_348] : memref<10240x64xf32, #tpu.memory_space<vmem_shared>> -> memref<128x64xf32, #tpu.memory_space<vmem_shared>>
        %dma_start3A_350 = arith.constant 0 : i32
        %dma_start3A_351 = arith.constant 0 : i32
        %dma_start3A_352 = tpu.memref_slice %arg10[%dma_start3A_350, %dma_start3A_351] : memref<256x64xf32, #tpu.memory_space<vmem>> -> memref<128x64xf32, #tpu.memory_space<vmem>>
        %dma_start3A_353 = arith.constant 0 : i32
        %dma_start3A_354 = tpu.memref_slice %arg11[%add3A_328, %dma_start3A_353] : memref<10240x64xf32, #tpu.memory_space<vmem_shared>> -> memref<128x64xf32, #tpu.memory_space<vmem_shared>>
        tpu.enqueue_dma source(%dma_start3A_354 : memref<128x64xf32, #tpu.memory_space<vmem_shared>>) target(%dma_start3A_352 : memref<128x64xf32, #tpu.memory_space<vmem>>) target_semaphore(%run_scoped3A_345 : memref<!tpu.dma_semaphore, #tpu.memory_space<semaphore_mem>>)
        %dma_wait3A = arith.constant 0 : i32
        %dma_wait3A_355 = arith.constant 0 : i32
        %dma_wait3A_356 = tpu.memref_slice %arg10[%dma_wait3A, %dma_wait3A_355] : memref<256x64xf32, #tpu.memory_space<vmem>> -> memref<128x64xf32, #tpu.memory_space<vmem>>
        %dma_wait3A_357 = arith.constant 0 : i32
        %dma_wait3A_358 = tpu.memref_slice %arg11[%add3A_328, %dma_wait3A_357] : memref<10240x64xf32, #tpu.memory_space<vmem_shared>> -> memref<128x64xf32, #tpu.memory_space<vmem_shared>>
        %dma_wait3A_359 = arith.constant 0 : i32
        %dma_wait3A_360 = arith.constant 0 : i32
        %dma_wait3A_361 = tpu.memref_slice %arg10[%dma_wait3A_359, %dma_wait3A_360] : memref<256x64xf32, #tpu.memory_space<vmem>> -> memref<128x64xf32, #tpu.memory_space<vmem>>
        %dma_wait3A_362 = arith.constant 0 : i32
        %dma_wait3A_363 = tpu.memref_slice %arg11[%add3A_328, %dma_wait3A_362] : memref<10240x64xf32, #tpu.memory_space<vmem_shared>> -> memref<128x64xf32, #tpu.memory_space<vmem_shared>>
        tpu.wait_dma2 semaphore(%run_scoped3A_345 : memref<!tpu.dma_semaphore, #tpu.memory_space<semaphore_mem>>) src(%dma_wait3A_363 : memref<128x64xf32, #tpu.memory_space<vmem_shared>>) dst(%dma_wait3A_361 : memref<128x64xf32, #tpu.memory_space<vmem>>)
        tpu.yield
      }) : () -> ()
      "tpu.region"() ({
        %run_scoped3A_345 = tpu.sem_alloc : memref<!tpu.dma_semaphore, #tpu.memory_space<semaphore_mem>>
        %dma_start3A = arith.constant 0 : i32
        %dma_start3A_346 = arith.constant 0 : i32
        %dma_start3A_347 = tpu.memref_slice %arg10[%dma_start3A, %dma_start3A_346] : memref<256x64xf32, #tpu.memory_space<vmem>> -> memref<128x64xf32, #tpu.memory_space<vmem>>
        %dma_start3A_348 = arith.constant 0 : i32
        %dma_start3A_349 = tpu.memref_slice %arg4[%add3A_328, %dma_start3A_348] : memref<10240x64xf32, #tpu.memory_space<hbm>> -> memref<128x64xf32, #tpu.memory_space<hbm>>
        %dma_start3A_350 = arith.constant 0 : i32
        %dma_start3A_351 = tpu.memref_slice %arg4[%add3A_328, %dma_start3A_350] : memref<10240x64xf32, #tpu.memory_space<hbm>> -> memref<128x64xf32, #tpu.memory_space<hbm>>
        %dma_start3A_352 = arith.constant 0 : i32
        %dma_start3A_353 = arith.constant 0 : i32
        %dma_start3A_354 = tpu.memref_slice %arg10[%dma_start3A_352, %dma_start3A_353] : memref<256x64xf32, #tpu.memory_space<vmem>> -> memref<128x64xf32, #tpu.memory_space<vmem>>
        tpu.enqueue_dma source(%dma_start3A_354 : memref<128x64xf32, #tpu.memory_space<vmem>>) target(%dma_start3A_351 : memref<128x64xf32, #tpu.memory_space<hbm>>) target_semaphore(%run_scoped3A_345 : memref<!tpu.dma_semaphore, #tpu.memory_space<semaphore_mem>>)
        %dma_wait3A = arith.constant 0 : i32
        %dma_wait3A_355 = arith.constant 0 : i32
        %dma_wait3A_356 = tpu.memref_slice %arg10[%dma_wait3A, %dma_wait3A_355] : memref<256x64xf32, #tpu.memory_space<vmem>> -> memref<128x64xf32, #tpu.memory_space<vmem>>
        %dma_wait3A_357 = arith.constant 0 : i32
        %dma_wait3A_358 = tpu.memref_slice %arg4[%add3A_328, %dma_wait3A_357] : memref<10240x64xf32, #tpu.memory_space<hbm>> -> memref<128x64xf32, #tpu.memory_space<hbm>>
        %dma_wait3A_359 = arith.constant 0 : i32
        %dma_wait3A_360 = tpu.memref_slice %arg4[%add3A_328, %dma_wait3A_359] : memref<10240x64xf32, #tpu.memory_space<hbm>> -> memref<128x64xf32, #tpu.memory_space<hbm>>
        %dma_wait3A_361 = arith.constant 0 : i32
        %dma_wait3A_362 = arith.constant 0 : i32
        %dma_wait3A_363 = tpu.memref_slice %arg10[%dma_wait3A_361, %dma_wait3A_362] : memref<256x64xf32, #tpu.memory_space<vmem>> -> memref<128x64xf32, #tpu.memory_space<vmem>>
        tpu.wait_dma2 semaphore(%run_scoped3A_345 : memref<!tpu.dma_semaphore, #tpu.memory_space<semaphore_mem>>) src(%dma_wait3A_363 : memref<128x64xf32, #tpu.memory_space<vmem>>) dst(%dma_wait3A_360 : memref<128x64xf32, #tpu.memory_space<hbm>>)
        tpu.yield
      }) : () -> ()
      %mul3A_329 = arith.constant 640 : i32
      %mul3A_330 = arith.muli %arg1, %mul3A_329 : i32
      %add3A_331 = arith.constant 256 : i32
      %add3A_332 = arith.addi %mul3A_330, %add3A_331 : i32
      "tpu.region"() ({
        %run_scoped3A_345 = tpu.sem_alloc : memref<!tpu.dma_semaphore, #tpu.memory_space<semaphore_mem>>
        %dma_start3A = arith.constant 0 : i32
        %dma_start3A_346 = arith.constant 0 : i32
        %dma_start3A_347 = tpu.memref_slice %arg10[%dma_start3A, %dma_start3A_346] : memref<256x64xf32, #tpu.memory_space<vmem>> -> memref<128x64xf32, #tpu.memory_space<vmem>>
        %dma_start3A_348 = arith.constant 0 : i32
        %dma_start3A_349 = tpu.memref_slice %arg11[%add3A_332, %dma_start3A_348] : memref<10240x64xf32, #tpu.memory_space<vmem_shared>> -> memref<128x64xf32, #tpu.memory_space<vmem_shared>>
        %dma_start3A_350 = arith.constant 0 : i32
        %dma_start3A_351 = arith.constant 0 : i32
        %dma_start3A_352 = tpu.memref_slice %arg10[%dma_start3A_350, %dma_start3A_351] : memref<256x64xf32, #tpu.memory_space<vmem>> -> memref<128x64xf32, #tpu.memory_space<vmem>>
        %dma_start3A_353 = arith.constant 0 : i32
        %dma_start3A_354 = tpu.memref_slice %arg11[%add3A_332, %dma_start3A_353] : memref<10240x64xf32, #tpu.memory_space<vmem_shared>> -> memref<128x64xf32, #tpu.memory_space<vmem_shared>>
        tpu.enqueue_dma source(%dma_start3A_354 : memref<128x64xf32, #tpu.memory_space<vmem_shared>>) target(%dma_start3A_352 : memref<128x64xf32, #tpu.memory_space<vmem>>) target_semaphore(%run_scoped3A_345 : memref<!tpu.dma_semaphore, #tpu.memory_space<semaphore_mem>>)
        %dma_wait3A = arith.constant 0 : i32
        %dma_wait3A_355 = arith.constant 0 : i32
        %dma_wait3A_356 = tpu.memref_slice %arg10[%dma_wait3A, %dma_wait3A_355] : memref<256x64xf32, #tpu.memory_space<vmem>> -> memref<128x64xf32, #tpu.memory_space<vmem>>
        %dma_wait3A_357 = arith.constant 0 : i32
        %dma_wait3A_358 = tpu.memref_slice %arg11[%add3A_332, %dma_wait3A_357] : memref<10240x64xf32, #tpu.memory_space<vmem_shared>> -> memref<128x64xf32, #tpu.memory_space<vmem_shared>>
        %dma_wait3A_359 = arith.constant 0 : i32
        %dma_wait3A_360 = arith.constant 0 : i32
        %dma_wait3A_361 = tpu.memref_slice %arg10[%dma_wait3A_359, %dma_wait3A_360] : memref<256x64xf32, #tpu.memory_space<vmem>> -> memref<128x64xf32, #tpu.memory_space<vmem>>
        %dma_wait3A_362 = arith.constant 0 : i32
        %dma_wait3A_363 = tpu.memref_slice %arg11[%add3A_332, %dma_wait3A_362] : memref<10240x64xf32, #tpu.memory_space<vmem_shared>> -> memref<128x64xf32, #tpu.memory_space<vmem_shared>>
        tpu.wait_dma2 semaphore(%run_scoped3A_345 : memref<!tpu.dma_semaphore, #tpu.memory_space<semaphore_mem>>) src(%dma_wait3A_363 : memref<128x64xf32, #tpu.memory_space<vmem_shared>>) dst(%dma_wait3A_361 : memref<128x64xf32, #tpu.memory_space<vmem>>)
        tpu.yield
      }) : () -> ()
      "tpu.region"() ({
        %run_scoped3A_345 = tpu.sem_alloc : memref<!tpu.dma_semaphore, #tpu.memory_space<semaphore_mem>>
        %dma_start3A = arith.constant 0 : i32
        %dma_start3A_346 = arith.constant 0 : i32
        %dma_start3A_347 = tpu.memref_slice %arg10[%dma_start3A, %dma_start3A_346] : memref<256x64xf32, #tpu.memory_space<vmem>> -> memref<128x64xf32, #tpu.memory_space<vmem>>
        %dma_start3A_348 = arith.constant 0 : i32
        %dma_start3A_349 = tpu.memref_slice %arg4[%add3A_332, %dma_start3A_348] : memref<10240x64xf32, #tpu.memory_space<hbm>> -> memref<128x64xf32, #tpu.memory_space<hbm>>
        %dma_start3A_350 = arith.constant 0 : i32
        %dma_start3A_351 = tpu.memref_slice %arg4[%add3A_332, %dma_start3A_350] : memref<10240x64xf32, #tpu.memory_space<hbm>> -> memref<128x64xf32, #tpu.memory_space<hbm>>
        %dma_start3A_352 = arith.constant 0 : i32
        %dma_start3A_353 = arith.constant 0 : i32
        %dma_start3A_354 = tpu.memref_slice %arg10[%dma_start3A_352, %dma_start3A_353] : memref<256x64xf32, #tpu.memory_space<vmem>> -> memref<128x64xf32, #tpu.memory_space<vmem>>
        tpu.enqueue_dma source(%dma_start3A_354 : memref<128x64xf32, #tpu.memory_space<vmem>>) target(%dma_start3A_351 : memref<128x64xf32, #tpu.memory_space<hbm>>) target_semaphore(%run_scoped3A_345 : memref<!tpu.dma_semaphore, #tpu.memory_space<semaphore_mem>>)
        %dma_wait3A = arith.constant 0 : i32
        %dma_wait3A_355 = arith.constant 0 : i32
        %dma_wait3A_356 = tpu.memref_slice %arg10[%dma_wait3A, %dma_wait3A_355] : memref<256x64xf32, #tpu.memory_space<vmem>> -> memref<128x64xf32, #tpu.memory_space<vmem>>
        %dma_wait3A_357 = arith.constant 0 : i32
        %dma_wait3A_358 = tpu.memref_slice %arg4[%add3A_332, %dma_wait3A_357] : memref<10240x64xf32, #tpu.memory_space<hbm>> -> memref<128x64xf32, #tpu.memory_space<hbm>>
        %dma_wait3A_359 = arith.constant 0 : i32
        %dma_wait3A_360 = tpu.memref_slice %arg4[%add3A_332, %dma_wait3A_359] : memref<10240x64xf32, #tpu.memory_space<hbm>> -> memref<128x64xf32, #tpu.memory_space<hbm>>
        %dma_wait3A_361 = arith.constant 0 : i32
        %dma_wait3A_362 = arith.constant 0 : i32
        %dma_wait3A_363 = tpu.memref_slice %arg10[%dma_wait3A_361, %dma_wait3A_362] : memref<256x64xf32, #tpu.memory_space<vmem>> -> memref<128x64xf32, #tpu.memory_space<vmem>>
        tpu.wait_dma2 semaphore(%run_scoped3A_345 : memref<!tpu.dma_semaphore, #tpu.memory_space<semaphore_mem>>) src(%dma_wait3A_363 : memref<128x64xf32, #tpu.memory_space<vmem>>) dst(%dma_wait3A_360 : memref<128x64xf32, #tpu.memory_space<hbm>>)
        tpu.yield
      }) : () -> ()
      %mul3A_333 = arith.constant 640 : i32
      %mul3A_334 = arith.muli %arg1, %mul3A_333 : i32
      %add3A_335 = arith.constant 384 : i32
      %add3A_336 = arith.addi %mul3A_334, %add3A_335 : i32
      "tpu.region"() ({
        %run_scoped3A_345 = tpu.sem_alloc : memref<!tpu.dma_semaphore, #tpu.memory_space<semaphore_mem>>
        %dma_start3A = arith.constant 0 : i32
        %dma_start3A_346 = arith.constant 0 : i32
        %dma_start3A_347 = tpu.memref_slice %arg10[%dma_start3A, %dma_start3A_346] : memref<256x64xf32, #tpu.memory_space<vmem>> -> memref<128x64xf32, #tpu.memory_space<vmem>>
        %dma_start3A_348 = arith.constant 0 : i32
        %dma_start3A_349 = tpu.memref_slice %arg11[%add3A_336, %dma_start3A_348] : memref<10240x64xf32, #tpu.memory_space<vmem_shared>> -> memref<128x64xf32, #tpu.memory_space<vmem_shared>>
        %dma_start3A_350 = arith.constant 0 : i32
        %dma_start3A_351 = arith.constant 0 : i32
        %dma_start3A_352 = tpu.memref_slice %arg10[%dma_start3A_350, %dma_start3A_351] : memref<256x64xf32, #tpu.memory_space<vmem>> -> memref<128x64xf32, #tpu.memory_space<vmem>>
        %dma_start3A_353 = arith.constant 0 : i32
        %dma_start3A_354 = tpu.memref_slice %arg11[%add3A_336, %dma_start3A_353] : memref<10240x64xf32, #tpu.memory_space<vmem_shared>> -> memref<128x64xf32, #tpu.memory_space<vmem_shared>>
        tpu.enqueue_dma source(%dma_start3A_354 : memref<128x64xf32, #tpu.memory_space<vmem_shared>>) target(%dma_start3A_352 : memref<128x64xf32, #tpu.memory_space<vmem>>) target_semaphore(%run_scoped3A_345 : memref<!tpu.dma_semaphore, #tpu.memory_space<semaphore_mem>>)
        %dma_wait3A = arith.constant 0 : i32
        %dma_wait3A_355 = arith.constant 0 : i32
        %dma_wait3A_356 = tpu.memref_slice %arg10[%dma_wait3A, %dma_wait3A_355] : memref<256x64xf32, #tpu.memory_space<vmem>> -> memref<128x64xf32, #tpu.memory_space<vmem>>
        %dma_wait3A_357 = arith.constant 0 : i32
        %dma_wait3A_358 = tpu.memref_slice %arg11[%add3A_336, %dma_wait3A_357] : memref<10240x64xf32, #tpu.memory_space<vmem_shared>> -> memref<128x64xf32, #tpu.memory_space<vmem_shared>>
        %dma_wait3A_359 = arith.constant 0 : i32
        %dma_wait3A_360 = arith.constant 0 : i32
        %dma_wait3A_361 = tpu.memref_slice %arg10[%dma_wait3A_359, %dma_wait3A_360] : memref<256x64xf32, #tpu.memory_space<vmem>> -> memref<128x64xf32, #tpu.memory_space<vmem>>
        %dma_wait3A_362 = arith.constant 0 : i32
        %dma_wait3A_363 = tpu.memref_slice %arg11[%add3A_336, %dma_wait3A_362] : memref<10240x64xf32, #tpu.memory_space<vmem_shared>> -> memref<128x64xf32, #tpu.memory_space<vmem_shared>>
        tpu.wait_dma2 semaphore(%run_scoped3A_345 : memref<!tpu.dma_semaphore, #tpu.memory_space<semaphore_mem>>) src(%dma_wait3A_363 : memref<128x64xf32, #tpu.memory_space<vmem_shared>>) dst(%dma_wait3A_361 : memref<128x64xf32, #tpu.memory_space<vmem>>)
        tpu.yield
      }) : () -> ()
      "tpu.region"() ({
        %run_scoped3A_345 = tpu.sem_alloc : memref<!tpu.dma_semaphore, #tpu.memory_space<semaphore_mem>>
        %dma_start3A = arith.constant 0 : i32
        %dma_start3A_346 = arith.constant 0 : i32
        %dma_start3A_347 = tpu.memref_slice %arg10[%dma_start3A, %dma_start3A_346] : memref<256x64xf32, #tpu.memory_space<vmem>> -> memref<128x64xf32, #tpu.memory_space<vmem>>
        %dma_start3A_348 = arith.constant 0 : i32
        %dma_start3A_349 = tpu.memref_slice %arg4[%add3A_336, %dma_start3A_348] : memref<10240x64xf32, #tpu.memory_space<hbm>> -> memref<128x64xf32, #tpu.memory_space<hbm>>
        %dma_start3A_350 = arith.constant 0 : i32
        %dma_start3A_351 = tpu.memref_slice %arg4[%add3A_336, %dma_start3A_350] : memref<10240x64xf32, #tpu.memory_space<hbm>> -> memref<128x64xf32, #tpu.memory_space<hbm>>
        %dma_start3A_352 = arith.constant 0 : i32
        %dma_start3A_353 = arith.constant 0 : i32
        %dma_start3A_354 = tpu.memref_slice %arg10[%dma_start3A_352, %dma_start3A_353] : memref<256x64xf32, #tpu.memory_space<vmem>> -> memref<128x64xf32, #tpu.memory_space<vmem>>
        tpu.enqueue_dma source(%dma_start3A_354 : memref<128x64xf32, #tpu.memory_space<vmem>>) target(%dma_start3A_351 : memref<128x64xf32, #tpu.memory_space<hbm>>) target_semaphore(%run_scoped3A_345 : memref<!tpu.dma_semaphore, #tpu.memory_space<semaphore_mem>>)
        %dma_wait3A = arith.constant 0 : i32
        %dma_wait3A_355 = arith.constant 0 : i32
        %dma_wait3A_356 = tpu.memref_slice %arg10[%dma_wait3A, %dma_wait3A_355] : memref<256x64xf32, #tpu.memory_space<vmem>> -> memref<128x64xf32, #tpu.memory_space<vmem>>
        %dma_wait3A_357 = arith.constant 0 : i32
        %dma_wait3A_358 = tpu.memref_slice %arg4[%add3A_336, %dma_wait3A_357] : memref<10240x64xf32, #tpu.memory_space<hbm>> -> memref<128x64xf32, #tpu.memory_space<hbm>>
        %dma_wait3A_359 = arith.constant 0 : i32
        %dma_wait3A_360 = tpu.memref_slice %arg4[%add3A_336, %dma_wait3A_359] : memref<10240x64xf32, #tpu.memory_space<hbm>> -> memref<128x64xf32, #tpu.memory_space<hbm>>
        %dma_wait3A_361 = arith.constant 0 : i32
        %dma_wait3A_362 = arith.constant 0 : i32
        %dma_wait3A_363 = tpu.memref_slice %arg10[%dma_wait3A_361, %dma_wait3A_362] : memref<256x64xf32, #tpu.memory_space<vmem>> -> memref<128x64xf32, #tpu.memory_space<vmem>>
        tpu.wait_dma2 semaphore(%run_scoped3A_345 : memref<!tpu.dma_semaphore, #tpu.memory_space<semaphore_mem>>) src(%dma_wait3A_363 : memref<128x64xf32, #tpu.memory_space<vmem>>) dst(%dma_wait3A_360 : memref<128x64xf32, #tpu.memory_space<hbm>>)
        tpu.yield
      }) : () -> ()
      %mul3A_337 = arith.constant 640 : i32
      %mul3A_338 = arith.muli %arg1, %mul3A_337 : i32
      %add3A_339 = arith.constant 512 : i32
      %add3A_340 = arith.addi %mul3A_338, %add3A_339 : i32
      "tpu.region"() ({
        %run_scoped3A_345 = tpu.sem_alloc : memref<!tpu.dma_semaphore, #tpu.memory_space<semaphore_mem>>
        %dma_start3A = arith.constant 0 : i32
        %dma_start3A_346 = arith.constant 0 : i32
        %dma_start3A_347 = tpu.memref_slice %arg10[%dma_start3A, %dma_start3A_346] : memref<256x64xf32, #tpu.memory_space<vmem>> -> memref<128x64xf32, #tpu.memory_space<vmem>>
        %dma_start3A_348 = arith.constant 0 : i32
        %dma_start3A_349 = tpu.memref_slice %arg11[%add3A_340, %dma_start3A_348] : memref<10240x64xf32, #tpu.memory_space<vmem_shared>> -> memref<128x64xf32, #tpu.memory_space<vmem_shared>>
        %dma_start3A_350 = arith.constant 0 : i32
        %dma_start3A_351 = arith.constant 0 : i32
        %dma_start3A_352 = tpu.memref_slice %arg10[%dma_start3A_350, %dma_start3A_351] : memref<256x64xf32, #tpu.memory_space<vmem>> -> memref<128x64xf32, #tpu.memory_space<vmem>>
        %dma_start3A_353 = arith.constant 0 : i32
        %dma_start3A_354 = tpu.memref_slice %arg11[%add3A_340, %dma_start3A_353] : memref<10240x64xf32, #tpu.memory_space<vmem_shared>> -> memref<128x64xf32, #tpu.memory_space<vmem_shared>>
        tpu.enqueue_dma source(%dma_start3A_354 : memref<128x64xf32, #tpu.memory_space<vmem_shared>>) target(%dma_start3A_352 : memref<128x64xf32, #tpu.memory_space<vmem>>) target_semaphore(%run_scoped3A_345 : memref<!tpu.dma_semaphore, #tpu.memory_space<semaphore_mem>>)
        %dma_wait3A = arith.constant 0 : i32
        %dma_wait3A_355 = arith.constant 0 : i32
        %dma_wait3A_356 = tpu.memref_slice %arg10[%dma_wait3A, %dma_wait3A_355] : memref<256x64xf32, #tpu.memory_space<vmem>> -> memref<128x64xf32, #tpu.memory_space<vmem>>
        %dma_wait3A_357 = arith.constant 0 : i32
        %dma_wait3A_358 = tpu.memref_slice %arg11[%add3A_340, %dma_wait3A_357] : memref<10240x64xf32, #tpu.memory_space<vmem_shared>> -> memref<128x64xf32, #tpu.memory_space<vmem_shared>>
        %dma_wait3A_359 = arith.constant 0 : i32
        %dma_wait3A_360 = arith.constant 0 : i32
        %dma_wait3A_361 = tpu.memref_slice %arg10[%dma_wait3A_359, %dma_wait3A_360] : memref<256x64xf32, #tpu.memory_space<vmem>> -> memref<128x64xf32, #tpu.memory_space<vmem>>
        %dma_wait3A_362 = arith.constant 0 : i32
        %dma_wait3A_363 = tpu.memref_slice %arg11[%add3A_340, %dma_wait3A_362] : memref<10240x64xf32, #tpu.memory_space<vmem_shared>> -> memref<128x64xf32, #tpu.memory_space<vmem_shared>>
        tpu.wait_dma2 semaphore(%run_scoped3A_345 : memref<!tpu.dma_semaphore, #tpu.memory_space<semaphore_mem>>) src(%dma_wait3A_363 : memref<128x64xf32, #tpu.memory_space<vmem_shared>>) dst(%dma_wait3A_361 : memref<128x64xf32, #tpu.memory_space<vmem>>)
        tpu.yield
      }) : () -> ()
      "tpu.region"() ({
        %run_scoped3A_345 = tpu.sem_alloc : memref<!tpu.dma_semaphore, #tpu.memory_space<semaphore_mem>>
        %dma_start3A = arith.constant 0 : i32
        %dma_start3A_346 = arith.constant 0 : i32
        %dma_start3A_347 = tpu.memref_slice %arg10[%dma_start3A, %dma_start3A_346] : memref<256x64xf32, #tpu.memory_space<vmem>> -> memref<128x64xf32, #tpu.memory_space<vmem>>
        %dma_start3A_348 = arith.constant 0 : i32
        %dma_start3A_349 = tpu.memref_slice %arg4[%add3A_340, %dma_start3A_348] : memref<10240x64xf32, #tpu.memory_space<hbm>> -> memref<128x64xf32, #tpu.memory_space<hbm>>
        %dma_start3A_350 = arith.constant 0 : i32
        %dma_start3A_351 = tpu.memref_slice %arg4[%add3A_340, %dma_start3A_350] : memref<10240x64xf32, #tpu.memory_space<hbm>> -> memref<128x64xf32, #tpu.memory_space<hbm>>
        %dma_start3A_352 = arith.constant 0 : i32
        %dma_start3A_353 = arith.constant 0 : i32
        %dma_start3A_354 = tpu.memref_slice %arg10[%dma_start3A_352, %dma_start3A_353] : memref<256x64xf32, #tpu.memory_space<vmem>> -> memref<128x64xf32, #tpu.memory_space<vmem>>
        tpu.enqueue_dma source(%dma_start3A_354 : memref<128x64xf32, #tpu.memory_space<vmem>>) target(%dma_start3A_351 : memref<128x64xf32, #tpu.memory_space<hbm>>) target_semaphore(%run_scoped3A_345 : memref<!tpu.dma_semaphore, #tpu.memory_space<semaphore_mem>>)
        %dma_wait3A = arith.constant 0 : i32
        %dma_wait3A_355 = arith.constant 0 : i32
        %dma_wait3A_356 = tpu.memref_slice %arg10[%dma_wait3A, %dma_wait3A_355] : memref<256x64xf32, #tpu.memory_space<vmem>> -> memref<128x64xf32, #tpu.memory_space<vmem>>
        %dma_wait3A_357 = arith.constant 0 : i32
        %dma_wait3A_358 = tpu.memref_slice %arg4[%add3A_340, %dma_wait3A_357] : memref<10240x64xf32, #tpu.memory_space<hbm>> -> memref<128x64xf32, #tpu.memory_space<hbm>>
        %dma_wait3A_359 = arith.constant 0 : i32
        %dma_wait3A_360 = tpu.memref_slice %arg4[%add3A_340, %dma_wait3A_359] : memref<10240x64xf32, #tpu.memory_space<hbm>> -> memref<128x64xf32, #tpu.memory_space<hbm>>
        %dma_wait3A_361 = arith.constant 0 : i32
        %dma_wait3A_362 = arith.constant 0 : i32
        %dma_wait3A_363 = tpu.memref_slice %arg10[%dma_wait3A_361, %dma_wait3A_362] : memref<256x64xf32, #tpu.memory_space<vmem>> -> memref<128x64xf32, #tpu.memory_space<vmem>>
        tpu.wait_dma2 semaphore(%run_scoped3A_345 : memref<!tpu.dma_semaphore, #tpu.memory_space<semaphore_mem>>) src(%dma_wait3A_363 : memref<128x64xf32, #tpu.memory_space<vmem>>) dst(%dma_wait3A_360 : memref<128x64xf32, #tpu.memory_space<hbm>>)
        tpu.yield
      }) : () -> ()
      %mul3A_341 = arith.constant 640 : i32
      %mul3A_342 = arith.muli %arg1, %mul3A_341 : i32
      "tpu.region"() ({
        %run_scoped3A_345 = tpu.sem_alloc : memref<!tpu.dma_semaphore, #tpu.memory_space<semaphore_mem>>
        %dma_start3A = tpu.memref_slice %arg16[%mul3A_342] : memref<10240xf32, #tpu.memory_space<vmem_shared>> -> memref<640xf32, #tpu.memory_space<vmem_shared>>
        %dma_start3A_346 = tpu.memref_slice %arg16[%mul3A_342] : memref<10240xf32, #tpu.memory_space<vmem_shared>> -> memref<640xf32, #tpu.memory_space<vmem_shared>>
        tpu.enqueue_dma source(%dma_start3A_346 : memref<640xf32, #tpu.memory_space<vmem_shared>>) target(%arg15 : memref<640xf32, #tpu.memory_space<vmem>>) target_semaphore(%run_scoped3A_345 : memref<!tpu.dma_semaphore, #tpu.memory_space<semaphore_mem>>)
        %dma_wait3A = tpu.memref_slice %arg16[%mul3A_342] : memref<10240xf32, #tpu.memory_space<vmem_shared>> -> memref<640xf32, #tpu.memory_space<vmem_shared>>
        %dma_wait3A_347 = tpu.memref_slice %arg16[%mul3A_342] : memref<10240xf32, #tpu.memory_space<vmem_shared>> -> memref<640xf32, #tpu.memory_space<vmem_shared>>
        tpu.wait_dma2 semaphore(%run_scoped3A_345 : memref<!tpu.dma_semaphore, #tpu.memory_space<semaphore_mem>>) src(%dma_wait3A_347 : memref<640xf32, #tpu.memory_space<vmem_shared>>) dst(%arg15 : memref<640xf32, #tpu.memory_space<vmem>>)
        tpu.yield
      }) : () -> ()
      %mul3A_343 = arith.constant 640 : i32
      %mul3A_344 = arith.muli %arg1, %mul3A_343 : i32
      "tpu.region"() ({
        %run_scoped3A_345 = tpu.sem_alloc : memref<!tpu.dma_semaphore, #tpu.memory_space<semaphore_mem>>
        %dma_start3A = tpu.memref_slice %arg6[%mul3A_344] : memref<10240xf32, #tpu.memory_space<hbm>> -> memref<640xf32, #tpu.memory_space<hbm>>
        %dma_start3A_346 = tpu.memref_slice %arg6[%mul3A_344] : memref<10240xf32, #tpu.memory_space<hbm>> -> memref<640xf32, #tpu.memory_space<hbm>>
        tpu.enqueue_dma source(%arg15 : memref<640xf32, #tpu.memory_space<vmem>>) target(%dma_start3A_346 : memref<640xf32, #tpu.memory_space<hbm>>) target_semaphore(%run_scoped3A_345 : memref<!tpu.dma_semaphore, #tpu.memory_space<semaphore_mem>>)
        %dma_wait3A = tpu.memref_slice %arg6[%mul3A_344] : memref<10240xf32, #tpu.memory_space<hbm>> -> memref<640xf32, #tpu.memory_space<hbm>>
        %dma_wait3A_347 = tpu.memref_slice %arg6[%mul3A_344] : memref<10240xf32, #tpu.memory_space<hbm>> -> memref<640xf32, #tpu.memory_space<hbm>>
        tpu.wait_dma2 semaphore(%run_scoped3A_345 : memref<!tpu.dma_semaphore, #tpu.memory_space<semaphore_mem>>) src(%arg15 : memref<640xf32, #tpu.memory_space<vmem>>) dst(%dma_wait3A_347 : memref<640xf32, #tpu.memory_space<hbm>>)
        tpu.yield
      }) : () -> ()
    } else {
    }
    %eq3A_316 = arith.constant 1 : i32
    %eq3A_317 = arith.cmpi eq, %arg0, %eq3A_316 : i32
    %convert_element_type3A_318 = arith.extui %eq3A_317 : i1 to i32
    %cond3A_319 = arith.constant 0 : i32
    %cond3A_320 = arith.cmpi ne, %convert_element_type3A_318, %cond3A_319 : i32
    scf.if %cond3A_320 {
      %mul3A_321 = arith.constant 640 : i32
      %mul3A_322 = arith.muli %arg1, %mul3A_321 : i32
      %add3A_323 = arith.constant 0 : i32
      %add3A_324 = arith.addi %mul3A_322, %add3A_323 : i32
      "tpu.region"() ({
        %run_scoped3A_345 = tpu.sem_alloc : memref<!tpu.dma_semaphore, #tpu.memory_space<semaphore_mem>>
        %dma_start3A = arith.constant 0 : i32
        %dma_start3A_346 = arith.constant 0 : i32
        %dma_start3A_347 = tpu.memref_slice %arg10[%dma_start3A, %dma_start3A_346] : memref<256x64xf32, #tpu.memory_space<vmem>> -> memref<128x64xf32, #tpu.memory_space<vmem>>
        %dma_start3A_348 = arith.constant 0 : i32
        %dma_start3A_349 = tpu.memref_slice %arg11[%add3A_324, %dma_start3A_348] : memref<10240x64xf32, #tpu.memory_space<vmem_shared>> -> memref<128x64xf32, #tpu.memory_space<vmem_shared>>
        %dma_start3A_350 = arith.constant 0 : i32
        %dma_start3A_351 = arith.constant 0 : i32
        %dma_start3A_352 = tpu.memref_slice %arg10[%dma_start3A_350, %dma_start3A_351] : memref<256x64xf32, #tpu.memory_space<vmem>> -> memref<128x64xf32, #tpu.memory_space<vmem>>
        %dma_start3A_353 = arith.constant 0 : i32
        %dma_start3A_354 = tpu.memref_slice %arg11[%add3A_324, %dma_start3A_353] : memref<10240x64xf32, #tpu.memory_space<vmem_shared>> -> memref<128x64xf32, #tpu.memory_space<vmem_shared>>
        tpu.enqueue_dma source(%dma_start3A_354 : memref<128x64xf32, #tpu.memory_space<vmem_shared>>) target(%dma_start3A_352 : memref<128x64xf32, #tpu.memory_space<vmem>>) target_semaphore(%run_scoped3A_345 : memref<!tpu.dma_semaphore, #tpu.memory_space<semaphore_mem>>)
        %dma_wait3A = arith.constant 0 : i32
        %dma_wait3A_355 = arith.constant 0 : i32
        %dma_wait3A_356 = tpu.memref_slice %arg10[%dma_wait3A, %dma_wait3A_355] : memref<256x64xf32, #tpu.memory_space<vmem>> -> memref<128x64xf32, #tpu.memory_space<vmem>>
        %dma_wait3A_357 = arith.constant 0 : i32
        %dma_wait3A_358 = tpu.memref_slice %arg11[%add3A_324, %dma_wait3A_357] : memref<10240x64xf32, #tpu.memory_space<vmem_shared>> -> memref<128x64xf32, #tpu.memory_space<vmem_shared>>
        %dma_wait3A_359 = arith.constant 0 : i32
        %dma_wait3A_360 = arith.constant 0 : i32
        %dma_wait3A_361 = tpu.memref_slice %arg10[%dma_wait3A_359, %dma_wait3A_360] : memref<256x64xf32, #tpu.memory_space<vmem>> -> memref<128x64xf32, #tpu.memory_space<vmem>>
        %dma_wait3A_362 = arith.constant 0 : i32
        %dma_wait3A_363 = tpu.memref_slice %arg11[%add3A_324, %dma_wait3A_362] : memref<10240x64xf32, #tpu.memory_space<vmem_shared>> -> memref<128x64xf32, #tpu.memory_space<vmem_shared>>
        tpu.wait_dma2 semaphore(%run_scoped3A_345 : memref<!tpu.dma_semaphore, #tpu.memory_space<semaphore_mem>>) src(%dma_wait3A_363 : memref<128x64xf32, #tpu.memory_space<vmem_shared>>) dst(%dma_wait3A_361 : memref<128x64xf32, #tpu.memory_space<vmem>>)
        tpu.yield
      }) : () -> ()
      "tpu.region"() ({
        %run_scoped3A_345 = tpu.sem_alloc : memref<!tpu.dma_semaphore, #tpu.memory_space<semaphore_mem>>
        %dma_start3A = arith.constant 0 : i32
        %dma_start3A_346 = arith.constant 0 : i32
        %dma_start3A_347 = tpu.memref_slice %arg10[%dma_start3A, %dma_start3A_346] : memref<256x64xf32, #tpu.memory_space<vmem>> -> memref<128x64xf32, #tpu.memory_space<vmem>>
        %dma_start3A_348 = arith.constant 0 : i32
        %dma_start3A_349 = tpu.memref_slice %arg5[%add3A_324, %dma_start3A_348] : memref<10240x64xf32, #tpu.memory_space<hbm>> -> memref<128x64xf32, #tpu.memory_space<hbm>>
        %dma_start3A_350 = arith.constant 0 : i32
        %dma_start3A_351 = tpu.memref_slice %arg5[%add3A_324, %dma_start3A_350] : memref<10240x64xf32, #tpu.memory_space<hbm>> -> memref<128x64xf32, #tpu.memory_space<hbm>>
        %dma_start3A_352 = arith.constant 0 : i32
        %dma_start3A_353 = arith.constant 0 : i32
        %dma_start3A_354 = tpu.memref_slice %arg10[%dma_start3A_352, %dma_start3A_353] : memref<256x64xf32, #tpu.memory_space<vmem>> -> memref<128x64xf32, #tpu.memory_space<vmem>>
        tpu.enqueue_dma source(%dma_start3A_354 : memref<128x64xf32, #tpu.memory_space<vmem>>) target(%dma_start3A_351 : memref<128x64xf32, #tpu.memory_space<hbm>>) target_semaphore(%run_scoped3A_345 : memref<!tpu.dma_semaphore, #tpu.memory_space<semaphore_mem>>)
        %dma_wait3A = arith.constant 0 : i32
        %dma_wait3A_355 = arith.constant 0 : i32
        %dma_wait3A_356 = tpu.memref_slice %arg10[%dma_wait3A, %dma_wait3A_355] : memref<256x64xf32, #tpu.memory_space<vmem>> -> memref<128x64xf32, #tpu.memory_space<vmem>>
        %dma_wait3A_357 = arith.constant 0 : i32
        %dma_wait3A_358 = tpu.memref_slice %arg5[%add3A_324, %dma_wait3A_357] : memref<10240x64xf32, #tpu.memory_space<hbm>> -> memref<128x64xf32, #tpu.memory_space<hbm>>
        %dma_wait3A_359 = arith.constant 0 : i32
        %dma_wait3A_360 = tpu.memref_slice %arg5[%add3A_324, %dma_wait3A_359] : memref<10240x64xf32, #tpu.memory_space<hbm>> -> memref<128x64xf32, #tpu.memory_space<hbm>>
        %dma_wait3A_361 = arith.constant 0 : i32
        %dma_wait3A_362 = arith.constant 0 : i32
        %dma_wait3A_363 = tpu.memref_slice %arg10[%dma_wait3A_361, %dma_wait3A_362] : memref<256x64xf32, #tpu.memory_space<vmem>> -> memref<128x64xf32, #tpu.memory_space<vmem>>
        tpu.wait_dma2 semaphore(%run_scoped3A_345 : memref<!tpu.dma_semaphore, #tpu.memory_space<semaphore_mem>>) src(%dma_wait3A_363 : memref<128x64xf32, #tpu.memory_space<vmem>>) dst(%dma_wait3A_360 : memref<128x64xf32, #tpu.memory_space<hbm>>)
        tpu.yield
      }) : () -> ()
      %mul3A_325 = arith.constant 640 : i32
      %mul3A_326 = arith.muli %arg1, %mul3A_325 : i32
      %add3A_327 = arith.constant 128 : i32
      %add3A_328 = arith.addi %mul3A_326, %add3A_327 : i32
      "tpu.region"() ({
        %run_scoped3A_345 = tpu.sem_alloc : memref<!tpu.dma_semaphore, #tpu.memory_space<semaphore_mem>>
        %dma_start3A = arith.constant 0 : i32
        %dma_start3A_346 = arith.constant 0 : i32
        %dma_start3A_347 = tpu.memref_slice %arg10[%dma_start3A, %dma_start3A_346] : memref<256x64xf32, #tpu.memory_space<vmem>> -> memref<128x64xf32, #tpu.memory_space<vmem>>
        %dma_start3A_348 = arith.constant 0 : i32
        %dma_start3A_349 = tpu.memref_slice %arg11[%add3A_328, %dma_start3A_348] : memref<10240x64xf32, #tpu.memory_space<vmem_shared>> -> memref<128x64xf32, #tpu.memory_space<vmem_shared>>
        %dma_start3A_350 = arith.constant 0 : i32
        %dma_start3A_351 = arith.constant 0 : i32
        %dma_start3A_352 = tpu.memref_slice %arg10[%dma_start3A_350, %dma_start3A_351] : memref<256x64xf32, #tpu.memory_space<vmem>> -> memref<128x64xf32, #tpu.memory_space<vmem>>
        %dma_start3A_353 = arith.constant 0 : i32
        %dma_start3A_354 = tpu.memref_slice %arg11[%add3A_328, %dma_start3A_353] : memref<10240x64xf32, #tpu.memory_space<vmem_shared>> -> memref<128x64xf32, #tpu.memory_space<vmem_shared>>
        tpu.enqueue_dma source(%dma_start3A_354 : memref<128x64xf32, #tpu.memory_space<vmem_shared>>) target(%dma_start3A_352 : memref<128x64xf32, #tpu.memory_space<vmem>>) target_semaphore(%run_scoped3A_345 : memref<!tpu.dma_semaphore, #tpu.memory_space<semaphore_mem>>)
        %dma_wait3A = arith.constant 0 : i32
        %dma_wait3A_355 = arith.constant 0 : i32
        %dma_wait3A_356 = tpu.memref_slice %arg10[%dma_wait3A, %dma_wait3A_355] : memref<256x64xf32, #tpu.memory_space<vmem>> -> memref<128x64xf32, #tpu.memory_space<vmem>>
        %dma_wait3A_357 = arith.constant 0 : i32
        %dma_wait3A_358 = tpu.memref_slice %arg11[%add3A_328, %dma_wait3A_357] : memref<10240x64xf32, #tpu.memory_space<vmem_shared>> -> memref<128x64xf32, #tpu.memory_space<vmem_shared>>
        %dma_wait3A_359 = arith.constant 0 : i32
        %dma_wait3A_360 = arith.constant 0 : i32
        %dma_wait3A_361 = tpu.memref_slice %arg10[%dma_wait3A_359, %dma_wait3A_360] : memref<256x64xf32, #tpu.memory_space<vmem>> -> memref<128x64xf32, #tpu.memory_space<vmem>>
        %dma_wait3A_362 = arith.constant 0 : i32
        %dma_wait3A_363 = tpu.memref_slice %arg11[%add3A_328, %dma_wait3A_362] : memref<10240x64xf32, #tpu.memory_space<vmem_shared>> -> memref<128x64xf32, #tpu.memory_space<vmem_shared>>
        tpu.wait_dma2 semaphore(%run_scoped3A_345 : memref<!tpu.dma_semaphore, #tpu.memory_space<semaphore_mem>>) src(%dma_wait3A_363 : memref<128x64xf32, #tpu.memory_space<vmem_shared>>) dst(%dma_wait3A_361 : memref<128x64xf32, #tpu.memory_space<vmem>>)
        tpu.yield
      }) : () -> ()
      "tpu.region"() ({
        %run_scoped3A_345 = tpu.sem_alloc : memref<!tpu.dma_semaphore, #tpu.memory_space<semaphore_mem>>
        %dma_start3A = arith.constant 0 : i32
        %dma_start3A_346 = arith.constant 0 : i32
        %dma_start3A_347 = tpu.memref_slice %arg10[%dma_start3A, %dma_start3A_346] : memref<256x64xf32, #tpu.memory_space<vmem>> -> memref<128x64xf32, #tpu.memory_space<vmem>>
        %dma_start3A_348 = arith.constant 0 : i32
        %dma_start3A_349 = tpu.memref_slice %arg5[%add3A_328, %dma_start3A_348] : memref<10240x64xf32, #tpu.memory_space<hbm>> -> memref<128x64xf32, #tpu.memory_space<hbm>>
        %dma_start3A_350 = arith.constant 0 : i32
        %dma_start3A_351 = tpu.memref_slice %arg5[%add3A_328, %dma_start3A_350] : memref<10240x64xf32, #tpu.memory_space<hbm>> -> memref<128x64xf32, #tpu.memory_space<hbm>>
        %dma_start3A_352 = arith.constant 0 : i32
        %dma_start3A_353 = arith.constant 0 : i32
        %dma_start3A_354 = tpu.memref_slice %arg10[%dma_start3A_352, %dma_start3A_353] : memref<256x64xf32, #tpu.memory_space<vmem>> -> memref<128x64xf32, #tpu.memory_space<vmem>>
        tpu.enqueue_dma source(%dma_start3A_354 : memref<128x64xf32, #tpu.memory_space<vmem>>) target(%dma_start3A_351 : memref<128x64xf32, #tpu.memory_space<hbm>>) target_semaphore(%run_scoped3A_345 : memref<!tpu.dma_semaphore, #tpu.memory_space<semaphore_mem>>)
        %dma_wait3A = arith.constant 0 : i32
        %dma_wait3A_355 = arith.constant 0 : i32
        %dma_wait3A_356 = tpu.memref_slice %arg10[%dma_wait3A, %dma_wait3A_355] : memref<256x64xf32, #tpu.memory_space<vmem>> -> memref<128x64xf32, #tpu.memory_space<vmem>>
        %dma_wait3A_357 = arith.constant 0 : i32
        %dma_wait3A_358 = tpu.memref_slice %arg5[%add3A_328, %dma_wait3A_357] : memref<10240x64xf32, #tpu.memory_space<hbm>> -> memref<128x64xf32, #tpu.memory_space<hbm>>
        %dma_wait3A_359 = arith.constant 0 : i32
        %dma_wait3A_360 = tpu.memref_slice %arg5[%add3A_328, %dma_wait3A_359] : memref<10240x64xf32, #tpu.memory_space<hbm>> -> memref<128x64xf32, #tpu.memory_space<hbm>>
        %dma_wait3A_361 = arith.constant 0 : i32
        %dma_wait3A_362 = arith.constant 0 : i32
        %dma_wait3A_363 = tpu.memref_slice %arg10[%dma_wait3A_361, %dma_wait3A_362] : memref<256x64xf32, #tpu.memory_space<vmem>> -> memref<128x64xf32, #tpu.memory_space<vmem>>
        tpu.wait_dma2 semaphore(%run_scoped3A_345 : memref<!tpu.dma_semaphore, #tpu.memory_space<semaphore_mem>>) src(%dma_wait3A_363 : memref<128x64xf32, #tpu.memory_space<vmem>>) dst(%dma_wait3A_360 : memref<128x64xf32, #tpu.memory_space<hbm>>)
        tpu.yield
      }) : () -> ()
      %mul3A_329 = arith.constant 640 : i32
      %mul3A_330 = arith.muli %arg1, %mul3A_329 : i32
      %add3A_331 = arith.constant 256 : i32
      %add3A_332 = arith.addi %mul3A_330, %add3A_331 : i32
      "tpu.region"() ({
        %run_scoped3A_345 = tpu.sem_alloc : memref<!tpu.dma_semaphore, #tpu.memory_space<semaphore_mem>>
        %dma_start3A = arith.constant 0 : i32
        %dma_start3A_346 = arith.constant 0 : i32
        %dma_start3A_347 = tpu.memref_slice %arg10[%dma_start3A, %dma_start3A_346] : memref<256x64xf32, #tpu.memory_space<vmem>> -> memref<128x64xf32, #tpu.memory_space<vmem>>
        %dma_start3A_348 = arith.constant 0 : i32
        %dma_start3A_349 = tpu.memref_slice %arg11[%add3A_332, %dma_start3A_348] : memref<10240x64xf32, #tpu.memory_space<vmem_shared>> -> memref<128x64xf32, #tpu.memory_space<vmem_shared>>
        %dma_start3A_350 = arith.constant 0 : i32
        %dma_start3A_351 = arith.constant 0 : i32
        %dma_start3A_352 = tpu.memref_slice %arg10[%dma_start3A_350, %dma_start3A_351] : memref<256x64xf32, #tpu.memory_space<vmem>> -> memref<128x64xf32, #tpu.memory_space<vmem>>
        %dma_start3A_353 = arith.constant 0 : i32
        %dma_start3A_354 = tpu.memref_slice %arg11[%add3A_332, %dma_start3A_353] : memref<10240x64xf32, #tpu.memory_space<vmem_shared>> -> memref<128x64xf32, #tpu.memory_space<vmem_shared>>
        tpu.enqueue_dma source(%dma_start3A_354 : memref<128x64xf32, #tpu.memory_space<vmem_shared>>) target(%dma_start3A_352 : memref<128x64xf32, #tpu.memory_space<vmem>>) target_semaphore(%run_scoped3A_345 : memref<!tpu.dma_semaphore, #tpu.memory_space<semaphore_mem>>)
        %dma_wait3A = arith.constant 0 : i32
        %dma_wait3A_355 = arith.constant 0 : i32
        %dma_wait3A_356 = tpu.memref_slice %arg10[%dma_wait3A, %dma_wait3A_355] : memref<256x64xf32, #tpu.memory_space<vmem>> -> memref<128x64xf32, #tpu.memory_space<vmem>>
        %dma_wait3A_357 = arith.constant 0 : i32
        %dma_wait3A_358 = tpu.memref_slice %arg11[%add3A_332, %dma_wait3A_357] : memref<10240x64xf32, #tpu.memory_space<vmem_shared>> -> memref<128x64xf32, #tpu.memory_space<vmem_shared>>
        %dma_wait3A_359 = arith.constant 0 : i32
        %dma_wait3A_360 = arith.constant 0 : i32
        %dma_wait3A_361 = tpu.memref_slice %arg10[%dma_wait3A_359, %dma_wait3A_360] : memref<256x64xf32, #tpu.memory_space<vmem>> -> memref<128x64xf32, #tpu.memory_space<vmem>>
        %dma_wait3A_362 = arith.constant 0 : i32
        %dma_wait3A_363 = tpu.memref_slice %arg11[%add3A_332, %dma_wait3A_362] : memref<10240x64xf32, #tpu.memory_space<vmem_shared>> -> memref<128x64xf32, #tpu.memory_space<vmem_shared>>
        tpu.wait_dma2 semaphore(%run_scoped3A_345 : memref<!tpu.dma_semaphore, #tpu.memory_space<semaphore_mem>>) src(%dma_wait3A_363 : memref<128x64xf32, #tpu.memory_space<vmem_shared>>) dst(%dma_wait3A_361 : memref<128x64xf32, #tpu.memory_space<vmem>>)
        tpu.yield
      }) : () -> ()
      "tpu.region"() ({
        %run_scoped3A_345 = tpu.sem_alloc : memref<!tpu.dma_semaphore, #tpu.memory_space<semaphore_mem>>
        %dma_start3A = arith.constant 0 : i32
        %dma_start3A_346 = arith.constant 0 : i32
        %dma_start3A_347 = tpu.memref_slice %arg10[%dma_start3A, %dma_start3A_346] : memref<256x64xf32, #tpu.memory_space<vmem>> -> memref<128x64xf32, #tpu.memory_space<vmem>>
        %dma_start3A_348 = arith.constant 0 : i32
        %dma_start3A_349 = tpu.memref_slice %arg5[%add3A_332, %dma_start3A_348] : memref<10240x64xf32, #tpu.memory_space<hbm>> -> memref<128x64xf32, #tpu.memory_space<hbm>>
        %dma_start3A_350 = arith.constant 0 : i32
        %dma_start3A_351 = tpu.memref_slice %arg5[%add3A_332, %dma_start3A_350] : memref<10240x64xf32, #tpu.memory_space<hbm>> -> memref<128x64xf32, #tpu.memory_space<hbm>>
        %dma_start3A_352 = arith.constant 0 : i32
        %dma_start3A_353 = arith.constant 0 : i32
        %dma_start3A_354 = tpu.memref_slice %arg10[%dma_start3A_352, %dma_start3A_353] : memref<256x64xf32, #tpu.memory_space<vmem>> -> memref<128x64xf32, #tpu.memory_space<vmem>>
        tpu.enqueue_dma source(%dma_start3A_354 : memref<128x64xf32, #tpu.memory_space<vmem>>) target(%dma_start3A_351 : memref<128x64xf32, #tpu.memory_space<hbm>>) target_semaphore(%run_scoped3A_345 : memref<!tpu.dma_semaphore, #tpu.memory_space<semaphore_mem>>)
        %dma_wait3A = arith.constant 0 : i32
        %dma_wait3A_355 = arith.constant 0 : i32
        %dma_wait3A_356 = tpu.memref_slice %arg10[%dma_wait3A, %dma_wait3A_355] : memref<256x64xf32, #tpu.memory_space<vmem>> -> memref<128x64xf32, #tpu.memory_space<vmem>>
        %dma_wait3A_357 = arith.constant 0 : i32
        %dma_wait3A_358 = tpu.memref_slice %arg5[%add3A_332, %dma_wait3A_357] : memref<10240x64xf32, #tpu.memory_space<hbm>> -> memref<128x64xf32, #tpu.memory_space<hbm>>
        %dma_wait3A_359 = arith.constant 0 : i32
        %dma_wait3A_360 = tpu.memref_slice %arg5[%add3A_332, %dma_wait3A_359] : memref<10240x64xf32, #tpu.memory_space<hbm>> -> memref<128x64xf32, #tpu.memory_space<hbm>>
        %dma_wait3A_361 = arith.constant 0 : i32
        %dma_wait3A_362 = arith.constant 0 : i32
        %dma_wait3A_363 = tpu.memref_slice %arg10[%dma_wait3A_361, %dma_wait3A_362] : memref<256x64xf32, #tpu.memory_space<vmem>> -> memref<128x64xf32, #tpu.memory_space<vmem>>
        tpu.wait_dma2 semaphore(%run_scoped3A_345 : memref<!tpu.dma_semaphore, #tpu.memory_space<semaphore_mem>>) src(%dma_wait3A_363 : memref<128x64xf32, #tpu.memory_space<vmem>>) dst(%dma_wait3A_360 : memref<128x64xf32, #tpu.memory_space<hbm>>)
        tpu.yield
      }) : () -> ()
      %mul3A_333 = arith.constant 640 : i32
      %mul3A_334 = arith.muli %arg1, %mul3A_333 : i32
      %add3A_335 = arith.constant 384 : i32
      %add3A_336 = arith.addi %mul3A_334, %add3A_335 : i32
      "tpu.region"() ({
        %run_scoped3A_345 = tpu.sem_alloc : memref<!tpu.dma_semaphore, #tpu.memory_space<semaphore_mem>>
        %dma_start3A = arith.constant 0 : i32
        %dma_start3A_346 = arith.constant 0 : i32
        %dma_start3A_347 = tpu.memref_slice %arg10[%dma_start3A, %dma_start3A_346] : memref<256x64xf32, #tpu.memory_space<vmem>> -> memref<128x64xf32, #tpu.memory_space<vmem>>
        %dma_start3A_348 = arith.constant 0 : i32
        %dma_start3A_349 = tpu.memref_slice %arg11[%add3A_336, %dma_start3A_348] : memref<10240x64xf32, #tpu.memory_space<vmem_shared>> -> memref<128x64xf32, #tpu.memory_space<vmem_shared>>
        %dma_start3A_350 = arith.constant 0 : i32
        %dma_start3A_351 = arith.constant 0 : i32
        %dma_start3A_352 = tpu.memref_slice %arg10[%dma_start3A_350, %dma_start3A_351] : memref<256x64xf32, #tpu.memory_space<vmem>> -> memref<128x64xf32, #tpu.memory_space<vmem>>
        %dma_start3A_353 = arith.constant 0 : i32
        %dma_start3A_354 = tpu.memref_slice %arg11[%add3A_336, %dma_start3A_353] : memref<10240x64xf32, #tpu.memory_space<vmem_shared>> -> memref<128x64xf32, #tpu.memory_space<vmem_shared>>
        tpu.enqueue_dma source(%dma_start3A_354 : memref<128x64xf32, #tpu.memory_space<vmem_shared>>) target(%dma_start3A_352 : memref<128x64xf32, #tpu.memory_space<vmem>>) target_semaphore(%run_scoped3A_345 : memref<!tpu.dma_semaphore, #tpu.memory_space<semaphore_mem>>)
        %dma_wait3A = arith.constant 0 : i32
        %dma_wait3A_355 = arith.constant 0 : i32
        %dma_wait3A_356 = tpu.memref_slice %arg10[%dma_wait3A, %dma_wait3A_355] : memref<256x64xf32, #tpu.memory_space<vmem>> -> memref<128x64xf32, #tpu.memory_space<vmem>>
        %dma_wait3A_357 = arith.constant 0 : i32
        %dma_wait3A_358 = tpu.memref_slice %arg11[%add3A_336, %dma_wait3A_357] : memref<10240x64xf32, #tpu.memory_space<vmem_shared>> -> memref<128x64xf32, #tpu.memory_space<vmem_shared>>
        %dma_wait3A_359 = arith.constant 0 : i32
        %dma_wait3A_360 = arith.constant 0 : i32
        %dma_wait3A_361 = tpu.memref_slice %arg10[%dma_wait3A_359, %dma_wait3A_360] : memref<256x64xf32, #tpu.memory_space<vmem>> -> memref<128x64xf32, #tpu.memory_space<vmem>>
        %dma_wait3A_362 = arith.constant 0 : i32
        %dma_wait3A_363 = tpu.memref_slice %arg11[%add3A_336, %dma_wait3A_362] : memref<10240x64xf32, #tpu.memory_space<vmem_shared>> -> memref<128x64xf32, #tpu.memory_space<vmem_shared>>
        tpu.wait_dma2 semaphore(%run_scoped3A_345 : memref<!tpu.dma_semaphore, #tpu.memory_space<semaphore_mem>>) src(%dma_wait3A_363 : memref<128x64xf32, #tpu.memory_space<vmem_shared>>) dst(%dma_wait3A_361 : memref<128x64xf32, #tpu.memory_space<vmem>>)
        tpu.yield
      }) : () -> ()
      "tpu.region"() ({
        %run_scoped3A_345 = tpu.sem_alloc : memref<!tpu.dma_semaphore, #tpu.memory_space<semaphore_mem>>
        %dma_start3A = arith.constant 0 : i32
        %dma_start3A_346 = arith.constant 0 : i32
        %dma_start3A_347 = tpu.memref_slice %arg10[%dma_start3A, %dma_start3A_346] : memref<256x64xf32, #tpu.memory_space<vmem>> -> memref<128x64xf32, #tpu.memory_space<vmem>>
        %dma_start3A_348 = arith.constant 0 : i32
        %dma_start3A_349 = tpu.memref_slice %arg5[%add3A_336, %dma_start3A_348] : memref<10240x64xf32, #tpu.memory_space<hbm>> -> memref<128x64xf32, #tpu.memory_space<hbm>>
        %dma_start3A_350 = arith.constant 0 : i32
        %dma_start3A_351 = tpu.memref_slice %arg5[%add3A_336, %dma_start3A_350] : memref<10240x64xf32, #tpu.memory_space<hbm>> -> memref<128x64xf32, #tpu.memory_space<hbm>>
        %dma_start3A_352 = arith.constant 0 : i32
        %dma_start3A_353 = arith.constant 0 : i32
        %dma_start3A_354 = tpu.memref_slice %arg10[%dma_start3A_352, %dma_start3A_353] : memref<256x64xf32, #tpu.memory_space<vmem>> -> memref<128x64xf32, #tpu.memory_space<vmem>>
        tpu.enqueue_dma source(%dma_start3A_354 : memref<128x64xf32, #tpu.memory_space<vmem>>) target(%dma_start3A_351 : memref<128x64xf32, #tpu.memory_space<hbm>>) target_semaphore(%run_scoped3A_345 : memref<!tpu.dma_semaphore, #tpu.memory_space<semaphore_mem>>)
        %dma_wait3A = arith.constant 0 : i32
        %dma_wait3A_355 = arith.constant 0 : i32
        %dma_wait3A_356 = tpu.memref_slice %arg10[%dma_wait3A, %dma_wait3A_355] : memref<256x64xf32, #tpu.memory_space<vmem>> -> memref<128x64xf32, #tpu.memory_space<vmem>>
        %dma_wait3A_357 = arith.constant 0 : i32
        %dma_wait3A_358 = tpu.memref_slice %arg5[%add3A_336, %dma_wait3A_357] : memref<10240x64xf32, #tpu.memory_space<hbm>> -> memref<128x64xf32, #tpu.memory_space<hbm>>
        %dma_wait3A_359 = arith.constant 0 : i32
        %dma_wait3A_360 = tpu.memref_slice %arg5[%add3A_336, %dma_wait3A_359] : memref<10240x64xf32, #tpu.memory_space<hbm>> -> memref<128x64xf32, #tpu.memory_space<hbm>>
        %dma_wait3A_361 = arith.constant 0 : i32
        %dma_wait3A_362 = arith.constant 0 : i32
        %dma_wait3A_363 = tpu.memref_slice %arg10[%dma_wait3A_361, %dma_wait3A_362] : memref<256x64xf32, #tpu.memory_space<vmem>> -> memref<128x64xf32, #tpu.memory_space<vmem>>
        tpu.wait_dma2 semaphore(%run_scoped3A_345 : memref<!tpu.dma_semaphore, #tpu.memory_space<semaphore_mem>>) src(%dma_wait3A_363 : memref<128x64xf32, #tpu.memory_space<vmem>>) dst(%dma_wait3A_360 : memref<128x64xf32, #tpu.memory_space<hbm>>)
        tpu.yield
      }) : () -> ()
      %mul3A_337 = arith.constant 640 : i32
      %mul3A_338 = arith.muli %arg1, %mul3A_337 : i32
      %add3A_339 = arith.constant 512 : i32
      %add3A_340 = arith.addi %mul3A_338, %add3A_339 : i32
      "tpu.region"() ({
        %run_scoped3A_345 = tpu.sem_alloc : memref<!tpu.dma_semaphore, #tpu.memory_space<semaphore_mem>>
        %dma_start3A = arith.constant 0 : i32
        %dma_start3A_346 = arith.constant 0 : i32
        %dma_start3A_347 = tpu.memref_slice %arg10[%dma_start3A, %dma_start3A_346] : memref<256x64xf32, #tpu.memory_space<vmem>> -> memref<128x64xf32, #tpu.memory_space<vmem>>
        %dma_start3A_348 = arith.constant 0 : i32
        %dma_start3A_349 = tpu.memref_slice %arg11[%add3A_340, %dma_start3A_348] : memref<10240x64xf32, #tpu.memory_space<vmem_shared>> -> memref<128x64xf32, #tpu.memory_space<vmem_shared>>
        %dma_start3A_350 = arith.constant 0 : i32
        %dma_start3A_351 = arith.constant 0 : i32
        %dma_start3A_352 = tpu.memref_slice %arg10[%dma_start3A_350, %dma_start3A_351] : memref<256x64xf32, #tpu.memory_space<vmem>> -> memref<128x64xf32, #tpu.memory_space<vmem>>
        %dma_start3A_353 = arith.constant 0 : i32
        %dma_start3A_354 = tpu.memref_slice %arg11[%add3A_340, %dma_start3A_353] : memref<10240x64xf32, #tpu.memory_space<vmem_shared>> -> memref<128x64xf32, #tpu.memory_space<vmem_shared>>
        tpu.enqueue_dma source(%dma_start3A_354 : memref<128x64xf32, #tpu.memory_space<vmem_shared>>) target(%dma_start3A_352 : memref<128x64xf32, #tpu.memory_space<vmem>>) target_semaphore(%run_scoped3A_345 : memref<!tpu.dma_semaphore, #tpu.memory_space<semaphore_mem>>)
        %dma_wait3A = arith.constant 0 : i32
        %dma_wait3A_355 = arith.constant 0 : i32
        %dma_wait3A_356 = tpu.memref_slice %arg10[%dma_wait3A, %dma_wait3A_355] : memref<256x64xf32, #tpu.memory_space<vmem>> -> memref<128x64xf32, #tpu.memory_space<vmem>>
        %dma_wait3A_357 = arith.constant 0 : i32
        %dma_wait3A_358 = tpu.memref_slice %arg11[%add3A_340, %dma_wait3A_357] : memref<10240x64xf32, #tpu.memory_space<vmem_shared>> -> memref<128x64xf32, #tpu.memory_space<vmem_shared>>
        %dma_wait3A_359 = arith.constant 0 : i32
        %dma_wait3A_360 = arith.constant 0 : i32
        %dma_wait3A_361 = tpu.memref_slice %arg10[%dma_wait3A_359, %dma_wait3A_360] : memref<256x64xf32, #tpu.memory_space<vmem>> -> memref<128x64xf32, #tpu.memory_space<vmem>>
        %dma_wait3A_362 = arith.constant 0 : i32
        %dma_wait3A_363 = tpu.memref_slice %arg11[%add3A_340, %dma_wait3A_362] : memref<10240x64xf32, #tpu.memory_space<vmem_shared>> -> memref<128x64xf32, #tpu.memory_space<vmem_shared>>
        tpu.wait_dma2 semaphore(%run_scoped3A_345 : memref<!tpu.dma_semaphore, #tpu.memory_space<semaphore_mem>>) src(%dma_wait3A_363 : memref<128x64xf32, #tpu.memory_space<vmem_shared>>) dst(%dma_wait3A_361 : memref<128x64xf32, #tpu.memory_space<vmem>>)
        tpu.yield
      }) : () -> ()
      "tpu.region"() ({
        %run_scoped3A_345 = tpu.sem_alloc : memref<!tpu.dma_semaphore, #tpu.memory_space<semaphore_mem>>
        %dma_start3A = arith.constant 0 : i32
        %dma_start3A_346 = arith.constant 0 : i32
        %dma_start3A_347 = tpu.memref_slice %arg10[%dma_start3A, %dma_start3A_346] : memref<256x64xf32, #tpu.memory_space<vmem>> -> memref<128x64xf32, #tpu.memory_space<vmem>>
        %dma_start3A_348 = arith.constant 0 : i32
        %dma_start3A_349 = tpu.memref_slice %arg5[%add3A_340, %dma_start3A_348] : memref<10240x64xf32, #tpu.memory_space<hbm>> -> memref<128x64xf32, #tpu.memory_space<hbm>>
        %dma_start3A_350 = arith.constant 0 : i32
        %dma_start3A_351 = tpu.memref_slice %arg5[%add3A_340, %dma_start3A_350] : memref<10240x64xf32, #tpu.memory_space<hbm>> -> memref<128x64xf32, #tpu.memory_space<hbm>>
        %dma_start3A_352 = arith.constant 0 : i32
        %dma_start3A_353 = arith.constant 0 : i32
        %dma_start3A_354 = tpu.memref_slice %arg10[%dma_start3A_352, %dma_start3A_353] : memref<256x64xf32, #tpu.memory_space<vmem>> -> memref<128x64xf32, #tpu.memory_space<vmem>>
        tpu.enqueue_dma source(%dma_start3A_354 : memref<128x64xf32, #tpu.memory_space<vmem>>) target(%dma_start3A_351 : memref<128x64xf32, #tpu.memory_space<hbm>>) target_semaphore(%run_scoped3A_345 : memref<!tpu.dma_semaphore, #tpu.memory_space<semaphore_mem>>)
        %dma_wait3A = arith.constant 0 : i32
        %dma_wait3A_355 = arith.constant 0 : i32
        %dma_wait3A_356 = tpu.memref_slice %arg10[%dma_wait3A, %dma_wait3A_355] : memref<256x64xf32, #tpu.memory_space<vmem>> -> memref<128x64xf32, #tpu.memory_space<vmem>>
        %dma_wait3A_357 = arith.constant 0 : i32
        %dma_wait3A_358 = tpu.memref_slice %arg5[%add3A_340, %dma_wait3A_357] : memref<10240x64xf32, #tpu.memory_space<hbm>> -> memref<128x64xf32, #tpu.memory_space<hbm>>
        %dma_wait3A_359 = arith.constant 0 : i32
        %dma_wait3A_360 = tpu.memref_slice %arg5[%add3A_340, %dma_wait3A_359] : memref<10240x64xf32, #tpu.memory_space<hbm>> -> memref<128x64xf32, #tpu.memory_space<hbm>>
        %dma_wait3A_361 = arith.constant 0 : i32
        %dma_wait3A_362 = arith.constant 0 : i32
        %dma_wait3A_363 = tpu.memref_slice %arg10[%dma_wait3A_361, %dma_wait3A_362] : memref<256x64xf32, #tpu.memory_space<vmem>> -> memref<128x64xf32, #tpu.memory_space<vmem>>
        tpu.wait_dma2 semaphore(%run_scoped3A_345 : memref<!tpu.dma_semaphore, #tpu.memory_space<semaphore_mem>>) src(%dma_wait3A_363 : memref<128x64xf32, #tpu.memory_space<vmem>>) dst(%dma_wait3A_360 : memref<128x64xf32, #tpu.memory_space<hbm>>)
        tpu.yield
      }) : () -> ()
      %mul3A_341 = arith.constant 640 : i32
      %mul3A_342 = arith.muli %arg1, %mul3A_341 : i32
      "tpu.region"() ({
        %run_scoped3A_345 = tpu.sem_alloc : memref<!tpu.dma_semaphore, #tpu.memory_space<semaphore_mem>>
        %dma_start3A = tpu.memref_slice %arg16[%mul3A_342] : memref<10240xf32, #tpu.memory_space<vmem_shared>> -> memref<640xf32, #tpu.memory_space<vmem_shared>>
        %dma_start3A_346 = tpu.memref_slice %arg16[%mul3A_342] : memref<10240xf32, #tpu.memory_space<vmem_shared>> -> memref<640xf32, #tpu.memory_space<vmem_shared>>
        tpu.enqueue_dma source(%dma_start3A_346 : memref<640xf32, #tpu.memory_space<vmem_shared>>) target(%arg15 : memref<640xf32, #tpu.memory_space<vmem>>) target_semaphore(%run_scoped3A_345 : memref<!tpu.dma_semaphore, #tpu.memory_space<semaphore_mem>>)
        %dma_wait3A = tpu.memref_slice %arg16[%mul3A_342] : memref<10240xf32, #tpu.memory_space<vmem_shared>> -> memref<640xf32, #tpu.memory_space<vmem_shared>>
        %dma_wait3A_347 = tpu.memref_slice %arg16[%mul3A_342] : memref<10240xf32, #tpu.memory_space<vmem_shared>> -> memref<640xf32, #tpu.memory_space<vmem_shared>>
        tpu.wait_dma2 semaphore(%run_scoped3A_345 : memref<!tpu.dma_semaphore, #tpu.memory_space<semaphore_mem>>) src(%dma_wait3A_347 : memref<640xf32, #tpu.memory_space<vmem_shared>>) dst(%arg15 : memref<640xf32, #tpu.memory_space<vmem>>)
        tpu.yield
      }) : () -> ()
      %mul3A_343 = arith.constant 640 : i32
      %mul3A_344 = arith.muli %arg1, %mul3A_343 : i32
      "tpu.region"() ({
        %run_scoped3A_345 = tpu.sem_alloc : memref<!tpu.dma_semaphore, #tpu.memory_space<semaphore_mem>>
        %dma_start3A = tpu.memref_slice %arg7[%mul3A_344] : memref<10240xf32, #tpu.memory_space<hbm>> -> memref<640xf32, #tpu.memory_space<hbm>>
        %dma_start3A_346 = tpu.memref_slice %arg7[%mul3A_344] : memref<10240xf32, #tpu.memory_space<hbm>> -> memref<640xf32, #tpu.memory_space<hbm>>
        tpu.enqueue_dma source(%arg15 : memref<640xf32, #tpu.memory_space<vmem>>) target(%dma_start3A_346 : memref<640xf32, #tpu.memory_space<hbm>>) target_semaphore(%run_scoped3A_345 : memref<!tpu.dma_semaphore, #tpu.memory_space<semaphore_mem>>)
        %dma_wait3A = tpu.memref_slice %arg7[%mul3A_344] : memref<10240xf32, #tpu.memory_space<hbm>> -> memref<640xf32, #tpu.memory_space<hbm>>
        %dma_wait3A_347 = tpu.memref_slice %arg7[%mul3A_344] : memref<10240xf32, #tpu.memory_space<hbm>> -> memref<640xf32, #tpu.memory_space<hbm>>
        tpu.wait_dma2 semaphore(%run_scoped3A_345 : memref<!tpu.dma_semaphore, #tpu.memory_space<semaphore_mem>>) src(%arg15 : memref<640xf32, #tpu.memory_space<vmem>>) dst(%dma_wait3A_347 : memref<640xf32, #tpu.memory_space<hbm>>)
        tpu.yield
      }) : () -> ()
    } else {
    }
    return
  }
}

#map = affine_map<(d0, d1) -> (0, 0)>
#map1 = affine_map<(d0, d1) -> (0, 0, 0, 0)>
module attributes {stable_mosaic.version = 14 : i64} {
  func.func @body(%arg0: i32, %arg1: i32, %arg2: memref<10240x64xf32, #tpu.memory_space<hbm>>, %arg3: memref<2x32x40x256xi32, #tpu.memory_space<hbm>>, %arg4: memref<10240x64xf32, #tpu.memory_space<hbm>>, %arg5: memref<10240x64xf32, #tpu.memory_space<hbm>>, %arg6: memref<40x256xi32, #tpu.memory_space<vmem>>, %arg7: memref<40x256xi32, #tpu.memory_space<vmem>>, %arg8: memref<256x64xf32, #tpu.memory_space<vmem>>, %arg9: memref<10240x64xf32, #tpu.memory_space<vmem_shared>>, %arg10: memref<10240x64xf32, #tpu.memory_space<vmem_shared>>, %arg11: memref<!tpu.dma_semaphore, #tpu.memory_space<semaphore_mem>>) attributes {dimension_semantics = [#tpu.dimension_semantics<core_parallel>, #tpu.dimension_semantics<subcore_parallel>], iteration_bounds = array<i64: 2, 16>, scalar_prefetch = 0 : i64, scratch_operands = 6 : i64, tpu.core_type = #tpu.core_type<sc_vector_subcore>, window_params = [{transform_indices = #map}, {transform_indices = #map1}, {transform_indices = #map}, {transform_indices = #map}]} {
    %mul3A = arith.constant 2 : i32
    %mul3A_0 = arith.muli %arg1, %mul3A : i32
    %add3A = arith.addi %mul3A_0, %arg0 : i32
    %broadcast_in_dim3A = arith.constant 0.000000e+00 : f32
    %broadcast_in_dim3A_1 = vector.broadcast %broadcast_in_dim3A : f32 to vector<16xf32>
    %scan3A = arith.constant 0 : i32
    %scan3A_2 = arith.constant 0 : i32
    %scan3A_3 = arith.constant 128 : i32
    %scan3A_4 = arith.addi %scan3A_2, %scan3A_3 : i32
    %scan3A_5 = arith.constant 1 : i32
    %scan3A_6 = scf.for %scan3A_64 = %scan3A_2 to %scan3A_4 step %scan3A_5 iter_args(%scan3A_65 = %scan3A) -> (i32)  : i32 {
      %swap3A = arith.index_cast %scan3A_64 : i32 to index
      %swap3A_66 = arith.constant 0 : index
      %swap3A_67 = tpu.vector_load %arg8[%swap3A, %swap3A_66] {strides = array<i32>} : memref<256x64xf32, #tpu.memory_space<vmem>>, vector<1x16xf32>,
      %swap3A_68 = vector.shape_cast %swap3A_67 : vector<1x16xf32> to vector<16xf32>
      %swap3A_69 = vector.shape_cast %broadcast_in_dim3A_1 : vector<16xf32> to vector<1x16xf32>
      tpu.vector_store %arg8[%swap3A, %swap3A_66], %swap3A_69 {strides = array<i32>} : memref<256x64xf32, #tpu.memory_space<vmem>>, vector<1x16xf32>,
      %swap3A_70 = arith.index_cast %scan3A_64 : i32 to index
      %swap3A_71 = arith.constant 16 : index
      %swap3A_72 = tpu.vector_load %arg8[%swap3A_70, %swap3A_71] {strides = array<i32>} : memref<256x64xf32, #tpu.memory_space<vmem>>, vector<1x16xf32>,
      %swap3A_73 = vector.shape_cast %swap3A_72 : vector<1x16xf32> to vector<16xf32>
      %swap3A_74 = vector.shape_cast %broadcast_in_dim3A_1 : vector<16xf32> to vector<1x16xf32>
      tpu.vector_store %arg8[%swap3A_70, %swap3A_71], %swap3A_74 {strides = array<i32>} : memref<256x64xf32, #tpu.memory_space<vmem>>, vector<1x16xf32>,
      %swap3A_75 = arith.index_cast %scan3A_64 : i32 to index
      %swap3A_76 = arith.constant 32 : index
      %swap3A_77 = tpu.vector_load %arg8[%swap3A_75, %swap3A_76] {strides = array<i32>} : memref<256x64xf32, #tpu.memory_space<vmem>>, vector<1x16xf32>,
      %swap3A_78 = vector.shape_cast %swap3A_77 : vector<1x16xf32> to vector<16xf32>
      %swap3A_79 = vector.shape_cast %broadcast_in_dim3A_1 : vector<16xf32> to vector<1x16xf32>
      tpu.vector_store %arg8[%swap3A_75, %swap3A_76], %swap3A_79 {strides = array<i32>} : memref<256x64xf32, #tpu.memory_space<vmem>>, vector<1x16xf32>,
      %swap3A_80 = arith.index_cast %scan3A_64 : i32 to index
      %swap3A_81 = arith.constant 48 : index
      %swap3A_82 = tpu.vector_load %arg8[%swap3A_80, %swap3A_81] {strides = array<i32>} : memref<256x64xf32, #tpu.memory_space<vmem>>, vector<1x16xf32>,
      %swap3A_83 = vector.shape_cast %swap3A_82 : vector<1x16xf32> to vector<16xf32>
      %swap3A_84 = vector.shape_cast %broadcast_in_dim3A_1 : vector<16xf32> to vector<1x16xf32>
      tpu.vector_store %arg8[%swap3A_80, %swap3A_81], %swap3A_84 {strides = array<i32>} : memref<256x64xf32, #tpu.memory_space<vmem>>, vector<1x16xf32>,
      %scan3A_85 = arith.constant 0 : i32
      scf.yield %scan3A_85 : i32
    }
    %scan3A_7 = arith.constant 128 : i32
    %mul3A_8 = arith.constant 640 : i32
    %mul3A_9 = arith.muli %arg1, %mul3A_8 : i32
    %add3A_10 = arith.constant 0 : i32
    %add3A_11 = arith.addi %mul3A_9, %add3A_10 : i32
    "tpu.region"() ({
      %run_scoped3A_64 = tpu.sem_alloc : memref<!tpu.dma_semaphore, #tpu.memory_space<semaphore_mem>>
      %dma_start3A = arith.constant 0 : i32
      %dma_start3A_65 = arith.constant 0 : i32
      %dma_start3A_66 = tpu.memref_slice %arg8[%dma_start3A, %dma_start3A_65] : memref<256x64xf32, #tpu.memory_space<vmem>> -> memref<128x64xf32, #tpu.memory_space<vmem>>
      %dma_start3A_67 = arith.constant 0 : i32
      %dma_start3A_68 = tpu.memref_slice %arg9[%add3A_11, %dma_start3A_67] : memref<10240x64xf32, #tpu.memory_space<vmem_shared>> -> memref<128x64xf32, #tpu.memory_space<vmem_shared>>
      %dma_start3A_69 = arith.constant 0 : i32
      %dma_start3A_70 = tpu.memref_slice %arg9[%add3A_11, %dma_start3A_69] : memref<10240x64xf32, #tpu.memory_space<vmem_shared>> -> memref<128x64xf32, #tpu.memory_space<vmem_shared>>
      %dma_start3A_71 = arith.constant 0 : i32
      %dma_start3A_72 = arith.constant 0 : i32
      %dma_start3A_73 = tpu.memref_slice %arg8[%dma_start3A_71, %dma_start3A_72] : memref<256x64xf32, #tpu.memory_space<vmem>> -> memref<128x64xf32, #tpu.memory_space<vmem>>
      tpu.enqueue_dma source(%dma_start3A_73 : memref<128x64xf32, #tpu.memory_space<vmem>>) target(%dma_start3A_70 : memref<128x64xf32, #tpu.memory_space<vmem_shared>>) target_semaphore(%run_scoped3A_64 : memref<!tpu.dma_semaphore, #tpu.memory_space<semaphore_mem>>)
      %dma_wait3A = arith.constant 0 : i32
      %dma_wait3A_74 = arith.constant 0 : i32
      %dma_wait3A_75 = tpu.memref_slice %arg8[%dma_wait3A, %dma_wait3A_74] : memref<256x64xf32, #tpu.memory_space<vmem>> -> memref<128x64xf32, #tpu.memory_space<vmem>>
      %dma_wait3A_76 = arith.constant 0 : i32
      %dma_wait3A_77 = tpu.memref_slice %arg9[%add3A_11, %dma_wait3A_76] : memref<10240x64xf32, #tpu.memory_space<vmem_shared>> -> memref<128x64xf32, #tpu.memory_space<vmem_shared>>
      %dma_wait3A_78 = arith.constant 0 : i32
      %dma_wait3A_79 = tpu.memref_slice %arg9[%add3A_11, %dma_wait3A_78] : memref<10240x64xf32, #tpu.memory_space<vmem_shared>> -> memref<128x64xf32, #tpu.memory_space<vmem_shared>>
      %dma_wait3A_80 = arith.constant 0 : i32
      %dma_wait3A_81 = arith.constant 0 : i32
      %dma_wait3A_82 = tpu.memref_slice %arg8[%dma_wait3A_80, %dma_wait3A_81] : memref<256x64xf32, #tpu.memory_space<vmem>> -> memref<128x64xf32, #tpu.memory_space<vmem>>
      tpu.wait_dma2 semaphore(%run_scoped3A_64 : memref<!tpu.dma_semaphore, #tpu.memory_space<semaphore_mem>>) src(%dma_wait3A_82 : memref<128x64xf32, #tpu.memory_space<vmem>>) dst(%dma_wait3A_79 : memref<128x64xf32, #tpu.memory_space<vmem_shared>>)
      tpu.yield
    }) : () -> ()
    %mul3A_12 = arith.constant 640 : i32
    %mul3A_13 = arith.muli %arg1, %mul3A_12 : i32
    %add3A_14 = arith.constant 128 : i32
    %add3A_15 = arith.addi %mul3A_13, %add3A_14 : i32
    "tpu.region"() ({
      %run_scoped3A_64 = tpu.sem_alloc : memref<!tpu.dma_semaphore, #tpu.memory_space<semaphore_mem>>
      %dma_start3A = arith.constant 0 : i32
      %dma_start3A_65 = arith.constant 0 : i32
      %dma_start3A_66 = tpu.memref_slice %arg8[%dma_start3A, %dma_start3A_65] : memref<256x64xf32, #tpu.memory_space<vmem>> -> memref<128x64xf32, #tpu.memory_space<vmem>>
      %dma_start3A_67 = arith.constant 0 : i32
      %dma_start3A_68 = tpu.memref_slice %arg9[%add3A_15, %dma_start3A_67] : memref<10240x64xf32, #tpu.memory_space<vmem_shared>> -> memref<128x64xf32, #tpu.memory_space<vmem_shared>>
      %dma_start3A_69 = arith.constant 0 : i32
      %dma_start3A_70 = tpu.memref_slice %arg9[%add3A_15, %dma_start3A_69] : memref<10240x64xf32, #tpu.memory_space<vmem_shared>> -> memref<128x64xf32, #tpu.memory_space<vmem_shared>>
      %dma_start3A_71 = arith.constant 0 : i32
      %dma_start3A_72 = arith.constant 0 : i32
      %dma_start3A_73 = tpu.memref_slice %arg8[%dma_start3A_71, %dma_start3A_72] : memref<256x64xf32, #tpu.memory_space<vmem>> -> memref<128x64xf32, #tpu.memory_space<vmem>>
      tpu.enqueue_dma source(%dma_start3A_73 : memref<128x64xf32, #tpu.memory_space<vmem>>) target(%dma_start3A_70 : memref<128x64xf32, #tpu.memory_space<vmem_shared>>) target_semaphore(%run_scoped3A_64 : memref<!tpu.dma_semaphore, #tpu.memory_space<semaphore_mem>>)
      %dma_wait3A = arith.constant 0 : i32
      %dma_wait3A_74 = arith.constant 0 : i32
      %dma_wait3A_75 = tpu.memref_slice %arg8[%dma_wait3A, %dma_wait3A_74] : memref<256x64xf32, #tpu.memory_space<vmem>> -> memref<128x64xf32, #tpu.memory_space<vmem>>
      %dma_wait3A_76 = arith.constant 0 : i32
      %dma_wait3A_77 = tpu.memref_slice %arg9[%add3A_15, %dma_wait3A_76] : memref<10240x64xf32, #tpu.memory_space<vmem_shared>> -> memref<128x64xf32, #tpu.memory_space<vmem_shared>>
      %dma_wait3A_78 = arith.constant 0 : i32
      %dma_wait3A_79 = tpu.memref_slice %arg9[%add3A_15, %dma_wait3A_78] : memref<10240x64xf32, #tpu.memory_space<vmem_shared>> -> memref<128x64xf32, #tpu.memory_space<vmem_shared>>
      %dma_wait3A_80 = arith.constant 0 : i32
      %dma_wait3A_81 = arith.constant 0 : i32
      %dma_wait3A_82 = tpu.memref_slice %arg8[%dma_wait3A_80, %dma_wait3A_81] : memref<256x64xf32, #tpu.memory_space<vmem>> -> memref<128x64xf32, #tpu.memory_space<vmem>>
      tpu.wait_dma2 semaphore(%run_scoped3A_64 : memref<!tpu.dma_semaphore, #tpu.memory_space<semaphore_mem>>) src(%dma_wait3A_82 : memref<128x64xf32, #tpu.memory_space<vmem>>) dst(%dma_wait3A_79 : memref<128x64xf32, #tpu.memory_space<vmem_shared>>)
      tpu.yield
    }) : () -> ()
    %mul3A_16 = arith.constant 640 : i32
    %mul3A_17 = arith.muli %arg1, %mul3A_16 : i32
    %add3A_18 = arith.constant 256 : i32
    %add3A_19 = arith.addi %mul3A_17, %add3A_18 : i32
    "tpu.region"() ({
      %run_scoped3A_64 = tpu.sem_alloc : memref<!tpu.dma_semaphore, #tpu.memory_space<semaphore_mem>>
      %dma_start3A = arith.constant 0 : i32
      %dma_start3A_65 = arith.constant 0 : i32
      %dma_start3A_66 = tpu.memref_slice %arg8[%dma_start3A, %dma_start3A_65] : memref<256x64xf32, #tpu.memory_space<vmem>> -> memref<128x64xf32, #tpu.memory_space<vmem>>
      %dma_start3A_67 = arith.constant 0 : i32
      %dma_start3A_68 = tpu.memref_slice %arg9[%add3A_19, %dma_start3A_67] : memref<10240x64xf32, #tpu.memory_space<vmem_shared>> -> memref<128x64xf32, #tpu.memory_space<vmem_shared>>
      %dma_start3A_69 = arith.constant 0 : i32
      %dma_start3A_70 = tpu.memref_slice %arg9[%add3A_19, %dma_start3A_69] : memref<10240x64xf32, #tpu.memory_space<vmem_shared>> -> memref<128x64xf32, #tpu.memory_space<vmem_shared>>
      %dma_start3A_71 = arith.constant 0 : i32
      %dma_start3A_72 = arith.constant 0 : i32
      %dma_start3A_73 = tpu.memref_slice %arg8[%dma_start3A_71, %dma_start3A_72] : memref<256x64xf32, #tpu.memory_space<vmem>> -> memref<128x64xf32, #tpu.memory_space<vmem>>
      tpu.enqueue_dma source(%dma_start3A_73 : memref<128x64xf32, #tpu.memory_space<vmem>>) target(%dma_start3A_70 : memref<128x64xf32, #tpu.memory_space<vmem_shared>>) target_semaphore(%run_scoped3A_64 : memref<!tpu.dma_semaphore, #tpu.memory_space<semaphore_mem>>)
      %dma_wait3A = arith.constant 0 : i32
      %dma_wait3A_74 = arith.constant 0 : i32
      %dma_wait3A_75 = tpu.memref_slice %arg8[%dma_wait3A, %dma_wait3A_74] : memref<256x64xf32, #tpu.memory_space<vmem>> -> memref<128x64xf32, #tpu.memory_space<vmem>>
      %dma_wait3A_76 = arith.constant 0 : i32
      %dma_wait3A_77 = tpu.memref_slice %arg9[%add3A_19, %dma_wait3A_76] : memref<10240x64xf32, #tpu.memory_space<vmem_shared>> -> memref<128x64xf32, #tpu.memory_space<vmem_shared>>
      %dma_wait3A_78 = arith.constant 0 : i32
      %dma_wait3A_79 = tpu.memref_slice %arg9[%add3A_19, %dma_wait3A_78] : memref<10240x64xf32, #tpu.memory_space<vmem_shared>> -> memref<128x64xf32, #tpu.memory_space<vmem_shared>>
      %dma_wait3A_80 = arith.constant 0 : i32
      %dma_wait3A_81 = arith.constant 0 : i32
      %dma_wait3A_82 = tpu.memref_slice %arg8[%dma_wait3A_80, %dma_wait3A_81] : memref<256x64xf32, #tpu.memory_space<vmem>> -> memref<128x64xf32, #tpu.memory_space<vmem>>
      tpu.wait_dma2 semaphore(%run_scoped3A_64 : memref<!tpu.dma_semaphore, #tpu.memory_space<semaphore_mem>>) src(%dma_wait3A_82 : memref<128x64xf32, #tpu.memory_space<vmem>>) dst(%dma_wait3A_79 : memref<128x64xf32, #tpu.memory_space<vmem_shared>>)
      tpu.yield
    }) : () -> ()
    %mul3A_20 = arith.constant 640 : i32
    %mul3A_21 = arith.muli %arg1, %mul3A_20 : i32
    %add3A_22 = arith.constant 384 : i32
    %add3A_23 = arith.addi %mul3A_21, %add3A_22 : i32
    "tpu.region"() ({
      %run_scoped3A_64 = tpu.sem_alloc : memref<!tpu.dma_semaphore, #tpu.memory_space<semaphore_mem>>
      %dma_start3A = arith.constant 0 : i32
      %dma_start3A_65 = arith.constant 0 : i32
      %dma_start3A_66 = tpu.memref_slice %arg8[%dma_start3A, %dma_start3A_65] : memref<256x64xf32, #tpu.memory_space<vmem>> -> memref<128x64xf32, #tpu.memory_space<vmem>>
      %dma_start3A_67 = arith.constant 0 : i32
      %dma_start3A_68 = tpu.memref_slice %arg9[%add3A_23, %dma_start3A_67] : memref<10240x64xf32, #tpu.memory_space<vmem_shared>> -> memref<128x64xf32, #tpu.memory_space<vmem_shared>>
      %dma_start3A_69 = arith.constant 0 : i32
      %dma_start3A_70 = tpu.memref_slice %arg9[%add3A_23, %dma_start3A_69] : memref<10240x64xf32, #tpu.memory_space<vmem_shared>> -> memref<128x64xf32, #tpu.memory_space<vmem_shared>>
      %dma_start3A_71 = arith.constant 0 : i32
      %dma_start3A_72 = arith.constant 0 : i32
      %dma_start3A_73 = tpu.memref_slice %arg8[%dma_start3A_71, %dma_start3A_72] : memref<256x64xf32, #tpu.memory_space<vmem>> -> memref<128x64xf32, #tpu.memory_space<vmem>>
      tpu.enqueue_dma source(%dma_start3A_73 : memref<128x64xf32, #tpu.memory_space<vmem>>) target(%dma_start3A_70 : memref<128x64xf32, #tpu.memory_space<vmem_shared>>) target_semaphore(%run_scoped3A_64 : memref<!tpu.dma_semaphore, #tpu.memory_space<semaphore_mem>>)
      %dma_wait3A = arith.constant 0 : i32
      %dma_wait3A_74 = arith.constant 0 : i32
      %dma_wait3A_75 = tpu.memref_slice %arg8[%dma_wait3A, %dma_wait3A_74] : memref<256x64xf32, #tpu.memory_space<vmem>> -> memref<128x64xf32, #tpu.memory_space<vmem>>
      %dma_wait3A_76 = arith.constant 0 : i32
      %dma_wait3A_77 = tpu.memref_slice %arg9[%add3A_23, %dma_wait3A_76] : memref<10240x64xf32, #tpu.memory_space<vmem_shared>> -> memref<128x64xf32, #tpu.memory_space<vmem_shared>>
      %dma_wait3A_78 = arith.constant 0 : i32
      %dma_wait3A_79 = tpu.memref_slice %arg9[%add3A_23, %dma_wait3A_78] : memref<10240x64xf32, #tpu.memory_space<vmem_shared>> -> memref<128x64xf32, #tpu.memory_space<vmem_shared>>
      %dma_wait3A_80 = arith.constant 0 : i32
      %dma_wait3A_81 = arith.constant 0 : i32
      %dma_wait3A_82 = tpu.memref_slice %arg8[%dma_wait3A_80, %dma_wait3A_81] : memref<256x64xf32, #tpu.memory_space<vmem>> -> memref<128x64xf32, #tpu.memory_space<vmem>>
      tpu.wait_dma2 semaphore(%run_scoped3A_64 : memref<!tpu.dma_semaphore, #tpu.memory_space<semaphore_mem>>) src(%dma_wait3A_82 : memref<128x64xf32, #tpu.memory_space<vmem>>) dst(%dma_wait3A_79 : memref<128x64xf32, #tpu.memory_space<vmem_shared>>)
      tpu.yield
    }) : () -> ()
    %mul3A_24 = arith.constant 640 : i32
    %mul3A_25 = arith.muli %arg1, %mul3A_24 : i32
    %add3A_26 = arith.constant 512 : i32
    %add3A_27 = arith.addi %mul3A_25, %add3A_26 : i32
    "tpu.region"() ({
      %run_scoped3A_64 = tpu.sem_alloc : memref<!tpu.dma_semaphore, #tpu.memory_space<semaphore_mem>>
      %dma_start3A = arith.constant 0 : i32
      %dma_start3A_65 = arith.constant 0 : i32
      %dma_start3A_66 = tpu.memref_slice %arg8[%dma_start3A, %dma_start3A_65] : memref<256x64xf32, #tpu.memory_space<vmem>> -> memref<128x64xf32, #tpu.memory_space<vmem>>
      %dma_start3A_67 = arith.constant 0 : i32
      %dma_start3A_68 = tpu.memref_slice %arg9[%add3A_27, %dma_start3A_67] : memref<10240x64xf32, #tpu.memory_space<vmem_shared>> -> memref<128x64xf32, #tpu.memory_space<vmem_shared>>
      %dma_start3A_69 = arith.constant 0 : i32
      %dma_start3A_70 = tpu.memref_slice %arg9[%add3A_27, %dma_start3A_69] : memref<10240x64xf32, #tpu.memory_space<vmem_shared>> -> memref<128x64xf32, #tpu.memory_space<vmem_shared>>
      %dma_start3A_71 = arith.constant 0 : i32
      %dma_start3A_72 = arith.constant 0 : i32
      %dma_start3A_73 = tpu.memref_slice %arg8[%dma_start3A_71, %dma_start3A_72] : memref<256x64xf32, #tpu.memory_space<vmem>> -> memref<128x64xf32, #tpu.memory_space<vmem>>
      tpu.enqueue_dma source(%dma_start3A_73 : memref<128x64xf32, #tpu.memory_space<vmem>>) target(%dma_start3A_70 : memref<128x64xf32, #tpu.memory_space<vmem_shared>>) target_semaphore(%run_scoped3A_64 : memref<!tpu.dma_semaphore, #tpu.memory_space<semaphore_mem>>)
      %dma_wait3A = arith.constant 0 : i32
      %dma_wait3A_74 = arith.constant 0 : i32
      %dma_wait3A_75 = tpu.memref_slice %arg8[%dma_wait3A, %dma_wait3A_74] : memref<256x64xf32, #tpu.memory_space<vmem>> -> memref<128x64xf32, #tpu.memory_space<vmem>>
      %dma_wait3A_76 = arith.constant 0 : i32
      %dma_wait3A_77 = tpu.memref_slice %arg9[%add3A_27, %dma_wait3A_76] : memref<10240x64xf32, #tpu.memory_space<vmem_shared>> -> memref<128x64xf32, #tpu.memory_space<vmem_shared>>
      %dma_wait3A_78 = arith.constant 0 : i32
      %dma_wait3A_79 = tpu.memref_slice %arg9[%add3A_27, %dma_wait3A_78] : memref<10240x64xf32, #tpu.memory_space<vmem_shared>> -> memref<128x64xf32, #tpu.memory_space<vmem_shared>>
      %dma_wait3A_80 = arith.constant 0 : i32
      %dma_wait3A_81 = arith.constant 0 : i32
      %dma_wait3A_82 = tpu.memref_slice %arg8[%dma_wait3A_80, %dma_wait3A_81] : memref<256x64xf32, #tpu.memory_space<vmem>> -> memref<128x64xf32, #tpu.memory_space<vmem>>
      tpu.wait_dma2 semaphore(%run_scoped3A_64 : memref<!tpu.dma_semaphore, #tpu.memory_space<semaphore_mem>>) src(%dma_wait3A_82 : memref<128x64xf32, #tpu.memory_space<vmem>>) dst(%dma_wait3A_79 : memref<128x64xf32, #tpu.memory_space<vmem_shared>>)
      tpu.yield
    }) : () -> ()
    %run_scoped3A = arith.constant 0 : i32
    "tpu.region"() ({
      %run_scoped3A_64 = tpu.sem_alloc : memref<!tpu.dma_semaphore, #tpu.memory_space<semaphore_mem>>
      %dma_start3A = arith.constant 0 : i32
      %dma_start3A_65 = arith.constant 0 : i32
      %dma_start3A_66 = tpu.memref_slice %arg3[%run_scoped3A, %add3A, %dma_start3A, %dma_start3A_65] : memref<2x32x40x256xi32, #tpu.memory_space<hbm>> -> memref<1x1x40x256xi32, #tpu.memory_space<hbm>>
      %dma_start3A_67 = tpu.memref_squeeze %dma_start3A_66 : memref<1x1x40x256xi32, #tpu.memory_space<hbm>> -> memref<40x256xi32, #tpu.memory_space<hbm>>
      %dma_start3A_68 = arith.constant 0 : i32
      %dma_start3A_69 = arith.constant 0 : i32
      %dma_start3A_70 = tpu.memref_slice %arg3[%run_scoped3A, %add3A, %dma_start3A_68, %dma_start3A_69] : memref<2x32x40x256xi32, #tpu.memory_space<hbm>> -> memref<1x1x40x256xi32, #tpu.memory_space<hbm>>
      %dma_start3A_71 = tpu.memref_squeeze %dma_start3A_70 : memref<1x1x40x256xi32, #tpu.memory_space<hbm>> -> memref<40x256xi32, #tpu.memory_space<hbm>>
      tpu.enqueue_dma source(%dma_start3A_71 : memref<40x256xi32, #tpu.memory_space<hbm>>) target(%arg6 : memref<40x256xi32, #tpu.memory_space<vmem>>) target_semaphore(%run_scoped3A_64 : memref<!tpu.dma_semaphore, #tpu.memory_space<semaphore_mem>>)
      %dma_wait3A = arith.constant 0 : i32
      %dma_wait3A_72 = arith.constant 0 : i32
      %dma_wait3A_73 = tpu.memref_slice %arg3[%run_scoped3A, %add3A, %dma_wait3A, %dma_wait3A_72] : memref<2x32x40x256xi32, #tpu.memory_space<hbm>> -> memref<1x1x40x256xi32, #tpu.memory_space<hbm>>
      %dma_wait3A_74 = tpu.memref_squeeze %dma_wait3A_73 : memref<1x1x40x256xi32, #tpu.memory_space<hbm>> -> memref<40x256xi32, #tpu.memory_space<hbm>>
      %dma_wait3A_75 = arith.constant 0 : i32
      %dma_wait3A_76 = arith.constant 0 : i32
      %dma_wait3A_77 = tpu.memref_slice %arg3[%run_scoped3A, %add3A, %dma_wait3A_75, %dma_wait3A_76] : memref<2x32x40x256xi32, #tpu.memory_space<hbm>> -> memref<1x1x40x256xi32, #tpu.memory_space<hbm>>
      %dma_wait3A_78 = tpu.memref_squeeze %dma_wait3A_77 : memref<1x1x40x256xi32, #tpu.memory_space<hbm>> -> memref<40x256xi32, #tpu.memory_space<hbm>>
      tpu.wait_dma2 semaphore(%run_scoped3A_64 : memref<!tpu.dma_semaphore, #tpu.memory_space<semaphore_mem>>) src(%dma_wait3A_78 : memref<40x256xi32, #tpu.memory_space<hbm>>) dst(%arg6 : memref<40x256xi32, #tpu.memory_space<vmem>>)
      tpu.yield
    }) : () -> ()
    %run_scoped3A_28 = arith.constant 1 : i32
    "tpu.region"() ({
      %run_scoped3A_64 = tpu.sem_alloc : memref<!tpu.dma_semaphore, #tpu.memory_space<semaphore_mem>>
      %dma_start3A = arith.constant 0 : i32
      %dma_start3A_65 = arith.constant 0 : i32
      %dma_start3A_66 = tpu.memref_slice %arg3[%run_scoped3A_28, %add3A, %dma_start3A, %dma_start3A_65] : memref<2x32x40x256xi32, #tpu.memory_space<hbm>> -> memref<1x1x40x256xi32, #tpu.memory_space<hbm>>
      %dma_start3A_67 = tpu.memref_squeeze %dma_start3A_66 : memref<1x1x40x256xi32, #tpu.memory_space<hbm>> -> memref<40x256xi32, #tpu.memory_space<hbm>>
      %dma_start3A_68 = arith.constant 0 : i32
      %dma_start3A_69 = arith.constant 0 : i32
      %dma_start3A_70 = tpu.memref_slice %arg3[%run_scoped3A_28, %add3A, %dma_start3A_68, %dma_start3A_69] : memref<2x32x40x256xi32, #tpu.memory_space<hbm>> -> memref<1x1x40x256xi32, #tpu.memory_space<hbm>>
      %dma_start3A_71 = tpu.memref_squeeze %dma_start3A_70 : memref<1x1x40x256xi32, #tpu.memory_space<hbm>> -> memref<40x256xi32, #tpu.memory_space<hbm>>
      tpu.enqueue_dma source(%dma_start3A_71 : memref<40x256xi32, #tpu.memory_space<hbm>>) target(%arg7 : memref<40x256xi32, #tpu.memory_space<vmem>>) target_semaphore(%run_scoped3A_64 : memref<!tpu.dma_semaphore, #tpu.memory_space<semaphore_mem>>)
      %dma_wait3A = arith.constant 0 : i32
      %dma_wait3A_72 = arith.constant 0 : i32
      %dma_wait3A_73 = tpu.memref_slice %arg3[%run_scoped3A_28, %add3A, %dma_wait3A, %dma_wait3A_72] : memref<2x32x40x256xi32, #tpu.memory_space<hbm>> -> memref<1x1x40x256xi32, #tpu.memory_space<hbm>>
      %dma_wait3A_74 = tpu.memref_squeeze %dma_wait3A_73 : memref<1x1x40x256xi32, #tpu.memory_space<hbm>> -> memref<40x256xi32, #tpu.memory_space<hbm>>
      %dma_wait3A_75 = arith.constant 0 : i32
      %dma_wait3A_76 = arith.constant 0 : i32
      %dma_wait3A_77 = tpu.memref_slice %arg3[%run_scoped3A_28, %add3A, %dma_wait3A_75, %dma_wait3A_76] : memref<2x32x40x256xi32, #tpu.memory_space<hbm>> -> memref<1x1x40x256xi32, #tpu.memory_space<hbm>>
      %dma_wait3A_78 = tpu.memref_squeeze %dma_wait3A_77 : memref<1x1x40x256xi32, #tpu.memory_space<hbm>> -> memref<40x256xi32, #tpu.memory_space<hbm>>
      tpu.wait_dma2 semaphore(%run_scoped3A_64 : memref<!tpu.dma_semaphore, #tpu.memory_space<semaphore_mem>>) src(%dma_wait3A_78 : memref<40x256xi32, #tpu.memory_space<hbm>>) dst(%arg7 : memref<40x256xi32, #tpu.memory_space<vmem>>)
      tpu.yield
    }) : () -> ()
    %mul3A_29 = arith.constant 640 : i32
    %mul3A_30 = arith.muli %arg1, %mul3A_29 : i32
    %add3A_31 = arith.constant 0 : i32
    %add3A_32 = arith.addi %mul3A_30, %add3A_31 : i32
    "tpu.region"() ({
      %run_scoped3A_64 = tpu.sem_alloc : memref<!tpu.dma_semaphore, #tpu.memory_space<semaphore_mem>>
      %dma_start3A = arith.constant 0 : i32
      %dma_start3A_65 = arith.constant 0 : i32
      %dma_start3A_66 = tpu.memref_slice %arg8[%dma_start3A, %dma_start3A_65] : memref<256x64xf32, #tpu.memory_space<vmem>> -> memref<128x64xf32, #tpu.memory_space<vmem>>
      %dma_start3A_67 = arith.constant 0 : i32
      %dma_start3A_68 = tpu.memref_slice %arg2[%add3A_32, %dma_start3A_67] : memref<10240x64xf32, #tpu.memory_space<hbm>> -> memref<128x64xf32, #tpu.memory_space<hbm>>
      %dma_start3A_69 = arith.constant 0 : i32
      %dma_start3A_70 = arith.constant 0 : i32
      %dma_start3A_71 = tpu.memref_slice %arg8[%dma_start3A_69, %dma_start3A_70] : memref<256x64xf32, #tpu.memory_space<vmem>> -> memref<128x64xf32, #tpu.memory_space<vmem>>
      %dma_start3A_72 = arith.constant 0 : i32
      %dma_start3A_73 = tpu.memref_slice %arg2[%add3A_32, %dma_start3A_72] : memref<10240x64xf32, #tpu.memory_space<hbm>> -> memref<128x64xf32, #tpu.memory_space<hbm>>
      tpu.enqueue_dma source(%dma_start3A_73 : memref<128x64xf32, #tpu.memory_space<hbm>>) target(%dma_start3A_71 : memref<128x64xf32, #tpu.memory_space<vmem>>) target_semaphore(%run_scoped3A_64 : memref<!tpu.dma_semaphore, #tpu.memory_space<semaphore_mem>>)
      %dma_wait3A = arith.constant 0 : i32
      %dma_wait3A_74 = arith.constant 0 : i32
      %dma_wait3A_75 = tpu.memref_slice %arg8[%dma_wait3A, %dma_wait3A_74] : memref<256x64xf32, #tpu.memory_space<vmem>> -> memref<128x64xf32, #tpu.memory_space<vmem>>
      %dma_wait3A_76 = arith.constant 0 : i32
      %dma_wait3A_77 = tpu.memref_slice %arg2[%add3A_32, %dma_wait3A_76] : memref<10240x64xf32, #tpu.memory_space<hbm>> -> memref<128x64xf32, #tpu.memory_space<hbm>>
      %dma_wait3A_78 = arith.constant 0 : i32
      %dma_wait3A_79 = arith.constant 0 : i32
      %dma_wait3A_80 = tpu.memref_slice %arg8[%dma_wait3A_78, %dma_wait3A_79] : memref<256x64xf32, #tpu.memory_space<vmem>> -> memref<128x64xf32, #tpu.memory_space<vmem>>
      %dma_wait3A_81 = arith.constant 0 : i32
      %dma_wait3A_82 = tpu.memref_slice %arg2[%add3A_32, %dma_wait3A_81] : memref<10240x64xf32, #tpu.memory_space<hbm>> -> memref<128x64xf32, #tpu.memory_space<hbm>>
      tpu.wait_dma2 semaphore(%run_scoped3A_64 : memref<!tpu.dma_semaphore, #tpu.memory_space<semaphore_mem>>) src(%dma_wait3A_82 : memref<128x64xf32, #tpu.memory_space<hbm>>) dst(%dma_wait3A_80 : memref<128x64xf32, #tpu.memory_space<vmem>>)
      tpu.yield
    }) : () -> ()
    "tpu.region"() ({
      %run_scoped3A_64 = tpu.sem_alloc : memref<!tpu.dma_semaphore, #tpu.memory_space<semaphore_mem>>
      %dma_start3A = arith.constant 0 : i32
      %dma_start3A_65 = arith.constant 0 : i32
      %dma_start3A_66 = tpu.memref_slice %arg8[%dma_start3A, %dma_start3A_65] : memref<256x64xf32, #tpu.memory_space<vmem>> -> memref<128x64xf32, #tpu.memory_space<vmem>>
      %dma_start3A_67 = arith.constant 0 : i32
      %dma_start3A_68 = tpu.memref_slice %arg10[%add3A_32, %dma_start3A_67] : memref<10240x64xf32, #tpu.memory_space<vmem_shared>> -> memref<128x64xf32, #tpu.memory_space<vmem_shared>>
      %dma_start3A_69 = arith.constant 0 : i32
      %dma_start3A_70 = tpu.memref_slice %arg10[%add3A_32, %dma_start3A_69] : memref<10240x64xf32, #tpu.memory_space<vmem_shared>> -> memref<128x64xf32, #tpu.memory_space<vmem_shared>>
      %dma_start3A_71 = arith.constant 0 : i32
      %dma_start3A_72 = arith.constant 0 : i32
      %dma_start3A_73 = tpu.memref_slice %arg8[%dma_start3A_71, %dma_start3A_72] : memref<256x64xf32, #tpu.memory_space<vmem>> -> memref<128x64xf32, #tpu.memory_space<vmem>>
      tpu.enqueue_dma source(%dma_start3A_73 : memref<128x64xf32, #tpu.memory_space<vmem>>) target(%dma_start3A_70 : memref<128x64xf32, #tpu.memory_space<vmem_shared>>) target_semaphore(%run_scoped3A_64 : memref<!tpu.dma_semaphore, #tpu.memory_space<semaphore_mem>>)
      %dma_wait3A = arith.constant 0 : i32
      %dma_wait3A_74 = arith.constant 0 : i32
      %dma_wait3A_75 = tpu.memref_slice %arg8[%dma_wait3A, %dma_wait3A_74] : memref<256x64xf32, #tpu.memory_space<vmem>> -> memref<128x64xf32, #tpu.memory_space<vmem>>
      %dma_wait3A_76 = arith.constant 0 : i32
      %dma_wait3A_77 = tpu.memref_slice %arg10[%add3A_32, %dma_wait3A_76] : memref<10240x64xf32, #tpu.memory_space<vmem_shared>> -> memref<128x64xf32, #tpu.memory_space<vmem_shared>>
      %dma_wait3A_78 = arith.constant 0 : i32
      %dma_wait3A_79 = tpu.memref_slice %arg10[%add3A_32, %dma_wait3A_78] : memref<10240x64xf32, #tpu.memory_space<vmem_shared>> -> memref<128x64xf32, #tpu.memory_space<vmem_shared>>
      %dma_wait3A_80 = arith.constant 0 : i32
      %dma_wait3A_81 = arith.constant 0 : i32
      %dma_wait3A_82 = tpu.memref_slice %arg8[%dma_wait3A_80, %dma_wait3A_81] : memref<256x64xf32, #tpu.memory_space<vmem>> -> memref<128x64xf32, #tpu.memory_space<vmem>>
      tpu.wait_dma2 semaphore(%run_scoped3A_64 : memref<!tpu.dma_semaphore, #tpu.memory_space<semaphore_mem>>) src(%dma_wait3A_82 : memref<128x64xf32, #tpu.memory_space<vmem>>) dst(%dma_wait3A_79 : memref<128x64xf32, #tpu.memory_space<vmem_shared>>)
      tpu.yield
    }) : () -> ()
    %mul3A_33 = arith.constant 640 : i32
    %mul3A_34 = arith.muli %arg1, %mul3A_33 : i32
    %add3A_35 = arith.constant 128 : i32
    %add3A_36 = arith.addi %mul3A_34, %add3A_35 : i32
    "tpu.region"() ({
      %run_scoped3A_64 = tpu.sem_alloc : memref<!tpu.dma_semaphore, #tpu.memory_space<semaphore_mem>>
      %dma_start3A = arith.constant 0 : i32
      %dma_start3A_65 = arith.constant 0 : i32
      %dma_start3A_66 = tpu.memref_slice %arg8[%dma_start3A, %dma_start3A_65] : memref<256x64xf32, #tpu.memory_space<vmem>> -> memref<128x64xf32, #tpu.memory_space<vmem>>
      %dma_start3A_67 = arith.constant 0 : i32
      %dma_start3A_68 = tpu.memref_slice %arg2[%add3A_36, %dma_start3A_67] : memref<10240x64xf32, #tpu.memory_space<hbm>> -> memref<128x64xf32, #tpu.memory_space<hbm>>
      %dma_start3A_69 = arith.constant 0 : i32
      %dma_start3A_70 = arith.constant 0 : i32
      %dma_start3A_71 = tpu.memref_slice %arg8[%dma_start3A_69, %dma_start3A_70] : memref<256x64xf32, #tpu.memory_space<vmem>> -> memref<128x64xf32, #tpu.memory_space<vmem>>
      %dma_start3A_72 = arith.constant 0 : i32
      %dma_start3A_73 = tpu.memref_slice %arg2[%add3A_36, %dma_start3A_72] : memref<10240x64xf32, #tpu.memory_space<hbm>> -> memref<128x64xf32, #tpu.memory_space<hbm>>
      tpu.enqueue_dma source(%dma_start3A_73 : memref<128x64xf32, #tpu.memory_space<hbm>>) target(%dma_start3A_71 : memref<128x64xf32, #tpu.memory_space<vmem>>) target_semaphore(%run_scoped3A_64 : memref<!tpu.dma_semaphore, #tpu.memory_space<semaphore_mem>>)
      %dma_wait3A = arith.constant 0 : i32
      %dma_wait3A_74 = arith.constant 0 : i32
      %dma_wait3A_75 = tpu.memref_slice %arg8[%dma_wait3A, %dma_wait3A_74] : memref<256x64xf32, #tpu.memory_space<vmem>> -> memref<128x64xf32, #tpu.memory_space<vmem>>
      %dma_wait3A_76 = arith.constant 0 : i32
      %dma_wait3A_77 = tpu.memref_slice %arg2[%add3A_36, %dma_wait3A_76] : memref<10240x64xf32, #tpu.memory_space<hbm>> -> memref<128x64xf32, #tpu.memory_space<hbm>>
      %dma_wait3A_78 = arith.constant 0 : i32
      %dma_wait3A_79 = arith.constant 0 : i32
      %dma_wait3A_80 = tpu.memref_slice %arg8[%dma_wait3A_78, %dma_wait3A_79] : memref<256x64xf32, #tpu.memory_space<vmem>> -> memref<128x64xf32, #tpu.memory_space<vmem>>
      %dma_wait3A_81 = arith.constant 0 : i32
      %dma_wait3A_82 = tpu.memref_slice %arg2[%add3A_36, %dma_wait3A_81] : memref<10240x64xf32, #tpu.memory_space<hbm>> -> memref<128x64xf32, #tpu.memory_space<hbm>>
      tpu.wait_dma2 semaphore(%run_scoped3A_64 : memref<!tpu.dma_semaphore, #tpu.memory_space<semaphore_mem>>) src(%dma_wait3A_82 : memref<128x64xf32, #tpu.memory_space<hbm>>) dst(%dma_wait3A_80 : memref<128x64xf32, #tpu.memory_space<vmem>>)
      tpu.yield
    }) : () -> ()
    "tpu.region"() ({
      %run_scoped3A_64 = tpu.sem_alloc : memref<!tpu.dma_semaphore, #tpu.memory_space<semaphore_mem>>
      %dma_start3A = arith.constant 0 : i32
      %dma_start3A_65 = arith.constant 0 : i32
      %dma_start3A_66 = tpu.memref_slice %arg8[%dma_start3A, %dma_start3A_65] : memref<256x64xf32, #tpu.memory_space<vmem>> -> memref<128x64xf32, #tpu.memory_space<vmem>>
      %dma_start3A_67 = arith.constant 0 : i32
      %dma_start3A_68 = tpu.memref_slice %arg10[%add3A_36, %dma_start3A_67] : memref<10240x64xf32, #tpu.memory_space<vmem_shared>> -> memref<128x64xf32, #tpu.memory_space<vmem_shared>>
      %dma_start3A_69 = arith.constant 0 : i32
      %dma_start3A_70 = tpu.memref_slice %arg10[%add3A_36, %dma_start3A_69] : memref<10240x64xf32, #tpu.memory_space<vmem_shared>> -> memref<128x64xf32, #tpu.memory_space<vmem_shared>>
      %dma_start3A_71 = arith.constant 0 : i32
      %dma_start3A_72 = arith.constant 0 : i32
      %dma_start3A_73 = tpu.memref_slice %arg8[%dma_start3A_71, %dma_start3A_72] : memref<256x64xf32, #tpu.memory_space<vmem>> -> memref<128x64xf32, #tpu.memory_space<vmem>>
      tpu.enqueue_dma source(%dma_start3A_73 : memref<128x64xf32, #tpu.memory_space<vmem>>) target(%dma_start3A_70 : memref<128x64xf32, #tpu.memory_space<vmem_shared>>) target_semaphore(%run_scoped3A_64 : memref<!tpu.dma_semaphore, #tpu.memory_space<semaphore_mem>>)
      %dma_wait3A = arith.constant 0 : i32
      %dma_wait3A_74 = arith.constant 0 : i32
      %dma_wait3A_75 = tpu.memref_slice %arg8[%dma_wait3A, %dma_wait3A_74] : memref<256x64xf32, #tpu.memory_space<vmem>> -> memref<128x64xf32, #tpu.memory_space<vmem>>
      %dma_wait3A_76 = arith.constant 0 : i32
      %dma_wait3A_77 = tpu.memref_slice %arg10[%add3A_36, %dma_wait3A_76] : memref<10240x64xf32, #tpu.memory_space<vmem_shared>> -> memref<128x64xf32, #tpu.memory_space<vmem_shared>>
      %dma_wait3A_78 = arith.constant 0 : i32
      %dma_wait3A_79 = tpu.memref_slice %arg10[%add3A_36, %dma_wait3A_78] : memref<10240x64xf32, #tpu.memory_space<vmem_shared>> -> memref<128x64xf32, #tpu.memory_space<vmem_shared>>
      %dma_wait3A_80 = arith.constant 0 : i32
      %dma_wait3A_81 = arith.constant 0 : i32
      %dma_wait3A_82 = tpu.memref_slice %arg8[%dma_wait3A_80, %dma_wait3A_81] : memref<256x64xf32, #tpu.memory_space<vmem>> -> memref<128x64xf32, #tpu.memory_space<vmem>>
      tpu.wait_dma2 semaphore(%run_scoped3A_64 : memref<!tpu.dma_semaphore, #tpu.memory_space<semaphore_mem>>) src(%dma_wait3A_82 : memref<128x64xf32, #tpu.memory_space<vmem>>) dst(%dma_wait3A_79 : memref<128x64xf32, #tpu.memory_space<vmem_shared>>)
      tpu.yield
    }) : () -> ()
    %mul3A_37 = arith.constant 640 : i32
    %mul3A_38 = arith.muli %arg1, %mul3A_37 : i32
    %add3A_39 = arith.constant 256 : i32
    %add3A_40 = arith.addi %mul3A_38, %add3A_39 : i32
    "tpu.region"() ({
      %run_scoped3A_64 = tpu.sem_alloc : memref<!tpu.dma_semaphore, #tpu.memory_space<semaphore_mem>>
      %dma_start3A = arith.constant 0 : i32
      %dma_start3A_65 = arith.constant 0 : i32
      %dma_start3A_66 = tpu.memref_slice %arg8[%dma_start3A, %dma_start3A_65] : memref<256x64xf32, #tpu.memory_space<vmem>> -> memref<128x64xf32, #tpu.memory_space<vmem>>
      %dma_start3A_67 = arith.constant 0 : i32
      %dma_start3A_68 = tpu.memref_slice %arg2[%add3A_40, %dma_start3A_67] : memref<10240x64xf32, #tpu.memory_space<hbm>> -> memref<128x64xf32, #tpu.memory_space<hbm>>
      %dma_start3A_69 = arith.constant 0 : i32
      %dma_start3A_70 = arith.constant 0 : i32
      %dma_start3A_71 = tpu.memref_slice %arg8[%dma_start3A_69, %dma_start3A_70] : memref<256x64xf32, #tpu.memory_space<vmem>> -> memref<128x64xf32, #tpu.memory_space<vmem>>
      %dma_start3A_72 = arith.constant 0 : i32
      %dma_start3A_73 = tpu.memref_slice %arg2[%add3A_40, %dma_start3A_72] : memref<10240x64xf32, #tpu.memory_space<hbm>> -> memref<128x64xf32, #tpu.memory_space<hbm>>
      tpu.enqueue_dma source(%dma_start3A_73 : memref<128x64xf32, #tpu.memory_space<hbm>>) target(%dma_start3A_71 : memref<128x64xf32, #tpu.memory_space<vmem>>) target_semaphore(%run_scoped3A_64 : memref<!tpu.dma_semaphore, #tpu.memory_space<semaphore_mem>>)
      %dma_wait3A = arith.constant 0 : i32
      %dma_wait3A_74 = arith.constant 0 : i32
      %dma_wait3A_75 = tpu.memref_slice %arg8[%dma_wait3A, %dma_wait3A_74] : memref<256x64xf32, #tpu.memory_space<vmem>> -> memref<128x64xf32, #tpu.memory_space<vmem>>
      %dma_wait3A_76 = arith.constant 0 : i32
      %dma_wait3A_77 = tpu.memref_slice %arg2[%add3A_40, %dma_wait3A_76] : memref<10240x64xf32, #tpu.memory_space<hbm>> -> memref<128x64xf32, #tpu.memory_space<hbm>>
      %dma_wait3A_78 = arith.constant 0 : i32
      %dma_wait3A_79 = arith.constant 0 : i32
      %dma_wait3A_80 = tpu.memref_slice %arg8[%dma_wait3A_78, %dma_wait3A_79] : memref<256x64xf32, #tpu.memory_space<vmem>> -> memref<128x64xf32, #tpu.memory_space<vmem>>
      %dma_wait3A_81 = arith.constant 0 : i32
      %dma_wait3A_82 = tpu.memref_slice %arg2[%add3A_40, %dma_wait3A_81] : memref<10240x64xf32, #tpu.memory_space<hbm>> -> memref<128x64xf32, #tpu.memory_space<hbm>>
      tpu.wait_dma2 semaphore(%run_scoped3A_64 : memref<!tpu.dma_semaphore, #tpu.memory_space<semaphore_mem>>) src(%dma_wait3A_82 : memref<128x64xf32, #tpu.memory_space<hbm>>) dst(%dma_wait3A_80 : memref<128x64xf32, #tpu.memory_space<vmem>>)
      tpu.yield
    }) : () -> ()
    "tpu.region"() ({
      %run_scoped3A_64 = tpu.sem_alloc : memref<!tpu.dma_semaphore, #tpu.memory_space<semaphore_mem>>
      %dma_start3A = arith.constant 0 : i32
      %dma_start3A_65 = arith.constant 0 : i32
      %dma_start3A_66 = tpu.memref_slice %arg8[%dma_start3A, %dma_start3A_65] : memref<256x64xf32, #tpu.memory_space<vmem>> -> memref<128x64xf32, #tpu.memory_space<vmem>>
      %dma_start3A_67 = arith.constant 0 : i32
      %dma_start3A_68 = tpu.memref_slice %arg10[%add3A_40, %dma_start3A_67] : memref<10240x64xf32, #tpu.memory_space<vmem_shared>> -> memref<128x64xf32, #tpu.memory_space<vmem_shared>>
      %dma_start3A_69 = arith.constant 0 : i32
      %dma_start3A_70 = tpu.memref_slice %arg10[%add3A_40, %dma_start3A_69] : memref<10240x64xf32, #tpu.memory_space<vmem_shared>> -> memref<128x64xf32, #tpu.memory_space<vmem_shared>>
      %dma_start3A_71 = arith.constant 0 : i32
      %dma_start3A_72 = arith.constant 0 : i32
      %dma_start3A_73 = tpu.memref_slice %arg8[%dma_start3A_71, %dma_start3A_72] : memref<256x64xf32, #tpu.memory_space<vmem>> -> memref<128x64xf32, #tpu.memory_space<vmem>>
      tpu.enqueue_dma source(%dma_start3A_73 : memref<128x64xf32, #tpu.memory_space<vmem>>) target(%dma_start3A_70 : memref<128x64xf32, #tpu.memory_space<vmem_shared>>) target_semaphore(%run_scoped3A_64 : memref<!tpu.dma_semaphore, #tpu.memory_space<semaphore_mem>>)
      %dma_wait3A = arith.constant 0 : i32
      %dma_wait3A_74 = arith.constant 0 : i32
      %dma_wait3A_75 = tpu.memref_slice %arg8[%dma_wait3A, %dma_wait3A_74] : memref<256x64xf32, #tpu.memory_space<vmem>> -> memref<128x64xf32, #tpu.memory_space<vmem>>
      %dma_wait3A_76 = arith.constant 0 : i32
      %dma_wait3A_77 = tpu.memref_slice %arg10[%add3A_40, %dma_wait3A_76] : memref<10240x64xf32, #tpu.memory_space<vmem_shared>> -> memref<128x64xf32, #tpu.memory_space<vmem_shared>>
      %dma_wait3A_78 = arith.constant 0 : i32
      %dma_wait3A_79 = tpu.memref_slice %arg10[%add3A_40, %dma_wait3A_78] : memref<10240x64xf32, #tpu.memory_space<vmem_shared>> -> memref<128x64xf32, #tpu.memory_space<vmem_shared>>
      %dma_wait3A_80 = arith.constant 0 : i32
      %dma_wait3A_81 = arith.constant 0 : i32
      %dma_wait3A_82 = tpu.memref_slice %arg8[%dma_wait3A_80, %dma_wait3A_81] : memref<256x64xf32, #tpu.memory_space<vmem>> -> memref<128x64xf32, #tpu.memory_space<vmem>>
      tpu.wait_dma2 semaphore(%run_scoped3A_64 : memref<!tpu.dma_semaphore, #tpu.memory_space<semaphore_mem>>) src(%dma_wait3A_82 : memref<128x64xf32, #tpu.memory_space<vmem>>) dst(%dma_wait3A_79 : memref<128x64xf32, #tpu.memory_space<vmem_shared>>)
      tpu.yield
    }) : () -> ()
    %mul3A_41 = arith.constant 640 : i32
    %mul3A_42 = arith.muli %arg1, %mul3A_41 : i32
    %add3A_43 = arith.constant 384 : i32
    %add3A_44 = arith.addi %mul3A_42, %add3A_43 : i32
    "tpu.region"() ({
      %run_scoped3A_64 = tpu.sem_alloc : memref<!tpu.dma_semaphore, #tpu.memory_space<semaphore_mem>>
      %dma_start3A = arith.constant 0 : i32
      %dma_start3A_65 = arith.constant 0 : i32
      %dma_start3A_66 = tpu.memref_slice %arg8[%dma_start3A, %dma_start3A_65] : memref<256x64xf32, #tpu.memory_space<vmem>> -> memref<128x64xf32, #tpu.memory_space<vmem>>
      %dma_start3A_67 = arith.constant 0 : i32
      %dma_start3A_68 = tpu.memref_slice %arg2[%add3A_44, %dma_start3A_67] : memref<10240x64xf32, #tpu.memory_space<hbm>> -> memref<128x64xf32, #tpu.memory_space<hbm>>
      %dma_start3A_69 = arith.constant 0 : i32
      %dma_start3A_70 = arith.constant 0 : i32
      %dma_start3A_71 = tpu.memref_slice %arg8[%dma_start3A_69, %dma_start3A_70] : memref<256x64xf32, #tpu.memory_space<vmem>> -> memref<128x64xf32, #tpu.memory_space<vmem>>
      %dma_start3A_72 = arith.constant 0 : i32
      %dma_start3A_73 = tpu.memref_slice %arg2[%add3A_44, %dma_start3A_72] : memref<10240x64xf32, #tpu.memory_space<hbm>> -> memref<128x64xf32, #tpu.memory_space<hbm>>
      tpu.enqueue_dma source(%dma_start3A_73 : memref<128x64xf32, #tpu.memory_space<hbm>>) target(%dma_start3A_71 : memref<128x64xf32, #tpu.memory_space<vmem>>) target_semaphore(%run_scoped3A_64 : memref<!tpu.dma_semaphore, #tpu.memory_space<semaphore_mem>>)
      %dma_wait3A = arith.constant 0 : i32
      %dma_wait3A_74 = arith.constant 0 : i32
      %dma_wait3A_75 = tpu.memref_slice %arg8[%dma_wait3A, %dma_wait3A_74] : memref<256x64xf32, #tpu.memory_space<vmem>> -> memref<128x64xf32, #tpu.memory_space<vmem>>
      %dma_wait3A_76 = arith.constant 0 : i32
      %dma_wait3A_77 = tpu.memref_slice %arg2[%add3A_44, %dma_wait3A_76] : memref<10240x64xf32, #tpu.memory_space<hbm>> -> memref<128x64xf32, #tpu.memory_space<hbm>>
      %dma_wait3A_78 = arith.constant 0 : i32
      %dma_wait3A_79 = arith.constant 0 : i32
      %dma_wait3A_80 = tpu.memref_slice %arg8[%dma_wait3A_78, %dma_wait3A_79] : memref<256x64xf32, #tpu.memory_space<vmem>> -> memref<128x64xf32, #tpu.memory_space<vmem>>
      %dma_wait3A_81 = arith.constant 0 : i32
      %dma_wait3A_82 = tpu.memref_slice %arg2[%add3A_44, %dma_wait3A_81] : memref<10240x64xf32, #tpu.memory_space<hbm>> -> memref<128x64xf32, #tpu.memory_space<hbm>>
      tpu.wait_dma2 semaphore(%run_scoped3A_64 : memref<!tpu.dma_semaphore, #tpu.memory_space<semaphore_mem>>) src(%dma_wait3A_82 : memref<128x64xf32, #tpu.memory_space<hbm>>) dst(%dma_wait3A_80 : memref<128x64xf32, #tpu.memory_space<vmem>>)
      tpu.yield
    }) : () -> ()
    "tpu.region"() ({
      %run_scoped3A_64 = tpu.sem_alloc : memref<!tpu.dma_semaphore, #tpu.memory_space<semaphore_mem>>
      %dma_start3A = arith.constant 0 : i32
      %dma_start3A_65 = arith.constant 0 : i32
      %dma_start3A_66 = tpu.memref_slice %arg8[%dma_start3A, %dma_start3A_65] : memref<256x64xf32, #tpu.memory_space<vmem>> -> memref<128x64xf32, #tpu.memory_space<vmem>>
      %dma_start3A_67 = arith.constant 0 : i32
      %dma_start3A_68 = tpu.memref_slice %arg10[%add3A_44, %dma_start3A_67] : memref<10240x64xf32, #tpu.memory_space<vmem_shared>> -> memref<128x64xf32, #tpu.memory_space<vmem_shared>>
      %dma_start3A_69 = arith.constant 0 : i32
      %dma_start3A_70 = tpu.memref_slice %arg10[%add3A_44, %dma_start3A_69] : memref<10240x64xf32, #tpu.memory_space<vmem_shared>> -> memref<128x64xf32, #tpu.memory_space<vmem_shared>>
      %dma_start3A_71 = arith.constant 0 : i32
      %dma_start3A_72 = arith.constant 0 : i32
      %dma_start3A_73 = tpu.memref_slice %arg8[%dma_start3A_71, %dma_start3A_72] : memref<256x64xf32, #tpu.memory_space<vmem>> -> memref<128x64xf32, #tpu.memory_space<vmem>>
      tpu.enqueue_dma source(%dma_start3A_73 : memref<128x64xf32, #tpu.memory_space<vmem>>) target(%dma_start3A_70 : memref<128x64xf32, #tpu.memory_space<vmem_shared>>) target_semaphore(%run_scoped3A_64 : memref<!tpu.dma_semaphore, #tpu.memory_space<semaphore_mem>>)
      %dma_wait3A = arith.constant 0 : i32
      %dma_wait3A_74 = arith.constant 0 : i32
      %dma_wait3A_75 = tpu.memref_slice %arg8[%dma_wait3A, %dma_wait3A_74] : memref<256x64xf32, #tpu.memory_space<vmem>> -> memref<128x64xf32, #tpu.memory_space<vmem>>
      %dma_wait3A_76 = arith.constant 0 : i32
      %dma_wait3A_77 = tpu.memref_slice %arg10[%add3A_44, %dma_wait3A_76] : memref<10240x64xf32, #tpu.memory_space<vmem_shared>> -> memref<128x64xf32, #tpu.memory_space<vmem_shared>>
      %dma_wait3A_78 = arith.constant 0 : i32
      %dma_wait3A_79 = tpu.memref_slice %arg10[%add3A_44, %dma_wait3A_78] : memref<10240x64xf32, #tpu.memory_space<vmem_shared>> -> memref<128x64xf32, #tpu.memory_space<vmem_shared>>
      %dma_wait3A_80 = arith.constant 0 : i32
      %dma_wait3A_81 = arith.constant 0 : i32
      %dma_wait3A_82 = tpu.memref_slice %arg8[%dma_wait3A_80, %dma_wait3A_81] : memref<256x64xf32, #tpu.memory_space<vmem>> -> memref<128x64xf32, #tpu.memory_space<vmem>>
      tpu.wait_dma2 semaphore(%run_scoped3A_64 : memref<!tpu.dma_semaphore, #tpu.memory_space<semaphore_mem>>) src(%dma_wait3A_82 : memref<128x64xf32, #tpu.memory_space<vmem>>) dst(%dma_wait3A_79 : memref<128x64xf32, #tpu.memory_space<vmem_shared>>)
      tpu.yield
    }) : () -> ()
    %mul3A_45 = arith.constant 640 : i32
    %mul3A_46 = arith.muli %arg1, %mul3A_45 : i32
    %add3A_47 = arith.constant 512 : i32
    %add3A_48 = arith.addi %mul3A_46, %add3A_47 : i32
    "tpu.region"() ({
      %run_scoped3A_64 = tpu.sem_alloc : memref<!tpu.dma_semaphore, #tpu.memory_space<semaphore_mem>>
      %dma_start3A = arith.constant 0 : i32
      %dma_start3A_65 = arith.constant 0 : i32
      %dma_start3A_66 = tpu.memref_slice %arg8[%dma_start3A, %dma_start3A_65] : memref<256x64xf32, #tpu.memory_space<vmem>> -> memref<128x64xf32, #tpu.memory_space<vmem>>
      %dma_start3A_67 = arith.constant 0 : i32
      %dma_start3A_68 = tpu.memref_slice %arg2[%add3A_48, %dma_start3A_67] : memref<10240x64xf32, #tpu.memory_space<hbm>> -> memref<128x64xf32, #tpu.memory_space<hbm>>
      %dma_start3A_69 = arith.constant 0 : i32
      %dma_start3A_70 = arith.constant 0 : i32
      %dma_start3A_71 = tpu.memref_slice %arg8[%dma_start3A_69, %dma_start3A_70] : memref<256x64xf32, #tpu.memory_space<vmem>> -> memref<128x64xf32, #tpu.memory_space<vmem>>
      %dma_start3A_72 = arith.constant 0 : i32
      %dma_start3A_73 = tpu.memref_slice %arg2[%add3A_48, %dma_start3A_72] : memref<10240x64xf32, #tpu.memory_space<hbm>> -> memref<128x64xf32, #tpu.memory_space<hbm>>
      tpu.enqueue_dma source(%dma_start3A_73 : memref<128x64xf32, #tpu.memory_space<hbm>>) target(%dma_start3A_71 : memref<128x64xf32, #tpu.memory_space<vmem>>) target_semaphore(%run_scoped3A_64 : memref<!tpu.dma_semaphore, #tpu.memory_space<semaphore_mem>>)
      %dma_wait3A = arith.constant 0 : i32
      %dma_wait3A_74 = arith.constant 0 : i32
      %dma_wait3A_75 = tpu.memref_slice %arg8[%dma_wait3A, %dma_wait3A_74] : memref<256x64xf32, #tpu.memory_space<vmem>> -> memref<128x64xf32, #tpu.memory_space<vmem>>
      %dma_wait3A_76 = arith.constant 0 : i32
      %dma_wait3A_77 = tpu.memref_slice %arg2[%add3A_48, %dma_wait3A_76] : memref<10240x64xf32, #tpu.memory_space<hbm>> -> memref<128x64xf32, #tpu.memory_space<hbm>>
      %dma_wait3A_78 = arith.constant 0 : i32
      %dma_wait3A_79 = arith.constant 0 : i32
      %dma_wait3A_80 = tpu.memref_slice %arg8[%dma_wait3A_78, %dma_wait3A_79] : memref<256x64xf32, #tpu.memory_space<vmem>> -> memref<128x64xf32, #tpu.memory_space<vmem>>
      %dma_wait3A_81 = arith.constant 0 : i32
      %dma_wait3A_82 = tpu.memref_slice %arg2[%add3A_48, %dma_wait3A_81] : memref<10240x64xf32, #tpu.memory_space<hbm>> -> memref<128x64xf32, #tpu.memory_space<hbm>>
      tpu.wait_dma2 semaphore(%run_scoped3A_64 : memref<!tpu.dma_semaphore, #tpu.memory_space<semaphore_mem>>) src(%dma_wait3A_82 : memref<128x64xf32, #tpu.memory_space<hbm>>) dst(%dma_wait3A_80 : memref<128x64xf32, #tpu.memory_space<vmem>>)
      tpu.yield
    }) : () -> ()
    "tpu.region"() ({
      %run_scoped3A_64 = tpu.sem_alloc : memref<!tpu.dma_semaphore, #tpu.memory_space<semaphore_mem>>
      %dma_start3A = arith.constant 0 : i32
      %dma_start3A_65 = arith.constant 0 : i32
      %dma_start3A_66 = tpu.memref_slice %arg8[%dma_start3A, %dma_start3A_65] : memref<256x64xf32, #tpu.memory_space<vmem>> -> memref<128x64xf32, #tpu.memory_space<vmem>>
      %dma_start3A_67 = arith.constant 0 : i32
      %dma_start3A_68 = tpu.memref_slice %arg10[%add3A_48, %dma_start3A_67] : memref<10240x64xf32, #tpu.memory_space<vmem_shared>> -> memref<128x64xf32, #tpu.memory_space<vmem_shared>>
      %dma_start3A_69 = arith.constant 0 : i32
      %dma_start3A_70 = tpu.memref_slice %arg10[%add3A_48, %dma_start3A_69] : memref<10240x64xf32, #tpu.memory_space<vmem_shared>> -> memref<128x64xf32, #tpu.memory_space<vmem_shared>>
      %dma_start3A_71 = arith.constant 0 : i32
      %dma_start3A_72 = arith.constant 0 : i32
      %dma_start3A_73 = tpu.memref_slice %arg8[%dma_start3A_71, %dma_start3A_72] : memref<256x64xf32, #tpu.memory_space<vmem>> -> memref<128x64xf32, #tpu.memory_space<vmem>>
      tpu.enqueue_dma source(%dma_start3A_73 : memref<128x64xf32, #tpu.memory_space<vmem>>) target(%dma_start3A_70 : memref<128x64xf32, #tpu.memory_space<vmem_shared>>) target_semaphore(%run_scoped3A_64 : memref<!tpu.dma_semaphore, #tpu.memory_space<semaphore_mem>>)
      %dma_wait3A = arith.constant 0 : i32
      %dma_wait3A_74 = arith.constant 0 : i32
      %dma_wait3A_75 = tpu.memref_slice %arg8[%dma_wait3A, %dma_wait3A_74] : memref<256x64xf32, #tpu.memory_space<vmem>> -> memref<128x64xf32, #tpu.memory_space<vmem>>
      %dma_wait3A_76 = arith.constant 0 : i32
      %dma_wait3A_77 = tpu.memref_slice %arg10[%add3A_48, %dma_wait3A_76] : memref<10240x64xf32, #tpu.memory_space<vmem_shared>> -> memref<128x64xf32, #tpu.memory_space<vmem_shared>>
      %dma_wait3A_78 = arith.constant 0 : i32
      %dma_wait3A_79 = tpu.memref_slice %arg10[%add3A_48, %dma_wait3A_78] : memref<10240x64xf32, #tpu.memory_space<vmem_shared>> -> memref<128x64xf32, #tpu.memory_space<vmem_shared>>
      %dma_wait3A_80 = arith.constant 0 : i32
      %dma_wait3A_81 = arith.constant 0 : i32
      %dma_wait3A_82 = tpu.memref_slice %arg8[%dma_wait3A_80, %dma_wait3A_81] : memref<256x64xf32, #tpu.memory_space<vmem>> -> memref<128x64xf32, #tpu.memory_space<vmem>>
      tpu.wait_dma2 semaphore(%run_scoped3A_64 : memref<!tpu.dma_semaphore, #tpu.memory_space<semaphore_mem>>) src(%dma_wait3A_82 : memref<128x64xf32, #tpu.memory_space<vmem>>) dst(%dma_wait3A_79 : memref<128x64xf32, #tpu.memory_space<vmem_shared>>)
      tpu.yield
    }) : () -> ()
    %barrier3A = arith.constant 0 : index
    tpu.barrier barrier_id(%barrier3A)
    %scan3A_49 = arith.constant 0 : i32
    %scan3A_50 = arith.constant 0 : i32
    %scan3A_51 = arith.constant 40 : i32
    %scan3A_52 = arith.addi %scan3A_50, %scan3A_51 : i32
    %scan3A_53 = arith.constant 1 : i32
    %scan3A_54 = scf.for %scan3A_64 = %scan3A_50 to %scan3A_52 step %scan3A_53 iter_args(%scan3A_65 = %scan3A_49) -> (i32)  : i32 {
      %dma_start3A = arith.constant 0 : i32
      %dma_start3A_66 = tpu.memref_slice %arg6[%scan3A_64, %dma_start3A] : memref<40x256xi32, #tpu.memory_space<vmem>> -> memref<1x256xi32, #tpu.memory_space<vmem>>
      %dma_start3A_67 = tpu.memref_squeeze %dma_start3A_66 : memref<1x256xi32, #tpu.memory_space<vmem>> -> memref<256xi32, #tpu.memory_space<vmem>>
      %dma_start3A_68 = arith.constant 0 : i32
      %dma_start3A_69 = arith.constant 0 : i32
      %dma_start3A_70 = tpu.memref_slice %arg10[%dma_start3A_68, %dma_start3A_69] : memref<10240x64xf32, #tpu.memory_space<vmem_shared>> -> memref<10240x64xf32, #tpu.memory_space<vmem_shared>>
      tpu.enqueue_indirect_dma source(%dma_start3A_70 : memref<10240x64xf32, #tpu.memory_space<vmem_shared>>) target(%arg8 : memref<256x64xf32, #tpu.memory_space<vmem>>) offsets(%dma_start3A_67 : memref<256xi32, #tpu.memory_space<vmem>>) semaphore(%arg11 : memref<!tpu.dma_semaphore, #tpu.memory_space<semaphore_mem>>)
      %dma_wait3A = arith.constant 0 : i32
      %dma_wait3A_71 = tpu.memref_slice %arg6[%scan3A_64, %dma_wait3A] : memref<40x256xi32, #tpu.memory_space<vmem>> -> memref<1x256xi32, #tpu.memory_space<vmem>>
      %dma_wait3A_72 = tpu.memref_squeeze %dma_wait3A_71 : memref<1x256xi32, #tpu.memory_space<vmem>> -> memref<256xi32, #tpu.memory_space<vmem>>
      %dma_wait3A_73 = arith.constant 0 : i32
      %dma_wait3A_74 = arith.constant 0 : i32
      %dma_wait3A_75 = tpu.memref_slice %arg10[%dma_wait3A_73, %dma_wait3A_74] : memref<10240x64xf32, #tpu.memory_space<vmem_shared>> -> memref<10240x64xf32, #tpu.memory_space<vmem_shared>>
      tpu.wait_indirect_dma semaphore(%arg11 : memref<!tpu.dma_semaphore, #tpu.memory_space<semaphore_mem>>) src(%dma_wait3A_75 : memref<10240x64xf32, #tpu.memory_space<vmem_shared>>) dst(%arg8 : memref<256x64xf32, #tpu.memory_space<vmem>>)
      "tpu.region"() ({
        %run_scoped3A_77 = tpu.sem_alloc : memref<!tpu.dma_semaphore, #tpu.memory_space<semaphore_mem>>
        %dma_start3A_78 = arith.constant 0 : i32
        %dma_start3A_79 = tpu.memref_slice %arg7[%scan3A_64, %dma_start3A_78] : memref<40x256xi32, #tpu.memory_space<vmem>> -> memref<1x256xi32, #tpu.memory_space<vmem>>
        %dma_start3A_80 = tpu.memref_squeeze %dma_start3A_79 : memref<1x256xi32, #tpu.memory_space<vmem>> -> memref<256xi32, #tpu.memory_space<vmem>>
        %dma_start3A_81 = arith.constant 0 : i32
        %dma_start3A_82 = arith.constant 0 : i32
        %dma_start3A_83 = tpu.memref_slice %arg9[%dma_start3A_81, %dma_start3A_82] : memref<10240x64xf32, #tpu.memory_space<vmem_shared>> -> memref<10240x64xf32, #tpu.memory_space<vmem_shared>>
        tpu.enqueue_indirect_dma source(%arg8 : memref<256x64xf32, #tpu.memory_space<vmem>>) target(%dma_start3A_83 : memref<10240x64xf32, #tpu.memory_space<vmem_shared>>) offsets(%dma_start3A_80 : memref<256xi32, #tpu.memory_space<vmem>>) semaphore(%run_scoped3A_77 : memref<!tpu.dma_semaphore, #tpu.memory_space<semaphore_mem>>) {add = true}
        %dma_wait3A_84 = arith.constant 0 : i32
        %dma_wait3A_85 = tpu.memref_slice %arg7[%scan3A_64, %dma_wait3A_84] : memref<40x256xi32, #tpu.memory_space<vmem>> -> memref<1x256xi32, #tpu.memory_space<vmem>>
        %dma_wait3A_86 = tpu.memref_squeeze %dma_wait3A_85 : memref<1x256xi32, #tpu.memory_space<vmem>> -> memref<256xi32, #tpu.memory_space<vmem>>
        %dma_wait3A_87 = arith.constant 0 : i32
        %dma_wait3A_88 = arith.constant 0 : i32
        %dma_wait3A_89 = tpu.memref_slice %arg9[%dma_wait3A_87, %dma_wait3A_88] : memref<10240x64xf32, #tpu.memory_space<vmem_shared>> -> memref<10240x64xf32, #tpu.memory_space<vmem_shared>>
        tpu.wait_indirect_dma semaphore(%run_scoped3A_77 : memref<!tpu.dma_semaphore, #tpu.memory_space<semaphore_mem>>) src(%arg8 : memref<256x64xf32, #tpu.memory_space<vmem>>) dst(%dma_wait3A_89 : memref<10240x64xf32, #tpu.memory_space<vmem_shared>>)
        tpu.yield
      }) : () -> ()
      %scan3A_76 = arith.constant 0 : i32
      scf.yield %scan3A_76 : i32
    }
    %scan3A_55 = arith.constant 40 : i32
    %barrier3A_56 = arith.constant 0 : index
    tpu.barrier barrier_id(%barrier3A_56)
    %eq3A = arith.constant 0 : i32
    %eq3A_57 = arith.cmpi eq, %arg0, %eq3A : i32
    %convert_element_type3A = arith.extui %eq3A_57 : i1 to i32
    %cond3A = arith.constant 0 : i32
    %cond3A_58 = arith.cmpi ne, %convert_element_type3A, %cond3A : i32
    scf.if %cond3A_58 {
      %mul3A_64 = arith.constant 640 : i32
      %mul3A_65 = arith.muli %arg1, %mul3A_64 : i32
      %add3A_66 = arith.constant 0 : i32
      %add3A_67 = arith.addi %mul3A_65, %add3A_66 : i32
      "tpu.region"() ({
        %run_scoped3A_84 = tpu.sem_alloc : memref<!tpu.dma_semaphore, #tpu.memory_space<semaphore_mem>>
        %dma_start3A = arith.constant 0 : i32
        %dma_start3A_85 = arith.constant 0 : i32
        %dma_start3A_86 = tpu.memref_slice %arg8[%dma_start3A, %dma_start3A_85] : memref<256x64xf32, #tpu.memory_space<vmem>> -> memref<128x64xf32, #tpu.memory_space<vmem>>
        %dma_start3A_87 = arith.constant 0 : i32
        %dma_start3A_88 = tpu.memref_slice %arg9[%add3A_67, %dma_start3A_87] : memref<10240x64xf32, #tpu.memory_space<vmem_shared>> -> memref<128x64xf32, #tpu.memory_space<vmem_shared>>
        %dma_start3A_89 = arith.constant 0 : i32
        %dma_start3A_90 = arith.constant 0 : i32
        %dma_start3A_91 = tpu.memref_slice %arg8[%dma_start3A_89, %dma_start3A_90] : memref<256x64xf32, #tpu.memory_space<vmem>> -> memref<128x64xf32, #tpu.memory_space<vmem>>
        %dma_start3A_92 = arith.constant 0 : i32
        %dma_start3A_93 = tpu.memref_slice %arg9[%add3A_67, %dma_start3A_92] : memref<10240x64xf32, #tpu.memory_space<vmem_shared>> -> memref<128x64xf32, #tpu.memory_space<vmem_shared>>
        tpu.enqueue_dma source(%dma_start3A_93 : memref<128x64xf32, #tpu.memory_space<vmem_shared>>) target(%dma_start3A_91 : memref<128x64xf32, #tpu.memory_space<vmem>>) target_semaphore(%run_scoped3A_84 : memref<!tpu.dma_semaphore, #tpu.memory_space<semaphore_mem>>)
        %dma_wait3A = arith.constant 0 : i32
        %dma_wait3A_94 = arith.constant 0 : i32
        %dma_wait3A_95 = tpu.memref_slice %arg8[%dma_wait3A, %dma_wait3A_94] : memref<256x64xf32, #tpu.memory_space<vmem>> -> memref<128x64xf32, #tpu.memory_space<vmem>>
        %dma_wait3A_96 = arith.constant 0 : i32
        %dma_wait3A_97 = tpu.memref_slice %arg9[%add3A_67, %dma_wait3A_96] : memref<10240x64xf32, #tpu.memory_space<vmem_shared>> -> memref<128x64xf32, #tpu.memory_space<vmem_shared>>
        %dma_wait3A_98 = arith.constant 0 : i32
        %dma_wait3A_99 = arith.constant 0 : i32
        %dma_wait3A_100 = tpu.memref_slice %arg8[%dma_wait3A_98, %dma_wait3A_99] : memref<256x64xf32, #tpu.memory_space<vmem>> -> memref<128x64xf32, #tpu.memory_space<vmem>>
        %dma_wait3A_101 = arith.constant 0 : i32
        %dma_wait3A_102 = tpu.memref_slice %arg9[%add3A_67, %dma_wait3A_101] : memref<10240x64xf32, #tpu.memory_space<vmem_shared>> -> memref<128x64xf32, #tpu.memory_space<vmem_shared>>
        tpu.wait_dma2 semaphore(%run_scoped3A_84 : memref<!tpu.dma_semaphore, #tpu.memory_space<semaphore_mem>>) src(%dma_wait3A_102 : memref<128x64xf32, #tpu.memory_space<vmem_shared>>) dst(%dma_wait3A_100 : memref<128x64xf32, #tpu.memory_space<vmem>>)
        tpu.yield
      }) : () -> ()
      "tpu.region"() ({
        %run_scoped3A_84 = tpu.sem_alloc : memref<!tpu.dma_semaphore, #tpu.memory_space<semaphore_mem>>
        %dma_start3A = arith.constant 0 : i32
        %dma_start3A_85 = arith.constant 0 : i32
        %dma_start3A_86 = tpu.memref_slice %arg8[%dma_start3A, %dma_start3A_85] : memref<256x64xf32, #tpu.memory_space<vmem>> -> memref<128x64xf32, #tpu.memory_space<vmem>>
        %dma_start3A_87 = arith.constant 0 : i32
        %dma_start3A_88 = tpu.memref_slice %arg4[%add3A_67, %dma_start3A_87] : memref<10240x64xf32, #tpu.memory_space<hbm>> -> memref<128x64xf32, #tpu.memory_space<hbm>>
        %dma_start3A_89 = arith.constant 0 : i32
        %dma_start3A_90 = tpu.memref_slice %arg4[%add3A_67, %dma_start3A_89] : memref<10240x64xf32, #tpu.memory_space<hbm>> -> memref<128x64xf32, #tpu.memory_space<hbm>>
        %dma_start3A_91 = arith.constant 0 : i32
        %dma_start3A_92 = arith.constant 0 : i32
        %dma_start3A_93 = tpu.memref_slice %arg8[%dma_start3A_91, %dma_start3A_92] : memref<256x64xf32, #tpu.memory_space<vmem>> -> memref<128x64xf32, #tpu.memory_space<vmem>>
        tpu.enqueue_dma source(%dma_start3A_93 : memref<128x64xf32, #tpu.memory_space<vmem>>) target(%dma_start3A_90 : memref<128x64xf32, #tpu.memory_space<hbm>>) target_semaphore(%run_scoped3A_84 : memref<!tpu.dma_semaphore, #tpu.memory_space<semaphore_mem>>)
        %dma_wait3A = arith.constant 0 : i32
        %dma_wait3A_94 = arith.constant 0 : i32
        %dma_wait3A_95 = tpu.memref_slice %arg8[%dma_wait3A, %dma_wait3A_94] : memref<256x64xf32, #tpu.memory_space<vmem>> -> memref<128x64xf32, #tpu.memory_space<vmem>>
        %dma_wait3A_96 = arith.constant 0 : i32
        %dma_wait3A_97 = tpu.memref_slice %arg4[%add3A_67, %dma_wait3A_96] : memref<10240x64xf32, #tpu.memory_space<hbm>> -> memref<128x64xf32, #tpu.memory_space<hbm>>
        %dma_wait3A_98 = arith.constant 0 : i32
        %dma_wait3A_99 = tpu.memref_slice %arg4[%add3A_67, %dma_wait3A_98] : memref<10240x64xf32, #tpu.memory_space<hbm>> -> memref<128x64xf32, #tpu.memory_space<hbm>>
        %dma_wait3A_100 = arith.constant 0 : i32
        %dma_wait3A_101 = arith.constant 0 : i32
        %dma_wait3A_102 = tpu.memref_slice %arg8[%dma_wait3A_100, %dma_wait3A_101] : memref<256x64xf32, #tpu.memory_space<vmem>> -> memref<128x64xf32, #tpu.memory_space<vmem>>
        tpu.wait_dma2 semaphore(%run_scoped3A_84 : memref<!tpu.dma_semaphore, #tpu.memory_space<semaphore_mem>>) src(%dma_wait3A_102 : memref<128x64xf32, #tpu.memory_space<vmem>>) dst(%dma_wait3A_99 : memref<128x64xf32, #tpu.memory_space<hbm>>)
        tpu.yield
      }) : () -> ()
      %mul3A_68 = arith.constant 640 : i32
      %mul3A_69 = arith.muli %arg1, %mul3A_68 : i32
      %add3A_70 = arith.constant 128 : i32
      %add3A_71 = arith.addi %mul3A_69, %add3A_70 : i32
      "tpu.region"() ({
        %run_scoped3A_84 = tpu.sem_alloc : memref<!tpu.dma_semaphore, #tpu.memory_space<semaphore_mem>>
        %dma_start3A = arith.constant 0 : i32
        %dma_start3A_85 = arith.constant 0 : i32
        %dma_start3A_86 = tpu.memref_slice %arg8[%dma_start3A, %dma_start3A_85] : memref<256x64xf32, #tpu.memory_space<vmem>> -> memref<128x64xf32, #tpu.memory_space<vmem>>
        %dma_start3A_87 = arith.constant 0 : i32
        %dma_start3A_88 = tpu.memref_slice %arg9[%add3A_71, %dma_start3A_87] : memref<10240x64xf32, #tpu.memory_space<vmem_shared>> -> memref<128x64xf32, #tpu.memory_space<vmem_shared>>
        %dma_start3A_89 = arith.constant 0 : i32
        %dma_start3A_90 = arith.constant 0 : i32
        %dma_start3A_91 = tpu.memref_slice %arg8[%dma_start3A_89, %dma_start3A_90] : memref<256x64xf32, #tpu.memory_space<vmem>> -> memref<128x64xf32, #tpu.memory_space<vmem>>
        %dma_start3A_92 = arith.constant 0 : i32
        %dma_start3A_93 = tpu.memref_slice %arg9[%add3A_71, %dma_start3A_92] : memref<10240x64xf32, #tpu.memory_space<vmem_shared>> -> memref<128x64xf32, #tpu.memory_space<vmem_shared>>
        tpu.enqueue_dma source(%dma_start3A_93 : memref<128x64xf32, #tpu.memory_space<vmem_shared>>) target(%dma_start3A_91 : memref<128x64xf32, #tpu.memory_space<vmem>>) target_semaphore(%run_scoped3A_84 : memref<!tpu.dma_semaphore, #tpu.memory_space<semaphore_mem>>)
        %dma_wait3A = arith.constant 0 : i32
        %dma_wait3A_94 = arith.constant 0 : i32
        %dma_wait3A_95 = tpu.memref_slice %arg8[%dma_wait3A, %dma_wait3A_94] : memref<256x64xf32, #tpu.memory_space<vmem>> -> memref<128x64xf32, #tpu.memory_space<vmem>>
        %dma_wait3A_96 = arith.constant 0 : i32
        %dma_wait3A_97 = tpu.memref_slice %arg9[%add3A_71, %dma_wait3A_96] : memref<10240x64xf32, #tpu.memory_space<vmem_shared>> -> memref<128x64xf32, #tpu.memory_space<vmem_shared>>
        %dma_wait3A_98 = arith.constant 0 : i32
        %dma_wait3A_99 = arith.constant 0 : i32
        %dma_wait3A_100 = tpu.memref_slice %arg8[%dma_wait3A_98, %dma_wait3A_99] : memref<256x64xf32, #tpu.memory_space<vmem>> -> memref<128x64xf32, #tpu.memory_space<vmem>>
        %dma_wait3A_101 = arith.constant 0 : i32
        %dma_wait3A_102 = tpu.memref_slice %arg9[%add3A_71, %dma_wait3A_101] : memref<10240x64xf32, #tpu.memory_space<vmem_shared>> -> memref<128x64xf32, #tpu.memory_space<vmem_shared>>
        tpu.wait_dma2 semaphore(%run_scoped3A_84 : memref<!tpu.dma_semaphore, #tpu.memory_space<semaphore_mem>>) src(%dma_wait3A_102 : memref<128x64xf32, #tpu.memory_space<vmem_shared>>) dst(%dma_wait3A_100 : memref<128x64xf32, #tpu.memory_space<vmem>>)
        tpu.yield
      }) : () -> ()
      "tpu.region"() ({
        %run_scoped3A_84 = tpu.sem_alloc : memref<!tpu.dma_semaphore, #tpu.memory_space<semaphore_mem>>
        %dma_start3A = arith.constant 0 : i32
        %dma_start3A_85 = arith.constant 0 : i32
        %dma_start3A_86 = tpu.memref_slice %arg8[%dma_start3A, %dma_start3A_85] : memref<256x64xf32, #tpu.memory_space<vmem>> -> memref<128x64xf32, #tpu.memory_space<vmem>>
        %dma_start3A_87 = arith.constant 0 : i32
        %dma_start3A_88 = tpu.memref_slice %arg4[%add3A_71, %dma_start3A_87] : memref<10240x64xf32, #tpu.memory_space<hbm>> -> memref<128x64xf32, #tpu.memory_space<hbm>>
        %dma_start3A_89 = arith.constant 0 : i32
        %dma_start3A_90 = tpu.memref_slice %arg4[%add3A_71, %dma_start3A_89] : memref<10240x64xf32, #tpu.memory_space<hbm>> -> memref<128x64xf32, #tpu.memory_space<hbm>>
        %dma_start3A_91 = arith.constant 0 : i32
        %dma_start3A_92 = arith.constant 0 : i32
        %dma_start3A_93 = tpu.memref_slice %arg8[%dma_start3A_91, %dma_start3A_92] : memref<256x64xf32, #tpu.memory_space<vmem>> -> memref<128x64xf32, #tpu.memory_space<vmem>>
        tpu.enqueue_dma source(%dma_start3A_93 : memref<128x64xf32, #tpu.memory_space<vmem>>) target(%dma_start3A_90 : memref<128x64xf32, #tpu.memory_space<hbm>>) target_semaphore(%run_scoped3A_84 : memref<!tpu.dma_semaphore, #tpu.memory_space<semaphore_mem>>)
        %dma_wait3A = arith.constant 0 : i32
        %dma_wait3A_94 = arith.constant 0 : i32
        %dma_wait3A_95 = tpu.memref_slice %arg8[%dma_wait3A, %dma_wait3A_94] : memref<256x64xf32, #tpu.memory_space<vmem>> -> memref<128x64xf32, #tpu.memory_space<vmem>>
        %dma_wait3A_96 = arith.constant 0 : i32
        %dma_wait3A_97 = tpu.memref_slice %arg4[%add3A_71, %dma_wait3A_96] : memref<10240x64xf32, #tpu.memory_space<hbm>> -> memref<128x64xf32, #tpu.memory_space<hbm>>
        %dma_wait3A_98 = arith.constant 0 : i32
        %dma_wait3A_99 = tpu.memref_slice %arg4[%add3A_71, %dma_wait3A_98] : memref<10240x64xf32, #tpu.memory_space<hbm>> -> memref<128x64xf32, #tpu.memory_space<hbm>>
        %dma_wait3A_100 = arith.constant 0 : i32
        %dma_wait3A_101 = arith.constant 0 : i32
        %dma_wait3A_102 = tpu.memref_slice %arg8[%dma_wait3A_100, %dma_wait3A_101] : memref<256x64xf32, #tpu.memory_space<vmem>> -> memref<128x64xf32, #tpu.memory_space<vmem>>
        tpu.wait_dma2 semaphore(%run_scoped3A_84 : memref<!tpu.dma_semaphore, #tpu.memory_space<semaphore_mem>>) src(%dma_wait3A_102 : memref<128x64xf32, #tpu.memory_space<vmem>>) dst(%dma_wait3A_99 : memref<128x64xf32, #tpu.memory_space<hbm>>)
        tpu.yield
      }) : () -> ()
      %mul3A_72 = arith.constant 640 : i32
      %mul3A_73 = arith.muli %arg1, %mul3A_72 : i32
      %add3A_74 = arith.constant 256 : i32
      %add3A_75 = arith.addi %mul3A_73, %add3A_74 : i32
      "tpu.region"() ({
        %run_scoped3A_84 = tpu.sem_alloc : memref<!tpu.dma_semaphore, #tpu.memory_space<semaphore_mem>>
        %dma_start3A = arith.constant 0 : i32
        %dma_start3A_85 = arith.constant 0 : i32
        %dma_start3A_86 = tpu.memref_slice %arg8[%dma_start3A, %dma_start3A_85] : memref<256x64xf32, #tpu.memory_space<vmem>> -> memref<128x64xf32, #tpu.memory_space<vmem>>
        %dma_start3A_87 = arith.constant 0 : i32
        %dma_start3A_88 = tpu.memref_slice %arg9[%add3A_75, %dma_start3A_87] : memref<10240x64xf32, #tpu.memory_space<vmem_shared>> -> memref<128x64xf32, #tpu.memory_space<vmem_shared>>
        %dma_start3A_89 = arith.constant 0 : i32
        %dma_start3A_90 = arith.constant 0 : i32
        %dma_start3A_91 = tpu.memref_slice %arg8[%dma_start3A_89, %dma_start3A_90] : memref<256x64xf32, #tpu.memory_space<vmem>> -> memref<128x64xf32, #tpu.memory_space<vmem>>
        %dma_start3A_92 = arith.constant 0 : i32
        %dma_start3A_93 = tpu.memref_slice %arg9[%add3A_75, %dma_start3A_92] : memref<10240x64xf32, #tpu.memory_space<vmem_shared>> -> memref<128x64xf32, #tpu.memory_space<vmem_shared>>
        tpu.enqueue_dma source(%dma_start3A_93 : memref<128x64xf32, #tpu.memory_space<vmem_shared>>) target(%dma_start3A_91 : memref<128x64xf32, #tpu.memory_space<vmem>>) target_semaphore(%run_scoped3A_84 : memref<!tpu.dma_semaphore, #tpu.memory_space<semaphore_mem>>)
        %dma_wait3A = arith.constant 0 : i32
        %dma_wait3A_94 = arith.constant 0 : i32
        %dma_wait3A_95 = tpu.memref_slice %arg8[%dma_wait3A, %dma_wait3A_94] : memref<256x64xf32, #tpu.memory_space<vmem>> -> memref<128x64xf32, #tpu.memory_space<vmem>>
        %dma_wait3A_96 = arith.constant 0 : i32
        %dma_wait3A_97 = tpu.memref_slice %arg9[%add3A_75, %dma_wait3A_96] : memref<10240x64xf32, #tpu.memory_space<vmem_shared>> -> memref<128x64xf32, #tpu.memory_space<vmem_shared>>
        %dma_wait3A_98 = arith.constant 0 : i32
        %dma_wait3A_99 = arith.constant 0 : i32
        %dma_wait3A_100 = tpu.memref_slice %arg8[%dma_wait3A_98, %dma_wait3A_99] : memref<256x64xf32, #tpu.memory_space<vmem>> -> memref<128x64xf32, #tpu.memory_space<vmem>>
        %dma_wait3A_101 = arith.constant 0 : i32
        %dma_wait3A_102 = tpu.memref_slice %arg9[%add3A_75, %dma_wait3A_101] : memref<10240x64xf32, #tpu.memory_space<vmem_shared>> -> memref<128x64xf32, #tpu.memory_space<vmem_shared>>
        tpu.wait_dma2 semaphore(%run_scoped3A_84 : memref<!tpu.dma_semaphore, #tpu.memory_space<semaphore_mem>>) src(%dma_wait3A_102 : memref<128x64xf32, #tpu.memory_space<vmem_shared>>) dst(%dma_wait3A_100 : memref<128x64xf32, #tpu.memory_space<vmem>>)
        tpu.yield
      }) : () -> ()
      "tpu.region"() ({
        %run_scoped3A_84 = tpu.sem_alloc : memref<!tpu.dma_semaphore, #tpu.memory_space<semaphore_mem>>
        %dma_start3A = arith.constant 0 : i32
        %dma_start3A_85 = arith.constant 0 : i32
        %dma_start3A_86 = tpu.memref_slice %arg8[%dma_start3A, %dma_start3A_85] : memref<256x64xf32, #tpu.memory_space<vmem>> -> memref<128x64xf32, #tpu.memory_space<vmem>>
        %dma_start3A_87 = arith.constant 0 : i32
        %dma_start3A_88 = tpu.memref_slice %arg4[%add3A_75, %dma_start3A_87] : memref<10240x64xf32, #tpu.memory_space<hbm>> -> memref<128x64xf32, #tpu.memory_space<hbm>>
        %dma_start3A_89 = arith.constant 0 : i32
        %dma_start3A_90 = tpu.memref_slice %arg4[%add3A_75, %dma_start3A_89] : memref<10240x64xf32, #tpu.memory_space<hbm>> -> memref<128x64xf32, #tpu.memory_space<hbm>>
        %dma_start3A_91 = arith.constant 0 : i32
        %dma_start3A_92 = arith.constant 0 : i32
        %dma_start3A_93 = tpu.memref_slice %arg8[%dma_start3A_91, %dma_start3A_92] : memref<256x64xf32, #tpu.memory_space<vmem>> -> memref<128x64xf32, #tpu.memory_space<vmem>>
        tpu.enqueue_dma source(%dma_start3A_93 : memref<128x64xf32, #tpu.memory_space<vmem>>) target(%dma_start3A_90 : memref<128x64xf32, #tpu.memory_space<hbm>>) target_semaphore(%run_scoped3A_84 : memref<!tpu.dma_semaphore, #tpu.memory_space<semaphore_mem>>)
        %dma_wait3A = arith.constant 0 : i32
        %dma_wait3A_94 = arith.constant 0 : i32
        %dma_wait3A_95 = tpu.memref_slice %arg8[%dma_wait3A, %dma_wait3A_94] : memref<256x64xf32, #tpu.memory_space<vmem>> -> memref<128x64xf32, #tpu.memory_space<vmem>>
        %dma_wait3A_96 = arith.constant 0 : i32
        %dma_wait3A_97 = tpu.memref_slice %arg4[%add3A_75, %dma_wait3A_96] : memref<10240x64xf32, #tpu.memory_space<hbm>> -> memref<128x64xf32, #tpu.memory_space<hbm>>
        %dma_wait3A_98 = arith.constant 0 : i32
        %dma_wait3A_99 = tpu.memref_slice %arg4[%add3A_75, %dma_wait3A_98] : memref<10240x64xf32, #tpu.memory_space<hbm>> -> memref<128x64xf32, #tpu.memory_space<hbm>>
        %dma_wait3A_100 = arith.constant 0 : i32
        %dma_wait3A_101 = arith.constant 0 : i32
        %dma_wait3A_102 = tpu.memref_slice %arg8[%dma_wait3A_100, %dma_wait3A_101] : memref<256x64xf32, #tpu.memory_space<vmem>> -> memref<128x64xf32, #tpu.memory_space<vmem>>
        tpu.wait_dma2 semaphore(%run_scoped3A_84 : memref<!tpu.dma_semaphore, #tpu.memory_space<semaphore_mem>>) src(%dma_wait3A_102 : memref<128x64xf32, #tpu.memory_space<vmem>>) dst(%dma_wait3A_99 : memref<128x64xf32, #tpu.memory_space<hbm>>)
        tpu.yield
      }) : () -> ()
      %mul3A_76 = arith.constant 640 : i32
      %mul3A_77 = arith.muli %arg1, %mul3A_76 : i32
      %add3A_78 = arith.constant 384 : i32
      %add3A_79 = arith.addi %mul3A_77, %add3A_78 : i32
      "tpu.region"() ({
        %run_scoped3A_84 = tpu.sem_alloc : memref<!tpu.dma_semaphore, #tpu.memory_space<semaphore_mem>>
        %dma_start3A = arith.constant 0 : i32
        %dma_start3A_85 = arith.constant 0 : i32
        %dma_start3A_86 = tpu.memref_slice %arg8[%dma_start3A, %dma_start3A_85] : memref<256x64xf32, #tpu.memory_space<vmem>> -> memref<128x64xf32, #tpu.memory_space<vmem>>
        %dma_start3A_87 = arith.constant 0 : i32
        %dma_start3A_88 = tpu.memref_slice %arg9[%add3A_79, %dma_start3A_87] : memref<10240x64xf32, #tpu.memory_space<vmem_shared>> -> memref<128x64xf32, #tpu.memory_space<vmem_shared>>
        %dma_start3A_89 = arith.constant 0 : i32
        %dma_start3A_90 = arith.constant 0 : i32
        %dma_start3A_91 = tpu.memref_slice %arg8[%dma_start3A_89, %dma_start3A_90] : memref<256x64xf32, #tpu.memory_space<vmem>> -> memref<128x64xf32, #tpu.memory_space<vmem>>
        %dma_start3A_92 = arith.constant 0 : i32
        %dma_start3A_93 = tpu.memref_slice %arg9[%add3A_79, %dma_start3A_92] : memref<10240x64xf32, #tpu.memory_space<vmem_shared>> -> memref<128x64xf32, #tpu.memory_space<vmem_shared>>
        tpu.enqueue_dma source(%dma_start3A_93 : memref<128x64xf32, #tpu.memory_space<vmem_shared>>) target(%dma_start3A_91 : memref<128x64xf32, #tpu.memory_space<vmem>>) target_semaphore(%run_scoped3A_84 : memref<!tpu.dma_semaphore, #tpu.memory_space<semaphore_mem>>)
        %dma_wait3A = arith.constant 0 : i32
        %dma_wait3A_94 = arith.constant 0 : i32
        %dma_wait3A_95 = tpu.memref_slice %arg8[%dma_wait3A, %dma_wait3A_94] : memref<256x64xf32, #tpu.memory_space<vmem>> -> memref<128x64xf32, #tpu.memory_space<vmem>>
        %dma_wait3A_96 = arith.constant 0 : i32
        %dma_wait3A_97 = tpu.memref_slice %arg9[%add3A_79, %dma_wait3A_96] : memref<10240x64xf32, #tpu.memory_space<vmem_shared>> -> memref<128x64xf32, #tpu.memory_space<vmem_shared>>
        %dma_wait3A_98 = arith.constant 0 : i32
        %dma_wait3A_99 = arith.constant 0 : i32
        %dma_wait3A_100 = tpu.memref_slice %arg8[%dma_wait3A_98, %dma_wait3A_99] : memref<256x64xf32, #tpu.memory_space<vmem>> -> memref<128x64xf32, #tpu.memory_space<vmem>>
        %dma_wait3A_101 = arith.constant 0 : i32
        %dma_wait3A_102 = tpu.memref_slice %arg9[%add3A_79, %dma_wait3A_101] : memref<10240x64xf32, #tpu.memory_space<vmem_shared>> -> memref<128x64xf32, #tpu.memory_space<vmem_shared>>
        tpu.wait_dma2 semaphore(%run_scoped3A_84 : memref<!tpu.dma_semaphore, #tpu.memory_space<semaphore_mem>>) src(%dma_wait3A_102 : memref<128x64xf32, #tpu.memory_space<vmem_shared>>) dst(%dma_wait3A_100 : memref<128x64xf32, #tpu.memory_space<vmem>>)
        tpu.yield
      }) : () -> ()
      "tpu.region"() ({
        %run_scoped3A_84 = tpu.sem_alloc : memref<!tpu.dma_semaphore, #tpu.memory_space<semaphore_mem>>
        %dma_start3A = arith.constant 0 : i32
        %dma_start3A_85 = arith.constant 0 : i32
        %dma_start3A_86 = tpu.memref_slice %arg8[%dma_start3A, %dma_start3A_85] : memref<256x64xf32, #tpu.memory_space<vmem>> -> memref<128x64xf32, #tpu.memory_space<vmem>>
        %dma_start3A_87 = arith.constant 0 : i32
        %dma_start3A_88 = tpu.memref_slice %arg4[%add3A_79, %dma_start3A_87] : memref<10240x64xf32, #tpu.memory_space<hbm>> -> memref<128x64xf32, #tpu.memory_space<hbm>>
        %dma_start3A_89 = arith.constant 0 : i32
        %dma_start3A_90 = tpu.memref_slice %arg4[%add3A_79, %dma_start3A_89] : memref<10240x64xf32, #tpu.memory_space<hbm>> -> memref<128x64xf32, #tpu.memory_space<hbm>>
        %dma_start3A_91 = arith.constant 0 : i32
        %dma_start3A_92 = arith.constant 0 : i32
        %dma_start3A_93 = tpu.memref_slice %arg8[%dma_start3A_91, %dma_start3A_92] : memref<256x64xf32, #tpu.memory_space<vmem>> -> memref<128x64xf32, #tpu.memory_space<vmem>>
        tpu.enqueue_dma source(%dma_start3A_93 : memref<128x64xf32, #tpu.memory_space<vmem>>) target(%dma_start3A_90 : memref<128x64xf32, #tpu.memory_space<hbm>>) target_semaphore(%run_scoped3A_84 : memref<!tpu.dma_semaphore, #tpu.memory_space<semaphore_mem>>)
        %dma_wait3A = arith.constant 0 : i32
        %dma_wait3A_94 = arith.constant 0 : i32
        %dma_wait3A_95 = tpu.memref_slice %arg8[%dma_wait3A, %dma_wait3A_94] : memref<256x64xf32, #tpu.memory_space<vmem>> -> memref<128x64xf32, #tpu.memory_space<vmem>>
        %dma_wait3A_96 = arith.constant 0 : i32
        %dma_wait3A_97 = tpu.memref_slice %arg4[%add3A_79, %dma_wait3A_96] : memref<10240x64xf32, #tpu.memory_space<hbm>> -> memref<128x64xf32, #tpu.memory_space<hbm>>
        %dma_wait3A_98 = arith.constant 0 : i32
        %dma_wait3A_99 = tpu.memref_slice %arg4[%add3A_79, %dma_wait3A_98] : memref<10240x64xf32, #tpu.memory_space<hbm>> -> memref<128x64xf32, #tpu.memory_space<hbm>>
        %dma_wait3A_100 = arith.constant 0 : i32
        %dma_wait3A_101 = arith.constant 0 : i32
        %dma_wait3A_102 = tpu.memref_slice %arg8[%dma_wait3A_100, %dma_wait3A_101] : memref<256x64xf32, #tpu.memory_space<vmem>> -> memref<128x64xf32, #tpu.memory_space<vmem>>
        tpu.wait_dma2 semaphore(%run_scoped3A_84 : memref<!tpu.dma_semaphore, #tpu.memory_space<semaphore_mem>>) src(%dma_wait3A_102 : memref<128x64xf32, #tpu.memory_space<vmem>>) dst(%dma_wait3A_99 : memref<128x64xf32, #tpu.memory_space<hbm>>)
        tpu.yield
      }) : () -> ()
      %mul3A_80 = arith.constant 640 : i32
      %mul3A_81 = arith.muli %arg1, %mul3A_80 : i32
      %add3A_82 = arith.constant 512 : i32
      %add3A_83 = arith.addi %mul3A_81, %add3A_82 : i32
      "tpu.region"() ({
        %run_scoped3A_84 = tpu.sem_alloc : memref<!tpu.dma_semaphore, #tpu.memory_space<semaphore_mem>>
        %dma_start3A = arith.constant 0 : i32
        %dma_start3A_85 = arith.constant 0 : i32
        %dma_start3A_86 = tpu.memref_slice %arg8[%dma_start3A, %dma_start3A_85] : memref<256x64xf32, #tpu.memory_space<vmem>> -> memref<128x64xf32, #tpu.memory_space<vmem>>
        %dma_start3A_87 = arith.constant 0 : i32
        %dma_start3A_88 = tpu.memref_slice %arg9[%add3A_83, %dma_start3A_87] : memref<10240x64xf32, #tpu.memory_space<vmem_shared>> -> memref<128x64xf32, #tpu.memory_space<vmem_shared>>
        %dma_start3A_89 = arith.constant 0 : i32
        %dma_start3A_90 = arith.constant 0 : i32
        %dma_start3A_91 = tpu.memref_slice %arg8[%dma_start3A_89, %dma_start3A_90] : memref<256x64xf32, #tpu.memory_space<vmem>> -> memref<128x64xf32, #tpu.memory_space<vmem>>
        %dma_start3A_92 = arith.constant 0 : i32
        %dma_start3A_93 = tpu.memref_slice %arg9[%add3A_83, %dma_start3A_92] : memref<10240x64xf32, #tpu.memory_space<vmem_shared>> -> memref<128x64xf32, #tpu.memory_space<vmem_shared>>
        tpu.enqueue_dma source(%dma_start3A_93 : memref<128x64xf32, #tpu.memory_space<vmem_shared>>) target(%dma_start3A_91 : memref<128x64xf32, #tpu.memory_space<vmem>>) target_semaphore(%run_scoped3A_84 : memref<!tpu.dma_semaphore, #tpu.memory_space<semaphore_mem>>)
        %dma_wait3A = arith.constant 0 : i32
        %dma_wait3A_94 = arith.constant 0 : i32
        %dma_wait3A_95 = tpu.memref_slice %arg8[%dma_wait3A, %dma_wait3A_94] : memref<256x64xf32, #tpu.memory_space<vmem>> -> memref<128x64xf32, #tpu.memory_space<vmem>>
        %dma_wait3A_96 = arith.constant 0 : i32
        %dma_wait3A_97 = tpu.memref_slice %arg9[%add3A_83, %dma_wait3A_96] : memref<10240x64xf32, #tpu.memory_space<vmem_shared>> -> memref<128x64xf32, #tpu.memory_space<vmem_shared>>
        %dma_wait3A_98 = arith.constant 0 : i32
        %dma_wait3A_99 = arith.constant 0 : i32
        %dma_wait3A_100 = tpu.memref_slice %arg8[%dma_wait3A_98, %dma_wait3A_99] : memref<256x64xf32, #tpu.memory_space<vmem>> -> memref<128x64xf32, #tpu.memory_space<vmem>>
        %dma_wait3A_101 = arith.constant 0 : i32
        %dma_wait3A_102 = tpu.memref_slice %arg9[%add3A_83, %dma_wait3A_101] : memref<10240x64xf32, #tpu.memory_space<vmem_shared>> -> memref<128x64xf32, #tpu.memory_space<vmem_shared>>
        tpu.wait_dma2 semaphore(%run_scoped3A_84 : memref<!tpu.dma_semaphore, #tpu.memory_space<semaphore_mem>>) src(%dma_wait3A_102 : memref<128x64xf32, #tpu.memory_space<vmem_shared>>) dst(%dma_wait3A_100 : memref<128x64xf32, #tpu.memory_space<vmem>>)
        tpu.yield
      }) : () -> ()
      "tpu.region"() ({
        %run_scoped3A_84 = tpu.sem_alloc : memref<!tpu.dma_semaphore, #tpu.memory_space<semaphore_mem>>
        %dma_start3A = arith.constant 0 : i32
        %dma_start3A_85 = arith.constant 0 : i32
        %dma_start3A_86 = tpu.memref_slice %arg8[%dma_start3A, %dma_start3A_85] : memref<256x64xf32, #tpu.memory_space<vmem>> -> memref<128x64xf32, #tpu.memory_space<vmem>>
        %dma_start3A_87 = arith.constant 0 : i32
        %dma_start3A_88 = tpu.memref_slice %arg4[%add3A_83, %dma_start3A_87] : memref<10240x64xf32, #tpu.memory_space<hbm>> -> memref<128x64xf32, #tpu.memory_space<hbm>>
        %dma_start3A_89 = arith.constant 0 : i32
        %dma_start3A_90 = tpu.memref_slice %arg4[%add3A_83, %dma_start3A_89] : memref<10240x64xf32, #tpu.memory_space<hbm>> -> memref<128x64xf32, #tpu.memory_space<hbm>>
        %dma_start3A_91 = arith.constant 0 : i32
        %dma_start3A_92 = arith.constant 0 : i32
        %dma_start3A_93 = tpu.memref_slice %arg8[%dma_start3A_91, %dma_start3A_92] : memref<256x64xf32, #tpu.memory_space<vmem>> -> memref<128x64xf32, #tpu.memory_space<vmem>>
        tpu.enqueue_dma source(%dma_start3A_93 : memref<128x64xf32, #tpu.memory_space<vmem>>) target(%dma_start3A_90 : memref<128x64xf32, #tpu.memory_space<hbm>>) target_semaphore(%run_scoped3A_84 : memref<!tpu.dma_semaphore, #tpu.memory_space<semaphore_mem>>)
        %dma_wait3A = arith.constant 0 : i32
        %dma_wait3A_94 = arith.constant 0 : i32
        %dma_wait3A_95 = tpu.memref_slice %arg8[%dma_wait3A, %dma_wait3A_94] : memref<256x64xf32, #tpu.memory_space<vmem>> -> memref<128x64xf32, #tpu.memory_space<vmem>>
        %dma_wait3A_96 = arith.constant 0 : i32
        %dma_wait3A_97 = tpu.memref_slice %arg4[%add3A_83, %dma_wait3A_96] : memref<10240x64xf32, #tpu.memory_space<hbm>> -> memref<128x64xf32, #tpu.memory_space<hbm>>
        %dma_wait3A_98 = arith.constant 0 : i32
        %dma_wait3A_99 = tpu.memref_slice %arg4[%add3A_83, %dma_wait3A_98] : memref<10240x64xf32, #tpu.memory_space<hbm>> -> memref<128x64xf32, #tpu.memory_space<hbm>>
        %dma_wait3A_100 = arith.constant 0 : i32
        %dma_wait3A_101 = arith.constant 0 : i32
        %dma_wait3A_102 = tpu.memref_slice %arg8[%dma_wait3A_100, %dma_wait3A_101] : memref<256x64xf32, #tpu.memory_space<vmem>> -> memref<128x64xf32, #tpu.memory_space<vmem>>
        tpu.wait_dma2 semaphore(%run_scoped3A_84 : memref<!tpu.dma_semaphore, #tpu.memory_space<semaphore_mem>>) src(%dma_wait3A_102 : memref<128x64xf32, #tpu.memory_space<vmem>>) dst(%dma_wait3A_99 : memref<128x64xf32, #tpu.memory_space<hbm>>)
        tpu.yield
      }) : () -> ()
    } else {
    }
    %eq3A_59 = arith.constant 1 : i32
    %eq3A_60 = arith.cmpi eq, %arg0, %eq3A_59 : i32
    %convert_element_type3A_61 = arith.extui %eq3A_60 : i1 to i32
    %cond3A_62 = arith.constant 0 : i32
    %cond3A_63 = arith.cmpi ne, %convert_element_type3A_61, %cond3A_62 : i32
    scf.if %cond3A_63 {
      %mul3A_64 = arith.constant 640 : i32
      %mul3A_65 = arith.muli %arg1, %mul3A_64 : i32
      %add3A_66 = arith.constant 0 : i32
      %add3A_67 = arith.addi %mul3A_65, %add3A_66 : i32
      "tpu.region"() ({
        %run_scoped3A_84 = tpu.sem_alloc : memref<!tpu.dma_semaphore, #tpu.memory_space<semaphore_mem>>
        %dma_start3A = arith.constant 0 : i32
        %dma_start3A_85 = arith.constant 0 : i32
        %dma_start3A_86 = tpu.memref_slice %arg8[%dma_start3A, %dma_start3A_85] : memref<256x64xf32, #tpu.memory_space<vmem>> -> memref<128x64xf32, #tpu.memory_space<vmem>>
        %dma_start3A_87 = arith.constant 0 : i32
        %dma_start3A_88 = tpu.memref_slice %arg9[%add3A_67, %dma_start3A_87] : memref<10240x64xf32, #tpu.memory_space<vmem_shared>> -> memref<128x64xf32, #tpu.memory_space<vmem_shared>>
        %dma_start3A_89 = arith.constant 0 : i32
        %dma_start3A_90 = arith.constant 0 : i32
        %dma_start3A_91 = tpu.memref_slice %arg8[%dma_start3A_89, %dma_start3A_90] : memref<256x64xf32, #tpu.memory_space<vmem>> -> memref<128x64xf32, #tpu.memory_space<vmem>>
        %dma_start3A_92 = arith.constant 0 : i32
        %dma_start3A_93 = tpu.memref_slice %arg9[%add3A_67, %dma_start3A_92] : memref<10240x64xf32, #tpu.memory_space<vmem_shared>> -> memref<128x64xf32, #tpu.memory_space<vmem_shared>>
        tpu.enqueue_dma source(%dma_start3A_93 : memref<128x64xf32, #tpu.memory_space<vmem_shared>>) target(%dma_start3A_91 : memref<128x64xf32, #tpu.memory_space<vmem>>) target_semaphore(%run_scoped3A_84 : memref<!tpu.dma_semaphore, #tpu.memory_space<semaphore_mem>>)
        %dma_wait3A = arith.constant 0 : i32
        %dma_wait3A_94 = arith.constant 0 : i32
        %dma_wait3A_95 = tpu.memref_slice %arg8[%dma_wait3A, %dma_wait3A_94] : memref<256x64xf32, #tpu.memory_space<vmem>> -> memref<128x64xf32, #tpu.memory_space<vmem>>
        %dma_wait3A_96 = arith.constant 0 : i32
        %dma_wait3A_97 = tpu.memref_slice %arg9[%add3A_67, %dma_wait3A_96] : memref<10240x64xf32, #tpu.memory_space<vmem_shared>> -> memref<128x64xf32, #tpu.memory_space<vmem_shared>>
        %dma_wait3A_98 = arith.constant 0 : i32
        %dma_wait3A_99 = arith.constant 0 : i32
        %dma_wait3A_100 = tpu.memref_slice %arg8[%dma_wait3A_98, %dma_wait3A_99] : memref<256x64xf32, #tpu.memory_space<vmem>> -> memref<128x64xf32, #tpu.memory_space<vmem>>
        %dma_wait3A_101 = arith.constant 0 : i32
        %dma_wait3A_102 = tpu.memref_slice %arg9[%add3A_67, %dma_wait3A_101] : memref<10240x64xf32, #tpu.memory_space<vmem_shared>> -> memref<128x64xf32, #tpu.memory_space<vmem_shared>>
        tpu.wait_dma2 semaphore(%run_scoped3A_84 : memref<!tpu.dma_semaphore, #tpu.memory_space<semaphore_mem>>) src(%dma_wait3A_102 : memref<128x64xf32, #tpu.memory_space<vmem_shared>>) dst(%dma_wait3A_100 : memref<128x64xf32, #tpu.memory_space<vmem>>)
        tpu.yield
      }) : () -> ()
      "tpu.region"() ({
        %run_scoped3A_84 = tpu.sem_alloc : memref<!tpu.dma_semaphore, #tpu.memory_space<semaphore_mem>>
        %dma_start3A = arith.constant 0 : i32
        %dma_start3A_85 = arith.constant 0 : i32
        %dma_start3A_86 = tpu.memref_slice %arg8[%dma_start3A, %dma_start3A_85] : memref<256x64xf32, #tpu.memory_space<vmem>> -> memref<128x64xf32, #tpu.memory_space<vmem>>
        %dma_start3A_87 = arith.constant 0 : i32
        %dma_start3A_88 = tpu.memref_slice %arg5[%add3A_67, %dma_start3A_87] : memref<10240x64xf32, #tpu.memory_space<hbm>> -> memref<128x64xf32, #tpu.memory_space<hbm>>
        %dma_start3A_89 = arith.constant 0 : i32
        %dma_start3A_90 = tpu.memref_slice %arg5[%add3A_67, %dma_start3A_89] : memref<10240x64xf32, #tpu.memory_space<hbm>> -> memref<128x64xf32, #tpu.memory_space<hbm>>
        %dma_start3A_91 = arith.constant 0 : i32
        %dma_start3A_92 = arith.constant 0 : i32
        %dma_start3A_93 = tpu.memref_slice %arg8[%dma_start3A_91, %dma_start3A_92] : memref<256x64xf32, #tpu.memory_space<vmem>> -> memref<128x64xf32, #tpu.memory_space<vmem>>
        tpu.enqueue_dma source(%dma_start3A_93 : memref<128x64xf32, #tpu.memory_space<vmem>>) target(%dma_start3A_90 : memref<128x64xf32, #tpu.memory_space<hbm>>) target_semaphore(%run_scoped3A_84 : memref<!tpu.dma_semaphore, #tpu.memory_space<semaphore_mem>>)
        %dma_wait3A = arith.constant 0 : i32
        %dma_wait3A_94 = arith.constant 0 : i32
        %dma_wait3A_95 = tpu.memref_slice %arg8[%dma_wait3A, %dma_wait3A_94] : memref<256x64xf32, #tpu.memory_space<vmem>> -> memref<128x64xf32, #tpu.memory_space<vmem>>
        %dma_wait3A_96 = arith.constant 0 : i32
        %dma_wait3A_97 = tpu.memref_slice %arg5[%add3A_67, %dma_wait3A_96] : memref<10240x64xf32, #tpu.memory_space<hbm>> -> memref<128x64xf32, #tpu.memory_space<hbm>>
        %dma_wait3A_98 = arith.constant 0 : i32
        %dma_wait3A_99 = tpu.memref_slice %arg5[%add3A_67, %dma_wait3A_98] : memref<10240x64xf32, #tpu.memory_space<hbm>> -> memref<128x64xf32, #tpu.memory_space<hbm>>
        %dma_wait3A_100 = arith.constant 0 : i32
        %dma_wait3A_101 = arith.constant 0 : i32
        %dma_wait3A_102 = tpu.memref_slice %arg8[%dma_wait3A_100, %dma_wait3A_101] : memref<256x64xf32, #tpu.memory_space<vmem>> -> memref<128x64xf32, #tpu.memory_space<vmem>>
        tpu.wait_dma2 semaphore(%run_scoped3A_84 : memref<!tpu.dma_semaphore, #tpu.memory_space<semaphore_mem>>) src(%dma_wait3A_102 : memref<128x64xf32, #tpu.memory_space<vmem>>) dst(%dma_wait3A_99 : memref<128x64xf32, #tpu.memory_space<hbm>>)
        tpu.yield
      }) : () -> ()
      %mul3A_68 = arith.constant 640 : i32
      %mul3A_69 = arith.muli %arg1, %mul3A_68 : i32
      %add3A_70 = arith.constant 128 : i32
      %add3A_71 = arith.addi %mul3A_69, %add3A_70 : i32
      "tpu.region"() ({
        %run_scoped3A_84 = tpu.sem_alloc : memref<!tpu.dma_semaphore, #tpu.memory_space<semaphore_mem>>
        %dma_start3A = arith.constant 0 : i32
        %dma_start3A_85 = arith.constant 0 : i32
        %dma_start3A_86 = tpu.memref_slice %arg8[%dma_start3A, %dma_start3A_85] : memref<256x64xf32, #tpu.memory_space<vmem>> -> memref<128x64xf32, #tpu.memory_space<vmem>>
        %dma_start3A_87 = arith.constant 0 : i32
        %dma_start3A_88 = tpu.memref_slice %arg9[%add3A_71, %dma_start3A_87] : memref<10240x64xf32, #tpu.memory_space<vmem_shared>> -> memref<128x64xf32, #tpu.memory_space<vmem_shared>>
        %dma_start3A_89 = arith.constant 0 : i32
        %dma_start3A_90 = arith.constant 0 : i32
        %dma_start3A_91 = tpu.memref_slice %arg8[%dma_start3A_89, %dma_start3A_90] : memref<256x64xf32, #tpu.memory_space<vmem>> -> memref<128x64xf32, #tpu.memory_space<vmem>>
        %dma_start3A_92 = arith.constant 0 : i32
        %dma_start3A_93 = tpu.memref_slice %arg9[%add3A_71, %dma_start3A_92] : memref<10240x64xf32, #tpu.memory_space<vmem_shared>> -> memref<128x64xf32, #tpu.memory_space<vmem_shared>>
        tpu.enqueue_dma source(%dma_start3A_93 : memref<128x64xf32, #tpu.memory_space<vmem_shared>>) target(%dma_start3A_91 : memref<128x64xf32, #tpu.memory_space<vmem>>) target_semaphore(%run_scoped3A_84 : memref<!tpu.dma_semaphore, #tpu.memory_space<semaphore_mem>>)
        %dma_wait3A = arith.constant 0 : i32
        %dma_wait3A_94 = arith.constant 0 : i32
        %dma_wait3A_95 = tpu.memref_slice %arg8[%dma_wait3A, %dma_wait3A_94] : memref<256x64xf32, #tpu.memory_space<vmem>> -> memref<128x64xf32, #tpu.memory_space<vmem>>
        %dma_wait3A_96 = arith.constant 0 : i32
        %dma_wait3A_97 = tpu.memref_slice %arg9[%add3A_71, %dma_wait3A_96] : memref<10240x64xf32, #tpu.memory_space<vmem_shared>> -> memref<128x64xf32, #tpu.memory_space<vmem_shared>>
        %dma_wait3A_98 = arith.constant 0 : i32
        %dma_wait3A_99 = arith.constant 0 : i32
        %dma_wait3A_100 = tpu.memref_slice %arg8[%dma_wait3A_98, %dma_wait3A_99] : memref<256x64xf32, #tpu.memory_space<vmem>> -> memref<128x64xf32, #tpu.memory_space<vmem>>
        %dma_wait3A_101 = arith.constant 0 : i32
        %dma_wait3A_102 = tpu.memref_slice %arg9[%add3A_71, %dma_wait3A_101] : memref<10240x64xf32, #tpu.memory_space<vmem_shared>> -> memref<128x64xf32, #tpu.memory_space<vmem_shared>>
        tpu.wait_dma2 semaphore(%run_scoped3A_84 : memref<!tpu.dma_semaphore, #tpu.memory_space<semaphore_mem>>) src(%dma_wait3A_102 : memref<128x64xf32, #tpu.memory_space<vmem_shared>>) dst(%dma_wait3A_100 : memref<128x64xf32, #tpu.memory_space<vmem>>)
        tpu.yield
      }) : () -> ()
      "tpu.region"() ({
        %run_scoped3A_84 = tpu.sem_alloc : memref<!tpu.dma_semaphore, #tpu.memory_space<semaphore_mem>>
        %dma_start3A = arith.constant 0 : i32
        %dma_start3A_85 = arith.constant 0 : i32
        %dma_start3A_86 = tpu.memref_slice %arg8[%dma_start3A, %dma_start3A_85] : memref<256x64xf32, #tpu.memory_space<vmem>> -> memref<128x64xf32, #tpu.memory_space<vmem>>
        %dma_start3A_87 = arith.constant 0 : i32
        %dma_start3A_88 = tpu.memref_slice %arg5[%add3A_71, %dma_start3A_87] : memref<10240x64xf32, #tpu.memory_space<hbm>> -> memref<128x64xf32, #tpu.memory_space<hbm>>
        %dma_start3A_89 = arith.constant 0 : i32
        %dma_start3A_90 = tpu.memref_slice %arg5[%add3A_71, %dma_start3A_89] : memref<10240x64xf32, #tpu.memory_space<hbm>> -> memref<128x64xf32, #tpu.memory_space<hbm>>
        %dma_start3A_91 = arith.constant 0 : i32
        %dma_start3A_92 = arith.constant 0 : i32
        %dma_start3A_93 = tpu.memref_slice %arg8[%dma_start3A_91, %dma_start3A_92] : memref<256x64xf32, #tpu.memory_space<vmem>> -> memref<128x64xf32, #tpu.memory_space<vmem>>
        tpu.enqueue_dma source(%dma_start3A_93 : memref<128x64xf32, #tpu.memory_space<vmem>>) target(%dma_start3A_90 : memref<128x64xf32, #tpu.memory_space<hbm>>) target_semaphore(%run_scoped3A_84 : memref<!tpu.dma_semaphore, #tpu.memory_space<semaphore_mem>>)
        %dma_wait3A = arith.constant 0 : i32
        %dma_wait3A_94 = arith.constant 0 : i32
        %dma_wait3A_95 = tpu.memref_slice %arg8[%dma_wait3A, %dma_wait3A_94] : memref<256x64xf32, #tpu.memory_space<vmem>> -> memref<128x64xf32, #tpu.memory_space<vmem>>
        %dma_wait3A_96 = arith.constant 0 : i32
        %dma_wait3A_97 = tpu.memref_slice %arg5[%add3A_71, %dma_wait3A_96] : memref<10240x64xf32, #tpu.memory_space<hbm>> -> memref<128x64xf32, #tpu.memory_space<hbm>>
        %dma_wait3A_98 = arith.constant 0 : i32
        %dma_wait3A_99 = tpu.memref_slice %arg5[%add3A_71, %dma_wait3A_98] : memref<10240x64xf32, #tpu.memory_space<hbm>> -> memref<128x64xf32, #tpu.memory_space<hbm>>
        %dma_wait3A_100 = arith.constant 0 : i32
        %dma_wait3A_101 = arith.constant 0 : i32
        %dma_wait3A_102 = tpu.memref_slice %arg8[%dma_wait3A_100, %dma_wait3A_101] : memref<256x64xf32, #tpu.memory_space<vmem>> -> memref<128x64xf32, #tpu.memory_space<vmem>>
        tpu.wait_dma2 semaphore(%run_scoped3A_84 : memref<!tpu.dma_semaphore, #tpu.memory_space<semaphore_mem>>) src(%dma_wait3A_102 : memref<128x64xf32, #tpu.memory_space<vmem>>) dst(%dma_wait3A_99 : memref<128x64xf32, #tpu.memory_space<hbm>>)
        tpu.yield
      }) : () -> ()
      %mul3A_72 = arith.constant 640 : i32
      %mul3A_73 = arith.muli %arg1, %mul3A_72 : i32
      %add3A_74 = arith.constant 256 : i32
      %add3A_75 = arith.addi %mul3A_73, %add3A_74 : i32
      "tpu.region"() ({
        %run_scoped3A_84 = tpu.sem_alloc : memref<!tpu.dma_semaphore, #tpu.memory_space<semaphore_mem>>
        %dma_start3A = arith.constant 0 : i32
        %dma_start3A_85 = arith.constant 0 : i32
        %dma_start3A_86 = tpu.memref_slice %arg8[%dma_start3A, %dma_start3A_85] : memref<256x64xf32, #tpu.memory_space<vmem>> -> memref<128x64xf32, #tpu.memory_space<vmem>>
        %dma_start3A_87 = arith.constant 0 : i32
        %dma_start3A_88 = tpu.memref_slice %arg9[%add3A_75, %dma_start3A_87] : memref<10240x64xf32, #tpu.memory_space<vmem_shared>> -> memref<128x64xf32, #tpu.memory_space<vmem_shared>>
        %dma_start3A_89 = arith.constant 0 : i32
        %dma_start3A_90 = arith.constant 0 : i32
        %dma_start3A_91 = tpu.memref_slice %arg8[%dma_start3A_89, %dma_start3A_90] : memref<256x64xf32, #tpu.memory_space<vmem>> -> memref<128x64xf32, #tpu.memory_space<vmem>>
        %dma_start3A_92 = arith.constant 0 : i32
        %dma_start3A_93 = tpu.memref_slice %arg9[%add3A_75, %dma_start3A_92] : memref<10240x64xf32, #tpu.memory_space<vmem_shared>> -> memref<128x64xf32, #tpu.memory_space<vmem_shared>>
        tpu.enqueue_dma source(%dma_start3A_93 : memref<128x64xf32, #tpu.memory_space<vmem_shared>>) target(%dma_start3A_91 : memref<128x64xf32, #tpu.memory_space<vmem>>) target_semaphore(%run_scoped3A_84 : memref<!tpu.dma_semaphore, #tpu.memory_space<semaphore_mem>>)
        %dma_wait3A = arith.constant 0 : i32
        %dma_wait3A_94 = arith.constant 0 : i32
        %dma_wait3A_95 = tpu.memref_slice %arg8[%dma_wait3A, %dma_wait3A_94] : memref<256x64xf32, #tpu.memory_space<vmem>> -> memref<128x64xf32, #tpu.memory_space<vmem>>
        %dma_wait3A_96 = arith.constant 0 : i32
        %dma_wait3A_97 = tpu.memref_slice %arg9[%add3A_75, %dma_wait3A_96] : memref<10240x64xf32, #tpu.memory_space<vmem_shared>> -> memref<128x64xf32, #tpu.memory_space<vmem_shared>>
        %dma_wait3A_98 = arith.constant 0 : i32
        %dma_wait3A_99 = arith.constant 0 : i32
        %dma_wait3A_100 = tpu.memref_slice %arg8[%dma_wait3A_98, %dma_wait3A_99] : memref<256x64xf32, #tpu.memory_space<vmem>> -> memref<128x64xf32, #tpu.memory_space<vmem>>
        %dma_wait3A_101 = arith.constant 0 : i32
        %dma_wait3A_102 = tpu.memref_slice %arg9[%add3A_75, %dma_wait3A_101] : memref<10240x64xf32, #tpu.memory_space<vmem_shared>> -> memref<128x64xf32, #tpu.memory_space<vmem_shared>>
        tpu.wait_dma2 semaphore(%run_scoped3A_84 : memref<!tpu.dma_semaphore, #tpu.memory_space<semaphore_mem>>) src(%dma_wait3A_102 : memref<128x64xf32, #tpu.memory_space<vmem_shared>>) dst(%dma_wait3A_100 : memref<128x64xf32, #tpu.memory_space<vmem>>)
        tpu.yield
      }) : () -> ()
      "tpu.region"() ({
        %run_scoped3A_84 = tpu.sem_alloc : memref<!tpu.dma_semaphore, #tpu.memory_space<semaphore_mem>>
        %dma_start3A = arith.constant 0 : i32
        %dma_start3A_85 = arith.constant 0 : i32
        %dma_start3A_86 = tpu.memref_slice %arg8[%dma_start3A, %dma_start3A_85] : memref<256x64xf32, #tpu.memory_space<vmem>> -> memref<128x64xf32, #tpu.memory_space<vmem>>
        %dma_start3A_87 = arith.constant 0 : i32
        %dma_start3A_88 = tpu.memref_slice %arg5[%add3A_75, %dma_start3A_87] : memref<10240x64xf32, #tpu.memory_space<hbm>> -> memref<128x64xf32, #tpu.memory_space<hbm>>
        %dma_start3A_89 = arith.constant 0 : i32
        %dma_start3A_90 = tpu.memref_slice %arg5[%add3A_75, %dma_start3A_89] : memref<10240x64xf32, #tpu.memory_space<hbm>> -> memref<128x64xf32, #tpu.memory_space<hbm>>
        %dma_start3A_91 = arith.constant 0 : i32
        %dma_start3A_92 = arith.constant 0 : i32
        %dma_start3A_93 = tpu.memref_slice %arg8[%dma_start3A_91, %dma_start3A_92] : memref<256x64xf32, #tpu.memory_space<vmem>> -> memref<128x64xf32, #tpu.memory_space<vmem>>
        tpu.enqueue_dma source(%dma_start3A_93 : memref<128x64xf32, #tpu.memory_space<vmem>>) target(%dma_start3A_90 : memref<128x64xf32, #tpu.memory_space<hbm>>) target_semaphore(%run_scoped3A_84 : memref<!tpu.dma_semaphore, #tpu.memory_space<semaphore_mem>>)
        %dma_wait3A = arith.constant 0 : i32
        %dma_wait3A_94 = arith.constant 0 : i32
        %dma_wait3A_95 = tpu.memref_slice %arg8[%dma_wait3A, %dma_wait3A_94] : memref<256x64xf32, #tpu.memory_space<vmem>> -> memref<128x64xf32, #tpu.memory_space<vmem>>
        %dma_wait3A_96 = arith.constant 0 : i32
        %dma_wait3A_97 = tpu.memref_slice %arg5[%add3A_75, %dma_wait3A_96] : memref<10240x64xf32, #tpu.memory_space<hbm>> -> memref<128x64xf32, #tpu.memory_space<hbm>>
        %dma_wait3A_98 = arith.constant 0 : i32
        %dma_wait3A_99 = tpu.memref_slice %arg5[%add3A_75, %dma_wait3A_98] : memref<10240x64xf32, #tpu.memory_space<hbm>> -> memref<128x64xf32, #tpu.memory_space<hbm>>
        %dma_wait3A_100 = arith.constant 0 : i32
        %dma_wait3A_101 = arith.constant 0 : i32
        %dma_wait3A_102 = tpu.memref_slice %arg8[%dma_wait3A_100, %dma_wait3A_101] : memref<256x64xf32, #tpu.memory_space<vmem>> -> memref<128x64xf32, #tpu.memory_space<vmem>>
        tpu.wait_dma2 semaphore(%run_scoped3A_84 : memref<!tpu.dma_semaphore, #tpu.memory_space<semaphore_mem>>) src(%dma_wait3A_102 : memref<128x64xf32, #tpu.memory_space<vmem>>) dst(%dma_wait3A_99 : memref<128x64xf32, #tpu.memory_space<hbm>>)
        tpu.yield
      }) : () -> ()
      %mul3A_76 = arith.constant 640 : i32
      %mul3A_77 = arith.muli %arg1, %mul3A_76 : i32
      %add3A_78 = arith.constant 384 : i32
      %add3A_79 = arith.addi %mul3A_77, %add3A_78 : i32
      "tpu.region"() ({
        %run_scoped3A_84 = tpu.sem_alloc : memref<!tpu.dma_semaphore, #tpu.memory_space<semaphore_mem>>
        %dma_start3A = arith.constant 0 : i32
        %dma_start3A_85 = arith.constant 0 : i32
        %dma_start3A_86 = tpu.memref_slice %arg8[%dma_start3A, %dma_start3A_85] : memref<256x64xf32, #tpu.memory_space<vmem>> -> memref<128x64xf32, #tpu.memory_space<vmem>>
        %dma_start3A_87 = arith.constant 0 : i32
        %dma_start3A_88 = tpu.memref_slice %arg9[%add3A_79, %dma_start3A_87] : memref<10240x64xf32, #tpu.memory_space<vmem_shared>> -> memref<128x64xf32, #tpu.memory_space<vmem_shared>>
        %dma_start3A_89 = arith.constant 0 : i32
        %dma_start3A_90 = arith.constant 0 : i32
        %dma_start3A_91 = tpu.memref_slice %arg8[%dma_start3A_89, %dma_start3A_90] : memref<256x64xf32, #tpu.memory_space<vmem>> -> memref<128x64xf32, #tpu.memory_space<vmem>>
        %dma_start3A_92 = arith.constant 0 : i32
        %dma_start3A_93 = tpu.memref_slice %arg9[%add3A_79, %dma_start3A_92] : memref<10240x64xf32, #tpu.memory_space<vmem_shared>> -> memref<128x64xf32, #tpu.memory_space<vmem_shared>>
        tpu.enqueue_dma source(%dma_start3A_93 : memref<128x64xf32, #tpu.memory_space<vmem_shared>>) target(%dma_start3A_91 : memref<128x64xf32, #tpu.memory_space<vmem>>) target_semaphore(%run_scoped3A_84 : memref<!tpu.dma_semaphore, #tpu.memory_space<semaphore_mem>>)
        %dma_wait3A = arith.constant 0 : i32
        %dma_wait3A_94 = arith.constant 0 : i32
        %dma_wait3A_95 = tpu.memref_slice %arg8[%dma_wait3A, %dma_wait3A_94] : memref<256x64xf32, #tpu.memory_space<vmem>> -> memref<128x64xf32, #tpu.memory_space<vmem>>
        %dma_wait3A_96 = arith.constant 0 : i32
        %dma_wait3A_97 = tpu.memref_slice %arg9[%add3A_79, %dma_wait3A_96] : memref<10240x64xf32, #tpu.memory_space<vmem_shared>> -> memref<128x64xf32, #tpu.memory_space<vmem_shared>>
        %dma_wait3A_98 = arith.constant 0 : i32
        %dma_wait3A_99 = arith.constant 0 : i32
        %dma_wait3A_100 = tpu.memref_slice %arg8[%dma_wait3A_98, %dma_wait3A_99] : memref<256x64xf32, #tpu.memory_space<vmem>> -> memref<128x64xf32, #tpu.memory_space<vmem>>
        %dma_wait3A_101 = arith.constant 0 : i32
        %dma_wait3A_102 = tpu.memref_slice %arg9[%add3A_79, %dma_wait3A_101] : memref<10240x64xf32, #tpu.memory_space<vmem_shared>> -> memref<128x64xf32, #tpu.memory_space<vmem_shared>>
        tpu.wait_dma2 semaphore(%run_scoped3A_84 : memref<!tpu.dma_semaphore, #tpu.memory_space<semaphore_mem>>) src(%dma_wait3A_102 : memref<128x64xf32, #tpu.memory_space<vmem_shared>>) dst(%dma_wait3A_100 : memref<128x64xf32, #tpu.memory_space<vmem>>)
        tpu.yield
      }) : () -> ()
      "tpu.region"() ({
        %run_scoped3A_84 = tpu.sem_alloc : memref<!tpu.dma_semaphore, #tpu.memory_space<semaphore_mem>>
        %dma_start3A = arith.constant 0 : i32
        %dma_start3A_85 = arith.constant 0 : i32
        %dma_start3A_86 = tpu.memref_slice %arg8[%dma_start3A, %dma_start3A_85] : memref<256x64xf32, #tpu.memory_space<vmem>> -> memref<128x64xf32, #tpu.memory_space<vmem>>
        %dma_start3A_87 = arith.constant 0 : i32
        %dma_start3A_88 = tpu.memref_slice %arg5[%add3A_79, %dma_start3A_87] : memref<10240x64xf32, #tpu.memory_space<hbm>> -> memref<128x64xf32, #tpu.memory_space<hbm>>
        %dma_start3A_89 = arith.constant 0 : i32
        %dma_start3A_90 = tpu.memref_slice %arg5[%add3A_79, %dma_start3A_89] : memref<10240x64xf32, #tpu.memory_space<hbm>> -> memref<128x64xf32, #tpu.memory_space<hbm>>
        %dma_start3A_91 = arith.constant 0 : i32
        %dma_start3A_92 = arith.constant 0 : i32
        %dma_start3A_93 = tpu.memref_slice %arg8[%dma_start3A_91, %dma_start3A_92] : memref<256x64xf32, #tpu.memory_space<vmem>> -> memref<128x64xf32, #tpu.memory_space<vmem>>
        tpu.enqueue_dma source(%dma_start3A_93 : memref<128x64xf32, #tpu.memory_space<vmem>>) target(%dma_start3A_90 : memref<128x64xf32, #tpu.memory_space<hbm>>) target_semaphore(%run_scoped3A_84 : memref<!tpu.dma_semaphore, #tpu.memory_space<semaphore_mem>>)
        %dma_wait3A = arith.constant 0 : i32
        %dma_wait3A_94 = arith.constant 0 : i32
        %dma_wait3A_95 = tpu.memref_slice %arg8[%dma_wait3A, %dma_wait3A_94] : memref<256x64xf32, #tpu.memory_space<vmem>> -> memref<128x64xf32, #tpu.memory_space<vmem>>
        %dma_wait3A_96 = arith.constant 0 : i32
        %dma_wait3A_97 = tpu.memref_slice %arg5[%add3A_79, %dma_wait3A_96] : memref<10240x64xf32, #tpu.memory_space<hbm>> -> memref<128x64xf32, #tpu.memory_space<hbm>>
        %dma_wait3A_98 = arith.constant 0 : i32
        %dma_wait3A_99 = tpu.memref_slice %arg5[%add3A_79, %dma_wait3A_98] : memref<10240x64xf32, #tpu.memory_space<hbm>> -> memref<128x64xf32, #tpu.memory_space<hbm>>
        %dma_wait3A_100 = arith.constant 0 : i32
        %dma_wait3A_101 = arith.constant 0 : i32
        %dma_wait3A_102 = tpu.memref_slice %arg8[%dma_wait3A_100, %dma_wait3A_101] : memref<256x64xf32, #tpu.memory_space<vmem>> -> memref<128x64xf32, #tpu.memory_space<vmem>>
        tpu.wait_dma2 semaphore(%run_scoped3A_84 : memref<!tpu.dma_semaphore, #tpu.memory_space<semaphore_mem>>) src(%dma_wait3A_102 : memref<128x64xf32, #tpu.memory_space<vmem>>) dst(%dma_wait3A_99 : memref<128x64xf32, #tpu.memory_space<hbm>>)
        tpu.yield
      }) : () -> ()
      %mul3A_80 = arith.constant 640 : i32
      %mul3A_81 = arith.muli %arg1, %mul3A_80 : i32
      %add3A_82 = arith.constant 512 : i32
      %add3A_83 = arith.addi %mul3A_81, %add3A_82 : i32
      "tpu.region"() ({
        %run_scoped3A_84 = tpu.sem_alloc : memref<!tpu.dma_semaphore, #tpu.memory_space<semaphore_mem>>
        %dma_start3A = arith.constant 0 : i32
        %dma_start3A_85 = arith.constant 0 : i32
        %dma_start3A_86 = tpu.memref_slice %arg8[%dma_start3A, %dma_start3A_85] : memref<256x64xf32, #tpu.memory_space<vmem>> -> memref<128x64xf32, #tpu.memory_space<vmem>>
        %dma_start3A_87 = arith.constant 0 : i32
        %dma_start3A_88 = tpu.memref_slice %arg9[%add3A_83, %dma_start3A_87] : memref<10240x64xf32, #tpu.memory_space<vmem_shared>> -> memref<128x64xf32, #tpu.memory_space<vmem_shared>>
        %dma_start3A_89 = arith.constant 0 : i32
        %dma_start3A_90 = arith.constant 0 : i32
        %dma_start3A_91 = tpu.memref_slice %arg8[%dma_start3A_89, %dma_start3A_90] : memref<256x64xf32, #tpu.memory_space<vmem>> -> memref<128x64xf32, #tpu.memory_space<vmem>>
        %dma_start3A_92 = arith.constant 0 : i32
        %dma_start3A_93 = tpu.memref_slice %arg9[%add3A_83, %dma_start3A_92] : memref<10240x64xf32, #tpu.memory_space<vmem_shared>> -> memref<128x64xf32, #tpu.memory_space<vmem_shared>>
        tpu.enqueue_dma source(%dma_start3A_93 : memref<128x64xf32, #tpu.memory_space<vmem_shared>>) target(%dma_start3A_91 : memref<128x64xf32, #tpu.memory_space<vmem>>) target_semaphore(%run_scoped3A_84 : memref<!tpu.dma_semaphore, #tpu.memory_space<semaphore_mem>>)
        %dma_wait3A = arith.constant 0 : i32
        %dma_wait3A_94 = arith.constant 0 : i32
        %dma_wait3A_95 = tpu.memref_slice %arg8[%dma_wait3A, %dma_wait3A_94] : memref<256x64xf32, #tpu.memory_space<vmem>> -> memref<128x64xf32, #tpu.memory_space<vmem>>
        %dma_wait3A_96 = arith.constant 0 : i32
        %dma_wait3A_97 = tpu.memref_slice %arg9[%add3A_83, %dma_wait3A_96] : memref<10240x64xf32, #tpu.memory_space<vmem_shared>> -> memref<128x64xf32, #tpu.memory_space<vmem_shared>>
        %dma_wait3A_98 = arith.constant 0 : i32
        %dma_wait3A_99 = arith.constant 0 : i32
        %dma_wait3A_100 = tpu.memref_slice %arg8[%dma_wait3A_98, %dma_wait3A_99] : memref<256x64xf32, #tpu.memory_space<vmem>> -> memref<128x64xf32, #tpu.memory_space<vmem>>
        %dma_wait3A_101 = arith.constant 0 : i32
        %dma_wait3A_102 = tpu.memref_slice %arg9[%add3A_83, %dma_wait3A_101] : memref<10240x64xf32, #tpu.memory_space<vmem_shared>> -> memref<128x64xf32, #tpu.memory_space<vmem_shared>>
        tpu.wait_dma2 semaphore(%run_scoped3A_84 : memref<!tpu.dma_semaphore, #tpu.memory_space<semaphore_mem>>) src(%dma_wait3A_102 : memref<128x64xf32, #tpu.memory_space<vmem_shared>>) dst(%dma_wait3A_100 : memref<128x64xf32, #tpu.memory_space<vmem>>)
        tpu.yield
      }) : () -> ()
      "tpu.region"() ({
        %run_scoped3A_84 = tpu.sem_alloc : memref<!tpu.dma_semaphore, #tpu.memory_space<semaphore_mem>>
        %dma_start3A = arith.constant 0 : i32
        %dma_start3A_85 = arith.constant 0 : i32
        %dma_start3A_86 = tpu.memref_slice %arg8[%dma_start3A, %dma_start3A_85] : memref<256x64xf32, #tpu.memory_space<vmem>> -> memref<128x64xf32, #tpu.memory_space<vmem>>
        %dma_start3A_87 = arith.constant 0 : i32
        %dma_start3A_88 = tpu.memref_slice %arg5[%add3A_83, %dma_start3A_87] : memref<10240x64xf32, #tpu.memory_space<hbm>> -> memref<128x64xf32, #tpu.memory_space<hbm>>
        %dma_start3A_89 = arith.constant 0 : i32
        %dma_start3A_90 = tpu.memref_slice %arg5[%add3A_83, %dma_start3A_89] : memref<10240x64xf32, #tpu.memory_space<hbm>> -> memref<128x64xf32, #tpu.memory_space<hbm>>
        %dma_start3A_91 = arith.constant 0 : i32
        %dma_start3A_92 = arith.constant 0 : i32
        %dma_start3A_93 = tpu.memref_slice %arg8[%dma_start3A_91, %dma_start3A_92] : memref<256x64xf32, #tpu.memory_space<vmem>> -> memref<128x64xf32, #tpu.memory_space<vmem>>
        tpu.enqueue_dma source(%dma_start3A_93 : memref<128x64xf32, #tpu.memory_space<vmem>>) target(%dma_start3A_90 : memref<128x64xf32, #tpu.memory_space<hbm>>) target_semaphore(%run_scoped3A_84 : memref<!tpu.dma_semaphore, #tpu.memory_space<semaphore_mem>>)
        %dma_wait3A = arith.constant 0 : i32
        %dma_wait3A_94 = arith.constant 0 : i32
        %dma_wait3A_95 = tpu.memref_slice %arg8[%dma_wait3A, %dma_wait3A_94] : memref<256x64xf32, #tpu.memory_space<vmem>> -> memref<128x64xf32, #tpu.memory_space<vmem>>
        %dma_wait3A_96 = arith.constant 0 : i32
        %dma_wait3A_97 = tpu.memref_slice %arg5[%add3A_83, %dma_wait3A_96] : memref<10240x64xf32, #tpu.memory_space<hbm>> -> memref<128x64xf32, #tpu.memory_space<hbm>>
        %dma_wait3A_98 = arith.constant 0 : i32
        %dma_wait3A_99 = tpu.memref_slice %arg5[%add3A_83, %dma_wait3A_98] : memref<10240x64xf32, #tpu.memory_space<hbm>> -> memref<128x64xf32, #tpu.memory_space<hbm>>
        %dma_wait3A_100 = arith.constant 0 : i32
        %dma_wait3A_101 = arith.constant 0 : i32
        %dma_wait3A_102 = tpu.memref_slice %arg8[%dma_wait3A_100, %dma_wait3A_101] : memref<256x64xf32, #tpu.memory_space<vmem>> -> memref<128x64xf32, #tpu.memory_space<vmem>>
        tpu.wait_dma2 semaphore(%run_scoped3A_84 : memref<!tpu.dma_semaphore, #tpu.memory_space<semaphore_mem>>) src(%dma_wait3A_102 : memref<128x64xf32, #tpu.memory_space<vmem>>) dst(%dma_wait3A_99 : memref<128x64xf32, #tpu.memory_space<hbm>>)
        tpu.yield
      }) : () -> ()
    } else {
    }
    return
  }
}

module attributes {stable_mosaic.version = 14 : i64} {
  func.func @_mm_body(%arg0: i32, %arg1: memref<1024x128xf32, #tpu.memory_space<vmem>>, %arg2: memref<128x128xf32, #tpu.memory_space<vmem>>, %arg3: memref<1024x64xf32, #tpu.memory_space<vmem>>, %arg4: memref<1024x64xf32, #tpu.memory_space<vmem>>) attributes {dimension_semantics = [#tpu.dimension_semantics<arbitrary>], iteration_bounds = array<i64: 10>, scalar_prefetch = 0 : i64, scratch_operands = 0 : i64, tpu.core_type = #tpu.core_type<tc>, window_params = [{transform_indices = @transform_0, window_bounds = array<i64: 1024, 128>}, {pipeline_mode = #tpu.pipeline_mode<synchronous>, transform_indices = @transform_1, window_bounds = array<i64: 128, 128>}, {transform_indices = @transform_2, window_bounds = array<i64: 1024, 64>}, {transform_indices = @transform_3, window_bounds = array<i64: 1024, 64>}]} {
    %get3A = arith.constant 0 : index
    %get3A_0 = arith.constant 0 : index
    %get3A_1 = vector.load %arg1[%get3A, %get3A_0] : memref<1024x128xf32, #tpu.memory_space<vmem>>, vector<1024x128xf32>
    %get3A_2 = arith.constant 0 : index
    %get3A_3 = arith.constant 0 : index
    %get3A_4 = vector.load %arg2[%get3A_2, %get3A_3] : memref<128x128xf32, #tpu.memory_space<vmem>>, vector<128x64xf32>
    %dot_general3A = arith.constant dense<0.000000e+00> : vector<1024x64xf32>
    %dot_general3A_5 = tpu.matmul %get3A_1, %get3A_4, %dot_general3A {dimension_numbers = #tpu.dot_dimension_numbers<[1], [0], [0], [1], [0, 0, 1, 1], [], []>, transpose_lhs_hint = false} : vector<1024x128xf32>, vector<128x64xf32>, vector<1024x64xf32> -> vector<1024x64xf32>
    %swap3A = arith.constant 0 : index
    %swap3A_6 = arith.constant 0 : index
    %swap3A_7 = vector.load %arg3[%swap3A, %swap3A_6] : memref<1024x64xf32, #tpu.memory_space<vmem>>, vector<1024x64xf32>
    tpu.vector_store %arg3[%swap3A, %swap3A_6], %dot_general3A_5 {strides = array<i32>} : memref<1024x64xf32, #tpu.memory_space<vmem>>, vector<1024x64xf32>,
    %get3A_8 = arith.constant 0 : index
    %get3A_9 = arith.constant 0 : index
    %get3A_10 = vector.load %arg1[%get3A_8, %get3A_9] : memref<1024x128xf32, #tpu.memory_space<vmem>>, vector<1024x128xf32>
    %get3A_11 = arith.constant 0 : index
    %get3A_12 = arith.constant 64 : index
    %get3A_13 = vector.load %arg2[%get3A_11, %get3A_12] : memref<128x128xf32, #tpu.memory_space<vmem>>, vector<128x64xf32>
    %dot_general3A_14 = arith.constant dense<0.000000e+00> : vector<1024x64xf32>
    %dot_general3A_15 = tpu.matmul %get3A_10, %get3A_13, %dot_general3A_14 {dimension_numbers = #tpu.dot_dimension_numbers<[1], [0], [0], [1], [0, 0, 1, 1], [], []>, transpose_lhs_hint = false} : vector<1024x128xf32>, vector<128x64xf32>, vector<1024x64xf32> -> vector<1024x64xf32>
    %swap3A_16 = arith.constant 0 : index
    %swap3A_17 = arith.constant 0 : index
    %swap3A_18 = vector.load %arg4[%swap3A_16, %swap3A_17] : memref<1024x64xf32, #tpu.memory_space<vmem>>, vector<1024x64xf32>
    tpu.vector_store %arg4[%swap3A_16, %swap3A_17], %dot_general3A_15 {strides = array<i32>} : memref<1024x64xf32, #tpu.memory_space<vmem>>, vector<1024x64xf32>,
    return
  }
  func.func @transform_0(%arg0: i32) -> (i32, i32) {
    %c0_i32 = arith.constant 0 : i32
    %c0_i32_0 = arith.constant 0 : i32
    return %arg0, %c0_i32 : i32, i32
  }
  func.func @transform_1(%arg0: i32) -> (i32, i32) {
    %c0_i32 = arith.constant 0 : i32
    %c0_i32_0 = arith.constant 0 : i32
    %c0_i32_1 = arith.constant 0 : i32
    return %c0_i32, %c0_i32_0 : i32, i32
  }
  func.func @transform_2(%arg0: i32) -> (i32, i32) {
    %c0_i32 = arith.constant 0 : i32
    %c0_i32_0 = arith.constant 0 : i32
    return %arg0, %c0_i32 : i32, i32
  }
  func.func @transform_3(%arg0: i32) -> (i32, i32) {
    %c0_i32 = arith.constant 0 : i32
    %c0_i32_0 = arith.constant 0 : i32
    return %arg0, %c0_i32 : i32, i32
  }
}

module attributes {stable_mosaic.version = 14 : i64} {
  func.func @_combine_body(%arg0: i32, %arg1: memref<1024x64xf32, #tpu.memory_space<vmem>>, %arg2: memref<1024x64xf32, #tpu.memory_space<vmem>>, %arg3: memref<1024x1xf32, #tpu.memory_space<vmem>>, %arg4: memref<1024x1xf32, #tpu.memory_space<vmem>>, %arg5: memref<1024x64xf32, #tpu.memory_space<vmem>>, %arg6: memref<1x64xf32, #tpu.memory_space<vmem>>, %arg7: memref<64x128xf32, #tpu.memory_space<vmem>>, %arg8: memref<1024x64xf32, #tpu.memory_space<vmem>>, %arg9: memref<1024x64xf32, #tpu.memory_space<vmem>>) attributes {dimension_semantics = [#tpu.dimension_semantics<arbitrary>], iteration_bounds = array<i64: 10>, scalar_prefetch = 0 : i64, scratch_operands = 0 : i64, tpu.core_type = #tpu.core_type<tc>, window_params = [{transform_indices = @transform_0, window_bounds = array<i64: 1024, 64>}, {transform_indices = @transform_1, window_bounds = array<i64: 1024, 64>}, {transform_indices = @transform_2, window_bounds = array<i64: 1024, 1>}, {transform_indices = @transform_3, window_bounds = array<i64: 1024, 1>}, {transform_indices = @transform_4, window_bounds = array<i64: 1024, 64>}, {pipeline_mode = #tpu.pipeline_mode<synchronous>, transform_indices = @transform_5, window_bounds = array<i64: 1, 64>}, {pipeline_mode = #tpu.pipeline_mode<synchronous>, transform_indices = @transform_6, window_bounds = array<i64: 64, 128>}, {transform_indices = @transform_7, window_bounds = array<i64: 1024, 64>}, {transform_indices = @transform_8, window_bounds = array<i64: 1024, 64>}]} {
    %get3A = arith.constant 0 : index
    %get3A_0 = arith.constant 0 : index
    %get3A_1 = vector.load %arg3[%get3A, %get3A_0] : memref<1024x1xf32, #tpu.memory_space<vmem>>, vector<1024x1xf32>
    %get3A_2 = arith.constant 0 : index
    %get3A_3 = arith.constant 0 : index
    %get3A_4 = vector.load %arg4[%get3A_2, %get3A_3] : memref<1024x1xf32, #tpu.memory_space<vmem>>, vector<1024x1xf32>
    %add3A = arith.addf %get3A_1, %get3A_4 : vector<1024x1xf32>
    %max3A = arith.constant 1.000000e+00 : f32
    %max3A_5 = vector.broadcast %max3A : f32 to vector<1024x1xf32>
    %max3A_6 = arith.maximumf %add3A, %max3A_5 : vector<1024x1xf32>
    %div3A = arith.constant 1.000000e+00 : f32
    %div3A_7 = vector.broadcast %div3A : f32 to vector<1024x1xf32>
    %div3A_8 = arith.divf %div3A_7, %max3A_6 : vector<1024x1xf32>
    %get3A_9 = arith.constant 0 : index
    %get3A_10 = arith.constant 0 : index
    %get3A_11 = vector.load %arg1[%get3A_9, %get3A_10] : memref<1024x64xf32, #tpu.memory_space<vmem>>, vector<1024x64xf32>
    %get3A_12 = arith.constant 0 : index
    %get3A_13 = arith.constant 0 : index
    %get3A_14 = vector.load %arg2[%get3A_12, %get3A_13] : memref<1024x64xf32, #tpu.memory_space<vmem>>, vector<1024x64xf32>
    %add3A_15 = arith.addf %get3A_11, %get3A_14 : vector<1024x64xf32>
    %mul3A = vector.broadcast %div3A_8 : vector<1024x1xf32> to vector<1024x64xf32>
    %mul3A_16 = arith.mulf %add3A_15, %mul3A : vector<1024x64xf32>
    %get3A_17 = arith.constant 0 : index
    %get3A_18 = arith.constant 0 : index
    %get3A_19 = vector.load %arg6[%get3A_17, %get3A_18] : memref<1x64xf32, #tpu.memory_space<vmem>>, vector<1x64xf32>
    %add3A_20 = vector.broadcast %get3A_19 : vector<1x64xf32> to vector<1024x64xf32>
    %add3A_21 = arith.addf %mul3A_16, %add3A_20 : vector<1024x64xf32>
    %get3A_22 = arith.constant 0 : index
    %get3A_23 = arith.constant 0 : index
    %get3A_24 = vector.load %arg5[%get3A_22, %get3A_23] : memref<1024x64xf32, #tpu.memory_space<vmem>>, vector<1024x64xf32>
    %add3A_25 = arith.addf %add3A_21, %get3A_24 : vector<1024x64xf32>
    %max3A_26 = arith.constant 0.000000e+00 : f32
    %max3A_27 = vector.broadcast %max3A_26 : f32 to vector<1024x64xf32>
    %max3A_28 = arith.maximumf %add3A_25, %max3A_27 : vector<1024x64xf32>
    %get3A_29 = arith.constant 0 : index
    %get3A_30 = arith.constant 0 : index
    %get3A_31 = vector.load %arg7[%get3A_29, %get3A_30] : memref<64x128xf32, #tpu.memory_space<vmem>>, vector<64x64xf32>
    %dot_general3A = arith.constant dense<0.000000e+00> : vector<1024x64xf32>
    %dot_general3A_32 = tpu.matmul %max3A_28, %get3A_31, %dot_general3A {dimension_numbers = #tpu.dot_dimension_numbers<[1], [0], [0], [1], [0, 0, 1, 1], [], []>, transpose_lhs_hint = false} : vector<1024x64xf32>, vector<64x64xf32>, vector<1024x64xf32> -> vector<1024x64xf32>
    %swap3A = arith.constant 0 : index
    %swap3A_33 = arith.constant 0 : index
    %swap3A_34 = vector.load %arg8[%swap3A, %swap3A_33] : memref<1024x64xf32, #tpu.memory_space<vmem>>, vector<1024x64xf32>
    tpu.vector_store %arg8[%swap3A, %swap3A_33], %dot_general3A_32 {strides = array<i32>} : memref<1024x64xf32, #tpu.memory_space<vmem>>, vector<1024x64xf32>,
    %get3A_35 = arith.constant 0 : index
    %get3A_36 = arith.constant 64 : index
    %get3A_37 = vector.load %arg7[%get3A_35, %get3A_36] : memref<64x128xf32, #tpu.memory_space<vmem>>, vector<64x64xf32>
    %dot_general3A_38 = arith.constant dense<0.000000e+00> : vector<1024x64xf32>
    %dot_general3A_39 = tpu.matmul %max3A_28, %get3A_37, %dot_general3A_38 {dimension_numbers = #tpu.dot_dimension_numbers<[1], [0], [0], [1], [0, 0, 1, 1], [], []>, transpose_lhs_hint = false} : vector<1024x64xf32>, vector<64x64xf32>, vector<1024x64xf32> -> vector<1024x64xf32>
    %swap3A_40 = arith.constant 0 : index
    %swap3A_41 = arith.constant 0 : index
    %swap3A_42 = vector.load %arg9[%swap3A_40, %swap3A_41] : memref<1024x64xf32, #tpu.memory_space<vmem>>, vector<1024x64xf32>
    tpu.vector_store %arg9[%swap3A_40, %swap3A_41], %dot_general3A_39 {strides = array<i32>} : memref<1024x64xf32, #tpu.memory_space<vmem>>, vector<1024x64xf32>,
    return
  }
  func.func @transform_0(%arg0: i32) -> (i32, i32) {
    %c0_i32 = arith.constant 0 : i32
    %c0_i32_0 = arith.constant 0 : i32
    return %arg0, %c0_i32 : i32, i32
  }
  func.func @transform_1(%arg0: i32) -> (i32, i32) {
    %c0_i32 = arith.constant 0 : i32
    %c0_i32_0 = arith.constant 0 : i32
    return %arg0, %c0_i32 : i32, i32
  }
  func.func @transform_2(%arg0: i32) -> (i32, i32) {
    %c0_i32 = arith.constant 0 : i32
    %c0_i32_0 = arith.constant 0 : i32
    return %arg0, %c0_i32 : i32, i32
  }
  func.func @transform_3(%arg0: i32) -> (i32, i32) {
    %c0_i32 = arith.constant 0 : i32
    %c0_i32_0 = arith.constant 0 : i32
    return %arg0, %c0_i32 : i32, i32
  }
  func.func @transform_4(%arg0: i32) -> (i32, i32) {
    %c0_i32 = arith.constant 0 : i32
    %c0_i32_0 = arith.constant 0 : i32
    return %arg0, %c0_i32 : i32, i32
  }
  func.func @transform_5(%arg0: i32) -> (i32, i32) {
    %c0_i32 = arith.constant 0 : i32
    %c0_i32_0 = arith.constant 0 : i32
    %c0_i32_1 = arith.constant 0 : i32
    return %c0_i32, %c0_i32_0 : i32, i32
  }
  func.func @transform_6(%arg0: i32) -> (i32, i32) {
    %c0_i32 = arith.constant 0 : i32
    %c0_i32_0 = arith.constant 0 : i32
    %c0_i32_1 = arith.constant 0 : i32
    return %c0_i32, %c0_i32_0 : i32, i32
  }
  func.func @transform_7(%arg0: i32) -> (i32, i32) {
    %c0_i32 = arith.constant 0 : i32
    %c0_i32_0 = arith.constant 0 : i32
    return %arg0, %c0_i32 : i32, i32
  }
  func.func @transform_8(%arg0: i32) -> (i32, i32) {
    %c0_i32 = arith.constant 0 : i32
    %c0_i32_0 = arith.constant 0 : i32
    return %arg0, %c0_i32 : i32, i32
  }
}

module attributes {stable_mosaic.version = 14 : i64} {
  func.func @_final_body(%arg0: i32, %arg1: memref<1024x64xf32, #tpu.memory_space<vmem>>, %arg2: memref<1024x64xf32, #tpu.memory_space<vmem>>, %arg3: memref<1024x1xf32, #tpu.memory_space<vmem>>, %arg4: memref<1024x1xf32, #tpu.memory_space<vmem>>, %arg5: memref<1024x64xf32, #tpu.memory_space<vmem>>, %arg6: memref<1x64xf32, #tpu.memory_space<vmem>>, %arg7: memref<1x64xf32, #tpu.memory_space<vmem>>, %arg8: memref<1x1xf32, #tpu.memory_space<vmem>>, %arg9: memref<1024xf32, #tpu.memory_space<vmem>>) attributes {dimension_semantics = [#tpu.dimension_semantics<arbitrary>], iteration_bounds = array<i64: 10>, scalar_prefetch = 0 : i64, scratch_operands = 0 : i64, tpu.core_type = #tpu.core_type<tc>, window_params = [{transform_indices = @transform_0, window_bounds = array<i64: 1024, 64>}, {transform_indices = @transform_1, window_bounds = array<i64: 1024, 64>}, {transform_indices = @transform_2, window_bounds = array<i64: 1024, 1>}, {transform_indices = @transform_3, window_bounds = array<i64: 1024, 1>}, {transform_indices = @transform_4, window_bounds = array<i64: 1024, 64>}, {pipeline_mode = #tpu.pipeline_mode<synchronous>, transform_indices = @transform_5, window_bounds = array<i64: 1, 64>}, {pipeline_mode = #tpu.pipeline_mode<synchronous>, transform_indices = @transform_6, window_bounds = array<i64: 1, 64>}, {pipeline_mode = #tpu.pipeline_mode<synchronous>, transform_indices = @transform_7, window_bounds = array<i64: 1, 1>}, {transform_indices = @transform_8, window_bounds = array<i64: 1024>}]} {
    %get3A = arith.constant 0 : index
    %get3A_0 = arith.constant 0 : index
    %get3A_1 = vector.load %arg3[%get3A, %get3A_0] : memref<1024x1xf32, #tpu.memory_space<vmem>>, vector<1024x1xf32>
    %get3A_2 = arith.constant 0 : index
    %get3A_3 = arith.constant 0 : index
    %get3A_4 = vector.load %arg4[%get3A_2, %get3A_3] : memref<1024x1xf32, #tpu.memory_space<vmem>>, vector<1024x1xf32>
    %add3A = arith.addf %get3A_1, %get3A_4 : vector<1024x1xf32>
    %max3A = arith.constant 1.000000e+00 : f32
    %max3A_5 = vector.broadcast %max3A : f32 to vector<1024x1xf32>
    %max3A_6 = arith.maximumf %add3A, %max3A_5 : vector<1024x1xf32>
    %div3A = arith.constant 1.000000e+00 : f32
    %div3A_7 = vector.broadcast %div3A : f32 to vector<1024x1xf32>
    %div3A_8 = arith.divf %div3A_7, %max3A_6 : vector<1024x1xf32>
    %get3A_9 = arith.constant 0 : index
    %get3A_10 = arith.constant 0 : index
    %get3A_11 = vector.load %arg1[%get3A_9, %get3A_10] : memref<1024x64xf32, #tpu.memory_space<vmem>>, vector<1024x64xf32>
    %get3A_12 = arith.constant 0 : index
    %get3A_13 = arith.constant 0 : index
    %get3A_14 = vector.load %arg2[%get3A_12, %get3A_13] : memref<1024x64xf32, #tpu.memory_space<vmem>>, vector<1024x64xf32>
    %add3A_15 = arith.addf %get3A_11, %get3A_14 : vector<1024x64xf32>
    %mul3A = vector.broadcast %div3A_8 : vector<1024x1xf32> to vector<1024x64xf32>
    %mul3A_16 = arith.mulf %add3A_15, %mul3A : vector<1024x64xf32>
    %get3A_17 = arith.constant 0 : index
    %get3A_18 = arith.constant 0 : index
    %get3A_19 = vector.load %arg6[%get3A_17, %get3A_18] : memref<1x64xf32, #tpu.memory_space<vmem>>, vector<1x64xf32>
    %add3A_20 = vector.broadcast %get3A_19 : vector<1x64xf32> to vector<1024x64xf32>
    %add3A_21 = arith.addf %mul3A_16, %add3A_20 : vector<1024x64xf32>
    %get3A_22 = arith.constant 0 : index
    %get3A_23 = arith.constant 0 : index
    %get3A_24 = vector.load %arg5[%get3A_22, %get3A_23] : memref<1024x64xf32, #tpu.memory_space<vmem>>, vector<1024x64xf32>
    %add3A_25 = arith.addf %add3A_21, %get3A_24 : vector<1024x64xf32>
    %max3A_26 = arith.constant 0.000000e+00 : f32
    %max3A_27 = vector.broadcast %max3A_26 : f32 to vector<1024x64xf32>
    %max3A_28 = arith.maximumf %add3A_25, %max3A_27 : vector<1024x64xf32>
    %get3A_29 = arith.constant 0 : index
    %get3A_30 = arith.constant 0 : index
    %get3A_31 = vector.load %arg7[%get3A_29, %get3A_30] : memref<1x64xf32, #tpu.memory_space<vmem>>, vector<1x64xf32>
    %mul3A_32 = vector.broadcast %get3A_31 : vector<1x64xf32> to vector<1024x64xf32>
    %mul3A_33 = arith.mulf %max3A_28, %mul3A_32 : vector<1024x64xf32>
    %reduce_sum3A = arith.constant dense<0.000000e+00> : vector<1024xf32>
    %reduce_sum3A_34 = vector.multi_reduction <add>, %mul3A_33, %reduce_sum3A [1] : vector<1024x64xf32> to vector<1024xf32>
    %get3A_35 = arith.constant 0 : index
    %get3A_36 = arith.constant 0 : index
    %get3A_37 = vector.load %arg8[%get3A_35, %get3A_36] : memref<1x1xf32, #tpu.memory_space<vmem>>, vector<1x1xf32>
    %get3A_38 = vector.extract %get3A_37[0, 0] : f32 from vector<1x1xf32>
    %add3A_39 = vector.broadcast %get3A_38 : f32 to vector<1024xf32>
    %add3A_40 = arith.addf %reduce_sum3A_34, %add3A_39 : vector<1024xf32>
    %swap3A = arith.constant 0 : index
    %swap3A_41 = vector.load %arg9[%swap3A] : memref<1024xf32, #tpu.memory_space<vmem>>, vector<1024xf32>
    tpu.vector_store %arg9[%swap3A], %add3A_40 {strides = array<i32>} : memref<1024xf32, #tpu.memory_space<vmem>>, vector<1024xf32>,
    return
  }
  func.func @transform_0(%arg0: i32) -> (i32, i32) {
    %c0_i32 = arith.constant 0 : i32
    %c0_i32_0 = arith.constant 0 : i32
    return %arg0, %c0_i32 : i32, i32
  }
  func.func @transform_1(%arg0: i32) -> (i32, i32) {
    %c0_i32 = arith.constant 0 : i32
    %c0_i32_0 = arith.constant 0 : i32
    return %arg0, %c0_i32 : i32, i32
  }
  func.func @transform_2(%arg0: i32) -> (i32, i32) {
    %c0_i32 = arith.constant 0 : i32
    %c0_i32_0 = arith.constant 0 : i32
    return %arg0, %c0_i32 : i32, i32
  }
  func.func @transform_3(%arg0: i32) -> (i32, i32) {
    %c0_i32 = arith.constant 0 : i32
    %c0_i32_0 = arith.constant 0 : i32
    return %arg0, %c0_i32 : i32, i32
  }
  func.func @transform_4(%arg0: i32) -> (i32, i32) {
    %c0_i32 = arith.constant 0 : i32
    %c0_i32_0 = arith.constant 0 : i32
    return %arg0, %c0_i32 : i32, i32
  }
  func.func @transform_5(%arg0: i32) -> (i32, i32) {
    %c0_i32 = arith.constant 0 : i32
    %c0_i32_0 = arith.constant 0 : i32
    %c0_i32_1 = arith.constant 0 : i32
    return %c0_i32, %c0_i32_0 : i32, i32
  }
  func.func @transform_6(%arg0: i32) -> (i32, i32) {
    %c0_i32 = arith.constant 0 : i32
    %c0_i32_0 = arith.constant 0 : i32
    %c0_i32_1 = arith.constant 0 : i32
    return %c0_i32, %c0_i32_0 : i32, i32
  }
  func.func @transform_7(%arg0: i32) -> (i32, i32) {
    %c0_i32 = arith.constant 0 : i32
    %c0_i32_0 = arith.constant 0 : i32
    %c0_i32_1 = arith.constant 0 : i32
    return %c0_i32, %c0_i32_0 : i32, i32
  }
  func.func @transform_8(%arg0: i32) -> i32 {
    %c0_i32 = arith.constant 0 : i32
    return %arg0 : i32
  }
}

</mosaic_0001>

<sc_bundles>
// kernel: kernel.10.cloned.1.call-start
scs
__scs_entry_jumppad:
0x0: {  	(pc) =	sbr.rel $0x88, $3  }
0x1: {  	(tag) =	ssettag $0x0;
	lr =	simm.s32 $0x1  }
0x2: {  	[smem:$0x3F97] =	sst lr;
	_ =	strace $0xD0000000  }
0x3: {  	_ = 	snop  }
0x4: {  	_ = 	snop  }
0x5: {  	_ = 	snop  }
0x6: {  	_ = 	snop  }
0x7: {  	_ = 	snop  }
__scs_overlays_trampoline_lowered:
0x8: {  	[smem:$0x3FA6] =	sst s0  }
0x9: {  	[smem:$0x3FA7] =	sst s1  }
0xa: {  	[smem:$0x3FA8] =	sst s2  }
0xb: {  	[smem:$0x3FA9] =	sst s3  }
0xc: {  	[smem:$0x3FAA] =	sst s4  }
0xd: {  	[smem:$0x3FAB] =	sst s5  }
0xe: {  	[smem:$0x3FAC] =	sst s6  }
0xf: {  	[smem:$0x3FAD] =	sst s7  }
0x10: {  	[smem:$0x3FAE] =	sst s8  }
0x11: {  	[smem:$0x3FAF] =	sst s9;
	s0 =	simm.s32 @!p0 $0x0  }
0x12: {  	s1 =	sld [smem:$0x3F95];
	s0 =	simm.s32 @p0 $0x1  }
0x13: {  	[smem:$0x3FB0] =	sst s0;
	s0 =	simm.s32 @!p1 $0x0  }
0x14: {  	s2 =	sld [smem:$0x3F94];
	s0 =	simm.s32 @p1 $0x1  }
0x15: {  	[smem:$0x3FB1] =	sst s0;
	s0 =	simm.s32 @!p2 $0x0  }
0x16: {  	s3 =	sld [smem:$0x3FDB];
	s0 =	simm.s32 @p2 $0x1  }
0x17: {  	s4 =	simm.s32 $0x1BF5;
	[smem:$0x3FB3] =	sst s0  }
0x18: {  	s0 =	sld [smem:$0x3F96];
	_ =	swait.ge [sflag:s4], $0x0  }
0x19: {  	s7 =	sld [smem:$0x3F97]  }
0x1a: {  	s8 =	sadd.s32 $0xFFFFE003, lr  }
0x1b: {  	s9 =	sadd.s32 $0xFFFFFEF7, lr;
	s5 =	simm.s32 $0xFFFFFFFF;
	p2 =	slt.u32 s8, $0xFFFFF086  }
0x1c: {  	p1 =	slt.u32 s9, $0xF7A;
	s5 =	simm.s32 @!p2 $0x0  }
0x1d: {  	s5 =	simm.s32 @p1 $0x1;
	p0 =	seq.s32 s7, s2  }
0x1e: {  	s7 =	smul.u32 @!p0 $0xF7A, s2;
	p2 =	seq.s32 @!p0 s5, $0x0  }
0x1f: {  	s9 =	smul.u32 $0xF7A, s1;
	s8 =	simm.s32 @!p0 $0x1BF5;
	p2 =	por !p2, p0  }
0x20: {  	[sflag:s8] =	ssyncset.s32 @!p0 $0xFFFFF086;
	s6 =	sadd.s32 @!p0 s3, s7;
	s7 =	simm.s32 @!p0 $0x108  }
0x21: {  	s3 =	sadd.s32 s3, s9;
	s6 =	sadd.s32 @!p0 $0x88, s6;
	s7 =	simm.s32 @p2 $0x1082  }
0x22: {  	[simem:s7], [sflag:s8] =	dma.local @!p0 [hbm:s6], $0xF7A  }
0x23: {  	s9 =	sor.u32 $0xD0000000, s2;
	s6 =	simm.s32 $0x108;
	_ =	swait.ge @!p0 [sflag:s8], $0x0  }
0x24: {  	s3 =	sadd.s32 $0x88, s3;
	s6 =	simm.s32 @!p1 $0x1082;
	[sflag:s4] =	ssyncset.s32 $0xFFFFF086  }
0x25: {  	[simem:s6], [sflag:s4] =	dma.local [hbm:s3], $0xF7A  }
0x26: {  	[smem:$0x3F97] =	sst s1;
	(tag) =	ssettag s2;
	_ =	strace s9  }
0x27: {  	s1 =	sld [smem:$0x3FA7]  }
0x28: {  	s2 =	sld [smem:$0x3FA8]  }
0x29: {  	s4 =	sld [smem:$0x3FAA]  }
0x2a: {  	p0 =	seq.s32 s5, $0x0;
	s5 =	sld [smem:$0x3FAB]  }
0x2b: {  	s6 =	sld [smem:$0x3FAC]  }
0x2c: {  	s7 =	sld [smem:$0x3FAD]  }
0x2d: {  	s3 =	simm.s32 $0x108;
	s8 =	sld [smem:$0x3FAE]  }
0x2e: {  	s3 =	simm.s32 @!p0 $0x1082;
	s9 =	sld [smem:$0x3FAF]  }
0x2f: {  	lr =	sadd.s32 s0, s3;
	s0 =	sld [smem:$0x3FA6]  }
0x30: {  	s3 =	sld [smem:$0x3FA9]  }
0x31: {  	[smem:$0x3FB2] =	sst s10  }
0x32: {  	s10 =	sld [smem:$0x3FB0];
	_ =	sdelay $0x3  }
0x33: {  	p0 =	seq.s32 s10, $0x1;
	s10 =	sld [smem:$0x3FB2];
	_ =	sdelay $0x3  }
0x34: {  	[smem:$0x3FB2] =	sst s10  }
0x35: {  	s10 =	sld [smem:$0x3FB1];
	_ =	sdelay $0x3  }
0x36: {  	p1 =	seq.s32 s10, $0x1;
	s10 =	sld [smem:$0x3FB2];
	_ =	sdelay $0x3  }
0x37: {  	[smem:$0x3FB2] =	sst s10  }
0x38: {  	s10 =	sld [smem:$0x3FB3]  }
0x39: {  	_ = 	snop;
	(pc) =	sbr.ind lr, $3  }
0x3a: {  	_ = 	snop  }
0x3b: {  	_ = 	snop  }
0x3c: {  	p2 =	seq.s32 s10, $0x1;
	s10 =	sld [smem:$0x3FB2]  }
0x3d: {  	_ =	shalt  }
0x3e: {  	_ =	shalt  }
0x3f: {  	_ =	shalt  }
0x40: {  	_ =	shalt  }
0x41: {  	_ =	shalt  }
0x42: {  	_ =	shalt  }
0x43: {  	_ =	shalt  }
0x44: {  	_ =	shalt  }
0x45: {  	_ =	shalt  }
0x46: {  	_ =	shalt  }
0x47: {  	_ =	shalt  }
0x48: {  	_ =	shalt  }
0x49: {  	_ =	shalt  }
0x4a: {  	_ =	shalt  }
0x4b: {  	_ =	shalt  }
0x4c: {  	_ =	shalt  }
0x4d: {  	_ =	shalt  }
0x4e: {  	_ =	shalt  }
0x4f: {  	_ =	shalt  }
0x50: {  	_ =	shalt  }
0x51: {  	_ =	shalt  }
0x52: {  	_ =	shalt  }
0x53: {  	_ =	shalt  }
0x54: {  	_ =	shalt  }
0x55: {  	_ =	shalt  }
0x56: {  	_ =	shalt  }
0x57: {  	_ =	shalt  }
0x58: {  	_ =	shalt  }
0x59: {  	_ =	shalt  }
0x5a: {  	_ =	shalt  }
0x5b: {  	_ =	shalt  }
0x5c: {  	_ =	shalt  }
0x5d: {  	_ =	shalt  }
0x5e: {  	_ =	shalt  }
0x5f: {  	_ =	shalt  }
0x60: {  	_ =	shalt  }
0x61: {  	_ =	shalt  }
0x62: {  	_ =	shalt  }
0x63: {  	_ =	shalt  }
0x64: {  	_ =	shalt  }
0x65: {  	_ =	shalt  }
0x66: {  	_ =	shalt  }
0x67: {  	_ =	shalt  }
0x68: {  	_ =	shalt  }
0x69: {  	_ =	shalt  }
0x6a: {  	_ =	shalt  }
0x6b: {  	_ =	shalt  }
0x6c: {  	_ =	shalt  }
0x6d: {  	_ =	shalt  }
0x6e: {  	_ =	shalt  }
0x6f: {  	_ =	shalt  }
0x70: {  	_ =	shalt  }
0x71: {  	_ =	shalt  }
0x72: {  	_ =	shalt  }
0x73: {  	_ =	shalt  }
0x74: {  	_ =	shalt  }
0x75: {  	_ =	shalt  }
0x76: {  	_ =	shalt  }
0x77: {  	_ =	shalt  }
0x78: {  	_ =	shalt  }
0x79: {  	_ =	shalt  }
0x7a: {  	_ =	shalt  }
0x7b: {  	_ =	shalt  }
0x7c: {  	_ =	shalt  }
0x7d: {  	_ =	shalt  }
0x7e: {  	_ =	shalt  }
0x7f: {  	_ =	shalt  }
0x80: {  	_ =	shalt  }
0x81: {  	_ =	shalt  }
0x82: {  	_ =	shalt  }
0x83: {  	_ =	shalt  }
0x84: {  	_ =	shalt  }
0x85: {  	_ =	shalt  }
0x86: {  	_ =	shalt  }
0x87: {  	_ =	shalt  }
.Lfunc_end0:
.L_simem_size_0:
called_computation.1_lowered:
.L_overlay_start_0:
0x88: {  	s2 =	sld [smem:$0x3FD9]  }
0x89: {  	s3 =	sld [smem:$0x3FFE];
	_ =	sdelay $0x1  }
0x8a: {  	s1 =	srdreg.scid  }
0x8b: {  	s0 =	sand.u32 $0x1, s1  }
0x8c: {  	s16 =	sshll.u32 s0, $0xA;
	s2 =	sadd.s32 s3, s2  }
0x8d: {  	s2 =	sadd.s32 s2, s16  }
0x8e: {  	[smem:$0x3FBE] =	sst s2  }
0x8f: {  	_ = 	snop  }
0x90: {  	(tm) =	ssettm $0x1  }
0x91: {  	s17 =	sld [smem:$0x3FFB];
	_ =	sdelay $0x3  }
0x92: {  	_ =	strace s17  }
0x93: {  	s2 =	sld [smem:$0x3FFC];
	_ =	sdelay $0x3  }
0x94: {  	_ =	strace s2  }
0x95: {  	s2 =	sld [smem:$0x3FFD];
	_ =	sdelay $0x3  }
0x96: {  	_ =	strace s2  }
0x97: {  	_ =	strace $0x8FFFFFFF  }
0x98: {  	s18 =	sld [smem:$0x3FDB];
	_ =	sdelay $0x1  }
0x99: {  	s19 =	simm.s32 $_scs_section_size  }
0x9a: {  	s4 =	simm.s32 $_size__tile_overlayer_lowered;
	s5 =	simm.s32 $_tile_overlayer_lowered  }
0x9b: {  	s22 =	simm.s32 $0x1BFF;
	s21 =	sshll.u32 s5, $0x1;
	s2 =	sadd.s32 s19, s18  }
0x9c: {  	s6 =	simm.s32 $0x0;
	s20 =	sshll.u32 s4, $0x1;
	s4 =	sadd.s32 s21, s2  }
0x9d: {  	[timem:s6], [sflag:s22] =	dma.local [hbm:s4], s20  }
0x9e: {  	_ =	swait.ge [sflag:s22], s20  }
0x9f: {  	s3 =	ssub.s32 $0x0, s20;
	[sflag:s22] =	ssyncset.done $0x0  }
0xa0: {  	[sflag:s22] =	ssyncadd.s32 s3;
	_ =	sdelay $0x1  }
0xa1: {  	s23 =	simm.s32 $0x1B8B  }
0xa2: {  	_ =	swait.ge [sflag:s23], $0x1  }
0xa3: {  	[sflag:s23] =	ssyncset.done $0x0  }
0xa4: {  	s25 =	simm.s32 $0x1B8E;
	s24 =	sld [smem:$0x3FFE];
	[sflag:s23] =	ssyncadd.s32 $0xFFFFFFFF  }
0xa5: {  	s26 =	simm.s32 $execute0_lowered;
	[smem:$0x3FD2] =	sst s25  }
0xa6: {  	s4 =	sshll.u32 s26, $0x1;
	_ =	strace $0x80000049;
	[dreg:$0x1] =	wrdreg $0xFFFFFFFF  }
0xa7: {  	s28 =	simm.s32 $_size_execute0_lowered;
	s2 =	sadd.s32 s2, s4;
	[dreg:$0x0] =	wrdreg $0x0  }
0xa8: {  	s4 =	sshll.u32 s28, $0x1;
	[dreg:$0x2] =	wrdreg s2  }
0xa9: {  	[dreg:$0x3] =	wrdreg s4  }
0xaa: {  	[dreg:$0x4] =	wrdreg $0xC0  }
0xab: {  	_ =	task [dreg:s6], $0x5FFFF  }
0xac: {  	[dreg:$0x1] =	wrdreg $0xFFFFFFFF  }
0xad: {  	[dreg:$0x0] =	wrdreg $0x60  }
0xae: {  	[dreg:$0x2] =	wrdreg s24  }
0xaf: {  	[dreg:$0x3] =	wrdreg $0x90000  }
0xb0: {  	[dreg:$0x4] =	wrdreg $0x130000  }
0xb1: {  	[dreg:$0x5] =	wrdreg $0x9  }
0xb2: {  	_ =	task.clear_ibuf [dreg:s6], $0x6FFFF;
	_ =	strace $0x90000049  }
0xb3: {  	s29 =	simm.s32 $0x9;
	_ =	strace $0x8000004B  }
0xb4: {  	_ =	swait.ge [sflag:s29], $0x1  }
0xb5: {  	[sflag:s29] =	ssyncadd.s32 $0xFFFFFFFF  }
0xb6: {  	_ =	strace $0x9000004B  }
0xb7: {  	_ =	sfence  }
0xb8: {  	s30 =	sld [smem:$0x0];
	_ =	sdelay $0x2  }
0xb9: {  	s31 =	sshll.u32 s1, $0xD;
	s1 =	sshrl.u32 s1, $0x2  }
0xba: {  	s3 =	sand.u32 $0x4000, s31;
	s1 =	sadd.s32 s1, s30  }
0xbb: {  	s0 =	sor.u32 s3, s0;
	s1 =	sshll.u32 s1, $0x11  }
0xbc: {  	s0 =	sor.u32 s1, s0  }
0xbd: {  	s0 =	sadd.s32 $0x8F2B, s0  }
0xbe: {  	[sflag:s0] =	ssyncadd.remote.s32 $0x1  }
0xbf: {  	_ =	sfence.sel $0xFFFF  }
0xc0: {  	[dreg:$0x0] =	wrdreg $0xFFFFFFFF;
	(pc) =	sbr.abs _section_cstart, $3  }
0xc1: {  	[dreg:$0x1] =	wrdreg $0xFFFFFFFF  }
0xc2: {  	_ =	task.clear_ibuf [dreg:s6], $0x2FFFF;
	_ =	strace $0x9FFFFFFF  }
0xc3: {  	(tm) =	ssettm $0x7FFFFFFF  }
tec
execute0_lowered:
.L_overlay_start_1:
0x0: {  	(tag) =	ssettag $0x1  }
0x1: {  	s0 =	rddreg [dreg:$0x0]  }
0x2: {  	s2 =	rddreg [dreg:$0x1]  }
0x3: {  	s1 =	srdreg.scid;
	s8 =	stileid.u32  }
0x4: {  	s3 =	rddreg [dreg:$0x2];
	s4 =	simm.s32 $0x0;
	s29 =	simm.s32 $0x5000  }
0x5: {  	s30 =	simm.s32 $0x2;
	s31 =	simm.s32 $0x0;
	s1 =	sand.u32 $0x1, s1  }
0x6: {  	s5 =	sshll.u32 s8, $0x1;
	[smem:$0x7FF] =	sst s4;
	s8 =	smul.u32 $0xA000, s8  }
0x7: {  	s9 =	sadd.s32 $0x3C00, s0;
	s5 =	sor.u32 s1, s5;
	_ =	strace $0x8000004A  }
0x8: {  	s6 =	ssub.s32 $0x2, s1;
	p0 =	seq.s32 s1, $0x1;
	s1 =	simm.s32 $0x17C00  }
0x9: {  	s5 =	smul.u32 $0x2800, s5;
	s7 =	sshrl.u32 s6, $0x1;
	s21 =	sadd.s32 $0x2000, s8  }
0xa: {  	s22 =	sadd.s32 $0x4000, s8;
	s24 =	sadd.s32 $0x6000, s8;
	s26 =	sadd.s32 $0x8000, s8  }
0xb: {  	s13 =	sshrl.u32 s8, $0x3;
	s1 =	simm.s32 @!p0 $0x2BC00;
	s28 =	ssub.s32 s6, s7  }
0xc: {  	s6 =	sadd.s32 s21, s2;
	s7 =	sadd.s32 s22, s2;
	s14 =	sshrl.u32 s21, $0x3  }
0xd: {  	s10 =	sadd.s32 s9, s13;
	s15 =	sshrl.u32 s22, $0x3;
	s16 =	sshrl.u32 s24, $0x3  }
0xe: {  	s17 =	sshrl.u32 s26, $0x3;
	s21 =	sadd.s32 s21, s3;
	s22 =	sadd.s32 s22, s3  }
0xf: {  	s5 =	sshrl.u32 s5, $0x3;
	[dreg:$0x4] =	wrdreg s10;
	s20 =	sadd.s32 s9, s14  }
0x10: {  	s23 =	sadd.s32 s9, s15;
	s25 =	sadd.s32 s9, s16;
	s12 =	sadd.s32 s9, s17  }
0x11: {  	s28 =	smax.u32 s28, $0x1;
	s19 =	sadd.s32 s5, s0;
	[dreg:$0x5] =	wrdreg s20  }
0x12: {  	s5 =	sadd.s32 s8, s2;
	[dreg:$0x6] =	wrdreg s23;
	s0 =	sadd.s32 s1, s0  }
0x13: {  	[dreg:$0x7] =	wrdreg s25;
	s20 =	sadd.s32 s8, s3;
	s23 =	sadd.s32 s24, s2  }
0x14: {  	s24 =	sadd.s32 s24, s3;
	s25 =	sadd.s32 s26, s2;
	s26 =	sadd.s32 s26, s3  }
0x15: {  	s1 =	simm.s32 $0x100;
	s13 =	sadd.s32 s0, s13;
	s14 =	sadd.s32 s0, s14  }
0x16: {  	s15 =	sadd.s32 s0, s15;
	s16 =	sadd.s32 s0, s16;
	s17 =	sadd.s32 s0, s17  }
0x17: {  	v0 =	vimm.f32 $0.0e+00;
	s18 =	sadd.s32 $0x3FC00, s19;
	s19 =	sadd.s32 $0x49C00, s19;
	s0 =	simm.s32 $0x1  }
.LBB2_1:
0x18: {  	s9 =	simm.s32 $0x100;
	s8 =	simm.s32 $0x0  }
.LBB2_2:
0x19: {  	p0 =	sne.s32 s9, $0x7F00;
	[tilespmem:s8+$0x5030] =	vst v0;
	s10 =	smov.u32 s9;
	s9 =	sadd.s32 $0x100, s9  }
.Ltmp0:
0x1a: {  	[tilespmem:s8+$0x5020] =	vst v0;
	(pc) =	sbr.rel @p0 .LBB2_2-.Ltmp0, $3  }
0x1b: {  	[tilespmem:s8+$0x5000] =	vst v0  }
0x1c: {  	[tilespmem:s8+$0x5010] =	vst v0;
	_ =	sdelay $0x1  }
0x1d: {  	s8 =	sshra.s32 s10, $0x2  }
0x1e: {  	[tilespmem:s8+$0x5030] =	vst v0  }
0x1f: {  	[tilespmem:s8+$0x5020] =	vst v0  }
0x20: {  	[tilespmem:s8+$0x5000] =	vst v0  }
0x21: {  	[tilespmem:s8+$0x5010] =	vst v0  }
0x22: {  	[spmem:s5] =	stream.linear.scatter [tilespmem:s29], [sflag:$0x2], $0x2000, $0x38;
	[tilespmem:$0x1D000] =	vst v63  }
0x23: {  	_ =	swait.ge [sflag:s30], $0x2000  }
0x24: {  	[sflag:s30] =	ssyncset.done $0x0  }
0x25: {  	[sflag:s30] =	ssyncadd.s32 $0xFFFFE000  }
0x26: {  	[spmem:s6] =	stream.linear.scatter [tilespmem:s29], [sflag:$0x2], $0x2000, $0x38;
	[tilespmem:$0x1D000] =	vst v63  }
0x27: {  	_ =	swait.ge [sflag:s30], $0x2000  }
0x28: {  	[sflag:s30] =	ssyncset.done $0x0  }
0x29: {  	[sflag:s30] =	ssyncadd.s32 $0xFFFFE000  }
0x2a: {  	[spmem:s7] =	stream.linear.scatter [tilespmem:s29], [sflag:$0x2], $0x2000, $0x38;
	[tilespmem:$0x1D000] =	vst v63  }
0x2b: {  	_ =	swait.ge [sflag:s30], $0x2000  }
0x2c: {  	[sflag:s30] =	ssyncset.done $0x0  }
0x2d: {  	[sflag:s30] =	ssyncadd.s32 $0xFFFFE000  }
0x2e: {  	[spmem:s23] =	stream.linear.scatter [tilespmem:s29], [sflag:$0x2], $0x2000, $0x38;
	[tilespmem:$0x1D000] =	vst v63  }
0x2f: {  	_ =	swait.ge [sflag:s30], $0x2000  }
0x30: {  	[sflag:s30] =	ssyncset.done $0x0  }
0x31: {  	[sflag:s30] =	ssyncadd.s32 $0xFFFFE000  }
0x32: {  	[spmem:s25] =	stream.linear.scatter [tilespmem:s29], [sflag:$0x2], $0x2000, $0x38;
	[tilespmem:$0x1D000] =	vst v63  }
0x33: {  	_ =	swait.ge [sflag:s30], $0x2000  }
0x34: {  	[sflag:s30] =	ssyncset.done $0x0  }
0x35: {  	s8 =	simm.s32 $0x0;
	[sflag:s30] =	ssyncadd.s32 $0xFFFFE000  }
0x36: {  	[tilespmem:s8], [sflag:$0x2] =	stream.linear.gather [hbm4b:s18+s8], $0x2800, $0x38;
	[tilespmem:$0x1D000] =	vst v63  }
0x37: {  	_ =	swait.ge [sflag:s30], $0x2800  }
0x38: {  	[sflag:s30] =	ssyncset.done $0x0  }
0x39: {  	s9 =	simm.s32 $0x2800;
	[sflag:s30] =	ssyncadd.s32 $0xFFFFD800  }
0x3a: {  	[tilespmem:s9], [sflag:$0x2] =	stream.linear.gather [hbm4b:s19+s8], $0x2800, $0x38;
	[tilespmem:$0x1D000] =	vst v63  }
0x3b: {  	_ =	swait.ge [sflag:s30], $0x2800  }
0x3c: {  	[sflag:s30] =	ssyncset.done $0x0  }
0x3d: {  	s10 =	rddreg [dreg:$0x4];
	[sflag:s30] =	ssyncadd.s32 $0xFFFFD800  }
0x3e: {  	[tilespmem:s29], [sflag:$0x2] =	stream.linear.gather [hbm4b:s10+s8], $0x2000, $0x38;
	[tilespmem:$0x1D000] =	vst v63  }
0x3f: {  	_ =	swait.ge [sflag:s30], $0x2000  }
0x40: {  	[sflag:s30] =	ssyncset.done $0x0  }
0x41: {  	[sflag:s30] =	ssyncadd.s32 $0xFFFFE000  }
0x42: {  	[spmem:s20] =	stream.linear.scatter [tilespmem:s29], [sflag:$0x2], $0x2000, $0x38;
	[tilespmem:$0x1D000] =	vst v63  }
0x43: {  	_ =	swait.ge [sflag:s30], $0x2000  }
0x44: {  	[sflag:s30] =	ssyncset.done $0x0  }
0x45: {  	s11 =	rddreg [dreg:$0x5];
	[sflag:s30] =	ssyncadd.s32 $0xFFFFE000  }
0x46: {  	[tilespmem:s29], [sflag:$0x2] =	stream.linear.gather [hbm4b:s11+s8], $0x2000, $0x38;
	[tilespmem:$0x1D000] =	vst v63  }
0x47: {  	_ =	swait.ge [sflag:s30], $0x2000  }
0x48: {  	[sflag:s30] =	ssyncset.done $0x0  }
0x49: {  	[sflag:s30] =	ssyncadd.s32 $0xFFFFE000  }
0x4a: {  	[spmem:s21] =	stream.linear.scatter [tilespmem:s29], [sflag:$0x2], $0x2000, $0x38;
	[tilespmem:$0x1D000] =	vst v63  }
0x4b: {  	_ =	swait.ge [sflag:s30], $0x2000  }
0x4c: {  	[sflag:s30] =	ssyncset.done $0x0  }
0x4d: {  	s10 =	rddreg [dreg:$0x6];
	[sflag:s30] =	ssyncadd.s32 $0xFFFFE000  }
0x4e: {  	[tilespmem:s29], [sflag:$0x2] =	stream.linear.gather [hbm4b:s10+s8], $0x2000, $0x38;
	[tilespmem:$0x1D000] =	vst v63  }
0x4f: {  	_ =	swait.ge [sflag:s30], $0x2000  }
0x50: {  	[sflag:s30] =	ssyncset.done $0x0  }
0x51: {  	[sflag:s30] =	ssyncadd.s32 $0xFFFFE000  }
0x52: {  	[spmem:s22] =	stream.linear.scatter [tilespmem:s29], [sflag:$0x2], $0x2000, $0x38;
	[tilespmem:$0x1D000] =	vst v63  }
0x53: {  	_ =	swait.ge [sflag:s30], $0x2000  }
0x54: {  	[sflag:s30] =	ssyncset.done $0x0  }
0x55: {  	s11 =	rddreg [dreg:$0x7];
	[sflag:s30] =	ssyncadd.s32 $0xFFFFE000  }
0x56: {  	[tilespmem:s29], [sflag:$0x2] =	stream.linear.gather [hbm4b:s11+s8], $0x2000, $0x38;
	[tilespmem:$0x1D000] =	vst v63  }
0x57: {  	_ =	swait.ge [sflag:s30], $0x2000  }
0x58: {  	[sflag:s30] =	ssyncset.done $0x0  }
0x59: {  	[sflag:s30] =	ssyncadd.s32 $0xFFFFE000  }
0x5a: {  	[spmem:s24] =	stream.linear.scatter [tilespmem:s29], [sflag:$0x2], $0x2000, $0x38;
	[tilespmem:$0x1D000] =	vst v63  }
0x5b: {  	_ =	swait.ge [sflag:s30], $0x2000  }
0x5c: {  	[sflag:s30] =	ssyncset.done $0x0  }
0x5d: {  	[sflag:s30] =	ssyncadd.s32 $0xFFFFE000  }
0x5e: {  	[tilespmem:s29], [sflag:$0x2] =	stream.linear.gather [hbm4b:s12+s8], $0x2000, $0x38;
	[tilespmem:$0x1D000] =	vst v63  }
0x5f: {  	_ =	swait.ge [sflag:s30], $0x2000  }
0x60: {  	[sflag:s30] =	ssyncset.done $0x0  }
0x61: {  	[sflag:s30] =	ssyncadd.s32 $0xFFFFE000  }
0x62: {  	[spmem:s26] =	stream.linear.scatter [tilespmem:s29], [sflag:$0x2], $0x2000, $0x38;
	[tilespmem:$0x1D000] =	vst v63  }
0x63: {  	_ =	swait.ge [sflag:s30], $0x2000  }
0x64: {  	[sflag:s30] =	ssyncset.done $0x0  }
0x65: {  	[sflag:s30] =	ssyncadd.s32 $0xFFFFE000  }
0x66: {  	s10 =	simm.s32 $0x0;
	[bflag:$0x0] =	sbarrier.arrive $0xFFFF  }
0x67: {  	[tilespmem:s29], [sflag:$0x1] =	stream.indirect.gather [spmem:s3], $0x40, s10, s1, $0xb8;
	[tilespmem:$0x1D000] =	vst v63  }
0x68: {  	_ =	swait.ge [sflag:s0], $0x4000  }
0x69: {  	[sflag:s0] =	ssyncset.done $0x0  }
0x6a: {  	s11 =	simm.s32 $0x2800;
	[sflag:s0] =	ssyncadd.s32 $0xFFFFC000  }
0x6b: {  	[spmem:s2] =	stream.indirect.scatter.add.f32 [tilespmem:s29], [sflag:$0x2], $0x40, s11, s1, $0xb8;
	[tilespmem:$0x1D000] =	vst v63  }
0x6c: {  	_ =	swait.ge [sflag:s30], $0x4000  }
0x6d: {  	s9 =	simm.s32 $0x800;
	s8 =	simm.s32 $0x400;
	[sflag:s30] =	ssyncset.done $0x0  }
.LBB2_4:
0x6e: {  	s10 =	sshra.s32 s8, $0x2  }
0x6f: {  	[sflag:s30] =	ssyncadd.s32 $0xFFFFC000;
	s8 =	smov.u32 s9;
	s11 =	sadd.s32 $0x400, s9  }
0x70: {  	[tilespmem:s29], [sflag:$0x1] =	stream.indirect.gather [spmem:s3], $0x40, s10, s1, $0xb8;
	[tilespmem:$0x1D000] =	vst v63  }
0x71: {  	p0 =	sne.s32 s9, $0x9C00;
	_ =	swait.ge [sflag:s0], $0x4000  }
.Ltmp1:
0x72: {  	[sflag:s0] =	ssyncset.done $0x0;
	(pc) =	sbr.rel @p0 .LBB2_4-.Ltmp1, $4  }
0x73: {  	s9 =	sadd.s32 $0x2800, s10;
	[sflag:s0] =	ssyncadd.s32 $0xFFFFC000  }
0x74: {  	[spmem:s2] =	stream.indirect.scatter.add.f32 [tilespmem:s29], [sflag:$0x2], $0x40, s9, s1, $0xb8;
	[tilespmem:$0x1D000] =	vst v63  }
0x75: {  	_ =	swait.ge [sflag:s30], $0x4000  }
0x76: {  	s9 =	smov.u32 s11;
	[sflag:s30] =	ssyncset.done $0x0  }
0x77: {  	s8 =	sshra.s32 s8, $0x2;
	[sflag:s30] =	ssyncadd.s32 $0xFFFFC000  }
0x78: {  	[tilespmem:s29], [sflag:$0x1] =	stream.indirect.gather [spmem:s3], $0x40, s8, s1, $0xb8;
	[tilespmem:$0x1D000] =	vst v63  }
0x79: {  	_ =	swait.ge [sflag:s0], $0x4000  }
0x7a: {  	[sflag:s0] =	ssyncset.done $0x0  }
0x7b: {  	s8 =	sadd.s32 $0x2800, s8;
	[sflag:s0] =	ssyncadd.s32 $0xFFFFC000  }
0x7c: {  	[spmem:s2] =	stream.indirect.scatter.add.f32 [tilespmem:s29], [sflag:$0x2], $0x40, s8, s1, $0xb8;
	[tilespmem:$0x1D000] =	vst v63  }
0x7d: {  	_ =	swait.ge [sflag:s30], $0x4000  }
0x7e: {  	[sflag:s30] =	ssyncset.done $0x0  }
0x7f: {  	[sflag:s30] =	ssyncadd.s32 $0xFFFFC000  }
0x80: {  	[bflag:$0x0] =	sbarrier.arrive $0xFFFF  }
0x81: {  	[tilespmem:s29], [sflag:$0x2] =	stream.linear.gather [spmem:s5], $0x2000, $0x38;
	[tilespmem:$0x1D000] =	vst v63  }
0x82: {  	_ =	swait.ge [sflag:s30], $0x2000  }
0x83: {  	[sflag:s30] =	ssyncset.done $0x0  }
0x84: {  	[sflag:s30] =	ssyncadd.s32 $0xFFFFE000  }
0x85: {  	[hbm4b:s13+s4] =	stream.linear.scatter [tilespmem:s29], [sflag:$0x2], $0x2000, $0x38;
	[tilespmem:$0x1D000] =	vst v63  }
0x86: {  	_ =	swait.ge [sflag:s30], $0x2000  }
0x87: {  	[sflag:s30] =	ssyncset.done $0x0  }
0x88: {  	[sflag:s30] =	ssyncadd.s32 $0xFFFFE000  }
0x89: {  	[tilespmem:s29], [sflag:$0x2] =	stream.linear.gather [spmem:s6], $0x2000, $0x38;
	[tilespmem:$0x1D000] =	vst v63  }
0x8a: {  	_ =	swait.ge [sflag:s30], $0x2000  }
0x8b: {  	[sflag:s30] =	ssyncset.done $0x0  }
0x8c: {  	[sflag:s30] =	ssyncadd.s32 $0xFFFFE000  }
0x8d: {  	[hbm4b:s14+s4] =	stream.linear.scatter [tilespmem:s29], [sflag:$0x2], $0x2000, $0x38;
	[tilespmem:$0x1D000] =	vst v63  }
0x8e: {  	_ =	swait.ge [sflag:s30], $0x2000  }
0x8f: {  	[sflag:s30] =	ssyncset.done $0x0  }
0x90: {  	[sflag:s30] =	ssyncadd.s32 $0xFFFFE000  }
0x91: {  	[tilespmem:s29], [sflag:$0x2] =	stream.linear.gather [spmem:s7], $0x2000, $0x38;
	[tilespmem:$0x1D000] =	vst v63  }
0x92: {  	_ =	swait.ge [sflag:s30], $0x2000  }
0x93: {  	[sflag:s30] =	ssyncset.done $0x0  }
0x94: {  	[sflag:s30] =	ssyncadd.s32 $0xFFFFE000  }
0x95: {  	[hbm4b:s15+s4] =	stream.linear.scatter [tilespmem:s29], [sflag:$0x2], $0x2000, $0x38;
	[tilespmem:$0x1D000] =	vst v63  }
0x96: {  	_ =	swait.ge [sflag:s30], $0x2000  }
0x97: {  	[sflag:s30] =	ssyncset.done $0x0  }
0x98: {  	[sflag:s30] =	ssyncadd.s32 $0xFFFFE000  }
0x99: {  	[tilespmem:s29], [sflag:$0x2] =	stream.linear.gather [spmem:s23], $0x2000, $0x38;
	[tilespmem:$0x1D000] =	vst v63  }
0x9a: {  	_ =	swait.ge [sflag:s30], $0x2000  }
0x9b: {  	[sflag:s30] =	ssyncset.done $0x0  }
0x9c: {  	[sflag:s30] =	ssyncadd.s32 $0xFFFFE000  }
0x9d: {  	[hbm4b:s16+s4] =	stream.linear.scatter [tilespmem:s29], [sflag:$0x2], $0x2000, $0x38;
	[tilespmem:$0x1D000] =	vst v63  }
0x9e: {  	_ =	swait.ge [sflag:s30], $0x2000  }
0x9f: {  	[sflag:s30] =	ssyncset.done $0x0  }
0xa0: {  	[sflag:s30] =	ssyncadd.s32 $0xFFFFE000  }
0xa1: {  	[tilespmem:s29], [sflag:$0x2] =	stream.linear.gather [spmem:s25], $0x2000, $0x38;
	[tilespmem:$0x1D000] =	vst v63  }
0xa2: {  	s31 =	sadd.s32 $0x1, s31;
	_ =	swait.ge [sflag:s30], $0x2000  }
0xa3: {  	p0 =	sne.s32 s31, s28;
	[sflag:s30] =	ssyncset.done $0x0  }
.Ltmp2:
0xa4: {  	[sflag:s30] =	ssyncadd.s32 $0xFFFFE000;
	(pc) =	sbr.rel @p0 .LBB2_1-.Ltmp2, $4  }
0xa5: {  	[hbm4b:s17+s4] =	stream.linear.scatter [tilespmem:s29], [sflag:$0x2], $0x2000, $0x38;
	[tilespmem:$0x1D000] =	vst v63  }
0xa6: {  	_ =	swait.ge [sflag:s30], $0x2000  }
0xa7: {  	[sflag:s30] =	ssyncset.done $0x0  }
0xa8: {  	[sflag:s30] =	ssyncadd.s32 $0xFFFFE000  }
0xa9: {  	_ =	sfence.sel $0x180000  }
0xaa: {  	[bflag:$0x0] =	sbarrier.arrive $0xFFFF  }
0xab: {  	_ =	strace $0x9000004A  }
0xac: {  	s0 =	stileid.u32;
	[bflag:$0x2] =	sbarrier.arrive $0xFFFF  }
0xad: {  	p0 =	sne.s32 s0, $0x0;
	s0 =	rddreg [dreg:$0x3]  }
0xae: {  	s0 =	sadd.s32 @!p0 $0x100000, s0  }
0xaf: {  	[sflag:s0] =	ssyncadd.tile.s32 @!p0 $0x1;
	_ =	shalt  }
.Lfunc_end2:
_tile_overlayer_lowered:
.L_overlay_start_2:
0xb0: {  	(tag) =	ssettag $0x2  }
0xb1: {  	s0 =	rddreg [dreg:$0x0];
	s2 =	stileid.u32  }
0xb2: {  	s1 =	rddreg [dreg:$0x1];
	p0 =	sne.s32 s2, $0x0  }
0xb3: {  	s3 =	rddreg [dreg:$0x2];
	[bflag:$0x3] =	sbarrier.arrive $0xFFFF;
	s2 =	simm.s32 @!p0 $0x1C02  }
0xb4: {  	[timem:s3], [sflag:s2] =	dma.local @!p0 [hbm:s0], s1  }
0xb5: {  	s0 =	simm.s32 @!p0 $0x2  }
0xb6: {  	_ =	swait.ge @!p0 [sflag:s0], s1  }
0xb7: {  	s1 =	ssub.s32 @!p0 $0x0, s1;
	[sflag:s0] =	ssyncset.done @!p0 $0x0  }
0xb8: {  	[sflag:s0] =	ssyncadd.s32 @!p0 s1  }
0xb9: {  	[bflag:$0x3] =	sbarrier.arrive $0xFFFF  }
0xba: {  	_ =	shalt  }

// kernel: kernel.7.cloned.1.call-start
scs
__scs_entry_jumppad:
0x0: {  	(pc) =	sbr.rel $0x88, $3  }
0x1: {  	(tag) =	ssettag $0x0;
	lr =	simm.s32 $0x1  }
0x2: {  	[smem:$0x3F97] =	sst lr;
	_ =	strace $0xD0000000  }
0x3: {  	_ = 	snop  }
0x4: {  	_ = 	snop  }
0x5: {  	_ = 	snop  }
0x6: {  	_ = 	snop  }
0x7: {  	_ = 	snop  }
__scs_overlays_trampoline_lowered:
0x8: {  	[smem:$0x3FA6] =	sst s0  }
0x9: {  	[smem:$0x3FA7] =	sst s1  }
0xa: {  	[smem:$0x3FA8] =	sst s2  }
0xb: {  	[smem:$0x3FA9] =	sst s3  }
0xc: {  	[smem:$0x3FAA] =	sst s4  }
0xd: {  	[smem:$0x3FAB] =	sst s5  }
0xe: {  	[smem:$0x3FAC] =	sst s6  }
0xf: {  	[smem:$0x3FAD] =	sst s7  }
0x10: {  	[smem:$0x3FAE] =	sst s8  }
0x11: {  	[smem:$0x3FAF] =	sst s9;
	s0 =	simm.s32 @!p0 $0x0  }
0x12: {  	s1 =	sld [smem:$0x3F95];
	s0 =	simm.s32 @p0 $0x1  }
0x13: {  	[smem:$0x3FB0] =	sst s0;
	s0 =	simm.s32 @!p1 $0x0  }
0x14: {  	s2 =	sld [smem:$0x3F94];
	s0 =	simm.s32 @p1 $0x1  }
0x15: {  	[smem:$0x3FB1] =	sst s0;
	s0 =	simm.s32 @!p2 $0x0  }
0x16: {  	s3 =	sld [smem:$0x3FDB];
	s0 =	simm.s32 @p2 $0x1  }
0x17: {  	s4 =	simm.s32 $0x1BF5;
	[smem:$0x3FB3] =	sst s0  }
0x18: {  	s0 =	sld [smem:$0x3F96];
	_ =	swait.ge [sflag:s4], $0x0  }
0x19: {  	s7 =	sld [smem:$0x3F97]  }
0x1a: {  	s8 =	sadd.s32 $0xFFFFE003, lr  }
0x1b: {  	s9 =	sadd.s32 $0xFFFFFEF7, lr;
	s5 =	simm.s32 $0xFFFFFFFF;
	p2 =	slt.u32 s8, $0xFFFFF086  }
0x1c: {  	p1 =	slt.u32 s9, $0xF7A;
	s5 =	simm.s32 @!p2 $0x0  }
0x1d: {  	s5 =	simm.s32 @p1 $0x1;
	p0 =	seq.s32 s7, s2  }
0x1e: {  	s7 =	smul.u32 @!p0 $0xF7A, s2;
	p2 =	seq.s32 @!p0 s5, $0x0  }
0x1f: {  	s9 =	smul.u32 $0xF7A, s1;
	s8 =	simm.s32 @!p0 $0x1BF5;
	p2 =	por !p2, p0  }
0x20: {  	[sflag:s8] =	ssyncset.s32 @!p0 $0xFFFFF086;
	s6 =	sadd.s32 @!p0 s3, s7;
	s7 =	simm.s32 @!p0 $0x108  }
0x21: {  	s3 =	sadd.s32 s3, s9;
	s6 =	sadd.s32 @!p0 $0x88, s6;
	s7 =	simm.s32 @p2 $0x1082  }
0x22: {  	[simem:s7], [sflag:s8] =	dma.local @!p0 [hbm:s6], $0xF7A  }
0x23: {  	s9 =	sor.u32 $0xD0000000, s2;
	s6 =	simm.s32 $0x108;
	_ =	swait.ge @!p0 [sflag:s8], $0x0  }
0x24: {  	s3 =	sadd.s32 $0x88, s3;
	s6 =	simm.s32 @!p1 $0x1082;
	[sflag:s4] =	ssyncset.s32 $0xFFFFF086  }
0x25: {  	[simem:s6], [sflag:s4] =	dma.local [hbm:s3], $0xF7A  }
0x26: {  	[smem:$0x3F97] =	sst s1;
	(tag) =	ssettag s2;
	_ =	strace s9  }
0x27: {  	s1 =	sld [smem:$0x3FA7]  }
0x28: {  	s2 =	sld [smem:$0x3FA8]  }
0x29: {  	s4 =	sld [smem:$0x3FAA]  }
0x2a: {  	p0 =	seq.s32 s5, $0x0;
	s5 =	sld [smem:$0x3FAB]  }
0x2b: {  	s6 =	sld [smem:$0x3FAC]  }
0x2c: {  	s7 =	sld [smem:$0x3FAD]  }
0x2d: {  	s3 =	simm.s32 $0x108;
	s8 =	sld [smem:$0x3FAE]  }
0x2e: {  	s3 =	simm.s32 @!p0 $0x1082;
	s9 =	sld [smem:$0x3FAF]  }
0x2f: {  	lr =	sadd.s32 s0, s3;
	s0 =	sld [smem:$0x3FA6]  }
0x30: {  	s3 =	sld [smem:$0x3FA9]  }
0x31: {  	[smem:$0x3FB2] =	sst s10  }
0x32: {  	s10 =	sld [smem:$0x3FB0];
	_ =	sdelay $0x3  }
0x33: {  	p0 =	seq.s32 s10, $0x1;
	s10 =	sld [smem:$0x3FB2];
	_ =	sdelay $0x3  }
0x34: {  	[smem:$0x3FB2] =	sst s10  }
0x35: {  	s10 =	sld [smem:$0x3FB1];
	_ =	sdelay $0x3  }
0x36: {  	p1 =	seq.s32 s10, $0x1;
	s10 =	sld [smem:$0x3FB2];
	_ =	sdelay $0x3  }
0x37: {  	[smem:$0x3FB2] =	sst s10  }
0x38: {  	s10 =	sld [smem:$0x3FB3]  }
0x39: {  	_ = 	snop;
	(pc) =	sbr.ind lr, $3  }
0x3a: {  	_ = 	snop  }
0x3b: {  	_ = 	snop  }
0x3c: {  	p2 =	seq.s32 s10, $0x1;
	s10 =	sld [smem:$0x3FB2]  }
0x3d: {  	_ =	shalt  }
0x3e: {  	_ =	shalt  }
0x3f: {  	_ =	shalt  }
0x40: {  	_ =	shalt  }
0x41: {  	_ =	shalt  }
0x42: {  	_ =	shalt  }
0x43: {  	_ =	shalt  }
0x44: {  	_ =	shalt  }
0x45: {  	_ =	shalt  }
0x46: {  	_ =	shalt  }
0x47: {  	_ =	shalt  }
0x48: {  	_ =	shalt  }
0x49: {  	_ =	shalt  }
0x4a: {  	_ =	shalt  }
0x4b: {  	_ =	shalt  }
0x4c: {  	_ =	shalt  }
0x4d: {  	_ =	shalt  }
0x4e: {  	_ =	shalt  }
0x4f: {  	_ =	shalt  }
0x50: {  	_ =	shalt  }
0x51: {  	_ =	shalt  }
0x52: {  	_ =	shalt  }
0x53: {  	_ =	shalt  }
0x54: {  	_ =	shalt  }
0x55: {  	_ =	shalt  }
0x56: {  	_ =	shalt  }
0x57: {  	_ =	shalt  }
0x58: {  	_ =	shalt  }
0x59: {  	_ =	shalt  }
0x5a: {  	_ =	shalt  }
0x5b: {  	_ =	shalt  }
0x5c: {  	_ =	shalt  }
0x5d: {  	_ =	shalt  }
0x5e: {  	_ =	shalt  }
0x5f: {  	_ =	shalt  }
0x60: {  	_ =	shalt  }
0x61: {  	_ =	shalt  }
0x62: {  	_ =	shalt  }
0x63: {  	_ =	shalt  }
0x64: {  	_ =	shalt  }
0x65: {  	_ =	shalt  }
0x66: {  	_ =	shalt  }
0x67: {  	_ =	shalt  }
0x68: {  	_ =	shalt  }
0x69: {  	_ =	shalt  }
0x6a: {  	_ =	shalt  }
0x6b: {  	_ =	shalt  }
0x6c: {  	_ =	shalt  }
0x6d: {  	_ =	shalt  }
0x6e: {  	_ =	shalt  }
0x6f: {  	_ =	shalt  }
0x70: {  	_ =	shalt  }
0x71: {  	_ =	shalt  }
0x72: {  	_ =	shalt  }
0x73: {  	_ =	shalt  }
0x74: {  	_ =	shalt  }
0x75: {  	_ =	shalt  }
0x76: {  	_ =	shalt  }
0x77: {  	_ =	shalt  }
0x78: {  	_ =	shalt  }
0x79: {  	_ =	shalt  }
0x7a: {  	_ =	shalt  }
0x7b: {  	_ =	shalt  }
0x7c: {  	_ =	shalt  }
0x7d: {  	_ =	shalt  }
0x7e: {  	_ =	shalt  }
0x7f: {  	_ =	shalt  }
0x80: {  	_ =	shalt  }
0x81: {  	_ =	shalt  }
0x82: {  	_ =	shalt  }
0x83: {  	_ =	shalt  }
0x84: {  	_ =	shalt  }
0x85: {  	_ =	shalt  }
0x86: {  	_ =	shalt  }
0x87: {  	_ =	shalt  }
.Lfunc_end0:
.L_simem_size_0:
called_computation_lowered:
.L_overlay_start_0:
0x88: {  	s2 =	sld [smem:$0x3FD9]  }
0x89: {  	s3 =	sld [smem:$0x3FFE];
	_ =	sdelay $0x1  }
0x8a: {  	s1 =	srdreg.scid  }
0x8b: {  	s0 =	sand.u32 $0x1, s1  }
0x8c: {  	s17 =	sshll.u32 s0, $0xA;
	s2 =	sadd.s32 s3, s2  }
0x8d: {  	s2 =	sadd.s32 s2, s17  }
0x8e: {  	[smem:$0x3FBE] =	sst s2  }
0x8f: {  	_ = 	snop  }
0x90: {  	s2 =	sld [smem:$0x3FD0];
	(tm) =	ssettm $0x1  }
0x91: {  	s18 =	sld [smem:$0x3FFB];
	_ =	sdelay $0x3  }
0x92: {  	_ =	strace s18  }
0x93: {  	s3 =	sld [smem:$0x3FFC];
	_ =	sdelay $0x3  }
0x94: {  	_ =	strace s3  }
0x95: {  	s3 =	sld [smem:$0x3FFD];
	_ =	sdelay $0x3  }
0x96: {  	_ =	strace s3  }
0x97: {  	_ =	strace $0x8FFFFFFF  }
0x98: {  	s19 =	sld [smem:$0x3FDB];
	_ =	sdelay $0x1  }
0x99: {  	s4 =	simm.s32 $_scs_section_size  }
0x9a: {  	s5 =	simm.s32 $_size__tile_overlayer_lowered;
	s6 =	simm.s32 $_tile_overlayer_lowered  }
0x9b: {  	s22 =	simm.s32 $0x1BFF;
	s21 =	sshll.u32 s6, $0x1;
	s3 =	sadd.s32 s4, s19  }
0x9c: {  	s7 =	simm.s32 $0x0;
	s20 =	sshll.u32 s5, $0x1;
	s5 =	sadd.s32 s21, s3  }
0x9d: {  	[timem:s7], [sflag:s22] =	dma.local [hbm:s5], s20  }
0x9e: {  	_ =	swait.ge [sflag:s22], s20  }
0x9f: {  	s4 =	ssub.s32 $0x0, s20;
	[sflag:s22] =	ssyncset.done $0x0  }
0xa0: {  	[sflag:s22] =	ssyncadd.s32 s4;
	_ =	sdelay $0x1  }
0xa1: {  	s23 =	simm.s32 $0x1B8B  }
0xa2: {  	_ =	swait.ge [sflag:s23], $0x1  }
0xa3: {  	[sflag:s23] =	ssyncset.done $0x0  }
0xa4: {  	s25 =	simm.s32 $0x1B8E;
	s24 =	sld [smem:$0x3FFE];
	[sflag:s23] =	ssyncadd.s32 $0xFFFFFFFF  }
0xa5: {  	s26 =	simm.s32 $execute0_lowered;
	[smem:$0x3FD2] =	sst s25  }
0xa6: {  	s5 =	sshll.u32 s26, $0x1;
	_ =	strace $0x80000046;
	[dreg:$0x1] =	wrdreg $0xFFFFFFFF  }
0xa7: {  	s28 =	simm.s32 $_size_execute0_lowered;
	s3 =	sadd.s32 s3, s5;
	[dreg:$0x0] =	wrdreg $0x0  }
0xa8: {  	s5 =	sshll.u32 s28, $0x1;
	[dreg:$0x2] =	wrdreg s3  }
0xa9: {  	[dreg:$0x3] =	wrdreg s5  }
0xaa: {  	[dreg:$0x4] =	wrdreg $0xC0  }
0xab: {  	_ =	task [dreg:s7], $0x5FFFF  }
0xac: {  	[dreg:$0x1] =	wrdreg $0xFFFFFFFF  }
0xad: {  	[dreg:$0x0] =	wrdreg $0x60  }
0xae: {  	[dreg:$0x2] =	wrdreg s24  }
0xaf: {  	[dreg:$0x3] =	wrdreg s2  }
0xb0: {  	[dreg:$0x4] =	wrdreg $0x90000  }
0xb1: {  	[dreg:$0x5] =	wrdreg $0x1D3800  }
0xb2: {  	[dreg:$0x6] =	wrdreg $0x130000  }
0xb3: {  	[dreg:$0x7] =	wrdreg $0x9  }
0xb4: {  	_ =	task.clear_ibuf [dreg:s7], $0x8FFFF;
	_ =	strace $0x90000046  }
0xb5: {  	s29 =	simm.s32 $0x9;
	_ =	strace $0x80000048  }
0xb6: {  	_ =	swait.ge [sflag:s29], $0x1  }
0xb7: {  	[sflag:s29] =	ssyncadd.s32 $0xFFFFFFFF  }
0xb8: {  	_ =	strace $0x90000048  }
0xb9: {  	_ =	sfence  }
0xba: {  	s30 =	sld [smem:$0x0];
	_ =	sdelay $0x2  }
0xbb: {  	s31 =	sshll.u32 s1, $0xD;
	s1 =	sshrl.u32 s1, $0x2  }
0xbc: {  	s3 =	sand.u32 $0x4000, s31;
	s1 =	sadd.s32 s1, s30  }
0xbd: {  	s0 =	sor.u32 s3, s0;
	s1 =	sshll.u32 s1, $0x11  }
0xbe: {  	s0 =	sor.u32 s1, s0  }
0xbf: {  	s0 =	sadd.s32 $0x8F2B, s0  }
0xc0: {  	[sflag:s0] =	ssyncadd.remote.s32 $0x1  }
0xc1: {  	_ =	sfence.sel $0xFFFF  }
0xc2: {  	[dreg:$0x0] =	wrdreg $0xFFFFFFFF;
	(pc) =	sbr.abs _section_cstart, $3  }
0xc3: {  	[dreg:$0x1] =	wrdreg $0xFFFFFFFF  }
0xc4: {  	_ =	task.clear_ibuf [dreg:s7], $0x2FFFF;
	_ =	strace $0x9FFFFFFF  }
0xc5: {  	(tm) =	ssettm $0x7FFFFFFF  }
tec
execute0_lowered:
.L_overlay_start_1:
0x0: {  	(tag) =	ssettag $0x1  }
0x1: {  	s0 =	rddreg [dreg:$0x0]  }
0x2: {  	s2 =	rddreg [dreg:$0x1]  }
0x3: {  	s3 =	srdreg.scid;
	s13 =	stileid.u32  }
0x4: {  	s1 =	rddreg [dreg:$0x2];
	s5 =	sand.u32 $0x1, s3;
	s4 =	sshll.u32 s13, $0x1  }
0x5: {  	s3 =	rddreg [dreg:$0x3];
	s7 =	sadd.s32 $0x2BC00, s0;
	s9 =	sadd.s32 $0x68200, s0  }
0x6: {  	s11 =	smul.u32 $0xA000, s13;
	s12 =	sadd.s32 $0x54200, s0;
	s6 =	sor.u32 s5, s4  }
0x7: {  	s4 =	rddreg [dreg:$0x4];
	s8 =	ssub.s32 $0x2, s5;
	p0 =	seq.s32 s5, $0x1  }
0x8: {  	s5 =	simm.s32 $0x1D100;
	s6 =	smul.u32 $0x2800, s6;
	s10 =	sshrl.u32 s8, $0x1  }
0x9: {  	s23 =	sadd.s32 $0x2000, s11;
	s25 =	sadd.s32 $0x4000, s11;
	s28 =	sadd.s32 $0x6000, s11  }
0xa: {  	s30 =	sadd.s32 $0x8000, s11;
	s21 =	sshrl.u32 s11, $0x3;
	s9 =	smov.u32 @p0 s12  }
0xb: {  	s8 =	ssub.s32 s8, s10;
	s10 =	smul.u32 $0x280, s13;
	s14 =	sshrl.u32 s23, $0x3  }
0xc: {  	s15 =	sadd.s32 s7, s21;
	s24 =	sshrl.u32 s25, $0x3;
	s26 =	sshrl.u32 s28, $0x3  }
0xd: {  	s18 =	sshrl.u32 s30, $0x3;
	s19 =	sadd.s32 s9, s21;
	[dreg:$0x6] =	wrdreg s15  }
0xe: {  	s29 =	sadd.s32 s30, s1;
	s22 =	sadd.s32 s7, s14;
	[dreg:$0xb] =	wrdreg s19  }
0xf: {  	s30 =	sadd.s32 s30, s4;
	s16 =	sadd.s32 s7, s24;
	[dreg:$0x7] =	wrdreg s22  }
0x10: {  	s6 =	sshrl.u32 s6, $0x3;
	s17 =	sadd.s32 s7, s26;
	[dreg:$0x8] =	wrdreg s16  }
0x11: {  	s7 =	sadd.s32 s7, s18;
	s20 =	sadd.s32 s9, s14;
	[dreg:$0x9] =	wrdreg s17  }
0x12: {  	s21 =	sadd.s32 s9, s24;
	s14 =	sadd.s32 s9, s18;
	[dreg:$0xa] =	wrdreg s7  }
0x13: {  	s15 =	simm.s32 $0x0;
	s31 =	smax.u32 s8, $0x1;
	[dreg:$0xc] =	wrdreg s20  }
0x14: {  	s8 =	simm.s32 $0x1D000;
	[dreg:$0xd] =	wrdreg s21;
	s22 =	sadd.s32 s9, s26  }
0x15: {  	s24 =	sadd.s32 s6, s0;
	s0 =	sadd.s32 $0x53C00, s0;
	[smem:$0x7FF] =	sst s15  }
0x16: {  	s26 =	sshrl.u32 s10, $0x3;
	s16 =	sadd.s32 s10, s3;
	s20 =	sadd.s32 s11, s1  }
0x17: {  	s21 =	sadd.s32 s11, s4;
	s6 =	simm.s32 $0x100;
	s7 =	simm.s32 $0x1  }
0x18: {  	s9 =	simm.s32 $0x0;
	[dreg:$0xe] =	wrdreg s22;
	s2 =	smov.u32 @p0 s0  }
0x19: {  	s18 =	sadd.s32 $0x3FC00, s24;
	s19 =	sadd.s32 $0x49C00, s24;
	s22 =	sadd.s32 s23, s1  }
0x1a: {  	s23 =	sadd.s32 s23, s4;
	s24 =	sadd.s32 s25, s1;
	s25 =	sadd.s32 s25, s4  }
0x1b: {  	s0 =	simm.s32 $0x2;
	_ =	strace $0x80000047;
	s17 =	sadd.s32 s2, s26  }
0x1c: {  	v0 =	vimm.f32 $0.0e+00;
	v1 =	vimm.f32 $1.000000000e+00;
	s26 =	sadd.s32 s28, s1;
	s28 =	sadd.s32 s28, s4;
	s2 =	simm.s32 $0x5000  }
.LBB2_1:
0x1d: {  	s11 =	simm.s32 $0x100;
	s10 =	simm.s32 $0x0  }
.LBB2_2:
0x1e: {  	p0 =	sne.s32 s11, $0x7F00;
	[tilespmem:s10+$0x5030] =	vst v0;
	s12 =	smov.u32 s11;
	s11 =	sadd.s32 $0x100, s11  }
.Ltmp0:
0x1f: {  	[tilespmem:s10+$0x5020] =	vst v0;
	(pc) =	sbr.rel @p0 .LBB2_2-.Ltmp0, $3  }
0x20: {  	[tilespmem:s10+$0x5000] =	vst v0  }
0x21: {  	[tilespmem:s10+$0x5010] =	vst v0;
	_ =	sdelay $0x1  }
0x22: {  	s10 =	sshra.s32 s12, $0x2  }
0x23: {  	[tilespmem:s10+$0x5030] =	vst v0  }
0x24: {  	[tilespmem:s10+$0x5020] =	vst v0  }
0x25: {  	[tilespmem:s10+$0x5000] =	vst v0  }
0x26: {  	[tilespmem:s10+$0x5010] =	vst v0  }
0x27: {  	[spmem:s20] =	stream.linear.scatter [tilespmem:s2], [sflag:$0x2], $0x2000, $0x38;
	[tilespmem:$0x1D600] =	vst v63  }
0x28: {  	_ =	swait.ge [sflag:s0], $0x2000  }
0x29: {  	[sflag:s0] =	ssyncset.done $0x0  }
0x2a: {  	[sflag:s0] =	ssyncadd.s32 $0xFFFFE000  }
0x2b: {  	[spmem:s22] =	stream.linear.scatter [tilespmem:s2], [sflag:$0x2], $0x2000, $0x38;
	[tilespmem:$0x1D600] =	vst v63  }
0x2c: {  	_ =	swait.ge [sflag:s0], $0x2000  }
0x2d: {  	[sflag:s0] =	ssyncset.done $0x0  }
0x2e: {  	[sflag:s0] =	ssyncadd.s32 $0xFFFFE000  }
0x2f: {  	[spmem:s24] =	stream.linear.scatter [tilespmem:s2], [sflag:$0x2], $0x2000, $0x38;
	[tilespmem:$0x1D600] =	vst v63  }
0x30: {  	_ =	swait.ge [sflag:s0], $0x2000  }
0x31: {  	[sflag:s0] =	ssyncset.done $0x0  }
0x32: {  	[sflag:s0] =	ssyncadd.s32 $0xFFFFE000  }
0x33: {  	[spmem:s26] =	stream.linear.scatter [tilespmem:s2], [sflag:$0x2], $0x2000, $0x38;
	[tilespmem:$0x1D600] =	vst v63  }
0x34: {  	_ =	swait.ge [sflag:s0], $0x2000  }
0x35: {  	[sflag:s0] =	ssyncset.done $0x0  }
0x36: {  	[sflag:s0] =	ssyncadd.s32 $0xFFFFE000  }
0x37: {  	[spmem:s29] =	stream.linear.scatter [tilespmem:s2], [sflag:$0x2], $0x2000, $0x38;
	[tilespmem:$0x1D600] =	vst v63  }
0x38: {  	_ =	swait.ge [sflag:s0], $0x2000  }
0x39: {  	[sflag:s0] =	ssyncset.done $0x0  }
0x3a: {  	[sflag:s0] =	ssyncadd.s32 $0xFFFFE000  }
0x3b: {  	[tilespmem:$0x1D000] =	vst v1  }
0x3c: {  	[tilespmem:$0x1D010] =	vst v1  }
0x3d: {  	[tilespmem:$0x1D020] =	vst v1  }
0x3e: {  	[tilespmem:$0x1D030] =	vst v1  }
0x3f: {  	[tilespmem:$0x1D040] =	vst v1  }
0x40: {  	[tilespmem:$0x1D050] =	vst v1  }
0x41: {  	[tilespmem:$0x1D060] =	vst v1  }
0x42: {  	[tilespmem:$0x1D070] =	vst v1  }
0x43: {  	[tilespmem:$0x1D080] =	vst v1  }
0x44: {  	[tilespmem:$0x1D090] =	vst v1  }
0x45: {  	[tilespmem:$0x1D0A0] =	vst v1  }
0x46: {  	[tilespmem:$0x1D0B0] =	vst v1  }
0x47: {  	[tilespmem:$0x1D0C0] =	vst v1  }
0x48: {  	[tilespmem:$0x1D0D0] =	vst v1  }
0x49: {  	[tilespmem:$0x1D0E0] =	vst v1  }
0x4a: {  	[tilespmem:$0x1D0F0] =	vst v1  }
0x4b: {  	[tilespmem:$0x1D100] =	vst v0  }
0x4c: {  	[tilespmem:$0x1D110] =	vst v0  }
0x4d: {  	[tilespmem:$0x1D120] =	vst v0  }
0x4e: {  	[tilespmem:$0x1D130] =	vst v0  }
0x4f: {  	[tilespmem:$0x1D140] =	vst v0  }
0x50: {  	[tilespmem:$0x1D150] =	vst v0  }
0x51: {  	[tilespmem:$0x1D160] =	vst v0  }
0x52: {  	[tilespmem:$0x1D170] =	vst v0  }
0x53: {  	[tilespmem:$0x1D180] =	vst v0  }
0x54: {  	[tilespmem:$0x1D190] =	vst v0  }
0x55: {  	[tilespmem:$0x1D1A0] =	vst v0  }
0x56: {  	[tilespmem:$0x1D1B0] =	vst v0  }
0x57: {  	[tilespmem:$0x1D1C0] =	vst v0  }
0x58: {  	[tilespmem:$0x1D1D0] =	vst v0  }
0x59: {  	[tilespmem:$0x1D1E0] =	vst v0  }
0x5a: {  	[tilespmem:$0x1D1F0] =	vst v0  }
0x5b: {  	[tilespmem:$0x1D200] =	vst v0  }
0x5c: {  	[tilespmem:$0x1D210] =	vst v0  }
0x5d: {  	[tilespmem:$0x1D220] =	vst v0  }
0x5e: {  	[tilespmem:$0x1D230] =	vst v0  }
0x5f: {  	[tilespmem:$0x1D240] =	vst v0  }
0x60: {  	[tilespmem:$0x1D250] =	vst v0  }
0x61: {  	[tilespmem:$0x1D260] =	vst v0  }
0x62: {  	[tilespmem:$0x1D270] =	vst v0  }
0x63: {  	[tilespmem:$0x1D280] =	vst v0  }
0x64: {  	[tilespmem:$0x1D290] =	vst v0  }
0x65: {  	[tilespmem:$0x1D2A0] =	vst v0  }
0x66: {  	[tilespmem:$0x1D2B0] =	vst v0  }
0x67: {  	[tilespmem:$0x1D2C0] =	vst v0  }
0x68: {  	[tilespmem:$0x1D2D0] =	vst v0  }
0x69: {  	[tilespmem:$0x1D2E0] =	vst v0  }
0x6a: {  	[tilespmem:$0x1D2F0] =	vst v0  }
0x6b: {  	[tilespmem:$0x1D300] =	vst v0  }
0x6c: {  	[tilespmem:$0x1D310] =	vst v0  }
0x6d: {  	[tilespmem:$0x1D320] =	vst v0  }
0x6e: {  	[tilespmem:$0x1D330] =	vst v0  }
0x6f: {  	[tilespmem:$0x1D340] =	vst v0  }
0x70: {  	[tilespmem:$0x1D350] =	vst v0  }
0x71: {  	[tilespmem:$0x1D360] =	vst v0  }
0x72: {  	[tilespmem:$0x1D370] =	vst v0  }
0x73: {  	[spmem:s16] =	stream.linear.scatter [tilespmem:s5], [sflag:$0x2], $0x280, $0x38;
	[tilespmem:$0x1D600] =	vst v63  }
0x74: {  	_ =	swait.ge [sflag:s0], $0x280  }
0x75: {  	[sflag:s0] =	ssyncset.done $0x0  }
0x76: {  	s10 =	simm.s32 $0x0;
	[sflag:s0] =	ssyncadd.s32 $0xFFFFFD80  }
0x77: {  	[tilespmem:s10], [sflag:$0x2] =	stream.linear.gather [hbm4b:s18+s10], $0x2800, $0x38;
	[tilespmem:$0x1D600] =	vst v63  }
0x78: {  	_ =	swait.ge [sflag:s0], $0x2800  }
0x79: {  	[sflag:s0] =	ssyncset.done $0x0  }
0x7a: {  	s11 =	simm.s32 $0x2800;
	[sflag:s0] =	ssyncadd.s32 $0xFFFFD800  }
0x7b: {  	[tilespmem:s11], [sflag:$0x2] =	stream.linear.gather [hbm4b:s19+s10], $0x2800, $0x38;
	[tilespmem:$0x1D600] =	vst v63  }
0x7c: {  	_ =	swait.ge [sflag:s0], $0x2800  }
0x7d: {  	[sflag:s0] =	ssyncset.done $0x0  }
0x7e: {  	s13 =	rddreg [dreg:$0x6];
	[sflag:s0] =	ssyncadd.s32 $0xFFFFD800  }
0x7f: {  	[tilespmem:s2], [sflag:$0x2] =	stream.linear.gather [hbm4b:s13+s10], $0x2000, $0x38;
	[tilespmem:$0x1D600] =	vst v63  }
0x80: {  	_ =	swait.ge [sflag:s0], $0x2000  }
0x81: {  	[sflag:s0] =	ssyncset.done $0x0  }
0x82: {  	[sflag:s0] =	ssyncadd.s32 $0xFFFFE000  }
0x83: {  	[spmem:s21] =	stream.linear.scatter [tilespmem:s2], [sflag:$0x2], $0x2000, $0x38;
	[tilespmem:$0x1D600] =	vst v63  }
0x84: {  	_ =	swait.ge [sflag:s0], $0x2000  }
0x85: {  	[sflag:s0] =	ssyncset.done $0x0  }
0x86: {  	s12 =	rddreg [dreg:$0x7];
	[sflag:s0] =	ssyncadd.s32 $0xFFFFE000  }
0x87: {  	[tilespmem:s2], [sflag:$0x2] =	stream.linear.gather [hbm4b:s12+s10], $0x2000, $0x38;
	[tilespmem:$0x1D600] =	vst v63  }
0x88: {  	_ =	swait.ge [sflag:s0], $0x2000  }
0x89: {  	[sflag:s0] =	ssyncset.done $0x0  }
0x8a: {  	[sflag:s0] =	ssyncadd.s32 $0xFFFFE000  }
0x8b: {  	[spmem:s23] =	stream.linear.scatter [tilespmem:s2], [sflag:$0x2], $0x2000, $0x38;
	[tilespmem:$0x1D600] =	vst v63  }
0x8c: {  	_ =	swait.ge [sflag:s0], $0x2000  }
0x8d: {  	[sflag:s0] =	ssyncset.done $0x0  }
0x8e: {  	s13 =	rddreg [dreg:$0x8];
	[sflag:s0] =	ssyncadd.s32 $0xFFFFE000  }
0x8f: {  	[tilespmem:s2], [sflag:$0x2] =	stream.linear.gather [hbm4b:s13+s10], $0x2000, $0x38;
	[tilespmem:$0x1D600] =	vst v63  }
0x90: {  	_ =	swait.ge [sflag:s0], $0x2000  }
0x91: {  	[sflag:s0] =	ssyncset.done $0x0  }
0x92: {  	[sflag:s0] =	ssyncadd.s32 $0xFFFFE000  }
0x93: {  	[spmem:s25] =	stream.linear.scatter [tilespmem:s2], [sflag:$0x2], $0x2000, $0x38;
	[tilespmem:$0x1D600] =	vst v63  }
0x94: {  	_ =	swait.ge [sflag:s0], $0x2000  }
0x95: {  	[sflag:s0] =	ssyncset.done $0x0  }
0x96: {  	s12 =	rddreg [dreg:$0x9];
	[sflag:s0] =	ssyncadd.s32 $0xFFFFE000  }
0x97: {  	[tilespmem:s2], [sflag:$0x2] =	stream.linear.gather [hbm4b:s12+s10], $0x2000, $0x38;
	[tilespmem:$0x1D600] =	vst v63  }
0x98: {  	_ =	swait.ge [sflag:s0], $0x2000  }
0x99: {  	[sflag:s0] =	ssyncset.done $0x0  }
0x9a: {  	[sflag:s0] =	ssyncadd.s32 $0xFFFFE000  }
0x9b: {  	[spmem:s28] =	stream.linear.scatter [tilespmem:s2], [sflag:$0x2], $0x2000, $0x38;
	[tilespmem:$0x1D600] =	vst v63  }
0x9c: {  	_ =	swait.ge [sflag:s0], $0x2000  }
0x9d: {  	[sflag:s0] =	ssyncset.done $0x0  }
0x9e: {  	s13 =	rddreg [dreg:$0xa];
	[sflag:s0] =	ssyncadd.s32 $0xFFFFE000  }
0x9f: {  	[tilespmem:s2], [sflag:$0x2] =	stream.linear.gather [hbm4b:s13+s10], $0x2000, $0x38;
	[tilespmem:$0x1D600] =	vst v63  }
0xa0: {  	_ =	swait.ge [sflag:s0], $0x2000  }
0xa1: {  	[sflag:s0] =	ssyncset.done $0x0  }
0xa2: {  	[sflag:s0] =	ssyncadd.s32 $0xFFFFE000  }
0xa3: {  	[spmem:s30] =	stream.linear.scatter [tilespmem:s2], [sflag:$0x2], $0x2000, $0x38;
	[tilespmem:$0x1D600] =	vst v63  }
0xa4: {  	_ =	swait.ge [sflag:s0], $0x2000  }
0xa5: {  	[sflag:s0] =	ssyncset.done $0x0  }
0xa6: {  	[sflag:s0] =	ssyncadd.s32 $0xFFFFE000  }
0xa7: {  	s12 =	simm.s32 $0x0;
	[bflag:$0x0] =	sbarrier.arrive $0xFFFF  }
0xa8: {  	[tilespmem:s2], [sflag:$0x1] =	stream.indirect.gather [spmem:s4], $0x40, s12, s6, $0xb8;
	[tilespmem:$0x1D600] =	vst v63  }
0xa9: {  	_ =	swait.ge [sflag:s7], $0x4000  }
0xaa: {  	[sflag:s7] =	ssyncset.done $0x0  }
0xab: {  	s13 =	simm.s32 $0x2800;
	[sflag:s7] =	ssyncadd.s32 $0xFFFFC000  }
0xac: {  	[spmem:s1] =	stream.indirect.scatter.add.f32 [tilespmem:s2], [sflag:$0x2], $0x40, s13, s6, $0xb8;
	[tilespmem:$0x1D600] =	vst v63  }
0xad: {  	_ =	swait.ge [sflag:s0], $0x4000  }
0xae: {  	[sflag:s0] =	ssyncset.done $0x0  }
0xaf: {  	[sflag:s0] =	ssyncadd.s32 $0xFFFFC000  }
0xb0: {  	[spmem:s3] =	stream.indirect.scatter.add.f32 [tilespmem:s8], [sflag:$0x2], $0x1, s13, s6, $0xb8;
	[tilespmem:$0x1D600] =	vst v63  }
0xb1: {  	_ =	swait.ge [sflag:s0], $0x100  }
0xb2: {  	s11 =	simm.s32 $0x800;
	s10 =	simm.s32 $0x400;
	[sflag:s0] =	ssyncset.done $0x0  }
.LBB2_4:
0xb3: {  	s12 =	sshra.s32 s10, $0x2  }
0xb4: {  	[sflag:s0] =	ssyncadd.s32 $0xFFFFFF00;
	s10 =	smov.u32 s11;
	s13 =	sadd.s32 $0x400, s11  }
0xb5: {  	[tilespmem:s2], [sflag:$0x1] =	stream.indirect.gather [spmem:s4], $0x40, s12, s6, $0xb8;
	[tilespmem:$0x1D600] =	vst v63  }
0xb6: {  	p0 =	sne.s32 s11, $0x9C00;
	_ =	swait.ge [sflag:s7], $0x4000  }
0xb7: {  	[sflag:s7] =	ssyncset.done $0x0  }
0xb8: {  	s11 =	sadd.s32 $0x2800, s12;
	[sflag:s7] =	ssyncadd.s32 $0xFFFFC000  }
0xb9: {  	[spmem:s1] =	stream.indirect.scatter.add.f32 [tilespmem:s2], [sflag:$0x2], $0x40, s11, s6, $0xb8;
	[tilespmem:$0x1D600] =	vst v63  }
0xba: {  	_ =	swait.ge [sflag:s0], $0x4000  }
.Ltmp1:
0xbb: {  	[sflag:s0] =	ssyncset.done $0x0;
	(pc) =	sbr.rel @p0 .LBB2_4-.Ltmp1, $4  }
0xbc: {  	[sflag:s0] =	ssyncadd.s32 $0xFFFFC000  }
0xbd: {  	[spmem:s3] =	stream.indirect.scatter.add.f32 [tilespmem:s8], [sflag:$0x2], $0x1, s11, s6, $0xb8;
	[tilespmem:$0x1D600] =	vst v63  }
0xbe: {  	_ =	swait.ge [sflag:s0], $0x100  }
0xbf: {  	s11 =	smov.u32 s13;
	[sflag:s0] =	ssyncset.done $0x0  }
0xc0: {  	s10 =	sshra.s32 s10, $0x2;
	[sflag:s0] =	ssyncadd.s32 $0xFFFFFF00  }
0xc1: {  	[tilespmem:s2], [sflag:$0x1] =	stream.indirect.gather [spmem:s4], $0x40, s10, s6, $0xb8;
	[tilespmem:$0x1D600] =	vst v63  }
0xc2: {  	_ =	swait.ge [sflag:s7], $0x4000  }
0xc3: {  	[sflag:s7] =	ssyncset.done $0x0  }
0xc4: {  	s10 =	sadd.s32 $0x2800, s10;
	[sflag:s7] =	ssyncadd.s32 $0xFFFFC000  }
0xc5: {  	[spmem:s1] =	stream.indirect.scatter.add.f32 [tilespmem:s2], [sflag:$0x2], $0x40, s10, s6, $0xb8;
	[tilespmem:$0x1D600] =	vst v63  }
0xc6: {  	_ =	swait.ge [sflag:s0], $0x4000  }
0xc7: {  	[sflag:s0] =	ssyncset.done $0x0  }
0xc8: {  	[sflag:s0] =	ssyncadd.s32 $0xFFFFC000  }
0xc9: {  	[spmem:s3] =	stream.indirect.scatter.add.f32 [tilespmem:s8], [sflag:$0x2], $0x1, s10, s6, $0xb8;
	[tilespmem:$0x1D600] =	vst v63  }
0xca: {  	_ =	swait.ge [sflag:s0], $0x100  }
0xcb: {  	[sflag:s0] =	ssyncset.done $0x0  }
0xcc: {  	[sflag:s0] =	ssyncadd.s32 $0xFFFFFF00  }
0xcd: {  	[bflag:$0x0] =	sbarrier.arrive $0xFFFF  }
0xce: {  	[tilespmem:s2], [sflag:$0x2] =	stream.linear.gather [spmem:s20], $0x2000, $0x38;
	[tilespmem:$0x1D600] =	vst v63  }
0xcf: {  	_ =	swait.ge [sflag:s0], $0x2000  }
0xd0: {  	[sflag:s0] =	ssyncset.done $0x0  }
0xd1: {  	s13 =	rddreg [dreg:$0xb];
	[sflag:s0] =	ssyncadd.s32 $0xFFFFE000  }
0xd2: {  	[hbm4b:s13+s15] =	stream.linear.scatter [tilespmem:s2], [sflag:$0x2], $0x2000, $0x38;
	[tilespmem:$0x1D600] =	vst v63  }
0xd3: {  	_ =	swait.ge [sflag:s0], $0x2000  }
0xd4: {  	[sflag:s0] =	ssyncset.done $0x0  }
0xd5: {  	[sflag:s0] =	ssyncadd.s32 $0xFFFFE000  }
0xd6: {  	[tilespmem:s2], [sflag:$0x2] =	stream.linear.gather [spmem:s22], $0x2000, $0x38;
	[tilespmem:$0x1D600] =	vst v63  }
0xd7: {  	_ =	swait.ge [sflag:s0], $0x2000  }
0xd8: {  	[sflag:s0] =	ssyncset.done $0x0  }
0xd9: {  	s11 =	rddreg [dreg:$0xc];
	[sflag:s0] =	ssyncadd.s32 $0xFFFFE000  }
0xda: {  	[hbm4b:s11+s15] =	stream.linear.scatter [tilespmem:s2], [sflag:$0x2], $0x2000, $0x38;
	[tilespmem:$0x1D600] =	vst v63  }
0xdb: {  	_ =	swait.ge [sflag:s0], $0x2000  }
0xdc: {  	[sflag:s0] =	ssyncset.done $0x0  }
0xdd: {  	[sflag:s0] =	ssyncadd.s32 $0xFFFFE000  }
0xde: {  	[tilespmem:s2], [sflag:$0x2] =	stream.linear.gather [spmem:s24], $0x2000, $0x38;
	[tilespmem:$0x1D600] =	vst v63  }
0xdf: {  	_ =	swait.ge [sflag:s0], $0x2000  }
0xe0: {  	[sflag:s0] =	ssyncset.done $0x0  }
0xe1: {  	s12 =	rddreg [dreg:$0xd];
	[sflag:s0] =	ssyncadd.s32 $0xFFFFE000  }
0xe2: {  	[hbm4b:s12+s15] =	stream.linear.scatter [tilespmem:s2], [sflag:$0x2], $0x2000, $0x38;
	[tilespmem:$0x1D600] =	vst v63  }
0xe3: {  	_ =	swait.ge [sflag:s0], $0x2000  }
0xe4: {  	[sflag:s0] =	ssyncset.done $0x0  }
0xe5: {  	[sflag:s0] =	ssyncadd.s32 $0xFFFFE000  }
0xe6: {  	[tilespmem:s2], [sflag:$0x2] =	stream.linear.gather [spmem:s26], $0x2000, $0x38;
	[tilespmem:$0x1D600] =	vst v63  }
0xe7: {  	_ =	swait.ge [sflag:s0], $0x2000  }
0xe8: {  	[sflag:s0] =	ssyncset.done $0x0  }
0xe9: {  	s13 =	rddreg [dreg:$0xe];
	[sflag:s0] =	ssyncadd.s32 $0xFFFFE000  }
0xea: {  	[hbm4b:s13+s15] =	stream.linear.scatter [tilespmem:s2], [sflag:$0x2], $0x2000, $0x38;
	[tilespmem:$0x1D600] =	vst v63  }
0xeb: {  	_ =	swait.ge [sflag:s0], $0x2000  }
0xec: {  	[sflag:s0] =	ssyncset.done $0x0  }
0xed: {  	[sflag:s0] =	ssyncadd.s32 $0xFFFFE000  }
0xee: {  	[tilespmem:s2], [sflag:$0x2] =	stream.linear.gather [spmem:s29], $0x2000, $0x38;
	[tilespmem:$0x1D600] =	vst v63  }
0xef: {  	_ =	swait.ge [sflag:s0], $0x2000  }
0xf0: {  	[sflag:s0] =	ssyncset.done $0x0  }
0xf1: {  	[sflag:s0] =	ssyncadd.s32 $0xFFFFE000  }
0xf2: {  	[hbm4b:s14+s15] =	stream.linear.scatter [tilespmem:s2], [sflag:$0x2], $0x2000, $0x38;
	[tilespmem:$0x1D600] =	vst v63  }
0xf3: {  	_ =	swait.ge [sflag:s0], $0x2000  }
0xf4: {  	[sflag:s0] =	ssyncset.done $0x0  }
0xf5: {  	[sflag:s0] =	ssyncadd.s32 $0xFFFFE000  }
0xf6: {  	[tilespmem:s5], [sflag:$0x2] =	stream.linear.gather [spmem:s16], $0x280, $0x38;
	[tilespmem:$0x1D600] =	vst v63  }
0xf7: {  	s9 =	sadd.s32 $0x1, s9;
	_ =	swait.ge [sflag:s0], $0x280  }
0xf8: {  	p0 =	sne.s32 s9, s31;
	[sflag:s0] =	ssyncset.done $0x0  }
.Ltmp2:
0xf9: {  	[sflag:s0] =	ssyncadd.s32 $0xFFFFFD80;
	(pc) =	sbr.rel @p0 .LBB2_1-.Ltmp2, $4  }
0xfa: {  	[hbm4b:s17+s15] =	stream.linear.scatter [tilespmem:s5], [sflag:$0x2], $0x280, $0x38;
	[tilespmem:$0x1D600] =	vst v63  }
0xfb: {  	_ =	swait.ge [sflag:s0], $0x280  }
0xfc: {  	[sflag:s0] =	ssyncset.done $0x0  }
0xfd: {  	[sflag:s0] =	ssyncadd.s32 $0xFFFFFD80  }
0xfe: {  	_ =	sfence.sel $0x180000  }
0xff: {  	[bflag:$0x0] =	sbarrier.arrive $0xFFFF  }
0x100: {  	_ =	strace $0x90000047  }
0x101: {  	s0 =	stileid.u32;
	[bflag:$0x2] =	sbarrier.arrive $0xFFFF  }
0x102: {  	p0 =	sne.s32 s0, $0x0;
	s0 =	rddreg [dreg:$0x5]  }
0x103: {  	s0 =	sadd.s32 @!p0 $0x100000, s0  }
0x104: {  	[sflag:s0] =	ssyncadd.tile.s32 @!p0 $0x1;
	_ =	shalt  }
.Lfunc_end2:
_tile_overlayer_lowered:
.L_overlay_start_2:
0x105: {  	(tag) =	ssettag $0x2  }
0x106: {  	s0 =	rddreg [dreg:$0x0];
	s2 =	stileid.u32  }
0x107: {  	s1 =	rddreg [dreg:$0x1];
	p0 =	sne.s32 s2, $0x0  }
0x108: {  	s3 =	rddreg [dreg:$0x2];
	[bflag:$0x3] =	sbarrier.arrive $0xFFFF;
	s2 =	simm.s32 @!p0 $0x1C02  }
0x109: {  	[timem:s3], [sflag:s2] =	dma.local @!p0 [hbm:s0], s1  }
0x10a: {  	s0 =	simm.s32 @!p0 $0x2  }
0x10b: {  	_ =	swait.ge @!p0 [sflag:s0], s1  }
0x10c: {  	s1 =	ssub.s32 @!p0 $0x0, s1;
	[sflag:s0] =	ssyncset.done @!p0 $0x0  }
0x10d: {  	[sflag:s0] =	ssyncadd.s32 @!p0 s1  }
0x10e: {  	[bflag:$0x3] =	sbarrier.arrive $0xFFFF  }
0x10f: {  	_ =	shalt  }

</sc_bundles>
